<compile_context>
chip_gen: v7x
topology: tpu7x:2x2x1
jax: 0.10.2.dev20260603
libtpu: 0.0.44.dev20260713+nightly
codegen_flags: <defaults>
</compile_context>

<pallas_src>
import functools

import jax
import jax.numpy as jnp
from jax import lax
from jax.experimental import pallas as pl
from jax.experimental.pallas import tpu as pltpu
from jax.experimental.pallas import tpu_sc as plsc

N = 10000
E = 320000
D = 128
NW = 32
NB = 320
NP = NW * NB
CHUNK = 1280
NCHUNK = E // CHUNK
NVEC = CHUNK // 16
SB = 128
NBLK = NP // SB
CAPB = 16384

_mesh = plsc.VectorSubcoreMesh(
    core_axis_name="c", subcore_axis_name="s", num_cores=2, num_subcores=16
)


@functools.partial(
    pl.kernel,
    out_type=(
        jax.ShapeDtypeStruct((NP, D), jnp.float32),
        jax.ShapeDtypeStruct((NP * 16,), jnp.float32),
    ),
    mesh=_mesh,
    compiler_params=pltpu.CompilerParams(needs_layout_passes=False),
    scratch_types=[
        pltpu.VMEM((NB + 8, D), jnp.float32),
        pltpu.VMEM(((NB + 1) * 16,), jnp.float32),
        pltpu.VMEM((NB * 16,), jnp.float32),
        pltpu.VMEM((CHUNK,), jnp.int32),
        pltpu.VMEM((CHUNK,), jnp.int32),
        pltpu.VMEM((CHUNK,), jnp.int32),
        pltpu.VMEM((CHUNK,), jnp.int32),
        pltpu.VMEM((CAPB + 16,), jnp.int32),
        pltpu.VMEM((CAPB + 16,), jnp.int32),
        pltpu.VMEM((SB, 2 * D), jnp.float32),
        pltpu.SemaphoreType.DMA,
        pltpu.SemaphoreType.DMA,
        pltpu.SemaphoreType.DMA,
    ],
)
def _pointconv_sc(xe_hbm, x_hbm, posp_hbm, src_hbm, dst_hbm,
                  outx_hbm, outp_hbm,
                  accx, accp, posblk, sbuf0, sbuf1, dbuf0, dbuf1,
                  store, stage, xblk, sem, esem0, esem1):
    wid = lax.axis_index("s") * 2 + lax.axis_index("c")
    base = wid * NB

    pltpu.sync_copy(x_hbm.at[pl.ds(base, NB)], accx.at[pl.ds(0, NB)])
    pltpu.sync_copy(posp_hbm.at[pl.ds(base * 16, NB * 16)], posblk)

    def seedp(j, carry):
        o = pl.multiple_of(j * 16, 16)
        accp[pl.ds(o, 16)] = posblk[pl.ds(o, 16)]
        return carry

    lax.fori_loop(0, NB, seedp, 0)

    iota16 = lax.iota(jnp.int32, 16)

    def round_body(carry):
        r, _ = carry
        lo_w = r * CAPB

        sb = (sbuf0, sbuf1)
        db = (dbuf0, dbuf1)
        esems = (esem0, esem1)

        def fire(c, q):
            e0 = pl.multiple_of(c * CHUNK, CHUNK)
            pltpu.async_copy(src_hbm.at[pl.ds(e0, CHUNK)], sb[q], esems[q])
            pltpu.async_copy(dst_hbm.at[pl.ds(e0, CHUNK)], db[q], esems[q])

        def wait_q(q):
            pltpu.make_async_copy(src_hbm.at[pl.ds(0, CHUNK)], sb[q],
                                  esems[q]).wait()
            pltpu.make_async_copy(dst_hbm.at[pl.ds(0, CHUNK)], db[q],
                                  esems[q]).wait()

        def scan_chunk(q, cnt_v):
            def scan_body(i, cnt_v2):
                o = pl.multiple_of(i * 16, 16)
                dvec = db[q][pl.ds(o, 16)]
                m = (dvec >= base) & (dvec < base + NB)
                svec = sb[q][pl.ds(o, 16)]
                pref = plsc.cumsum(m.astype(jnp.int32))
                posv = cnt_v2 + pref - 1
                mst = m & (posv >= lo_w) & (posv < lo_w + CAPB)
                packed = jnp.left_shift(svec, 9) | (dvec - base)
                plsc.store_scatter(store, [posv - lo_w], packed, mask=mst)
                return cnt_v2 + plsc.all_reduce_population_count(m)

            return lax.fori_loop(0, NVEC, scan_body, cnt_v)

        fire(0, 0)

        def pair_body(c2, cnt_v):
            c = c2 * 2
            fire(c + 1, 1)
            wait_q(0)
            cnt_v = scan_chunk(0, cnt_v)
            fire(jnp.minimum(c + 2, NCHUNK - 1), 0)
            wait_q(1)
            return scan_chunk(1, cnt_v)

        cnt_v = lax.fori_loop(0, NCHUNK // 2, pair_body,
                              jnp.zeros((16,), jnp.int32))
        wait_q(0)
        total = jnp.max(cnt_v)
        mm = jnp.minimum(total - lo_w, CAPB)

        fl = (mm // 16) * 16
        idxv = fl + iota16
        plsc.store_scatter(store, [idxv], jnp.full((16,), NB, jnp.int32),
                           mask=idxv >= mm)
        mmp = ((mm + 15) // 16) * 16

        def blk_body(b, carry2):
            sb0 = pl.multiple_of(b * SB, SB)
            cp = pltpu.async_copy(xe_hbm.at[pl.ds(sb0, SB)], xblk, sem)

            plo = jnp.left_shift(sb0, 9)
            phi = jnp.left_shift(sb0 + SB, 9)

            def rs_body(i, bcnt_v):
                o = pl.multiple_of(i * 16, 16)
                pk = store[pl.ds(o, 16)]
                mb = (pk >= plo) & (pk < phi)
                pref = plsc.cumsum(mb.astype(jnp.int32))
                posv = bcnt_v + pref - 1
                plsc.store_scatter(stage, [posv], pk, mask=mb)
                return bcnt_v + plsc.all_reduce_population_count(mb)

            bcnt_v = lax.fori_loop(0, mmp // 16, rs_body,
                                   jnp.zeros((16,), jnp.int32))
            bcnt = jnp.max(bcnt_v)
            bfl = (bcnt // 16) * 16
            bidx = bfl + iota16
            dummy = jnp.full((16,), (sb0 << 9) | NB, jnp.int32)
            plsc.store_scatter(stage, [bidx], dummy, mask=bidx >= bcnt)
            bp = ((bcnt + 15) // 16) * 16

            cp.wait()

            def grp_body(t, carry3):
                o = pl.multiple_of(t * 16, 16)
                pkv = stage[pl.ds(o, 16)]
                dv = pkv & 511
                sv = jnp.right_shift(pkv, 9) - sb0
                for l in range(16):
                    d = dv[l]
                    s = sv[l]
                    dp = d * 16
                    mx = [jnp.maximum(accx[d, pl.ds(k * 16, 16)],
                                      xblk[s, pl.ds(k * 16, 16)])
                          for k in range(D // 16)]
                    mp = jnp.maximum(accp[pl.ds(dp, 16)],
                                     xblk[s, pl.ds(D, 16)])
                    for k in range(D // 16):
                        accx[d, pl.ds(k * 16, 16)] = mx[k]
                    accp[pl.ds(dp, 16)] = mp
                return carry3

            lax.fori_loop(0, bp // 16, grp_body, 0)
            return carry2

        lax.fori_loop(0, NBLK, blk_body, 0)
        return r + 1, total

    def round_cond(carry):
        r, total = carry
        return (r == 0) | (r * CAPB < total)

    lax.while_loop(round_cond, round_body, (jnp.int32(0), jnp.int32(0)))

    def fin(j, carry):
        o = pl.multiple_of(j * 16, 16)
        accp[pl.ds(o, 16)] = accp[pl.ds(o, 16)] - posblk[pl.ds(o, 16)]
        return carry

    lax.fori_loop(0, NB, fin, 0)

    pltpu.sync_copy(accx.at[pl.ds(0, NB)], outx_hbm.at[pl.ds(base, NB)])
    pltpu.sync_copy(accp.at[pl.ds(0, NB * 16)],
                    outp_hbm.at[pl.ds(base * 16, NB * 16)])


def kernel(x, pos, edge_index):
    xf = x.astype(jnp.float32)
    posf = pos.astype(jnp.float32)
    xpad = jnp.zeros((NP, D), jnp.float32).at[:N].set(xf)
    xe = jnp.zeros((NP, 2 * D), jnp.float32)
    xe = xe.at[:N, :D].set(xf).at[:N, D:D + 3].set(posf)
    posp = jnp.zeros((NP, 16), jnp.float32).at[:N, :3].set(posf).reshape(-1)
    ei = edge_index.astype(jnp.int32)
    outx, outp = _pointconv_sc(xe, xpad, posp, ei[0], ei[1])
    return jnp.concatenate([outx[:N], outp.reshape(NP, 16)[:N, :3]], axis=1)

# --- scband reference (transcript-rebuilt; emitter-appended) ---
"""Pipeline reference for scband-my-point-conv-2860448219714 (READ-ONLY COPY).

The authoritative reference and input builder live on the scoring server;
editing this copy changes nothing except your own understanding.
"""

import jax, jax.numpy as jnp
import numpy as np

N = 10000
E = 320000
D = 128

def setup_inputs(seed: int = 0) -> dict:
    key = jax.random.key(seed)
    k1, k2, k3 = jax.random.split(key, 3)
    x = jax.random.normal(k1, (N, D), dtype=jnp.float32)
    pos = jax.random.normal(k2, (N, 3), dtype=jnp.float32)
    edge_index = jax.random.randint(k3, (2, E), 0, N)
    return {"x": x, "pos": pos, "edge_index": edge_index}

def reference(x, pos, edge_index):
    # PyG PointConv (PointNetConv) with local_nn=None, global_nn=None, aggr='max',
    # add_self_loops=True.
    n = x.shape[0]
    loops = jnp.arange(n, dtype=edge_index.dtype)
    ei = jnp.concatenate([edge_index, jnp.stack([loops, loops], axis=0)], axis=1)
    src, dst = ei[0], ei[1]  # messages flow src(j) -> dst(i)
    x_j = jnp.take(x, src, axis=0)
    rel_pos = jnp.take(pos, src, axis=0) - jnp.take(pos, dst, axis=0)
    # message: local_nn is None -> identity on concat([x_j, pos_j - pos_i])
    msg = jnp.concatenate([x_j, rel_pos], axis=-1)
    # aggregate: max per destination node
    out = jax.ops.segment_max(msg, dst, num_segments=n)
    # update: global_nn is None -> identity
    return out

if __name__ == "__main__":
    import jax
    _d = setup_inputs()
    print(jax.jit(kernel)(*tuple(_d.values())))

</pallas_src>

<mosaic_0001>
#map = affine_map<(d0, d1) -> (0, 0)>
#map1 = affine_map<(d0, d1) -> (0)>
module attributes {stable_mosaic.version = 14 : i64} {
  func.func @_pointconv_sc(%arg0: i32, %arg1: i32, %arg2: memref<10240x256xf32, #tpu.memory_space<hbm>>, %arg3: memref<10240x128xf32, #tpu.memory_space<hbm>>, %arg4: memref<163840xf32, #tpu.memory_space<hbm>>, %arg5: memref<320000xi32, #tpu.memory_space<hbm>>, %arg6: memref<320000xi32, #tpu.memory_space<hbm>>, %arg7: memref<10240x128xf32, #tpu.memory_space<hbm>>, %arg8: memref<163840xf32, #tpu.memory_space<hbm>>, %arg9: memref<328x128xf32, #tpu.memory_space<vmem>>, %arg10: memref<5136xf32, #tpu.memory_space<vmem>>, %arg11: memref<5120xf32, #tpu.memory_space<vmem>>, %arg12: memref<1280xi32, #tpu.memory_space<vmem>>, %arg13: memref<1280xi32, #tpu.memory_space<vmem>>, %arg14: memref<1280xi32, #tpu.memory_space<vmem>>, %arg15: memref<1280xi32, #tpu.memory_space<vmem>>, %arg16: memref<16400xi32, #tpu.memory_space<vmem>>, %arg17: memref<16400xi32, #tpu.memory_space<vmem>>, %arg18: memref<128x256xf32, #tpu.memory_space<vmem>>, %arg19: memref<!tpu.dma_semaphore, #tpu.memory_space<semaphore_mem>>, %arg20: memref<!tpu.dma_semaphore, #tpu.memory_space<semaphore_mem>>, %arg21: memref<!tpu.dma_semaphore, #tpu.memory_space<semaphore_mem>>) attributes {dimension_semantics = [#tpu.dimension_semantics<core_parallel>, #tpu.dimension_semantics<subcore_parallel>], iteration_bounds = array<i64: 2, 16>, scalar_prefetch = 0 : i64, scratch_operands = 13 : i64, tpu.core_type = #tpu.core_type<sc_vector_subcore>, window_params = [{transform_indices = #map}, {transform_indices = #map}, {transform_indices = #map1}, {transform_indices = #map1}, {transform_indices = #map1}, {transform_indices = #map}, {transform_indices = #map1}]} {
    %mul3A = arith.constant 2 : i32
    %mul3A_0 = arith.muli %arg1, %mul3A : i32
    %add3A = arith.addi %mul3A_0, %arg0 : i32
    %mul3A_1 = arith.constant 320 : i32
    %mul3A_2 = arith.muli %add3A, %mul3A_1 : i32
    "tpu.region"() ({
      %run_scoped3A = tpu.sem_alloc : memref<!tpu.dma_semaphore, #tpu.memory_space<semaphore_mem>>
      %dma_start3A = arith.constant 0 : i32
      %dma_start3A_20 = arith.constant 0 : i32
      %dma_start3A_21 = tpu.memref_slice %arg9[%dma_start3A, %dma_start3A_20] : memref<328x128xf32, #tpu.memory_space<vmem>> -> memref<320x128xf32, #tpu.memory_space<vmem>>
      %dma_start3A_22 = arith.constant 0 : i32
      %dma_start3A_23 = tpu.memref_slice %arg3[%mul3A_2, %dma_start3A_22] : memref<10240x128xf32, #tpu.memory_space<hbm>> -> memref<320x128xf32, #tpu.memory_space<hbm>>
      %dma_start3A_24 = arith.constant 0 : i32
      %dma_start3A_25 = arith.constant 0 : i32
      %dma_start3A_26 = tpu.memref_slice %arg9[%dma_start3A_24, %dma_start3A_25] : memref<328x128xf32, #tpu.memory_space<vmem>> -> memref<320x128xf32, #tpu.memory_space<vmem>>
      %dma_start3A_27 = arith.constant 0 : i32
      %dma_start3A_28 = tpu.memref_slice %arg3[%mul3A_2, %dma_start3A_27] : memref<10240x128xf32, #tpu.memory_space<hbm>> -> memref<320x128xf32, #tpu.memory_space<hbm>>
      tpu.enqueue_dma source(%dma_start3A_28 : memref<320x128xf32, #tpu.memory_space<hbm>>) target(%dma_start3A_26 : memref<320x128xf32, #tpu.memory_space<vmem>>) target_semaphore(%run_scoped3A : memref<!tpu.dma_semaphore, #tpu.memory_space<semaphore_mem>>)
      %dma_wait3A = arith.constant 0 : i32
      %dma_wait3A_29 = arith.constant 0 : i32
      %dma_wait3A_30 = tpu.memref_slice %arg9[%dma_wait3A, %dma_wait3A_29] : memref<328x128xf32, #tpu.memory_space<vmem>> -> memref<320x128xf32, #tpu.memory_space<vmem>>
      %dma_wait3A_31 = arith.constant 0 : i32
      %dma_wait3A_32 = tpu.memref_slice %arg3[%mul3A_2, %dma_wait3A_31] : memref<10240x128xf32, #tpu.memory_space<hbm>> -> memref<320x128xf32, #tpu.memory_space<hbm>>
      %dma_wait3A_33 = arith.constant 0 : i32
      %dma_wait3A_34 = arith.constant 0 : i32
      %dma_wait3A_35 = tpu.memref_slice %arg9[%dma_wait3A_33, %dma_wait3A_34] : memref<328x128xf32, #tpu.memory_space<vmem>> -> memref<320x128xf32, #tpu.memory_space<vmem>>
      %dma_wait3A_36 = arith.constant 0 : i32
      %dma_wait3A_37 = tpu.memref_slice %arg3[%mul3A_2, %dma_wait3A_36] : memref<10240x128xf32, #tpu.memory_space<hbm>> -> memref<320x128xf32, #tpu.memory_space<hbm>>
      tpu.wait_dma2 semaphore(%run_scoped3A : memref<!tpu.dma_semaphore, #tpu.memory_space<semaphore_mem>>) src(%dma_wait3A_37 : memref<320x128xf32, #tpu.memory_space<hbm>>) dst(%dma_wait3A_35 : memref<320x128xf32, #tpu.memory_space<vmem>>)
      tpu.yield
    }) : () -> ()
    %mul3A_3 = arith.constant 16 : i32
    %mul3A_4 = arith.muli %mul3A_2, %mul3A_3 : i32
    "tpu.region"() ({
      %run_scoped3A = tpu.sem_alloc : memref<!tpu.dma_semaphore, #tpu.memory_space<semaphore_mem>>
      %dma_start3A = tpu.memref_slice %arg4[%mul3A_4] : memref<163840xf32, #tpu.memory_space<hbm>> -> memref<5120xf32, #tpu.memory_space<hbm>>
      %dma_start3A_20 = tpu.memref_slice %arg4[%mul3A_4] : memref<163840xf32, #tpu.memory_space<hbm>> -> memref<5120xf32, #tpu.memory_space<hbm>>
      tpu.enqueue_dma source(%dma_start3A_20 : memref<5120xf32, #tpu.memory_space<hbm>>) target(%arg11 : memref<5120xf32, #tpu.memory_space<vmem>>) target_semaphore(%run_scoped3A : memref<!tpu.dma_semaphore, #tpu.memory_space<semaphore_mem>>)
      %dma_wait3A = tpu.memref_slice %arg4[%mul3A_4] : memref<163840xf32, #tpu.memory_space<hbm>> -> memref<5120xf32, #tpu.memory_space<hbm>>
      %dma_wait3A_21 = tpu.memref_slice %arg4[%mul3A_4] : memref<163840xf32, #tpu.memory_space<hbm>> -> memref<5120xf32, #tpu.memory_space<hbm>>
      tpu.wait_dma2 semaphore(%run_scoped3A : memref<!tpu.dma_semaphore, #tpu.memory_space<semaphore_mem>>) src(%dma_wait3A_21 : memref<5120xf32, #tpu.memory_space<hbm>>) dst(%arg11 : memref<5120xf32, #tpu.memory_space<vmem>>)
      tpu.yield
    }) : () -> ()
    %scan3A = arith.constant 0 : i32
    %scan3A_5 = arith.constant 0 : i32
    %scan3A_6 = arith.constant 320 : i32
    %scan3A_7 = arith.addi %scan3A_5, %scan3A_6 : i32
    %scan3A_8 = arith.constant 1 : i32
    scf.for %scan3A_20 = %scan3A_5 to %scan3A_7 step %scan3A_8  : i32 {
      %mul3A_21 = arith.constant 16 : i32
      %mul3A_22 = arith.muli %scan3A_20, %mul3A_21 : i32
      %multiple_of3A = tpu.assume_multiple %mul3A_22, 16 : i32
      %get3A = arith.index_cast %multiple_of3A : i32 to index
      %get3A_23 = tpu.vector_load %arg11[%get3A] {strides = array<i32>} : memref<5120xf32, #tpu.memory_space<vmem>>, vector<16xf32>,
      %swap3A = arith.index_cast %multiple_of3A : i32 to index
      %swap3A_24 = tpu.vector_load %arg10[%swap3A] {strides = array<i32>} : memref<5136xf32, #tpu.memory_space<vmem>>, vector<16xf32>,
      tpu.vector_store %arg10[%swap3A], %get3A_23 {strides = array<i32>} : memref<5136xf32, #tpu.memory_space<vmem>>, vector<16xf32>,
    }
    %scan3A_9 = arith.constant 320 : i32
    %iota3A = tpu.iota {dimensions = array<i32: 0>} : vector<16xi32>
    %while3A = arith.constant 0 : i32
    %while3A_10 = arith.constant 0 : i32
    %while3A_11:2 = scf.while (%while3A_20 = %while3A, %while3A_21 = %while3A_10) : (i32, i32) -> (i32, i32) {
      %eq3A = arith.constant 0 : i32
      %eq3A_22 = arith.cmpi eq, %while3A_20, %eq3A : i32
      %mul3A_23 = arith.constant 16384 : i32
      %mul3A_24 = arith.muli %while3A_20, %mul3A_23 : i32
      %lt3A = arith.cmpi slt, %mul3A_24, %while3A_21 : i32
      %or3A = arith.ori %eq3A_22, %lt3A : i1
      scf.condition(%or3A) %while3A_20, %while3A_21 : i32, i32
    } do {
    ^bb0(%while3A_20: i32, %while3A_21: i32):
      %mul3A_22 = arith.constant 16384 : i32
      %mul3A_23 = arith.muli %while3A_20, %mul3A_22 : i32
      %multiple_of3A = arith.constant 0 : i32
      %multiple_of3A_24 = tpu.assume_multiple %multiple_of3A, 1280 : i32
      %dma_start3A = tpu.memref_slice %arg5[%multiple_of3A_24] : memref<320000xi32, #tpu.memory_space<hbm>> -> memref<1280xi32, #tpu.memory_space<hbm>>
      %dma_start3A_25 = tpu.memref_slice %arg5[%multiple_of3A_24] : memref<320000xi32, #tpu.memory_space<hbm>> -> memref<1280xi32, #tpu.memory_space<hbm>>
      tpu.enqueue_dma source(%dma_start3A_25 : memref<1280xi32, #tpu.memory_space<hbm>>) target(%arg12 : memref<1280xi32, #tpu.memory_space<vmem>>) target_semaphore(%arg20 : memref<!tpu.dma_semaphore, #tpu.memory_space<semaphore_mem>>)
      %dma_start3A_26 = tpu.memref_slice %arg6[%multiple_of3A_24] : memref<320000xi32, #tpu.memory_space<hbm>> -> memref<1280xi32, #tpu.memory_space<hbm>>
      %dma_start3A_27 = tpu.memref_slice %arg6[%multiple_of3A_24] : memref<320000xi32, #tpu.memory_space<hbm>> -> memref<1280xi32, #tpu.memory_space<hbm>>
      tpu.enqueue_dma source(%dma_start3A_27 : memref<1280xi32, #tpu.memory_space<hbm>>) target(%arg14 : memref<1280xi32, #tpu.memory_space<vmem>>) target_semaphore(%arg20 : memref<!tpu.dma_semaphore, #tpu.memory_space<semaphore_mem>>)
      %broadcast_in_dim3A = arith.constant 0 : i32
      %broadcast_in_dim3A_28 = vector.broadcast %broadcast_in_dim3A : i32 to vector<16xi32>
      %scan3A_29 = arith.constant 0 : i32
      %scan3A_30 = arith.constant 125 : i32
      %scan3A_31 = arith.addi %scan3A_29, %scan3A_30 : i32
      %scan3A_32 = arith.constant 1 : i32
      %scan3A_33 = scf.for %scan3A_110 = %scan3A_29 to %scan3A_31 step %scan3A_32 iter_args(%scan3A_111 = %broadcast_in_dim3A_28) -> (vector<16xi32>)  : i32 {
        %mul3A_112 = arith.constant 2 : i32
        %mul3A_113 = arith.muli %scan3A_110, %mul3A_112 : i32
        %add3A_114 = arith.constant 1 : i32
        %add3A_115 = arith.addi %mul3A_113, %add3A_114 : i32
        %mul3A_116 = arith.constant 1280 : i32
        %mul3A_117 = arith.muli %add3A_115, %mul3A_116 : i32
        %multiple_of3A_118 = tpu.assume_multiple %mul3A_117, 1280 : i32
        %dma_start3A_119 = tpu.memref_slice %arg5[%multiple_of3A_118] : memref<320000xi32, #tpu.memory_space<hbm>> -> memref<1280xi32, #tpu.memory_space<hbm>>
        %dma_start3A_120 = tpu.memref_slice %arg5[%multiple_of3A_118] : memref<320000xi32, #tpu.memory_space<hbm>> -> memref<1280xi32, #tpu.memory_space<hbm>>
        tpu.enqueue_dma source(%dma_start3A_120 : memref<1280xi32, #tpu.memory_space<hbm>>) target(%arg13 : memref<1280xi32, #tpu.memory_space<vmem>>) target_semaphore(%arg21 : memref<!tpu.dma_semaphore, #tpu.memory_space<semaphore_mem>>)
        %dma_start3A_121 = tpu.memref_slice %arg6[%multiple_of3A_118] : memref<320000xi32, #tpu.memory_space<hbm>> -> memref<1280xi32, #tpu.memory_space<hbm>>
        %dma_start3A_122 = tpu.memref_slice %arg6[%multiple_of3A_118] : memref<320000xi32, #tpu.memory_space<hbm>> -> memref<1280xi32, #tpu.memory_space<hbm>>
        tpu.enqueue_dma source(%dma_start3A_122 : memref<1280xi32, #tpu.memory_space<hbm>>) target(%arg15 : memref<1280xi32, #tpu.memory_space<vmem>>) target_semaphore(%arg21 : memref<!tpu.dma_semaphore, #tpu.memory_space<semaphore_mem>>)
        %dma_wait3A_123 = arith.constant 0 : i32
        %dma_wait3A_124 = tpu.memref_slice %arg5[%dma_wait3A_123] : memref<320000xi32, #tpu.memory_space<hbm>> -> memref<1280xi32, #tpu.memory_space<hbm>>
        %dma_wait3A_125 = arith.constant 0 : i32
        %dma_wait3A_126 = tpu.memref_slice %arg5[%dma_wait3A_125] : memref<320000xi32, #tpu.memory_space<hbm>> -> memref<1280xi32, #tpu.memory_space<hbm>>
        tpu.wait_dma2 semaphore(%arg20 : memref<!tpu.dma_semaphore, #tpu.memory_space<semaphore_mem>>) src(%dma_wait3A_126 : memref<1280xi32, #tpu.memory_space<hbm>>) dst(%arg12 : memref<1280xi32, #tpu.memory_space<vmem>>)
        %dma_wait3A_127 = arith.constant 0 : i32
        %dma_wait3A_128 = tpu.memref_slice %arg6[%dma_wait3A_127] : memref<320000xi32, #tpu.memory_space<hbm>> -> memref<1280xi32, #tpu.memory_space<hbm>>
        %dma_wait3A_129 = arith.constant 0 : i32
        %dma_wait3A_130 = tpu.memref_slice %arg6[%dma_wait3A_129] : memref<320000xi32, #tpu.memory_space<hbm>> -> memref<1280xi32, #tpu.memory_space<hbm>>
        tpu.wait_dma2 semaphore(%arg20 : memref<!tpu.dma_semaphore, #tpu.memory_space<semaphore_mem>>) src(%dma_wait3A_130 : memref<1280xi32, #tpu.memory_space<hbm>>) dst(%arg14 : memref<1280xi32, #tpu.memory_space<vmem>>)
        %scan3A_131 = arith.constant 0 : i32
        %scan3A_132 = arith.constant 80 : i32
        %scan3A_133 = arith.addi %scan3A_131, %scan3A_132 : i32
        %scan3A_134 = arith.constant 1 : i32
        %scan3A_135 = scf.for %scan3A_162 = %scan3A_131 to %scan3A_133 step %scan3A_134 iter_args(%scan3A_163 = %scan3A_111) -> (vector<16xi32>)  : i32 {
          %mul3A_164 = arith.constant 16 : i32
          %mul3A_165 = arith.muli %scan3A_162, %mul3A_164 : i32
          %multiple_of3A_166 = tpu.assume_multiple %mul3A_165, 16 : i32
          %get3A = arith.index_cast %multiple_of3A_166 : i32 to index
          %get3A_167 = tpu.vector_load %arg14[%get3A] {strides = array<i32>} : memref<1280xi32, #tpu.memory_space<vmem>>, vector<16xi32>,
          %ge3A_168 = vector.broadcast %mul3A_2 : i32 to vector<16xi32>
          %ge3A_169 = arith.cmpi sge, %get3A_167, %ge3A_168 : vector<16xi32>
          %add3A_170 = arith.constant 320 : i32
          %add3A_171 = arith.addi %mul3A_2, %add3A_170 : i32
          %lt3A = vector.broadcast %add3A_171 : i32 to vector<16xi32>
          %lt3A_172 = arith.cmpi slt, %get3A_167, %lt3A : vector<16xi32>
          %and3A_173 = arith.andi %ge3A_169, %lt3A_172 : vector<16xi1>
          %get3A_174 = arith.index_cast %multiple_of3A_166 : i32 to index
          %get3A_175 = tpu.vector_load %arg12[%get3A_174] {strides = array<i32>} : memref<1280xi32, #tpu.memory_space<vmem>>, vector<16xi32>,
          %convert_element_type3A = arith.extui %and3A_173 : vector<16xi1> to vector<16xi32>
          %broadcast_in_dim3A_176 = arith.constant true
          %broadcast_in_dim3A_177 = vector.broadcast %broadcast_in_dim3A_176 : i1 to vector<16xi1>
          %masked_cumsum3A = tpu.scan <sum>, %convert_element_type3A masked %broadcast_in_dim3A_177 : vector<16xi32>, vector<16xi1> -> vector<16xi32>
          %add3A_178 = arith.addi %scan3A_163, %masked_cumsum3A : vector<16xi32>
          %sub3A_179 = arith.constant 1 : i32
          %sub3A_180 = vector.broadcast %sub3A_179 : i32 to vector<16xi32>
          %sub3A_181 = arith.subi %add3A_178, %sub3A_180 : vector<16xi32>
          %ge3A_182 = vector.broadcast %mul3A_23 : i32 to vector<16xi32>
          %ge3A_183 = arith.cmpi sge, %sub3A_181, %ge3A_182 : vector<16xi32>
          %and3A_184 = arith.andi %and3A_173, %ge3A_183 : vector<16xi1>
          %add3A_185 = arith.constant 16384 : i32
          %add3A_186 = arith.addi %mul3A_23, %add3A_185 : i32
          %lt3A_187 = vector.broadcast %add3A_186 : i32 to vector<16xi32>
          %lt3A_188 = arith.cmpi slt, %sub3A_181, %lt3A_187 : vector<16xi32>
          %and3A_189 = arith.andi %and3A_184, %lt3A_188 : vector<16xi1>
          %shift_left3A = arith.constant 9 : i32
          %shift_left3A_190 = vector.broadcast %shift_left3A : i32 to vector<16xi32>
          %shift_left3A_191 = arith.shli %get3A_175, %shift_left3A_190 : vector<16xi32>
          %sub3A_192 = vector.broadcast %mul3A_2 : i32 to vector<16xi32>
          %sub3A_193 = arith.subi %get3A_167, %sub3A_192 : vector<16xi32>
          %or3A = arith.ori %shift_left3A_191, %sub3A_193 : vector<16xi32>
          %sub3A_194 = vector.broadcast %mul3A_23 : i32 to vector<16xi32>
          %sub3A_195 = arith.subi %sub3A_181, %sub3A_194 : vector<16xi32>
          tpu.vector_store_idx %arg16[%sub3A_195], %or3A masked %and3A_189 : memref<16400xi32, #tpu.memory_space<vmem>>[vector<16xi32>], vector<16xi32>, vector<16xi1>
          %all_reduce_population_count3A = tpu.all_reduce %and3A_173 {dim = 0 : i64, kind = #tpu.reduction_kind<sum>} : vector<16xi1> -> vector<16xi32>
          %add3A_196 = arith.addi %scan3A_163, %all_reduce_population_count3A : vector<16xi32>
          scf.yield %add3A_196 : vector<16xi32>
        }
        %scan3A_136 = arith.constant 80 : i32
        %add3A_137 = arith.constant 2 : i32
        %add3A_138 = arith.addi %mul3A_113, %add3A_137 : i32
        %min3A_139 = arith.constant 249 : i32
        %min3A_140 = arith.minsi %add3A_138, %min3A_139 : i32
        %mul3A_141 = arith.constant 1280 : i32
        %mul3A_142 = arith.muli %min3A_140, %mul3A_141 : i32
        %multiple_of3A_143 = tpu.assume_multiple %mul3A_142, 1280 : i32
        %dma_start3A_144 = tpu.memref_slice %arg5[%multiple_of3A_143] : memref<320000xi32, #tpu.memory_space<hbm>> -> memref<1280xi32, #tpu.memory_space<hbm>>
        %dma_start3A_145 = tpu.memref_slice %arg5[%multiple_of3A_143] : memref<320000xi32, #tpu.memory_space<hbm>> -> memref<1280xi32, #tpu.memory_space<hbm>>
        tpu.enqueue_dma source(%dma_start3A_145 : memref<1280xi32, #tpu.memory_space<hbm>>) target(%arg12 : memref<1280xi32, #tpu.memory_space<vmem>>) target_semaphore(%arg20 : memref<!tpu.dma_semaphore, #tpu.memory_space<semaphore_mem>>)
        %dma_start3A_146 = tpu.memref_slice %arg6[%multiple_of3A_143] : memref<320000xi32, #tpu.memory_space<hbm>> -> memref<1280xi32, #tpu.memory_space<hbm>>
        %dma_start3A_147 = tpu.memref_slice %arg6[%multiple_of3A_143] : memref<320000xi32, #tpu.memory_space<hbm>> -> memref<1280xi32, #tpu.memory_space<hbm>>
        tpu.enqueue_dma source(%dma_start3A_147 : memref<1280xi32, #tpu.memory_space<hbm>>) target(%arg14 : memref<1280xi32, #tpu.memory_space<vmem>>) target_semaphore(%arg20 : memref<!tpu.dma_semaphore, #tpu.memory_space<semaphore_mem>>)
        %dma_wait3A_148 = arith.constant 0 : i32
        %dma_wait3A_149 = tpu.memref_slice %arg5[%dma_wait3A_148] : memref<320000xi32, #tpu.memory_space<hbm>> -> memref<1280xi32, #tpu.memory_space<hbm>>
        %dma_wait3A_150 = arith.constant 0 : i32
        %dma_wait3A_151 = tpu.memref_slice %arg5[%dma_wait3A_150] : memref<320000xi32, #tpu.memory_space<hbm>> -> memref<1280xi32, #tpu.memory_space<hbm>>
        tpu.wait_dma2 semaphore(%arg21 : memref<!tpu.dma_semaphore, #tpu.memory_space<semaphore_mem>>) src(%dma_wait3A_151 : memref<1280xi32, #tpu.memory_space<hbm>>) dst(%arg13 : memref<1280xi32, #tpu.memory_space<vmem>>)
        %dma_wait3A_152 = arith.constant 0 : i32
        %dma_wait3A_153 = tpu.memref_slice %arg6[%dma_wait3A_152] : memref<320000xi32, #tpu.memory_space<hbm>> -> memref<1280xi32, #tpu.memory_space<hbm>>
        %dma_wait3A_154 = arith.constant 0 : i32
        %dma_wait3A_155 = tpu.memref_slice %arg6[%dma_wait3A_154] : memref<320000xi32, #tpu.memory_space<hbm>> -> memref<1280xi32, #tpu.memory_space<hbm>>
        tpu.wait_dma2 semaphore(%arg21 : memref<!tpu.dma_semaphore, #tpu.memory_space<semaphore_mem>>) src(%dma_wait3A_155 : memref<1280xi32, #tpu.memory_space<hbm>>) dst(%arg15 : memref<1280xi32, #tpu.memory_space<vmem>>)
        %scan3A_156 = arith.constant 0 : i32
        %scan3A_157 = arith.constant 80 : i32
        %scan3A_158 = arith.addi %scan3A_156, %scan3A_157 : i32
        %scan3A_159 = arith.constant 1 : i32
        %scan3A_160 = scf.for %scan3A_162 = %scan3A_156 to %scan3A_158 step %scan3A_159 iter_args(%scan3A_163 = %scan3A_135) -> (vector<16xi32>)  : i32 {
          %mul3A_164 = arith.constant 16 : i32
          %mul3A_165 = arith.muli %scan3A_162, %mul3A_164 : i32
          %multiple_of3A_166 = tpu.assume_multiple %mul3A_165, 16 : i32
          %get3A = arith.index_cast %multiple_of3A_166 : i32 to index
          %get3A_167 = tpu.vector_load %arg15[%get3A] {strides = array<i32>} : memref<1280xi32, #tpu.memory_space<vmem>>, vector<16xi32>,
          %ge3A_168 = vector.broadcast %mul3A_2 : i32 to vector<16xi32>
          %ge3A_169 = arith.cmpi sge, %get3A_167, %ge3A_168 : vector<16xi32>
          %add3A_170 = arith.constant 320 : i32
          %add3A_171 = arith.addi %mul3A_2, %add3A_170 : i32
          %lt3A = vector.broadcast %add3A_171 : i32 to vector<16xi32>
          %lt3A_172 = arith.cmpi slt, %get3A_167, %lt3A : vector<16xi32>
          %and3A_173 = arith.andi %ge3A_169, %lt3A_172 : vector<16xi1>
          %get3A_174 = arith.index_cast %multiple_of3A_166 : i32 to index
          %get3A_175 = tpu.vector_load %arg13[%get3A_174] {strides = array<i32>} : memref<1280xi32, #tpu.memory_space<vmem>>, vector<16xi32>,
          %convert_element_type3A = arith.extui %and3A_173 : vector<16xi1> to vector<16xi32>
          %broadcast_in_dim3A_176 = arith.constant true
          %broadcast_in_dim3A_177 = vector.broadcast %broadcast_in_dim3A_176 : i1 to vector<16xi1>
          %masked_cumsum3A = tpu.scan <sum>, %convert_element_type3A masked %broadcast_in_dim3A_177 : vector<16xi32>, vector<16xi1> -> vector<16xi32>
          %add3A_178 = arith.addi %scan3A_163, %masked_cumsum3A : vector<16xi32>
          %sub3A_179 = arith.constant 1 : i32
          %sub3A_180 = vector.broadcast %sub3A_179 : i32 to vector<16xi32>
          %sub3A_181 = arith.subi %add3A_178, %sub3A_180 : vector<16xi32>
          %ge3A_182 = vector.broadcast %mul3A_23 : i32 to vector<16xi32>
          %ge3A_183 = arith.cmpi sge, %sub3A_181, %ge3A_182 : vector<16xi32>
          %and3A_184 = arith.andi %and3A_173, %ge3A_183 : vector<16xi1>
          %add3A_185 = arith.constant 16384 : i32
          %add3A_186 = arith.addi %mul3A_23, %add3A_185 : i32
          %lt3A_187 = vector.broadcast %add3A_186 : i32 to vector<16xi32>
          %lt3A_188 = arith.cmpi slt, %sub3A_181, %lt3A_187 : vector<16xi32>
          %and3A_189 = arith.andi %and3A_184, %lt3A_188 : vector<16xi1>
          %shift_left3A = arith.constant 9 : i32
          %shift_left3A_190 = vector.broadcast %shift_left3A : i32 to vector<16xi32>
          %shift_left3A_191 = arith.shli %get3A_175, %shift_left3A_190 : vector<16xi32>
          %sub3A_192 = vector.broadcast %mul3A_2 : i32 to vector<16xi32>
          %sub3A_193 = arith.subi %get3A_167, %sub3A_192 : vector<16xi32>
          %or3A = arith.ori %shift_left3A_191, %sub3A_193 : vector<16xi32>
          %sub3A_194 = vector.broadcast %mul3A_23 : i32 to vector<16xi32>
          %sub3A_195 = arith.subi %sub3A_181, %sub3A_194 : vector<16xi32>
          tpu.vector_store_idx %arg16[%sub3A_195], %or3A masked %and3A_189 : memref<16400xi32, #tpu.memory_space<vmem>>[vector<16xi32>], vector<16xi32>, vector<16xi1>
          %all_reduce_population_count3A = tpu.all_reduce %and3A_173 {dim = 0 : i64, kind = #tpu.reduction_kind<sum>} : vector<16xi1> -> vector<16xi32>
          %add3A_196 = arith.addi %scan3A_163, %all_reduce_population_count3A : vector<16xi32>
          scf.yield %add3A_196 : vector<16xi32>
        }
        %scan3A_161 = arith.constant 80 : i32
        scf.yield %scan3A_160 : vector<16xi32>
      }
      %scan3A_34 = arith.constant 125 : i32
      %dma_wait3A = arith.constant 0 : i32
      %dma_wait3A_35 = tpu.memref_slice %arg5[%dma_wait3A] : memref<320000xi32, #tpu.memory_space<hbm>> -> memref<1280xi32, #tpu.memory_space<hbm>>
      %dma_wait3A_36 = arith.constant 0 : i32
      %dma_wait3A_37 = tpu.memref_slice %arg5[%dma_wait3A_36] : memref<320000xi32, #tpu.memory_space<hbm>> -> memref<1280xi32, #tpu.memory_space<hbm>>
      tpu.wait_dma2 semaphore(%arg20 : memref<!tpu.dma_semaphore, #tpu.memory_space<semaphore_mem>>) src(%dma_wait3A_37 : memref<1280xi32, #tpu.memory_space<hbm>>) dst(%arg12 : memref<1280xi32, #tpu.memory_space<vmem>>)
      %dma_wait3A_38 = arith.constant 0 : i32
      %dma_wait3A_39 = tpu.memref_slice %arg6[%dma_wait3A_38] : memref<320000xi32, #tpu.memory_space<hbm>> -> memref<1280xi32, #tpu.memory_space<hbm>>
      %dma_wait3A_40 = arith.constant 0 : i32
      %dma_wait3A_41 = tpu.memref_slice %arg6[%dma_wait3A_40] : memref<320000xi32, #tpu.memory_space<hbm>> -> memref<1280xi32, #tpu.memory_space<hbm>>
      tpu.wait_dma2 semaphore(%arg20 : memref<!tpu.dma_semaphore, #tpu.memory_space<semaphore_mem>>) src(%dma_wait3A_41 : memref<1280xi32, #tpu.memory_space<hbm>>) dst(%arg14 : memref<1280xi32, #tpu.memory_space<vmem>>)
      %reduce_max3A = arith.constant true
      %reduce_max3A_42 = vector.broadcast %reduce_max3A : i1 to vector<16xi1>
      %reduce_max3A_43 = arith.constant -2147483648 : i32
      %reduce_max3A_44 = vector.broadcast %reduce_max3A_43 : i32 to vector<16xi32>
      %reduce_max3A_45 = arith.xori %scan3A_33, %reduce_max3A_44 : vector<16xi32>
      %reduce_max3A_46 = tpu.scan <max>, %reduce_max3A_45 masked %reduce_max3A_42 : vector<16xi32>, vector<16xi1> -> vector<16xi32>
      %reduce_max3A_47 = arith.xori %reduce_max3A_46, %reduce_max3A_44 : vector<16xi32>
      %reduce_max3A_48 = vector.extract %reduce_max3A_47[15] : i32 from vector<16xi32>
      %sub3A = arith.subi %reduce_max3A_48, %mul3A_23 : i32
      %min3A = arith.constant 16384 : i32
      %min3A_49 = arith.minsi %sub3A, %min3A : i32
      %jit3A = arith.constant 16 : i32
      %div3A = arith.divsi %min3A_49, %jit3A : i32
      %sign3A = arith.constant 0 : i32
      %sign3A_50 = arith.cmpi sgt, %min3A_49, %sign3A : i32
      %sign3A_51 = arith.extui %sign3A_50 : i1 to i32
      %sign3A_52 = arith.constant 0 : i32
      %sign3A_53 = arith.cmpi slt, %min3A_49, %sign3A_52 : i32
      %sign3A_54 = arith.extui %sign3A_53 : i1 to i32
      %sign3A_55 = arith.subi %sign3A_51, %sign3A_54 : i32
      %sign3A_56 = arith.constant 0 : i32
      %sign3A_57 = arith.cmpi sgt, %jit3A, %sign3A_56 : i32
      %sign3A_58 = arith.extui %sign3A_57 : i1 to i32
      %sign3A_59 = arith.constant 0 : i32
      %sign3A_60 = arith.cmpi slt, %jit3A, %sign3A_59 : i32
      %sign3A_61 = arith.extui %sign3A_60 : i1 to i32
      %sign3A_62 = arith.subi %sign3A_58, %sign3A_61 : i32
      %ne3A = arith.cmpi ne, %sign3A_55, %sign3A_62 : i32
      %rem3A = arith.remsi %min3A_49, %jit3A : i32
      %ne3A_63 = arith.constant 0 : i32
      %ne3A_64 = arith.cmpi ne, %rem3A, %ne3A_63 : i32
      %and3A = arith.andi %ne3A, %ne3A_64 : i1
      %sub3A_65 = arith.constant 1 : i32
      %sub3A_66 = arith.subi %div3A, %sub3A_65 : i32
      %select_n3A = arith.select %and3A, %sub3A_66, %div3A : i32
      %mul3A_67 = arith.constant 16 : i32
      %mul3A_68 = arith.muli %select_n3A, %mul3A_67 : i32
      %add3A_69 = vector.broadcast %mul3A_68 : i32 to vector<16xi32>
      %add3A_70 = arith.addi %add3A_69, %iota3A : vector<16xi32>
      %broadcast_in_dim3A_71 = arith.constant 320 : i32
      %broadcast_in_dim3A_72 = vector.broadcast %broadcast_in_dim3A_71 : i32 to vector<16xi32>
      %ge3A = vector.broadcast %min3A_49 : i32 to vector<16xi32>
      %ge3A_73 = arith.cmpi sge, %add3A_70, %ge3A : vector<16xi32>
      tpu.vector_store_idx %arg16[%add3A_70], %broadcast_in_dim3A_72 masked %ge3A_73 : memref<16400xi32, #tpu.memory_space<vmem>>[vector<16xi32>], vector<16xi32>, vector<16xi1>
      %add3A_74 = arith.constant 15 : i32
      %add3A_75 = arith.addi %min3A_49, %add3A_74 : i32
      %jit3A_76 = arith.constant 16 : i32
      %div3A_77 = arith.divsi %add3A_75, %jit3A_76 : i32
      %sign3A_78 = arith.constant 0 : i32
      %sign3A_79 = arith.cmpi sgt, %add3A_75, %sign3A_78 : i32
      %sign3A_80 = arith.extui %sign3A_79 : i1 to i32
      %sign3A_81 = arith.constant 0 : i32
      %sign3A_82 = arith.cmpi slt, %add3A_75, %sign3A_81 : i32
      %sign3A_83 = arith.extui %sign3A_82 : i1 to i32
      %sign3A_84 = arith.subi %sign3A_80, %sign3A_83 : i32
      %sign3A_85 = arith.constant 0 : i32
      %sign3A_86 = arith.cmpi sgt, %jit3A_76, %sign3A_85 : i32
      %sign3A_87 = arith.extui %sign3A_86 : i1 to i32
      %sign3A_88 = arith.constant 0 : i32
      %sign3A_89 = arith.cmpi slt, %jit3A_76, %sign3A_88 : i32
      %sign3A_90 = arith.extui %sign3A_89 : i1 to i32
      %sign3A_91 = arith.subi %sign3A_87, %sign3A_90 : i32
      %ne3A_92 = arith.cmpi ne, %sign3A_84, %sign3A_91 : i32
      %rem3A_93 = arith.remsi %add3A_75, %jit3A_76 : i32
      %ne3A_94 = arith.constant 0 : i32
      %ne3A_95 = arith.cmpi ne, %rem3A_93, %ne3A_94 : i32
      %and3A_96 = arith.andi %ne3A_92, %ne3A_95 : i1
      %sub3A_97 = arith.constant 1 : i32
      %sub3A_98 = arith.subi %div3A_77, %sub3A_97 : i32
      %select_n3A_99 = arith.select %and3A_96, %sub3A_98, %div3A_77 : i32
      %mul3A_100 = arith.constant 16 : i32
      %mul3A_101 = arith.muli %select_n3A_99, %mul3A_100 : i32
      %scan3A_102 = arith.constant 0 : i32
      %scan3A_103 = arith.constant 0 : i32
      %scan3A_104 = arith.constant 80 : i32
      %scan3A_105 = arith.addi %scan3A_103, %scan3A_104 : i32
      %scan3A_106 = arith.constant 1 : i32
      scf.for %scan3A_110 = %scan3A_103 to %scan3A_105 step %scan3A_106  : i32 {
        %mul3A_111 = arith.constant 128 : i32
        %mul3A_112 = arith.muli %scan3A_110, %mul3A_111 : i32
        %multiple_of3A_113 = tpu.assume_multiple %mul3A_112, 128 : i32
        %dma_start3A_114 = arith.constant 0 : i32
        %dma_start3A_115 = tpu.memref_slice %arg2[%multiple_of3A_113, %dma_start3A_114] : memref<10240x256xf32, #tpu.memory_space<hbm>> -> memref<128x256xf32, #tpu.memory_space<hbm>>
        %dma_start3A_116 = arith.constant 0 : i32
        %dma_start3A_117 = tpu.memref_slice %arg2[%multiple_of3A_113, %dma_start3A_116] : memref<10240x256xf32, #tpu.memory_space<hbm>> -> memref<128x256xf32, #tpu.memory_space<hbm>>
        tpu.enqueue_dma source(%dma_start3A_117 : memref<128x256xf32, #tpu.memory_space<hbm>>) target(%arg18 : memref<128x256xf32, #tpu.memory_space<vmem>>) target_semaphore(%arg19 : memref<!tpu.dma_semaphore, #tpu.memory_space<semaphore_mem>>)
        %shift_left3A = arith.constant 9 : i32
        %shift_left3A_118 = arith.shli %multiple_of3A_113, %shift_left3A : i32
        %add3A_119 = arith.constant 128 : i32
        %add3A_120 = arith.addi %multiple_of3A_113, %add3A_119 : i32
        %shift_left3A_121 = arith.constant 9 : i32
        %shift_left3A_122 = arith.shli %add3A_120, %shift_left3A_121 : i32
        %jit3A_123 = arith.constant 16 : i32
        %div3A_124 = arith.divsi %mul3A_101, %jit3A_123 : i32
        %sign3A_125 = arith.constant 0 : i32
        %sign3A_126 = arith.cmpi sgt, %mul3A_101, %sign3A_125 : i32
        %sign3A_127 = arith.extui %sign3A_126 : i1 to i32
        %sign3A_128 = arith.constant 0 : i32
        %sign3A_129 = arith.cmpi slt, %mul3A_101, %sign3A_128 : i32
        %sign3A_130 = arith.extui %sign3A_129 : i1 to i32
        %sign3A_131 = arith.subi %sign3A_127, %sign3A_130 : i32
        %sign3A_132 = arith.constant 0 : i32
        %sign3A_133 = arith.cmpi sgt, %jit3A_123, %sign3A_132 : i32
        %sign3A_134 = arith.extui %sign3A_133 : i1 to i32
        %sign3A_135 = arith.constant 0 : i32
        %sign3A_136 = arith.cmpi slt, %jit3A_123, %sign3A_135 : i32
        %sign3A_137 = arith.extui %sign3A_136 : i1 to i32
        %sign3A_138 = arith.subi %sign3A_134, %sign3A_137 : i32
        %ne3A_139 = arith.cmpi ne, %sign3A_131, %sign3A_138 : i32
        %rem3A_140 = arith.remsi %mul3A_101, %jit3A_123 : i32
        %ne3A_141 = arith.constant 0 : i32
        %ne3A_142 = arith.cmpi ne, %rem3A_140, %ne3A_141 : i32
        %and3A_143 = arith.andi %ne3A_139, %ne3A_142 : i1
        %sub3A_144 = arith.constant 1 : i32
        %sub3A_145 = arith.subi %div3A_124, %sub3A_144 : i32
        %select_n3A_146 = arith.select %and3A_143, %sub3A_145, %div3A_124 : i32
        %broadcast_in_dim3A_147 = arith.constant 0 : i32
        %broadcast_in_dim3A_148 = vector.broadcast %broadcast_in_dim3A_147 : i32 to vector<16xi32>
        %while3A_149 = arith.constant 0 : i32
        %while3A_150 = arith.subi %select_n3A_146, %while3A_149 : i32
        %while3A_151 = arith.addi %while3A_149, %while3A_150 : i32
        %while3A_152 = arith.constant 1 : i32
        %while3A_153 = arith.divsi %while3A_150, %while3A_152 : i32
        %while3A_154 = arith.muli %while3A_153, %while3A_152 : i32
        %while3A_155 = arith.addi %while3A_149, %while3A_154 : i32
        %while3A_156 = arith.constant 1 : i32
        %while3A_157 = scf.for %while3A_268 = %while3A_149 to %while3A_155 step %while3A_156 iter_args(%while3A_269 = %broadcast_in_dim3A_148) -> (vector<16xi32>)  : i32 {
          %mul3A_270 = arith.constant 16 : i32
          %mul3A_271 = arith.muli %while3A_268, %mul3A_270 : i32
          %multiple_of3A_272 = tpu.assume_multiple %mul3A_271, 16 : i32
          %get3A = arith.index_cast %multiple_of3A_272 : i32 to index
          %get3A_273 = tpu.vector_load %arg16[%get3A] {strides = array<i32>} : memref<16400xi32, #tpu.memory_space<vmem>>, vector<16xi32>,
          %ge3A_274 = vector.broadcast %shift_left3A_118 : i32 to vector<16xi32>
          %ge3A_275 = arith.cmpi sge, %get3A_273, %ge3A_274 : vector<16xi32>
          %lt3A = vector.broadcast %shift_left3A_122 : i32 to vector<16xi32>
          %lt3A_276 = arith.cmpi slt, %get3A_273, %lt3A : vector<16xi32>
          %and3A_277 = arith.andi %ge3A_275, %lt3A_276 : vector<16xi1>
          %convert_element_type3A = arith.extui %and3A_277 : vector<16xi1> to vector<16xi32>
          %broadcast_in_dim3A_278 = arith.constant true
          %broadcast_in_dim3A_279 = vector.broadcast %broadcast_in_dim3A_278 : i1 to vector<16xi1>
          %masked_cumsum3A = tpu.scan <sum>, %convert_element_type3A masked %broadcast_in_dim3A_279 : vector<16xi32>, vector<16xi1> -> vector<16xi32>
          %add3A_280 = arith.addi %while3A_269, %masked_cumsum3A : vector<16xi32>
          %sub3A_281 = arith.constant 1 : i32
          %sub3A_282 = vector.broadcast %sub3A_281 : i32 to vector<16xi32>
          %sub3A_283 = arith.subi %add3A_280, %sub3A_282 : vector<16xi32>
          tpu.vector_store_idx %arg17[%sub3A_283], %get3A_273 masked %and3A_277 : memref<16400xi32, #tpu.memory_space<vmem>>[vector<16xi32>], vector<16xi32>, vector<16xi1>
          %all_reduce_population_count3A = tpu.all_reduce %and3A_277 {dim = 0 : i64, kind = #tpu.reduction_kind<sum>} : vector<16xi1> -> vector<16xi32>
          %add3A_284 = arith.addi %while3A_269, %all_reduce_population_count3A : vector<16xi32>
          scf.yield %add3A_284 : vector<16xi32>
        }
        %while3A_158 = arith.constant 1 : i32
        %while3A_159 = scf.for %while3A_268 = %while3A_155 to %while3A_151 step %while3A_158 iter_args(%while3A_269 = %while3A_157) -> (vector<16xi32>)  : i32 {
          %mul3A_270 = arith.constant 16 : i32
          %mul3A_271 = arith.muli %while3A_268, %mul3A_270 : i32
          %multiple_of3A_272 = tpu.assume_multiple %mul3A_271, 16 : i32
          %get3A = arith.index_cast %multiple_of3A_272 : i32 to index
          %get3A_273 = tpu.vector_load %arg16[%get3A] {strides = array<i32>} : memref<16400xi32, #tpu.memory_space<vmem>>, vector<16xi32>,
          %ge3A_274 = vector.broadcast %shift_left3A_118 : i32 to vector<16xi32>
          %ge3A_275 = arith.cmpi sge, %get3A_273, %ge3A_274 : vector<16xi32>
          %lt3A = vector.broadcast %shift_left3A_122 : i32 to vector<16xi32>
          %lt3A_276 = arith.cmpi slt, %get3A_273, %lt3A : vector<16xi32>
          %and3A_277 = arith.andi %ge3A_275, %lt3A_276 : vector<16xi1>
          %convert_element_type3A = arith.extui %and3A_277 : vector<16xi1> to vector<16xi32>
          %broadcast_in_dim3A_278 = arith.constant true
          %broadcast_in_dim3A_279 = vector.broadcast %broadcast_in_dim3A_278 : i1 to vector<16xi1>
          %masked_cumsum3A = tpu.scan <sum>, %convert_element_type3A masked %broadcast_in_dim3A_279 : vector<16xi32>, vector<16xi1> -> vector<16xi32>
          %add3A_280 = arith.addi %while3A_269, %masked_cumsum3A : vector<16xi32>
          %sub3A_281 = arith.constant 1 : i32
          %sub3A_282 = vector.broadcast %sub3A_281 : i32 to vector<16xi32>
          %sub3A_283 = arith.subi %add3A_280, %sub3A_282 : vector<16xi32>
          tpu.vector_store_idx %arg17[%sub3A_283], %get3A_273 masked %and3A_277 : memref<16400xi32, #tpu.memory_space<vmem>>[vector<16xi32>], vector<16xi32>, vector<16xi1>
          %all_reduce_population_count3A = tpu.all_reduce %and3A_277 {dim = 0 : i64, kind = #tpu.reduction_kind<sum>} : vector<16xi1> -> vector<16xi32>
          %add3A_284 = arith.addi %while3A_269, %all_reduce_population_count3A : vector<16xi32>
          scf.yield %add3A_284 : vector<16xi32>
        }
        %reduce_max3A_160 = arith.constant true
        %reduce_max3A_161 = vector.broadcast %reduce_max3A_160 : i1 to vector<16xi1>
        %reduce_max3A_162 = arith.constant -2147483648 : i32
        %reduce_max3A_163 = vector.broadcast %reduce_max3A_162 : i32 to vector<16xi32>
        %reduce_max3A_164 = arith.xori %while3A_159, %reduce_max3A_163 : vector<16xi32>
        %reduce_max3A_165 = tpu.scan <max>, %reduce_max3A_164 masked %reduce_max3A_161 : vector<16xi32>, vector<16xi1> -> vector<16xi32>
        %reduce_max3A_166 = arith.xori %reduce_max3A_165, %reduce_max3A_163 : vector<16xi32>
        %reduce_max3A_167 = vector.extract %reduce_max3A_166[15] : i32 from vector<16xi32>
        %jit3A_168 = arith.constant 16 : i32
        %div3A_169 = arith.divsi %reduce_max3A_167, %jit3A_168 : i32
        %sign3A_170 = arith.constant 0 : i32
        %sign3A_171 = arith.cmpi sgt, %reduce_max3A_167, %sign3A_170 : i32
        %sign3A_172 = arith.extui %sign3A_171 : i1 to i32
        %sign3A_173 = arith.constant 0 : i32
        %sign3A_174 = arith.cmpi slt, %reduce_max3A_167, %sign3A_173 : i32
        %sign3A_175 = arith.extui %sign3A_174 : i1 to i32
        %sign3A_176 = arith.subi %sign3A_172, %sign3A_175 : i32
        %sign3A_177 = arith.constant 0 : i32
        %sign3A_178 = arith.cmpi sgt, %jit3A_168, %sign3A_177 : i32
        %sign3A_179 = arith.extui %sign3A_178 : i1 to i32
        %sign3A_180 = arith.constant 0 : i32
        %sign3A_181 = arith.cmpi slt, %jit3A_168, %sign3A_180 : i32
        %sign3A_182 = arith.extui %sign3A_181 : i1 to i32
        %sign3A_183 = arith.subi %sign3A_179, %sign3A_182 : i32
        %ne3A_184 = arith.cmpi ne, %sign3A_176, %sign3A_183 : i32
        %rem3A_185 = arith.remsi %reduce_max3A_167, %jit3A_168 : i32
        %ne3A_186 = arith.constant 0 : i32
        %ne3A_187 = arith.cmpi ne, %rem3A_185, %ne3A_186 : i32
        %and3A_188 = arith.andi %ne3A_184, %ne3A_187 : i1
        %sub3A_189 = arith.constant 1 : i32
        %sub3A_190 = arith.subi %div3A_169, %sub3A_189 : i32
        %select_n3A_191 = arith.select %and3A_188, %sub3A_190, %div3A_169 : i32
        %mul3A_192 = arith.constant 16 : i32
        %mul3A_193 = arith.muli %select_n3A_191, %mul3A_192 : i32
        %add3A_194 = vector.broadcast %mul3A_193 : i32 to vector<16xi32>
        %add3A_195 = arith.addi %add3A_194, %iota3A : vector<16xi32>
        %shift_left3A_196 = arith.constant 9 : i32
        %shift_left3A_197 = arith.shli %multiple_of3A_113, %shift_left3A_196 : i32
        %or3A = arith.constant 320 : i32
        %or3A_198 = arith.ori %shift_left3A_197, %or3A : i32
        %broadcast_in_dim3A_199 = vector.broadcast %or3A_198 : i32 to vector<16xi32>
        %ge3A_200 = vector.broadcast %reduce_max3A_167 : i32 to vector<16xi32>
        %ge3A_201 = arith.cmpi sge, %add3A_195, %ge3A_200 : vector<16xi32>
        tpu.vector_store_idx %arg17[%add3A_195], %broadcast_in_dim3A_199 masked %ge3A_201 : memref<16400xi32, #tpu.memory_space<vmem>>[vector<16xi32>], vector<16xi32>, vector<16xi1>
        %add3A_202 = arith.constant 15 : i32
        %add3A_203 = arith.addi %reduce_max3A_167, %add3A_202 : i32
        %jit3A_204 = arith.constant 16 : i32
        %div3A_205 = arith.divsi %add3A_203, %jit3A_204 : i32
        %sign3A_206 = arith.constant 0 : i32
        %sign3A_207 = arith.cmpi sgt, %add3A_203, %sign3A_206 : i32
        %sign3A_208 = arith.extui %sign3A_207 : i1 to i32
        %sign3A_209 = arith.constant 0 : i32
        %sign3A_210 = arith.cmpi slt, %add3A_203, %sign3A_209 : i32
        %sign3A_211 = arith.extui %sign3A_210 : i1 to i32
        %sign3A_212 = arith.subi %sign3A_208, %sign3A_211 : i32
        %sign3A_213 = arith.constant 0 : i32
        %sign3A_214 = arith.cmpi sgt, %jit3A_204, %sign3A_213 : i32
        %sign3A_215 = arith.extui %sign3A_214 : i1 to i32
        %sign3A_216 = arith.constant 0 : i32
        %sign3A_217 = arith.cmpi slt, %jit3A_204, %sign3A_216 : i32
        %sign3A_218 = arith.extui %sign3A_217 : i1 to i32
        %sign3A_219 = arith.subi %sign3A_215, %sign3A_218 : i32
        %ne3A_220 = arith.cmpi ne, %sign3A_212, %sign3A_219 : i32
        %rem3A_221 = arith.remsi %add3A_203, %jit3A_204 : i32
        %ne3A_222 = arith.constant 0 : i32
        %ne3A_223 = arith.cmpi ne, %rem3A_221, %ne3A_222 : i32
        %and3A_224 = arith.andi %ne3A_220, %ne3A_223 : i1
        %sub3A_225 = arith.constant 1 : i32
        %sub3A_226 = arith.subi %div3A_205, %sub3A_225 : i32
        %select_n3A_227 = arith.select %and3A_224, %sub3A_226, %div3A_205 : i32
        %mul3A_228 = arith.constant 16 : i32
        %mul3A_229 = arith.muli %select_n3A_227, %mul3A_228 : i32
        %dma_wait3A_230 = arith.constant 0 : i32
        %dma_wait3A_231 = tpu.memref_slice %arg2[%multiple_of3A_113, %dma_wait3A_230] : memref<10240x256xf32, #tpu.memory_space<hbm>> -> memref<128x256xf32, #tpu.memory_space<hbm>>
        %dma_wait3A_232 = arith.constant 0 : i32
        %dma_wait3A_233 = tpu.memref_slice %arg2[%multiple_of3A_113, %dma_wait3A_232] : memref<10240x256xf32, #tpu.memory_space<hbm>> -> memref<128x256xf32, #tpu.memory_space<hbm>>
        tpu.wait_dma2 semaphore(%arg19 : memref<!tpu.dma_semaphore, #tpu.memory_space<semaphore_mem>>) src(%dma_wait3A_233 : memref<128x256xf32, #tpu.memory_space<hbm>>) dst(%arg18 : memref<128x256xf32, #tpu.memory_space<vmem>>)
        %jit3A_234 = arith.constant 16 : i32
        %div3A_235 = arith.divsi %mul3A_229, %jit3A_234 : i32
        %sign3A_236 = arith.constant 0 : i32
        %sign3A_237 = arith.cmpi sgt, %mul3A_229, %sign3A_236 : i32
        %sign3A_238 = arith.extui %sign3A_237 : i1 to i32
        %sign3A_239 = arith.constant 0 : i32
        %sign3A_240 = arith.cmpi slt, %mul3A_229, %sign3A_239 : i32
        %sign3A_241 = arith.extui %sign3A_240 : i1 to i32
        %sign3A_242 = arith.subi %sign3A_238, %sign3A_241 : i32
        %sign3A_243 = arith.constant 0 : i32
        %sign3A_244 = arith.cmpi sgt, %jit3A_234, %sign3A_243 : i32
        %sign3A_245 = arith.extui %sign3A_244 : i1 to i32
        %sign3A_246 = arith.constant 0 : i32
        %sign3A_247 = arith.cmpi slt, %jit3A_234, %sign3A_246 : i32
        %sign3A_248 = arith.extui %sign3A_247 : i1 to i32
        %sign3A_249 = arith.subi %sign3A_245, %sign3A_248 : i32
        %ne3A_250 = arith.cmpi ne, %sign3A_242, %sign3A_249 : i32
        %rem3A_251 = arith.remsi %mul3A_229, %jit3A_234 : i32
        %ne3A_252 = arith.constant 0 : i32
        %ne3A_253 = arith.cmpi ne, %rem3A_251, %ne3A_252 : i32
        %and3A_254 = arith.andi %ne3A_250, %ne3A_253 : i1
        %sub3A_255 = arith.constant 1 : i32
        %sub3A_256 = arith.subi %div3A_235, %sub3A_255 : i32
        %select_n3A_257 = arith.select %and3A_254, %sub3A_256, %div3A_235 : i32
        %while3A_258 = arith.constant 0 : i32
        %while3A_259 = arith.constant 0 : i32
        %while3A_260 = arith.subi %select_n3A_257, %while3A_259 : i32
        %while3A_261 = arith.addi %while3A_259, %while3A_260 : i32
        %while3A_262 = arith.constant 1 : i32
        %while3A_263 = arith.divsi %while3A_260, %while3A_262 : i32
        %while3A_264 = arith.muli %while3A_263, %while3A_262 : i32
        %while3A_265 = arith.addi %while3A_259, %while3A_264 : i32
        %while3A_266 = arith.constant 1 : i32
        scf.for %while3A_268 = %while3A_259 to %while3A_265 step %while3A_266  : i32 {
          %mul3A_269 = arith.constant 16 : i32
          %mul3A_270 = arith.muli %while3A_268, %mul3A_269 : i32
          %multiple_of3A_271 = tpu.assume_multiple %mul3A_270, 16 : i32
          %get3A = arith.index_cast %multiple_of3A_271 : i32 to index
          %get3A_272 = tpu.vector_load %arg17[%get3A] {strides = array<i32>} : memref<16400xi32, #tpu.memory_space<vmem>>, vector<16xi32>,
          %and3A_273 = arith.constant 511 : i32
          %and3A_274 = vector.broadcast %and3A_273 : i32 to vector<16xi32>
          %and3A_275 = arith.andi %get3A_272, %and3A_274 : vector<16xi32>
          %shift_right_arithmetic3A = arith.constant 9 : i32
          %shift_right_arithmetic3A_276 = vector.broadcast %shift_right_arithmetic3A : i32 to vector<16xi32>
          %shift_right_arithmetic3A_277 = arith.shrsi %get3A_272, %shift_right_arithmetic3A_276 : vector<16xi32>
          %sub3A_278 = vector.broadcast %multiple_of3A_113 : i32 to vector<16xi32>
          %sub3A_279 = arith.subi %shift_right_arithmetic3A_277, %sub3A_278 : vector<16xi32>
          %slice3A = vector.extract_strided_slice %and3A_275 {offsets = [0], sizes = [1], strides = [1]} : vector<16xi32> to vector<1xi32>
          %squeeze3A = vector.extract %slice3A[0] : i32 from vector<1xi32>
          %slice3A_280 = vector.extract_strided_slice %sub3A_279 {offsets = [0], sizes = [1], strides = [1]} : vector<16xi32> to vector<1xi32>
          %squeeze3A_281 = vector.extract %slice3A_280[0] : i32 from vector<1xi32>
          %mul3A_282 = arith.constant 16 : i32
          %mul3A_283 = arith.muli %squeeze3A, %mul3A_282 : i32
          %get3A_284 = arith.index_cast %squeeze3A : i32 to index
          %get3A_285 = arith.constant 0 : index
          %get3A_286 = tpu.vector_load %arg9[%get3A_284, %get3A_285] {strides = array<i32>} : memref<328x128xf32, #tpu.memory_space<vmem>>, vector<16xf32>,
          %get3A_287 = arith.index_cast %squeeze3A_281 : i32 to index
          %get3A_288 = arith.constant 0 : index
          %get3A_289 = tpu.vector_load %arg18[%get3A_287, %get3A_288] {strides = array<i32>} : memref<128x256xf32, #tpu.memory_space<vmem>>, vector<16xf32>,
          %max3A = arith.maximumf %get3A_286, %get3A_289 : vector<16xf32>
          %get3A_290 = arith.index_cast %squeeze3A : i32 to index
          %get3A_291 = arith.constant 16 : index
          %get3A_292 = tpu.vector_load %arg9[%get3A_290, %get3A_291] {strides = array<i32>} : memref<328x128xf32, #tpu.memory_space<vmem>>, vector<16xf32>,
          %get3A_293 = arith.index_cast %squeeze3A_281 : i32 to index
          %get3A_294 = arith.constant 16 : index
          %get3A_295 = tpu.vector_load %arg18[%get3A_293, %get3A_294] {strides = array<i32>} : memref<128x256xf32, #tpu.memory_space<vmem>>, vector<16xf32>,
          %max3A_296 = arith.maximumf %get3A_292, %get3A_295 : vector<16xf32>
          %get3A_297 = arith.index_cast %squeeze3A : i32 to index
          %get3A_298 = arith.constant 32 : index
          %get3A_299 = tpu.vector_load %arg9[%get3A_297, %get3A_298] {strides = array<i32>} : memref<328x128xf32, #tpu.memory_space<vmem>>, vector<16xf32>,
          %get3A_300 = arith.index_cast %squeeze3A_281 : i32 to index
          %get3A_301 = arith.constant 32 : index
          %get3A_302 = tpu.vector_load %arg18[%get3A_300, %get3A_301] {strides = array<i32>} : memref<128x256xf32, #tpu.memory_space<vmem>>, vector<16xf32>,
          %max3A_303 = arith.maximumf %get3A_299, %get3A_302 : vector<16xf32>
          %get3A_304 = arith.index_cast %squeeze3A : i32 to index
          %get3A_305 = arith.constant 48 : index
          %get3A_306 = tpu.vector_load %arg9[%get3A_304, %get3A_305] {strides = array<i32>} : memref<328x128xf32, #tpu.memory_space<vmem>>, vector<16xf32>,
          %get3A_307 = arith.index_cast %squeeze3A_281 : i32 to index
          %get3A_308 = arith.constant 48 : index
          %get3A_309 = tpu.vector_load %arg18[%get3A_307, %get3A_308] {strides = array<i32>} : memref<128x256xf32, #tpu.memory_space<vmem>>, vector<16xf32>,
          %max3A_310 = arith.maximumf %get3A_306, %get3A_309 : vector<16xf32>
          %get3A_311 = arith.index_cast %squeeze3A : i32 to index
          %get3A_312 = arith.constant 64 : index
          %get3A_313 = tpu.vector_load %arg9[%get3A_311, %get3A_312] {strides = array<i32>} : memref<328x128xf32, #tpu.memory_space<vmem>>, vector<16xf32>,
          %get3A_314 = arith.index_cast %squeeze3A_281 : i32 to index
          %get3A_315 = arith.constant 64 : index
          %get3A_316 = tpu.vector_load %arg18[%get3A_314, %get3A_315] {strides = array<i32>} : memref<128x256xf32, #tpu.memory_space<vmem>>, vector<16xf32>,
          %max3A_317 = arith.maximumf %get3A_313, %get3A_316 : vector<16xf32>
          %get3A_318 = arith.index_cast %squeeze3A : i32 to index
          %get3A_319 = arith.constant 80 : index
          %get3A_320 = tpu.vector_load %arg9[%get3A_318, %get3A_319] {strides = array<i32>} : memref<328x128xf32, #tpu.memory_space<vmem>>, vector<16xf32>,
          %get3A_321 = arith.index_cast %squeeze3A_281 : i32 to index
          %get3A_322 = arith.constant 80 : index
          %get3A_323 = tpu.vector_load %arg18[%get3A_321, %get3A_322] {strides = array<i32>} : memref<128x256xf32, #tpu.memory_space<vmem>>, vector<16xf32>,
          %max3A_324 = arith.maximumf %get3A_320, %get3A_323 : vector<16xf32>
          %get3A_325 = arith.index_cast %squeeze3A : i32 to index
          %get3A_326 = arith.constant 96 : index
          %get3A_327 = tpu.vector_load %arg9[%get3A_325, %get3A_326] {strides = array<i32>} : memref<328x128xf32, #tpu.memory_space<vmem>>, vector<16xf32>,
          %get3A_328 = arith.index_cast %squeeze3A_281 : i32 to index
          %get3A_329 = arith.constant 96 : index
          %get3A_330 = tpu.vector_load %arg18[%get3A_328, %get3A_329] {strides = array<i32>} : memref<128x256xf32, #tpu.memory_space<vmem>>, vector<16xf32>,
          %max3A_331 = arith.maximumf %get3A_327, %get3A_330 : vector<16xf32>
          %get3A_332 = arith.index_cast %squeeze3A : i32 to index
          %get3A_333 = arith.constant 112 : index
          %get3A_334 = tpu.vector_load %arg9[%get3A_332, %get3A_333] {strides = array<i32>} : memref<328x128xf32, #tpu.memory_space<vmem>>, vector<16xf32>,
          %get3A_335 = arith.index_cast %squeeze3A_281 : i32 to index
          %get3A_336 = arith.constant 112 : index
          %get3A_337 = tpu.vector_load %arg18[%get3A_335, %get3A_336] {strides = array<i32>} : memref<128x256xf32, #tpu.memory_space<vmem>>, vector<16xf32>,
          %max3A_338 = arith.maximumf %get3A_334, %get3A_337 : vector<16xf32>
          %get3A_339 = arith.index_cast %mul3A_283 : i32 to index
          %get3A_340 = tpu.vector_load %arg10[%get3A_339] {strides = array<i32>} : memref<5136xf32, #tpu.memory_space<vmem>>, vector<16xf32>,
          %get3A_341 = arith.index_cast %squeeze3A_281 : i32 to index
          %get3A_342 = arith.constant 128 : index
          %get3A_343 = tpu.vector_load %arg18[%get3A_341, %get3A_342] {strides = array<i32>} : memref<128x256xf32, #tpu.memory_space<vmem>>, vector<16xf32>,
          %max3A_344 = arith.maximumf %get3A_340, %get3A_343 : vector<16xf32>
          %swap3A = arith.index_cast %squeeze3A : i32 to index
          %swap3A_345 = arith.constant 0 : index
          %swap3A_346 = tpu.vector_load %arg9[%swap3A, %swap3A_345] {strides = array<i32>} : memref<328x128xf32, #tpu.memory_space<vmem>>, vector<16xf32>,
          tpu.vector_store %arg9[%swap3A, %swap3A_345], %max3A {strides = array<i32>} : memref<328x128xf32, #tpu.memory_space<vmem>>, vector<16xf32>,
          %swap3A_347 = arith.index_cast %squeeze3A : i32 to index
          %swap3A_348 = arith.constant 16 : index
          %swap3A_349 = tpu.vector_load %arg9[%swap3A_347, %swap3A_348] {strides = array<i32>} : memref<328x128xf32, #tpu.memory_space<vmem>>, vector<16xf32>,
          tpu.vector_store %arg9[%swap3A_347, %swap3A_348], %max3A_296 {strides = array<i32>} : memref<328x128xf32, #tpu.memory_space<vmem>>, vector<16xf32>,
          %swap3A_350 = arith.index_cast %squeeze3A : i32 to index
          %swap3A_351 = arith.constant 32 : index
          %swap3A_352 = tpu.vector_load %arg9[%swap3A_350, %swap3A_351] {strides = array<i32>} : memref<328x128xf32, #tpu.memory_space<vmem>>, vector<16xf32>,
          tpu.vector_store %arg9[%swap3A_350, %swap3A_351], %max3A_303 {strides = array<i32>} : memref<328x128xf32, #tpu.memory_space<vmem>>, vector<16xf32>,
          %swap3A_353 = arith.index_cast %squeeze3A : i32 to index
          %swap3A_354 = arith.constant 48 : index
          %swap3A_355 = tpu.vector_load %arg9[%swap3A_353, %swap3A_354] {strides = array<i32>} : memref<328x128xf32, #tpu.memory_space<vmem>>, vector<16xf32>,
          tpu.vector_store %arg9[%swap3A_353, %swap3A_354], %max3A_310 {strides = array<i32>} : memref<328x128xf32, #tpu.memory_space<vmem>>, vector<16xf32>,
          %swap3A_356 = arith.index_cast %squeeze3A : i32 to index
          %swap3A_357 = arith.constant 64 : index
          %swap3A_358 = tpu.vector_load %arg9[%swap3A_356, %swap3A_357] {strides = array<i32>} : memref<328x128xf32, #tpu.memory_space<vmem>>, vector<16xf32>,
          tpu.vector_store %arg9[%swap3A_356, %swap3A_357], %max3A_317 {strides = array<i32>} : memref<328x128xf32, #tpu.memory_space<vmem>>, vector<16xf32>,
          %swap3A_359 = arith.index_cast %squeeze3A : i32 to index
          %swap3A_360 = arith.constant 80 : index
          %swap3A_361 = tpu.vector_load %arg9[%swap3A_359, %swap3A_360] {strides = array<i32>} : memref<328x128xf32, #tpu.memory_space<vmem>>, vector<16xf32>,
          tpu.vector_store %arg9[%swap3A_359, %swap3A_360], %max3A_324 {strides = array<i32>} : memref<328x128xf32, #tpu.memory_space<vmem>>, vector<16xf32>,
          %swap3A_362 = arith.index_cast %squeeze3A : i32 to index
          %swap3A_363 = arith.constant 96 : index
          %swap3A_364 = tpu.vector_load %arg9[%swap3A_362, %swap3A_363] {strides = array<i32>} : memref<328x128xf32, #tpu.memory_space<vmem>>, vector<16xf32>,
          tpu.vector_store %arg9[%swap3A_362, %swap3A_363], %max3A_331 {strides = array<i32>} : memref<328x128xf32, #tpu.memory_space<vmem>>, vector<16xf32>,
          %swap3A_365 = arith.index_cast %squeeze3A : i32 to index
          %swap3A_366 = arith.constant 112 : index
          %swap3A_367 = tpu.vector_load %arg9[%swap3A_365, %swap3A_366] {strides = array<i32>} : memref<328x128xf32, #tpu.memory_space<vmem>>, vector<16xf32>,
          tpu.vector_store %arg9[%swap3A_365, %swap3A_366], %max3A_338 {strides = array<i32>} : memref<328x128xf32, #tpu.memory_space<vmem>>, vector<16xf32>,
          %swap3A_368 = arith.index_cast %mul3A_283 : i32 to index
          %swap3A_369 = tpu.vector_load %arg10[%swap3A_368] {strides = array<i32>} : memref<5136xf32, #tpu.memory_space<vmem>>, vector<16xf32>,
          tpu.vector_store %arg10[%swap3A_368], %max3A_344 {strides = array<i32>} : memref<5136xf32, #tpu.memory_space<vmem>>, vector<16xf32>,
          %slice3A_370 = vector.extract_strided_slice %and3A_275 {offsets = [1], sizes = [1], strides = [1]} : vector<16xi32> to vector<1xi32>
          %squeeze3A_371 = vector.extract %slice3A_370[0] : i32 from vector<1xi32>
          %slice3A_372 = vector.extract_strided_slice %sub3A_279 {offsets = [1], sizes = [1], strides = [1]} : vector<16xi32> to vector<1xi32>
          %squeeze3A_373 = vector.extract %slice3A_372[0] : i32 from vector<1xi32>
          %mul3A_374 = arith.constant 16 : i32
          %mul3A_375 = arith.muli %squeeze3A_371, %mul3A_374 : i32
          %get3A_376 = arith.index_cast %squeeze3A_371 : i32 to index
          %get3A_377 = arith.constant 0 : index
          %get3A_378 = tpu.vector_load %arg9[%get3A_376, %get3A_377] {strides = array<i32>} : memref<328x128xf32, #tpu.memory_space<vmem>>, vector<16xf32>,
          %get3A_379 = arith.index_cast %squeeze3A_373 : i32 to index
          %get3A_380 = arith.constant 0 : index
          %get3A_381 = tpu.vector_load %arg18[%get3A_379, %get3A_380] {strides = array<i32>} : memref<128x256xf32, #tpu.memory_space<vmem>>, vector<16xf32>,
          %max3A_382 = arith.maximumf %get3A_378, %get3A_381 : vector<16xf32>
          %get3A_383 = arith.index_cast %squeeze3A_371 : i32 to index
          %get3A_384 = arith.constant 16 : index
          %get3A_385 = tpu.vector_load %arg9[%get3A_383, %get3A_384] {strides = array<i32>} : memref<328x128xf32, #tpu.memory_space<vmem>>, vector<16xf32>,
          %get3A_386 = arith.index_cast %squeeze3A_373 : i32 to index
          %get3A_387 = arith.constant 16 : index
          %get3A_388 = tpu.vector_load %arg18[%get3A_386, %get3A_387] {strides = array<i32>} : memref<128x256xf32, #tpu.memory_space<vmem>>, vector<16xf32>,
          %max3A_389 = arith.maximumf %get3A_385, %get3A_388 : vector<16xf32>
          %get3A_390 = arith.index_cast %squeeze3A_371 : i32 to index
          %get3A_391 = arith.constant 32 : index
          %get3A_392 = tpu.vector_load %arg9[%get3A_390, %get3A_391] {strides = array<i32>} : memref<328x128xf32, #tpu.memory_space<vmem>>, vector<16xf32>,
          %get3A_393 = arith.index_cast %squeeze3A_373 : i32 to index
          %get3A_394 = arith.constant 32 : index
          %get3A_395 = tpu.vector_load %arg18[%get3A_393, %get3A_394] {strides = array<i32>} : memref<128x256xf32, #tpu.memory_space<vmem>>, vector<16xf32>,
          %max3A_396 = arith.maximumf %get3A_392, %get3A_395 : vector<16xf32>
          %get3A_397 = arith.index_cast %squeeze3A_371 : i32 to index
          %get3A_398 = arith.constant 48 : index
          %get3A_399 = tpu.vector_load %arg9[%get3A_397, %get3A_398] {strides = array<i32>} : memref<328x128xf32, #tpu.memory_space<vmem>>, vector<16xf32>,
          %get3A_400 = arith.index_cast %squeeze3A_373 : i32 to index
          %get3A_401 = arith.constant 48 : index
          %get3A_402 = tpu.vector_load %arg18[%get3A_400, %get3A_401] {strides = array<i32>} : memref<128x256xf32, #tpu.memory_space<vmem>>, vector<16xf32>,
          %max3A_403 = arith.maximumf %get3A_399, %get3A_402 : vector<16xf32>
          %get3A_404 = arith.index_cast %squeeze3A_371 : i32 to index
          %get3A_405 = arith.constant 64 : index
          %get3A_406 = tpu.vector_load %arg9[%get3A_404, %get3A_405] {strides = array<i32>} : memref<328x128xf32, #tpu.memory_space<vmem>>, vector<16xf32>,
          %get3A_407 = arith.index_cast %squeeze3A_373 : i32 to index
          %get3A_408 = arith.constant 64 : index
          %get3A_409 = tpu.vector_load %arg18[%get3A_407, %get3A_408] {strides = array<i32>} : memref<128x256xf32, #tpu.memory_space<vmem>>, vector<16xf32>,
          %max3A_410 = arith.maximumf %get3A_406, %get3A_409 : vector<16xf32>
          %get3A_411 = arith.index_cast %squeeze3A_371 : i32 to index
          %get3A_412 = arith.constant 80 : index
          %get3A_413 = tpu.vector_load %arg9[%get3A_411, %get3A_412] {strides = array<i32>} : memref<328x128xf32, #tpu.memory_space<vmem>>, vector<16xf32>,
          %get3A_414 = arith.index_cast %squeeze3A_373 : i32 to index
          %get3A_415 = arith.constant 80 : index
          %get3A_416 = tpu.vector_load %arg18[%get3A_414, %get3A_415] {strides = array<i32>} : memref<128x256xf32, #tpu.memory_space<vmem>>, vector<16xf32>,
          %max3A_417 = arith.maximumf %get3A_413, %get3A_416 : vector<16xf32>
          %get3A_418 = arith.index_cast %squeeze3A_371 : i32 to index
          %get3A_419 = arith.constant 96 : index
          %get3A_420 = tpu.vector_load %arg9[%get3A_418, %get3A_419] {strides = array<i32>} : memref<328x128xf32, #tpu.memory_space<vmem>>, vector<16xf32>,
          %get3A_421 = arith.index_cast %squeeze3A_373 : i32 to index
          %get3A_422 = arith.constant 96 : index
          %get3A_423 = tpu.vector_load %arg18[%get3A_421, %get3A_422] {strides = array<i32>} : memref<128x256xf32, #tpu.memory_space<vmem>>, vector<16xf32>,
          %max3A_424 = arith.maximumf %get3A_420, %get3A_423 : vector<16xf32>
          %get3A_425 = arith.index_cast %squeeze3A_371 : i32 to index
          %get3A_426 = arith.constant 112 : index
          %get3A_427 = tpu.vector_load %arg9[%get3A_425, %get3A_426] {strides = array<i32>} : memref<328x128xf32, #tpu.memory_space<vmem>>, vector<16xf32>,
          %get3A_428 = arith.index_cast %squeeze3A_373 : i32 to index
          %get3A_429 = arith.constant 112 : index
          %get3A_430 = tpu.vector_load %arg18[%get3A_428, %get3A_429] {strides = array<i32>} : memref<128x256xf32, #tpu.memory_space<vmem>>, vector<16xf32>,
          %max3A_431 = arith.maximumf %get3A_427, %get3A_430 : vector<16xf32>
          %get3A_432 = arith.index_cast %mul3A_375 : i32 to index
          %get3A_433 = tpu.vector_load %arg10[%get3A_432] {strides = array<i32>} : memref<5136xf32, #tpu.memory_space<vmem>>, vector<16xf32>,
          %get3A_434 = arith.index_cast %squeeze3A_373 : i32 to index
          %get3A_435 = arith.constant 128 : index
          %get3A_436 = tpu.vector_load %arg18[%get3A_434, %get3A_435] {strides = array<i32>} : memref<128x256xf32, #tpu.memory_space<vmem>>, vector<16xf32>,
          %max3A_437 = arith.maximumf %get3A_433, %get3A_436 : vector<16xf32>
          %swap3A_438 = arith.index_cast %squeeze3A_371 : i32 to index
          %swap3A_439 = arith.constant 0 : index
          %swap3A_440 = tpu.vector_load %arg9[%swap3A_438, %swap3A_439] {strides = array<i32>} : memref<328x128xf32, #tpu.memory_space<vmem>>, vector<16xf32>,
          tpu.vector_store %arg9[%swap3A_438, %swap3A_439], %max3A_382 {strides = array<i32>} : memref<328x128xf32, #tpu.memory_space<vmem>>, vector<16xf32>,
          %swap3A_441 = arith.index_cast %squeeze3A_371 : i32 to index
          %swap3A_442 = arith.constant 16 : index
          %swap3A_443 = tpu.vector_load %arg9[%swap3A_441, %swap3A_442] {strides = array<i32>} : memref<328x128xf32, #tpu.memory_space<vmem>>, vector<16xf32>,
          tpu.vector_store %arg9[%swap3A_441, %swap3A_442], %max3A_389 {strides = array<i32>} : memref<328x128xf32, #tpu.memory_space<vmem>>, vector<16xf32>,
          %swap3A_444 = arith.index_cast %squeeze3A_371 : i32 to index
          %swap3A_445 = arith.constant 32 : index
          %swap3A_446 = tpu.vector_load %arg9[%swap3A_444, %swap3A_445] {strides = array<i32>} : memref<328x128xf32, #tpu.memory_space<vmem>>, vector<16xf32>,
          tpu.vector_store %arg9[%swap3A_444, %swap3A_445], %max3A_396 {strides = array<i32>} : memref<328x128xf32, #tpu.memory_space<vmem>>, vector<16xf32>,
          %swap3A_447 = arith.index_cast %squeeze3A_371 : i32 to index
          %swap3A_448 = arith.constant 48 : index
          %swap3A_449 = tpu.vector_load %arg9[%swap3A_447, %swap3A_448] {strides = array<i32>} : memref<328x128xf32, #tpu.memory_space<vmem>>, vector<16xf32>,
          tpu.vector_store %arg9[%swap3A_447, %swap3A_448], %max3A_403 {strides = array<i32>} : memref<328x128xf32, #tpu.memory_space<vmem>>, vector<16xf32>,
          %swap3A_450 = arith.index_cast %squeeze3A_371 : i32 to index
          %swap3A_451 = arith.constant 64 : index
          %swap3A_452 = tpu.vector_load %arg9[%swap3A_450, %swap3A_451] {strides = array<i32>} : memref<328x128xf32, #tpu.memory_space<vmem>>, vector<16xf32>,
          tpu.vector_store %arg9[%swap3A_450, %swap3A_451], %max3A_410 {strides = array<i32>} : memref<328x128xf32, #tpu.memory_space<vmem>>, vector<16xf32>,
          %swap3A_453 = arith.index_cast %squeeze3A_371 : i32 to index
          %swap3A_454 = arith.constant 80 : index
          %swap3A_455 = tpu.vector_load %arg9[%swap3A_453, %swap3A_454] {strides = array<i32>} : memref<328x128xf32, #tpu.memory_space<vmem>>, vector<16xf32>,
          tpu.vector_store %arg9[%swap3A_453, %swap3A_454], %max3A_417 {strides = array<i32>} : memref<328x128xf32, #tpu.memory_space<vmem>>, vector<16xf32>,
          %swap3A_456 = arith.index_cast %squeeze3A_371 : i32 to index
          %swap3A_457 = arith.constant 96 : index
          %swap3A_458 = tpu.vector_load %arg9[%swap3A_456, %swap3A_457] {strides = array<i32>} : memref<328x128xf32, #tpu.memory_space<vmem>>, vector<16xf32>,
          tpu.vector_store %arg9[%swap3A_456, %swap3A_457], %max3A_424 {strides = array<i32>} : memref<328x128xf32, #tpu.memory_space<vmem>>, vector<16xf32>,
          %swap3A_459 = arith.index_cast %squeeze3A_371 : i32 to index
          %swap3A_460 = arith.constant 112 : index
          %swap3A_461 = tpu.vector_load %arg9[%swap3A_459, %swap3A_460] {strides = array<i32>} : memref<328x128xf32, #tpu.memory_space<vmem>>, vector<16xf32>,
          tpu.vector_store %arg9[%swap3A_459, %swap3A_460], %max3A_431 {strides = array<i32>} : memref<328x128xf32, #tpu.memory_space<vmem>>, vector<16xf32>,
          %swap3A_462 = arith.index_cast %mul3A_375 : i32 to index
          %swap3A_463 = tpu.vector_load %arg10[%swap3A_462] {strides = array<i32>} : memref<5136xf32, #tpu.memory_space<vmem>>, vector<16xf32>,
          tpu.vector_store %arg10[%swap3A_462], %max3A_437 {strides = array<i32>} : memref<5136xf32, #tpu.memory_space<vmem>>, vector<16xf32>,
          %slice3A_464 = vector.extract_strided_slice %and3A_275 {offsets = [2], sizes = [1], strides = [1]} : vector<16xi32> to vector<1xi32>
          %squeeze3A_465 = vector.extract %slice3A_464[0] : i32 from vector<1xi32>
          %slice3A_466 = vector.extract_strided_slice %sub3A_279 {offsets = [2], sizes = [1], strides = [1]} : vector<16xi32> to vector<1xi32>
          %squeeze3A_467 = vector.extract %slice3A_466[0] : i32 from vector<1xi32>
          %mul3A_468 = arith.constant 16 : i32
          %mul3A_469 = arith.muli %squeeze3A_465, %mul3A_468 : i32
          %get3A_470 = arith.index_cast %squeeze3A_465 : i32 to index
          %get3A_471 = arith.constant 0 : index
          %get3A_472 = tpu.vector_load %arg9[%get3A_470, %get3A_471] {strides = array<i32>} : memref<328x128xf32, #tpu.memory_space<vmem>>, vector<16xf32>,
          %get3A_473 = arith.index_cast %squeeze3A_467 : i32 to index
          %get3A_474 = arith.constant 0 : index
          %get3A_475 = tpu.vector_load %arg18[%get3A_473, %get3A_474] {strides = array<i32>} : memref<128x256xf32, #tpu.memory_space<vmem>>, vector<16xf32>,
          %max3A_476 = arith.maximumf %get3A_472, %get3A_475 : vector<16xf32>
          %get3A_477 = arith.index_cast %squeeze3A_465 : i32 to index
          %get3A_478 = arith.constant 16 : index
          %get3A_479 = tpu.vector_load %arg9[%get3A_477, %get3A_478] {strides = array<i32>} : memref<328x128xf32, #tpu.memory_space<vmem>>, vector<16xf32>,
          %get3A_480 = arith.index_cast %squeeze3A_467 : i32 to index
          %get3A_481 = arith.constant 16 : index
          %get3A_482 = tpu.vector_load %arg18[%get3A_480, %get3A_481] {strides = array<i32>} : memref<128x256xf32, #tpu.memory_space<vmem>>, vector<16xf32>,
          %max3A_483 = arith.maximumf %get3A_479, %get3A_482 : vector<16xf32>
          %get3A_484 = arith.index_cast %squeeze3A_465 : i32 to index
          %get3A_485 = arith.constant 32 : index
          %get3A_486 = tpu.vector_load %arg9[%get3A_484, %get3A_485] {strides = array<i32>} : memref<328x128xf32, #tpu.memory_space<vmem>>, vector<16xf32>,
          %get3A_487 = arith.index_cast %squeeze3A_467 : i32 to index
          %get3A_488 = arith.constant 32 : index
          %get3A_489 = tpu.vector_load %arg18[%get3A_487, %get3A_488] {strides = array<i32>} : memref<128x256xf32, #tpu.memory_space<vmem>>, vector<16xf32>,
          %max3A_490 = arith.maximumf %get3A_486, %get3A_489 : vector<16xf32>
          %get3A_491 = arith.index_cast %squeeze3A_465 : i32 to index
          %get3A_492 = arith.constant 48 : index
          %get3A_493 = tpu.vector_load %arg9[%get3A_491, %get3A_492] {strides = array<i32>} : memref<328x128xf32, #tpu.memory_space<vmem>>, vector<16xf32>,
          %get3A_494 = arith.index_cast %squeeze3A_467 : i32 to index
          %get3A_495 = arith.constant 48 : index
          %get3A_496 = tpu.vector_load %arg18[%get3A_494, %get3A_495] {strides = array<i32>} : memref<128x256xf32, #tpu.memory_space<vmem>>, vector<16xf32>,
          %max3A_497 = arith.maximumf %get3A_493, %get3A_496 : vector<16xf32>
          %get3A_498 = arith.index_cast %squeeze3A_465 : i32 to index
          %get3A_499 = arith.constant 64 : index
          %get3A_500 = tpu.vector_load %arg9[%get3A_498, %get3A_499] {strides = array<i32>} : memref<328x128xf32, #tpu.memory_space<vmem>>, vector<16xf32>,
          %get3A_501 = arith.index_cast %squeeze3A_467 : i32 to index
          %get3A_502 = arith.constant 64 : index
          %get3A_503 = tpu.vector_load %arg18[%get3A_501, %get3A_502] {strides = array<i32>} : memref<128x256xf32, #tpu.memory_space<vmem>>, vector<16xf32>,
          %max3A_504 = arith.maximumf %get3A_500, %get3A_503 : vector<16xf32>
          %get3A_505 = arith.index_cast %squeeze3A_465 : i32 to index
          %get3A_506 = arith.constant 80 : index
          %get3A_507 = tpu.vector_load %arg9[%get3A_505, %get3A_506] {strides = array<i32>} : memref<328x128xf32, #tpu.memory_space<vmem>>, vector<16xf32>,
          %get3A_508 = arith.index_cast %squeeze3A_467 : i32 to index
          %get3A_509 = arith.constant 80 : index
          %get3A_510 = tpu.vector_load %arg18[%get3A_508, %get3A_509] {strides = array<i32>} : memref<128x256xf32, #tpu.memory_space<vmem>>, vector<16xf32>,
          %max3A_511 = arith.maximumf %get3A_507, %get3A_510 : vector<16xf32>
          %get3A_512 = arith.index_cast %squeeze3A_465 : i32 to index
          %get3A_513 = arith.constant 96 : index
          %get3A_514 = tpu.vector_load %arg9[%get3A_512, %get3A_513] {strides = array<i32>} : memref<328x128xf32, #tpu.memory_space<vmem>>, vector<16xf32>,
          %get3A_515 = arith.index_cast %squeeze3A_467 : i32 to index
          %get3A_516 = arith.constant 96 : index
          %get3A_517 = tpu.vector_load %arg18[%get3A_515, %get3A_516] {strides = array<i32>} : memref<128x256xf32, #tpu.memory_space<vmem>>, vector<16xf32>,
          %max3A_518 = arith.maximumf %get3A_514, %get3A_517 : vector<16xf32>
          %get3A_519 = arith.index_cast %squeeze3A_465 : i32 to index
          %get3A_520 = arith.constant 112 : index
          %get3A_521 = tpu.vector_load %arg9[%get3A_519, %get3A_520] {strides = array<i32>} : memref<328x128xf32, #tpu.memory_space<vmem>>, vector<16xf32>,
          %get3A_522 = arith.index_cast %squeeze3A_467 : i32 to index
          %get3A_523 = arith.constant 112 : index
          %get3A_524 = tpu.vector_load %arg18[%get3A_522, %get3A_523] {strides = array<i32>} : memref<128x256xf32, #tpu.memory_space<vmem>>, vector<16xf32>,
          %max3A_525 = arith.maximumf %get3A_521, %get3A_524 : vector<16xf32>
          %get3A_526 = arith.index_cast %mul3A_469 : i32 to index
          %get3A_527 = tpu.vector_load %arg10[%get3A_526] {strides = array<i32>} : memref<5136xf32, #tpu.memory_space<vmem>>, vector<16xf32>,
          %get3A_528 = arith.index_cast %squeeze3A_467 : i32 to index
          %get3A_529 = arith.constant 128 : index
          %get3A_530 = tpu.vector_load %arg18[%get3A_528, %get3A_529] {strides = array<i32>} : memref<128x256xf32, #tpu.memory_space<vmem>>, vector<16xf32>,
          %max3A_531 = arith.maximumf %get3A_527, %get3A_530 : vector<16xf32>
          %swap3A_532 = arith.index_cast %squeeze3A_465 : i32 to index
          %swap3A_533 = arith.constant 0 : index
          %swap3A_534 = tpu.vector_load %arg9[%swap3A_532, %swap3A_533] {strides = array<i32>} : memref<328x128xf32, #tpu.memory_space<vmem>>, vector<16xf32>,
          tpu.vector_store %arg9[%swap3A_532, %swap3A_533], %max3A_476 {strides = array<i32>} : memref<328x128xf32, #tpu.memory_space<vmem>>, vector<16xf32>,
          %swap3A_535 = arith.index_cast %squeeze3A_465 : i32 to index
          %swap3A_536 = arith.constant 16 : index
          %swap3A_537 = tpu.vector_load %arg9[%swap3A_535, %swap3A_536] {strides = array<i32>} : memref<328x128xf32, #tpu.memory_space<vmem>>, vector<16xf32>,
          tpu.vector_store %arg9[%swap3A_535, %swap3A_536], %max3A_483 {strides = array<i32>} : memref<328x128xf32, #tpu.memory_space<vmem>>, vector<16xf32>,
          %swap3A_538 = arith.index_cast %squeeze3A_465 : i32 to index
          %swap3A_539 = arith.constant 32 : index
          %swap3A_540 = tpu.vector_load %arg9[%swap3A_538, %swap3A_539] {strides = array<i32>} : memref<328x128xf32, #tpu.memory_space<vmem>>, vector<16xf32>,
          tpu.vector_store %arg9[%swap3A_538, %swap3A_539], %max3A_490 {strides = array<i32>} : memref<328x128xf32, #tpu.memory_space<vmem>>, vector<16xf32>,
          %swap3A_541 = arith.index_cast %squeeze3A_465 : i32 to index
          %swap3A_542 = arith.constant 48 : index
          %swap3A_543 = tpu.vector_load %arg9[%swap3A_541, %swap3A_542] {strides = array<i32>} : memref<328x128xf32, #tpu.memory_space<vmem>>, vector<16xf32>,
          tpu.vector_store %arg9[%swap3A_541, %swap3A_542], %max3A_497 {strides = array<i32>} : memref<328x128xf32, #tpu.memory_space<vmem>>, vector<16xf32>,
          %swap3A_544 = arith.index_cast %squeeze3A_465 : i32 to index
          %swap3A_545 = arith.constant 64 : index
          %swap3A_546 = tpu.vector_load %arg9[%swap3A_544, %swap3A_545] {strides = array<i32>} : memref<328x128xf32, #tpu.memory_space<vmem>>, vector<16xf32>,
          tpu.vector_store %arg9[%swap3A_544, %swap3A_545], %max3A_504 {strides = array<i32>} : memref<328x128xf32, #tpu.memory_space<vmem>>, vector<16xf32>,
          %swap3A_547 = arith.index_cast %squeeze3A_465 : i32 to index
          %swap3A_548 = arith.constant 80 : index
          %swap3A_549 = tpu.vector_load %arg9[%swap3A_547, %swap3A_548] {strides = array<i32>} : memref<328x128xf32, #tpu.memory_space<vmem>>, vector<16xf32>,
          tpu.vector_store %arg9[%swap3A_547, %swap3A_548], %max3A_511 {strides = array<i32>} : memref<328x128xf32, #tpu.memory_space<vmem>>, vector<16xf32>,
          %swap3A_550 = arith.index_cast %squeeze3A_465 : i32 to index
          %swap3A_551 = arith.constant 96 : index
          %swap3A_552 = tpu.vector_load %arg9[%swap3A_550, %swap3A_551] {strides = array<i32>} : memref<328x128xf32, #tpu.memory_space<vmem>>, vector<16xf32>,
          tpu.vector_store %arg9[%swap3A_550, %swap3A_551], %max3A_518 {strides = array<i32>} : memref<328x128xf32, #tpu.memory_space<vmem>>, vector<16xf32>,
          %swap3A_553 = arith.index_cast %squeeze3A_465 : i32 to index
          %swap3A_554 = arith.constant 112 : index
          %swap3A_555 = tpu.vector_load %arg9[%swap3A_553, %swap3A_554] {strides = array<i32>} : memref<328x128xf32, #tpu.memory_space<vmem>>, vector<16xf32>,
          tpu.vector_store %arg9[%swap3A_553, %swap3A_554], %max3A_525 {strides = array<i32>} : memref<328x128xf32, #tpu.memory_space<vmem>>, vector<16xf32>,
          %swap3A_556 = arith.index_cast %mul3A_469 : i32 to index
          %swap3A_557 = tpu.vector_load %arg10[%swap3A_556] {strides = array<i32>} : memref<5136xf32, #tpu.memory_space<vmem>>, vector<16xf32>,
          tpu.vector_store %arg10[%swap3A_556], %max3A_531 {strides = array<i32>} : memref<5136xf32, #tpu.memory_space<vmem>>, vector<16xf32>,
          %slice3A_558 = vector.extract_strided_slice %and3A_275 {offsets = [3], sizes = [1], strides = [1]} : vector<16xi32> to vector<1xi32>
          %squeeze3A_559 = vector.extract %slice3A_558[0] : i32 from vector<1xi32>
          %slice3A_560 = vector.extract_strided_slice %sub3A_279 {offsets = [3], sizes = [1], strides = [1]} : vector<16xi32> to vector<1xi32>
          %squeeze3A_561 = vector.extract %slice3A_560[0] : i32 from vector<1xi32>
          %mul3A_562 = arith.constant 16 : i32
          %mul3A_563 = arith.muli %squeeze3A_559, %mul3A_562 : i32
          %get3A_564 = arith.index_cast %squeeze3A_559 : i32 to index
          %get3A_565 = arith.constant 0 : index
          %get3A_566 = tpu.vector_load %arg9[%get3A_564, %get3A_565] {strides = array<i32>} : memref<328x128xf32, #tpu.memory_space<vmem>>, vector<16xf32>,
          %get3A_567 = arith.index_cast %squeeze3A_561 : i32 to index
          %get3A_568 = arith.constant 0 : index
          %get3A_569 = tpu.vector_load %arg18[%get3A_567, %get3A_568] {strides = array<i32>} : memref<128x256xf32, #tpu.memory_space<vmem>>, vector<16xf32>,
          %max3A_570 = arith.maximumf %get3A_566, %get3A_569 : vector<16xf32>
          %get3A_571 = arith.index_cast %squeeze3A_559 : i32 to index
          %get3A_572 = arith.constant 16 : index
          %get3A_573 = tpu.vector_load %arg9[%get3A_571, %get3A_572] {strides = array<i32>} : memref<328x128xf32, #tpu.memory_space<vmem>>, vector<16xf32>,
          %get3A_574 = arith.index_cast %squeeze3A_561 : i32 to index
          %get3A_575 = arith.constant 16 : index
          %get3A_576 = tpu.vector_load %arg18[%get3A_574, %get3A_575] {strides = array<i32>} : memref<128x256xf32, #tpu.memory_space<vmem>>, vector<16xf32>,
          %max3A_577 = arith.maximumf %get3A_573, %get3A_576 : vector<16xf32>
          %get3A_578 = arith.index_cast %squeeze3A_559 : i32 to index
          %get3A_579 = arith.constant 32 : index
          %get3A_580 = tpu.vector_load %arg9[%get3A_578, %get3A_579] {strides = array<i32>} : memref<328x128xf32, #tpu.memory_space<vmem>>, vector<16xf32>,
          %get3A_581 = arith.index_cast %squeeze3A_561 : i32 to index
          %get3A_582 = arith.constant 32 : index
          %get3A_583 = tpu.vector_load %arg18[%get3A_581, %get3A_582] {strides = array<i32>} : memref<128x256xf32, #tpu.memory_space<vmem>>, vector<16xf32>,
          %max3A_584 = arith.maximumf %get3A_580, %get3A_583 : vector<16xf32>
          %get3A_585 = arith.index_cast %squeeze3A_559 : i32 to index
          %get3A_586 = arith.constant 48 : index
          %get3A_587 = tpu.vector_load %arg9[%get3A_585, %get3A_586] {strides = array<i32>} : memref<328x128xf32, #tpu.memory_space<vmem>>, vector<16xf32>,
          %get3A_588 = arith.index_cast %squeeze3A_561 : i32 to index
          %get3A_589 = arith.constant 48 : index
          %get3A_590 = tpu.vector_load %arg18[%get3A_588, %get3A_589] {strides = array<i32>} : memref<128x256xf32, #tpu.memory_space<vmem>>, vector<16xf32>,
          %max3A_591 = arith.maximumf %get3A_587, %get3A_590 : vector<16xf32>
          %get3A_592 = arith.index_cast %squeeze3A_559 : i32 to index
          %get3A_593 = arith.constant 64 : index
          %get3A_594 = tpu.vector_load %arg9[%get3A_592, %get3A_593] {strides = array<i32>} : memref<328x128xf32, #tpu.memory_space<vmem>>, vector<16xf32>,
          %get3A_595 = arith.index_cast %squeeze3A_561 : i32 to index
          %get3A_596 = arith.constant 64 : index
          %get3A_597 = tpu.vector_load %arg18[%get3A_595, %get3A_596] {strides = array<i32>} : memref<128x256xf32, #tpu.memory_space<vmem>>, vector<16xf32>,
          %max3A_598 = arith.maximumf %get3A_594, %get3A_597 : vector<16xf32>
          %get3A_599 = arith.index_cast %squeeze3A_559 : i32 to index
          %get3A_600 = arith.constant 80 : index
          %get3A_601 = tpu.vector_load %arg9[%get3A_599, %get3A_600] {strides = array<i32>} : memref<328x128xf32, #tpu.memory_space<vmem>>, vector<16xf32>,
          %get3A_602 = arith.index_cast %squeeze3A_561 : i32 to index
          %get3A_603 = arith.constant 80 : index
          %get3A_604 = tpu.vector_load %arg18[%get3A_602, %get3A_603] {strides = array<i32>} : memref<128x256xf32, #tpu.memory_space<vmem>>, vector<16xf32>,
          %max3A_605 = arith.maximumf %get3A_601, %get3A_604 : vector<16xf32>
          %get3A_606 = arith.index_cast %squeeze3A_559 : i32 to index
          %get3A_607 = arith.constant 96 : index
          %get3A_608 = tpu.vector_load %arg9[%get3A_606, %get3A_607] {strides = array<i32>} : memref<328x128xf32, #tpu.memory_space<vmem>>, vector<16xf32>,
          %get3A_609 = arith.index_cast %squeeze3A_561 : i32 to index
          %get3A_610 = arith.constant 96 : index
          %get3A_611 = tpu.vector_load %arg18[%get3A_609, %get3A_610] {strides = array<i32>} : memref<128x256xf32, #tpu.memory_space<vmem>>, vector<16xf32>,
          %max3A_612 = arith.maximumf %get3A_608, %get3A_611 : vector<16xf32>
          %get3A_613 = arith.index_cast %squeeze3A_559 : i32 to index
          %get3A_614 = arith.constant 112 : index
          %get3A_615 = tpu.vector_load %arg9[%get3A_613, %get3A_614] {strides = array<i32>} : memref<328x128xf32, #tpu.memory_space<vmem>>, vector<16xf32>,
          %get3A_616 = arith.index_cast %squeeze3A_561 : i32 to index
          %get3A_617 = arith.constant 112 : index
          %get3A_618 = tpu.vector_load %arg18[%get3A_616, %get3A_617] {strides = array<i32>} : memref<128x256xf32, #tpu.memory_space<vmem>>, vector<16xf32>,
          %max3A_619 = arith.maximumf %get3A_615, %get3A_618 : vector<16xf32>
          %get3A_620 = arith.index_cast %mul3A_563 : i32 to index
          %get3A_621 = tpu.vector_load %arg10[%get3A_620] {strides = array<i32>} : memref<5136xf32, #tpu.memory_space<vmem>>, vector<16xf32>,
          %get3A_622 = arith.index_cast %squeeze3A_561 : i32 to index
          %get3A_623 = arith.constant 128 : index
          %get3A_624 = tpu.vector_load %arg18[%get3A_622, %get3A_623] {strides = array<i32>} : memref<128x256xf32, #tpu.memory_space<vmem>>, vector<16xf32>,
          %max3A_625 = arith.maximumf %get3A_621, %get3A_624 : vector<16xf32>
          %swap3A_626 = arith.index_cast %squeeze3A_559 : i32 to index
          %swap3A_627 = arith.constant 0 : index
          %swap3A_628 = tpu.vector_load %arg9[%swap3A_626, %swap3A_627] {strides = array<i32>} : memref<328x128xf32, #tpu.memory_space<vmem>>, vector<16xf32>,
          tpu.vector_store %arg9[%swap3A_626, %swap3A_627], %max3A_570 {strides = array<i32>} : memref<328x128xf32, #tpu.memory_space<vmem>>, vector<16xf32>,
          %swap3A_629 = arith.index_cast %squeeze3A_559 : i32 to index
          %swap3A_630 = arith.constant 16 : index
          %swap3A_631 = tpu.vector_load %arg9[%swap3A_629, %swap3A_630] {strides = array<i32>} : memref<328x128xf32, #tpu.memory_space<vmem>>, vector<16xf32>,
          tpu.vector_store %arg9[%swap3A_629, %swap3A_630], %max3A_577 {strides = array<i32>} : memref<328x128xf32, #tpu.memory_space<vmem>>, vector<16xf32>,
          %swap3A_632 = arith.index_cast %squeeze3A_559 : i32 to index
          %swap3A_633 = arith.constant 32 : index
          %swap3A_634 = tpu.vector_load %arg9[%swap3A_632, %swap3A_633] {strides = array<i32>} : memref<328x128xf32, #tpu.memory_space<vmem>>, vector<16xf32>,
          tpu.vector_store %arg9[%swap3A_632, %swap3A_633], %max3A_584 {strides = array<i32>} : memref<328x128xf32, #tpu.memory_space<vmem>>, vector<16xf32>,
          %swap3A_635 = arith.index_cast %squeeze3A_559 : i32 to index
          %swap3A_636 = arith.constant 48 : index
          %swap3A_637 = tpu.vector_load %arg9[%swap3A_635, %swap3A_636] {strides = array<i32>} : memref<328x128xf32, #tpu.memory_space<vmem>>, vector<16xf32>,
          tpu.vector_store %arg9[%swap3A_635, %swap3A_636], %max3A_591 {strides = array<i32>} : memref<328x128xf32, #tpu.memory_space<vmem>>, vector<16xf32>,
          %swap3A_638 = arith.index_cast %squeeze3A_559 : i32 to index
          %swap3A_639 = arith.constant 64 : index
          %swap3A_640 = tpu.vector_load %arg9[%swap3A_638, %swap3A_639] {strides = array<i32>} : memref<328x128xf32, #tpu.memory_space<vmem>>, vector<16xf32>,
          tpu.vector_store %arg9[%swap3A_638, %swap3A_639], %max3A_598 {strides = array<i32>} : memref<328x128xf32, #tpu.memory_space<vmem>>, vector<16xf32>,
          %swap3A_641 = arith.index_cast %squeeze3A_559 : i32 to index
          %swap3A_642 = arith.constant 80 : index
          %swap3A_643 = tpu.vector_load %arg9[%swap3A_641, %swap3A_642] {strides = array<i32>} : memref<328x128xf32, #tpu.memory_space<vmem>>, vector<16xf32>,
          tpu.vector_store %arg9[%swap3A_641, %swap3A_642], %max3A_605 {strides = array<i32>} : memref<328x128xf32, #tpu.memory_space<vmem>>, vector<16xf32>,
          %swap3A_644 = arith.index_cast %squeeze3A_559 : i32 to index
          %swap3A_645 = arith.constant 96 : index
          %swap3A_646 = tpu.vector_load %arg9[%swap3A_644, %swap3A_645] {strides = array<i32>} : memref<328x128xf32, #tpu.memory_space<vmem>>, vector<16xf32>,
          tpu.vector_store %arg9[%swap3A_644, %swap3A_645], %max3A_612 {strides = array<i32>} : memref<328x128xf32, #tpu.memory_space<vmem>>, vector<16xf32>,
          %swap3A_647 = arith.index_cast %squeeze3A_559 : i32 to index
          %swap3A_648 = arith.constant 112 : index
          %swap3A_649 = tpu.vector_load %arg9[%swap3A_647, %swap3A_648] {strides = array<i32>} : memref<328x128xf32, #tpu.memory_space<vmem>>, vector<16xf32>,
          tpu.vector_store %arg9[%swap3A_647, %swap3A_648], %max3A_619 {strides = array<i32>} : memref<328x128xf32, #tpu.memory_space<vmem>>, vector<16xf32>,
          %swap3A_650 = arith.index_cast %mul3A_563 : i32 to index
          %swap3A_651 = tpu.vector_load %arg10[%swap3A_650] {strides = array<i32>} : memref<5136xf32, #tpu.memory_space<vmem>>, vector<16xf32>,
          tpu.vector_store %arg10[%swap3A_650], %max3A_625 {strides = array<i32>} : memref<5136xf32, #tpu.memory_space<vmem>>, vector<16xf32>,
          %slice3A_652 = vector.extract_strided_slice %and3A_275 {offsets = [4], sizes = [1], strides = [1]} : vector<16xi32> to vector<1xi32>
          %squeeze3A_653 = vector.extract %slice3A_652[0] : i32 from vector<1xi32>
          %slice3A_654 = vector.extract_strided_slice %sub3A_279 {offsets = [4], sizes = [1], strides = [1]} : vector<16xi32> to vector<1xi32>
          %squeeze3A_655 = vector.extract %slice3A_654[0] : i32 from vector<1xi32>
          %mul3A_656 = arith.constant 16 : i32
          %mul3A_657 = arith.muli %squeeze3A_653, %mul3A_656 : i32
          %get3A_658 = arith.index_cast %squeeze3A_653 : i32 to index
          %get3A_659 = arith.constant 0 : index
          %get3A_660 = tpu.vector_load %arg9[%get3A_658, %get3A_659] {strides = array<i32>} : memref<328x128xf32, #tpu.memory_space<vmem>>, vector<16xf32>,
          %get3A_661 = arith.index_cast %squeeze3A_655 : i32 to index
          %get3A_662 = arith.constant 0 : index
          %get3A_663 = tpu.vector_load %arg18[%get3A_661, %get3A_662] {strides = array<i32>} : memref<128x256xf32, #tpu.memory_space<vmem>>, vector<16xf32>,
          %max3A_664 = arith.maximumf %get3A_660, %get3A_663 : vector<16xf32>
          %get3A_665 = arith.index_cast %squeeze3A_653 : i32 to index
          %get3A_666 = arith.constant 16 : index
          %get3A_667 = tpu.vector_load %arg9[%get3A_665, %get3A_666] {strides = array<i32>} : memref<328x128xf32, #tpu.memory_space<vmem>>, vector<16xf32>,
          %get3A_668 = arith.index_cast %squeeze3A_655 : i32 to index
          %get3A_669 = arith.constant 16 : index
          %get3A_670 = tpu.vector_load %arg18[%get3A_668, %get3A_669] {strides = array<i32>} : memref<128x256xf32, #tpu.memory_space<vmem>>, vector<16xf32>,
          %max3A_671 = arith.maximumf %get3A_667, %get3A_670 : vector<16xf32>
          %get3A_672 = arith.index_cast %squeeze3A_653 : i32 to index
          %get3A_673 = arith.constant 32 : index
          %get3A_674 = tpu.vector_load %arg9[%get3A_672, %get3A_673] {strides = array<i32>} : memref<328x128xf32, #tpu.memory_space<vmem>>, vector<16xf32>,
          %get3A_675 = arith.index_cast %squeeze3A_655 : i32 to index
          %get3A_676 = arith.constant 32 : index
          %get3A_677 = tpu.vector_load %arg18[%get3A_675, %get3A_676] {strides = array<i32>} : memref<128x256xf32, #tpu.memory_space<vmem>>, vector<16xf32>,
          %max3A_678 = arith.maximumf %get3A_674, %get3A_677 : vector<16xf32>
          %get3A_679 = arith.index_cast %squeeze3A_653 : i32 to index
          %get3A_680 = arith.constant 48 : index
          %get3A_681 = tpu.vector_load %arg9[%get3A_679, %get3A_680] {strides = array<i32>} : memref<328x128xf32, #tpu.memory_space<vmem>>, vector<16xf32>,
          %get3A_682 = arith.index_cast %squeeze3A_655 : i32 to index
          %get3A_683 = arith.constant 48 : index
          %get3A_684 = tpu.vector_load %arg18[%get3A_682, %get3A_683] {strides = array<i32>} : memref<128x256xf32, #tpu.memory_space<vmem>>, vector<16xf32>,
          %max3A_685 = arith.maximumf %get3A_681, %get3A_684 : vector<16xf32>
          %get3A_686 = arith.index_cast %squeeze3A_653 : i32 to index
          %get3A_687 = arith.constant 64 : index
          %get3A_688 = tpu.vector_load %arg9[%get3A_686, %get3A_687] {strides = array<i32>} : memref<328x128xf32, #tpu.memory_space<vmem>>, vector<16xf32>,
          %get3A_689 = arith.index_cast %squeeze3A_655 : i32 to index
          %get3A_690 = arith.constant 64 : index
          %get3A_691 = tpu.vector_load %arg18[%get3A_689, %get3A_690] {strides = array<i32>} : memref<128x256xf32, #tpu.memory_space<vmem>>, vector<16xf32>,
          %max3A_692 = arith.maximumf %get3A_688, %get3A_691 : vector<16xf32>
          %get3A_693 = arith.index_cast %squeeze3A_653 : i32 to index
          %get3A_694 = arith.constant 80 : index
          %get3A_695 = tpu.vector_load %arg9[%get3A_693, %get3A_694] {strides = array<i32>} : memref<328x128xf32, #tpu.memory_space<vmem>>, vector<16xf32>,
          %get3A_696 = arith.index_cast %squeeze3A_655 : i32 to index
          %get3A_697 = arith.constant 80 : index
          %get3A_698 = tpu.vector_load %arg18[%get3A_696, %get3A_697] {strides = array<i32>} : memref<128x256xf32, #tpu.memory_space<vmem>>, vector<16xf32>,
          %max3A_699 = arith.maximumf %get3A_695, %get3A_698 : vector<16xf32>
          %get3A_700 = arith.index_cast %squeeze3A_653 : i32 to index
          %get3A_701 = arith.constant 96 : index
          %get3A_702 = tpu.vector_load %arg9[%get3A_700, %get3A_701] {strides = array<i32>} : memref<328x128xf32, #tpu.memory_space<vmem>>, vector<16xf32>,
          %get3A_703 = arith.index_cast %squeeze3A_655 : i32 to index
          %get3A_704 = arith.constant 96 : index
          %get3A_705 = tpu.vector_load %arg18[%get3A_703, %get3A_704] {strides = array<i32>} : memref<128x256xf32, #tpu.memory_space<vmem>>, vector<16xf32>,
          %max3A_706 = arith.maximumf %get3A_702, %get3A_705 : vector<16xf32>
          %get3A_707 = arith.index_cast %squeeze3A_653 : i32 to index
          %get3A_708 = arith.constant 112 : index
          %get3A_709 = tpu.vector_load %arg9[%get3A_707, %get3A_708] {strides = array<i32>} : memref<328x128xf32, #tpu.memory_space<vmem>>, vector<16xf32>,
          %get3A_710 = arith.index_cast %squeeze3A_655 : i32 to index
          %get3A_711 = arith.constant 112 : index
          %get3A_712 = tpu.vector_load %arg18[%get3A_710, %get3A_711] {strides = array<i32>} : memref<128x256xf32, #tpu.memory_space<vmem>>, vector<16xf32>,
          %max3A_713 = arith.maximumf %get3A_709, %get3A_712 : vector<16xf32>
          %get3A_714 = arith.index_cast %mul3A_657 : i32 to index
          %get3A_715 = tpu.vector_load %arg10[%get3A_714] {strides = array<i32>} : memref<5136xf32, #tpu.memory_space<vmem>>, vector<16xf32>,
          %get3A_716 = arith.index_cast %squeeze3A_655 : i32 to index
          %get3A_717 = arith.constant 128 : index
          %get3A_718 = tpu.vector_load %arg18[%get3A_716, %get3A_717] {strides = array<i32>} : memref<128x256xf32, #tpu.memory_space<vmem>>, vector<16xf32>,
          %max3A_719 = arith.maximumf %get3A_715, %get3A_718 : vector<16xf32>
          %swap3A_720 = arith.index_cast %squeeze3A_653 : i32 to index
          %swap3A_721 = arith.constant 0 : index
          %swap3A_722 = tpu.vector_load %arg9[%swap3A_720, %swap3A_721] {strides = array<i32>} : memref<328x128xf32, #tpu.memory_space<vmem>>, vector<16xf32>,
          tpu.vector_store %arg9[%swap3A_720, %swap3A_721], %max3A_664 {strides = array<i32>} : memref<328x128xf32, #tpu.memory_space<vmem>>, vector<16xf32>,
          %swap3A_723 = arith.index_cast %squeeze3A_653 : i32 to index
          %swap3A_724 = arith.constant 16 : index
          %swap3A_725 = tpu.vector_load %arg9[%swap3A_723, %swap3A_724] {strides = array<i32>} : memref<328x128xf32, #tpu.memory_space<vmem>>, vector<16xf32>,
          tpu.vector_store %arg9[%swap3A_723, %swap3A_724], %max3A_671 {strides = array<i32>} : memref<328x128xf32, #tpu.memory_space<vmem>>, vector<16xf32>,
          %swap3A_726 = arith.index_cast %squeeze3A_653 : i32 to index
          %swap3A_727 = arith.constant 32 : index
          %swap3A_728 = tpu.vector_load %arg9[%swap3A_726, %swap3A_727] {strides = array<i32>} : memref<328x128xf32, #tpu.memory_space<vmem>>, vector<16xf32>,
          tpu.vector_store %arg9[%swap3A_726, %swap3A_727], %max3A_678 {strides = array<i32>} : memref<328x128xf32, #tpu.memory_space<vmem>>, vector<16xf32>,
          %swap3A_729 = arith.index_cast %squeeze3A_653 : i32 to index
          %swap3A_730 = arith.constant 48 : index
          %swap3A_731 = tpu.vector_load %arg9[%swap3A_729, %swap3A_730] {strides = array<i32>} : memref<328x128xf32, #tpu.memory_space<vmem>>, vector<16xf32>,
          tpu.vector_store %arg9[%swap3A_729, %swap3A_730], %max3A_685 {strides = array<i32>} : memref<328x128xf32, #tpu.memory_space<vmem>>, vector<16xf32>,
          %swap3A_732 = arith.index_cast %squeeze3A_653 : i32 to index
          %swap3A_733 = arith.constant 64 : index
          %swap3A_734 = tpu.vector_load %arg9[%swap3A_732, %swap3A_733] {strides = array<i32>} : memref<328x128xf32, #tpu.memory_space<vmem>>, vector<16xf32>,
          tpu.vector_store %arg9[%swap3A_732, %swap3A_733], %max3A_692 {strides = array<i32>} : memref<328x128xf32, #tpu.memory_space<vmem>>, vector<16xf32>,
          %swap3A_735 = arith.index_cast %squeeze3A_653 : i32 to index
          %swap3A_736 = arith.constant 80 : index
          %swap3A_737 = tpu.vector_load %arg9[%swap3A_735, %swap3A_736] {strides = array<i32>} : memref<328x128xf32, #tpu.memory_space<vmem>>, vector<16xf32>,
          tpu.vector_store %arg9[%swap3A_735, %swap3A_736], %max3A_699 {strides = array<i32>} : memref<328x128xf32, #tpu.memory_space<vmem>>, vector<16xf32>,
          %swap3A_738 = arith.index_cast %squeeze3A_653 : i32 to index
          %swap3A_739 = arith.constant 96 : index
          %swap3A_740 = tpu.vector_load %arg9[%swap3A_738, %swap3A_739] {strides = array<i32>} : memref<328x128xf32, #tpu.memory_space<vmem>>, vector<16xf32>,
          tpu.vector_store %arg9[%swap3A_738, %swap3A_739], %max3A_706 {strides = array<i32>} : memref<328x128xf32, #tpu.memory_space<vmem>>, vector<16xf32>,
          %swap3A_741 = arith.index_cast %squeeze3A_653 : i32 to index
          %swap3A_742 = arith.constant 112 : index
          %swap3A_743 = tpu.vector_load %arg9[%swap3A_741, %swap3A_742] {strides = array<i32>} : memref<328x128xf32, #tpu.memory_space<vmem>>, vector<16xf32>,
          tpu.vector_store %arg9[%swap3A_741, %swap3A_742], %max3A_713 {strides = array<i32>} : memref<328x128xf32, #tpu.memory_space<vmem>>, vector<16xf32>,
          %swap3A_744 = arith.index_cast %mul3A_657 : i32 to index
          %swap3A_745 = tpu.vector_load %arg10[%swap3A_744] {strides = array<i32>} : memref<5136xf32, #tpu.memory_space<vmem>>, vector<16xf32>,
          tpu.vector_store %arg10[%swap3A_744], %max3A_719 {strides = array<i32>} : memref<5136xf32, #tpu.memory_space<vmem>>, vector<16xf32>,
          %slice3A_746 = vector.extract_strided_slice %and3A_275 {offsets = [5], sizes = [1], strides = [1]} : vector<16xi32> to vector<1xi32>
          %squeeze3A_747 = vector.extract %slice3A_746[0] : i32 from vector<1xi32>
          %slice3A_748 = vector.extract_strided_slice %sub3A_279 {offsets = [5], sizes = [1], strides = [1]} : vector<16xi32> to vector<1xi32>
          %squeeze3A_749 = vector.extract %slice3A_748[0] : i32 from vector<1xi32>
          %mul3A_750 = arith.constant 16 : i32
          %mul3A_751 = arith.muli %squeeze3A_747, %mul3A_750 : i32
          %get3A_752 = arith.index_cast %squeeze3A_747 : i32 to index
          %get3A_753 = arith.constant 0 : index
          %get3A_754 = tpu.vector_load %arg9[%get3A_752, %get3A_753] {strides = array<i32>} : memref<328x128xf32, #tpu.memory_space<vmem>>, vector<16xf32>,
          %get3A_755 = arith.index_cast %squeeze3A_749 : i32 to index
          %get3A_756 = arith.constant 0 : index
          %get3A_757 = tpu.vector_load %arg18[%get3A_755, %get3A_756] {strides = array<i32>} : memref<128x256xf32, #tpu.memory_space<vmem>>, vector<16xf32>,
          %max3A_758 = arith.maximumf %get3A_754, %get3A_757 : vector<16xf32>
          %get3A_759 = arith.index_cast %squeeze3A_747 : i32 to index
          %get3A_760 = arith.constant 16 : index
          %get3A_761 = tpu.vector_load %arg9[%get3A_759, %get3A_760] {strides = array<i32>} : memref<328x128xf32, #tpu.memory_space<vmem>>, vector<16xf32>,
          %get3A_762 = arith.index_cast %squeeze3A_749 : i32 to index
          %get3A_763 = arith.constant 16 : index
          %get3A_764 = tpu.vector_load %arg18[%get3A_762, %get3A_763] {strides = array<i32>} : memref<128x256xf32, #tpu.memory_space<vmem>>, vector<16xf32>,
          %max3A_765 = arith.maximumf %get3A_761, %get3A_764 : vector<16xf32>
          %get3A_766 = arith.index_cast %squeeze3A_747 : i32 to index
          %get3A_767 = arith.constant 32 : index
          %get3A_768 = tpu.vector_load %arg9[%get3A_766, %get3A_767] {strides = array<i32>} : memref<328x128xf32, #tpu.memory_space<vmem>>, vector<16xf32>,
          %get3A_769 = arith.index_cast %squeeze3A_749 : i32 to index
          %get3A_770 = arith.constant 32 : index
          %get3A_771 = tpu.vector_load %arg18[%get3A_769, %get3A_770] {strides = array<i32>} : memref<128x256xf32, #tpu.memory_space<vmem>>, vector<16xf32>,
          %max3A_772 = arith.maximumf %get3A_768, %get3A_771 : vector<16xf32>
          %get3A_773 = arith.index_cast %squeeze3A_747 : i32 to index
          %get3A_774 = arith.constant 48 : index
          %get3A_775 = tpu.vector_load %arg9[%get3A_773, %get3A_774] {strides = array<i32>} : memref<328x128xf32, #tpu.memory_space<vmem>>, vector<16xf32>,
          %get3A_776 = arith.index_cast %squeeze3A_749 : i32 to index
          %get3A_777 = arith.constant 48 : index
          %get3A_778 = tpu.vector_load %arg18[%get3A_776, %get3A_777] {strides = array<i32>} : memref<128x256xf32, #tpu.memory_space<vmem>>, vector<16xf32>,
          %max3A_779 = arith.maximumf %get3A_775, %get3A_778 : vector<16xf32>
          %get3A_780 = arith.index_cast %squeeze3A_747 : i32 to index
          %get3A_781 = arith.constant 64 : index
          %get3A_782 = tpu.vector_load %arg9[%get3A_780, %get3A_781] {strides = array<i32>} : memref<328x128xf32, #tpu.memory_space<vmem>>, vector<16xf32>,
          %get3A_783 = arith.index_cast %squeeze3A_749 : i32 to index
          %get3A_784 = arith.constant 64 : index
          %get3A_785 = tpu.vector_load %arg18[%get3A_783, %get3A_784] {strides = array<i32>} : memref<128x256xf32, #tpu.memory_space<vmem>>, vector<16xf32>,
          %max3A_786 = arith.maximumf %get3A_782, %get3A_785 : vector<16xf32>
          %get3A_787 = arith.index_cast %squeeze3A_747 : i32 to index
          %get3A_788 = arith.constant 80 : index
          %get3A_789 = tpu.vector_load %arg9[%get3A_787, %get3A_788] {strides = array<i32>} : memref<328x128xf32, #tpu.memory_space<vmem>>, vector<16xf32>,
          %get3A_790 = arith.index_cast %squeeze3A_749 : i32 to index
          %get3A_791 = arith.constant 80 : index
          %get3A_792 = tpu.vector_load %arg18[%get3A_790, %get3A_791] {strides = array<i32>} : memref<128x256xf32, #tpu.memory_space<vmem>>, vector<16xf32>,
          %max3A_793 = arith.maximumf %get3A_789, %get3A_792 : vector<16xf32>
          %get3A_794 = arith.index_cast %squeeze3A_747 : i32 to index
          %get3A_795 = arith.constant 96 : index
          %get3A_796 = tpu.vector_load %arg9[%get3A_794, %get3A_795] {strides = array<i32>} : memref<328x128xf32, #tpu.memory_space<vmem>>, vector<16xf32>,
          %get3A_797 = arith.index_cast %squeeze3A_749 : i32 to index
          %get3A_798 = arith.constant 96 : index
          %get3A_799 = tpu.vector_load %arg18[%get3A_797, %get3A_798] {strides = array<i32>} : memref<128x256xf32, #tpu.memory_space<vmem>>, vector<16xf32>,
          %max3A_800 = arith.maximumf %get3A_796, %get3A_799 : vector<16xf32>
          %get3A_801 = arith.index_cast %squeeze3A_747 : i32 to index
          %get3A_802 = arith.constant 112 : index
          %get3A_803 = tpu.vector_load %arg9[%get3A_801, %get3A_802] {strides = array<i32>} : memref<328x128xf32, #tpu.memory_space<vmem>>, vector<16xf32>,
          %get3A_804 = arith.index_cast %squeeze3A_749 : i32 to index
          %get3A_805 = arith.constant 112 : index
          %get3A_806 = tpu.vector_load %arg18[%get3A_804, %get3A_805] {strides = array<i32>} : memref<128x256xf32, #tpu.memory_space<vmem>>, vector<16xf32>,
          %max3A_807 = arith.maximumf %get3A_803, %get3A_806 : vector<16xf32>
          %get3A_808 = arith.index_cast %mul3A_751 : i32 to index
          %get3A_809 = tpu.vector_load %arg10[%get3A_808] {strides = array<i32>} : memref<5136xf32, #tpu.memory_space<vmem>>, vector<16xf32>,
          %get3A_810 = arith.index_cast %squeeze3A_749 : i32 to index
          %get3A_811 = arith.constant 128 : index
          %get3A_812 = tpu.vector_load %arg18[%get3A_810, %get3A_811] {strides = array<i32>} : memref<128x256xf32, #tpu.memory_space<vmem>>, vector<16xf32>,
          %max3A_813 = arith.maximumf %get3A_809, %get3A_812 : vector<16xf32>
          %swap3A_814 = arith.index_cast %squeeze3A_747 : i32 to index
          %swap3A_815 = arith.constant 0 : index
          %swap3A_816 = tpu.vector_load %arg9[%swap3A_814, %swap3A_815] {strides = array<i32>} : memref<328x128xf32, #tpu.memory_space<vmem>>, vector<16xf32>,
          tpu.vector_store %arg9[%swap3A_814, %swap3A_815], %max3A_758 {strides = array<i32>} : memref<328x128xf32, #tpu.memory_space<vmem>>, vector<16xf32>,
          %swap3A_817 = arith.index_cast %squeeze3A_747 : i32 to index
          %swap3A_818 = arith.constant 16 : index
          %swap3A_819 = tpu.vector_load %arg9[%swap3A_817, %swap3A_818] {strides = array<i32>} : memref<328x128xf32, #tpu.memory_space<vmem>>, vector<16xf32>,
          tpu.vector_store %arg9[%swap3A_817, %swap3A_818], %max3A_765 {strides = array<i32>} : memref<328x128xf32, #tpu.memory_space<vmem>>, vector<16xf32>,
          %swap3A_820 = arith.index_cast %squeeze3A_747 : i32 to index
          %swap3A_821 = arith.constant 32 : index
          %swap3A_822 = tpu.vector_load %arg9[%swap3A_820, %swap3A_821] {strides = array<i32>} : memref<328x128xf32, #tpu.memory_space<vmem>>, vector<16xf32>,
          tpu.vector_store %arg9[%swap3A_820, %swap3A_821], %max3A_772 {strides = array<i32>} : memref<328x128xf32, #tpu.memory_space<vmem>>, vector<16xf32>,
          %swap3A_823 = arith.index_cast %squeeze3A_747 : i32 to index
          %swap3A_824 = arith.constant 48 : index
          %swap3A_825 = tpu.vector_load %arg9[%swap3A_823, %swap3A_824] {strides = array<i32>} : memref<328x128xf32, #tpu.memory_space<vmem>>, vector<16xf32>,
          tpu.vector_store %arg9[%swap3A_823, %swap3A_824], %max3A_779 {strides = array<i32>} : memref<328x128xf32, #tpu.memory_space<vmem>>, vector<16xf32>,
          %swap3A_826 = arith.index_cast %squeeze3A_747 : i32 to index
          %swap3A_827 = arith.constant 64 : index
          %swap3A_828 = tpu.vector_load %arg9[%swap3A_826, %swap3A_827] {strides = array<i32>} : memref<328x128xf32, #tpu.memory_space<vmem>>, vector<16xf32>,
          tpu.vector_store %arg9[%swap3A_826, %swap3A_827], %max3A_786 {strides = array<i32>} : memref<328x128xf32, #tpu.memory_space<vmem>>, vector<16xf32>,
          %swap3A_829 = arith.index_cast %squeeze3A_747 : i32 to index
          %swap3A_830 = arith.constant 80 : index
          %swap3A_831 = tpu.vector_load %arg9[%swap3A_829, %swap3A_830] {strides = array<i32>} : memref<328x128xf32, #tpu.memory_space<vmem>>, vector<16xf32>,
          tpu.vector_store %arg9[%swap3A_829, %swap3A_830], %max3A_793 {strides = array<i32>} : memref<328x128xf32, #tpu.memory_space<vmem>>, vector<16xf32>,
          %swap3A_832 = arith.index_cast %squeeze3A_747 : i32 to index
          %swap3A_833 = arith.constant 96 : index
          %swap3A_834 = tpu.vector_load %arg9[%swap3A_832, %swap3A_833] {strides = array<i32>} : memref<328x128xf32, #tpu.memory_space<vmem>>, vector<16xf32>,
          tpu.vector_store %arg9[%swap3A_832, %swap3A_833], %max3A_800 {strides = array<i32>} : memref<328x128xf32, #tpu.memory_space<vmem>>, vector<16xf32>,
          %swap3A_835 = arith.index_cast %squeeze3A_747 : i32 to index
          %swap3A_836 = arith.constant 112 : index
          %swap3A_837 = tpu.vector_load %arg9[%swap3A_835, %swap3A_836] {strides = array<i32>} : memref<328x128xf32, #tpu.memory_space<vmem>>, vector<16xf32>,
          tpu.vector_store %arg9[%swap3A_835, %swap3A_836], %max3A_807 {strides = array<i32>} : memref<328x128xf32, #tpu.memory_space<vmem>>, vector<16xf32>,
          %swap3A_838 = arith.index_cast %mul3A_751 : i32 to index
          %swap3A_839 = tpu.vector_load %arg10[%swap3A_838] {strides = array<i32>} : memref<5136xf32, #tpu.memory_space<vmem>>, vector<16xf32>,
          tpu.vector_store %arg10[%swap3A_838], %max3A_813 {strides = array<i32>} : memref<5136xf32, #tpu.memory_space<vmem>>, vector<16xf32>,
          %slice3A_840 = vector.extract_strided_slice %and3A_275 {offsets = [6], sizes = [1], strides = [1]} : vector<16xi32> to vector<1xi32>
          %squeeze3A_841 = vector.extract %slice3A_840[0] : i32 from vector<1xi32>
          %slice3A_842 = vector.extract_strided_slice %sub3A_279 {offsets = [6], sizes = [1], strides = [1]} : vector<16xi32> to vector<1xi32>
          %squeeze3A_843 = vector.extract %slice3A_842[0] : i32 from vector<1xi32>
          %mul3A_844 = arith.constant 16 : i32
          %mul3A_845 = arith.muli %squeeze3A_841, %mul3A_844 : i32
          %get3A_846 = arith.index_cast %squeeze3A_841 : i32 to index
          %get3A_847 = arith.constant 0 : index
          %get3A_848 = tpu.vector_load %arg9[%get3A_846, %get3A_847] {strides = array<i32>} : memref<328x128xf32, #tpu.memory_space<vmem>>, vector<16xf32>,
          %get3A_849 = arith.index_cast %squeeze3A_843 : i32 to index
          %get3A_850 = arith.constant 0 : index
          %get3A_851 = tpu.vector_load %arg18[%get3A_849, %get3A_850] {strides = array<i32>} : memref<128x256xf32, #tpu.memory_space<vmem>>, vector<16xf32>,
          %max3A_852 = arith.maximumf %get3A_848, %get3A_851 : vector<16xf32>
          %get3A_853 = arith.index_cast %squeeze3A_841 : i32 to index
          %get3A_854 = arith.constant 16 : index
          %get3A_855 = tpu.vector_load %arg9[%get3A_853, %get3A_854] {strides = array<i32>} : memref<328x128xf32, #tpu.memory_space<vmem>>, vector<16xf32>,
          %get3A_856 = arith.index_cast %squeeze3A_843 : i32 to index
          %get3A_857 = arith.constant 16 : index
          %get3A_858 = tpu.vector_load %arg18[%get3A_856, %get3A_857] {strides = array<i32>} : memref<128x256xf32, #tpu.memory_space<vmem>>, vector<16xf32>,
          %max3A_859 = arith.maximumf %get3A_855, %get3A_858 : vector<16xf32>
          %get3A_860 = arith.index_cast %squeeze3A_841 : i32 to index
          %get3A_861 = arith.constant 32 : index
          %get3A_862 = tpu.vector_load %arg9[%get3A_860, %get3A_861] {strides = array<i32>} : memref<328x128xf32, #tpu.memory_space<vmem>>, vector<16xf32>,
          %get3A_863 = arith.index_cast %squeeze3A_843 : i32 to index
          %get3A_864 = arith.constant 32 : index
          %get3A_865 = tpu.vector_load %arg18[%get3A_863, %get3A_864] {strides = array<i32>} : memref<128x256xf32, #tpu.memory_space<vmem>>, vector<16xf32>,
          %max3A_866 = arith.maximumf %get3A_862, %get3A_865 : vector<16xf32>
          %get3A_867 = arith.index_cast %squeeze3A_841 : i32 to index
          %get3A_868 = arith.constant 48 : index
          %get3A_869 = tpu.vector_load %arg9[%get3A_867, %get3A_868] {strides = array<i32>} : memref<328x128xf32, #tpu.memory_space<vmem>>, vector<16xf32>,
          %get3A_870 = arith.index_cast %squeeze3A_843 : i32 to index
          %get3A_871 = arith.constant 48 : index
          %get3A_872 = tpu.vector_load %arg18[%get3A_870, %get3A_871] {strides = array<i32>} : memref<128x256xf32, #tpu.memory_space<vmem>>, vector<16xf32>,
          %max3A_873 = arith.maximumf %get3A_869, %get3A_872 : vector<16xf32>
          %get3A_874 = arith.index_cast %squeeze3A_841 : i32 to index
          %get3A_875 = arith.constant 64 : index
          %get3A_876 = tpu.vector_load %arg9[%get3A_874, %get3A_875] {strides = array<i32>} : memref<328x128xf32, #tpu.memory_space<vmem>>, vector<16xf32>,
          %get3A_877 = arith.index_cast %squeeze3A_843 : i32 to index
          %get3A_878 = arith.constant 64 : index
          %get3A_879 = tpu.vector_load %arg18[%get3A_877, %get3A_878] {strides = array<i32>} : memref<128x256xf32, #tpu.memory_space<vmem>>, vector<16xf32>,
          %max3A_880 = arith.maximumf %get3A_876, %get3A_879 : vector<16xf32>
          %get3A_881 = arith.index_cast %squeeze3A_841 : i32 to index
          %get3A_882 = arith.constant 80 : index
          %get3A_883 = tpu.vector_load %arg9[%get3A_881, %get3A_882] {strides = array<i32>} : memref<328x128xf32, #tpu.memory_space<vmem>>, vector<16xf32>,
          %get3A_884 = arith.index_cast %squeeze3A_843 : i32 to index
          %get3A_885 = arith.constant 80 : index
          %get3A_886 = tpu.vector_load %arg18[%get3A_884, %get3A_885] {strides = array<i32>} : memref<128x256xf32, #tpu.memory_space<vmem>>, vector<16xf32>,
          %max3A_887 = arith.maximumf %get3A_883, %get3A_886 : vector<16xf32>
          %get3A_888 = arith.index_cast %squeeze3A_841 : i32 to index
          %get3A_889 = arith.constant 96 : index
          %get3A_890 = tpu.vector_load %arg9[%get3A_888, %get3A_889] {strides = array<i32>} : memref<328x128xf32, #tpu.memory_space<vmem>>, vector<16xf32>,
          %get3A_891 = arith.index_cast %squeeze3A_843 : i32 to index
          %get3A_892 = arith.constant 96 : index
          %get3A_893 = tpu.vector_load %arg18[%get3A_891, %get3A_892] {strides = array<i32>} : memref<128x256xf32, #tpu.memory_space<vmem>>, vector<16xf32>,
          %max3A_894 = arith.maximumf %get3A_890, %get3A_893 : vector<16xf32>
          %get3A_895 = arith.index_cast %squeeze3A_841 : i32 to index
          %get3A_896 = arith.constant 112 : index
          %get3A_897 = tpu.vector_load %arg9[%get3A_895, %get3A_896] {strides = array<i32>} : memref<328x128xf32, #tpu.memory_space<vmem>>, vector<16xf32>,
          %get3A_898 = arith.index_cast %squeeze3A_843 : i32 to index
          %get3A_899 = arith.constant 112 : index
          %get3A_900 = tpu.vector_load %arg18[%get3A_898, %get3A_899] {strides = array<i32>} : memref<128x256xf32, #tpu.memory_space<vmem>>, vector<16xf32>,
          %max3A_901 = arith.maximumf %get3A_897, %get3A_900 : vector<16xf32>
          %get3A_902 = arith.index_cast %mul3A_845 : i32 to index
          %get3A_903 = tpu.vector_load %arg10[%get3A_902] {strides = array<i32>} : memref<5136xf32, #tpu.memory_space<vmem>>, vector<16xf32>,
          %get3A_904 = arith.index_cast %squeeze3A_843 : i32 to index
          %get3A_905 = arith.constant 128 : index
          %get3A_906 = tpu.vector_load %arg18[%get3A_904, %get3A_905] {strides = array<i32>} : memref<128x256xf32, #tpu.memory_space<vmem>>, vector<16xf32>,
          %max3A_907 = arith.maximumf %get3A_903, %get3A_906 : vector<16xf32>
          %swap3A_908 = arith.index_cast %squeeze3A_841 : i32 to index
          %swap3A_909 = arith.constant 0 : index
          %swap3A_910 = tpu.vector_load %arg9[%swap3A_908, %swap3A_909] {strides = array<i32>} : memref<328x128xf32, #tpu.memory_space<vmem>>, vector<16xf32>,
          tpu.vector_store %arg9[%swap3A_908, %swap3A_909], %max3A_852 {strides = array<i32>} : memref<328x128xf32, #tpu.memory_space<vmem>>, vector<16xf32>,
          %swap3A_911 = arith.index_cast %squeeze3A_841 : i32 to index
          %swap3A_912 = arith.constant 16 : index
          %swap3A_913 = tpu.vector_load %arg9[%swap3A_911, %swap3A_912] {strides = array<i32>} : memref<328x128xf32, #tpu.memory_space<vmem>>, vector<16xf32>,
          tpu.vector_store %arg9[%swap3A_911, %swap3A_912], %max3A_859 {strides = array<i32>} : memref<328x128xf32, #tpu.memory_space<vmem>>, vector<16xf32>,
          %swap3A_914 = arith.index_cast %squeeze3A_841 : i32 to index
          %swap3A_915 = arith.constant 32 : index
          %swap3A_916 = tpu.vector_load %arg9[%swap3A_914, %swap3A_915] {strides = array<i32>} : memref<328x128xf32, #tpu.memory_space<vmem>>, vector<16xf32>,
          tpu.vector_store %arg9[%swap3A_914, %swap3A_915], %max3A_866 {strides = array<i32>} : memref<328x128xf32, #tpu.memory_space<vmem>>, vector<16xf32>,
          %swap3A_917 = arith.index_cast %squeeze3A_841 : i32 to index
          %swap3A_918 = arith.constant 48 : index
          %swap3A_919 = tpu.vector_load %arg9[%swap3A_917, %swap3A_918] {strides = array<i32>} : memref<328x128xf32, #tpu.memory_space<vmem>>, vector<16xf32>,
          tpu.vector_store %arg9[%swap3A_917, %swap3A_918], %max3A_873 {strides = array<i32>} : memref<328x128xf32, #tpu.memory_space<vmem>>, vector<16xf32>,
          %swap3A_920 = arith.index_cast %squeeze3A_841 : i32 to index
          %swap3A_921 = arith.constant 64 : index
          %swap3A_922 = tpu.vector_load %arg9[%swap3A_920, %swap3A_921] {strides = array<i32>} : memref<328x128xf32, #tpu.memory_space<vmem>>, vector<16xf32>,
          tpu.vector_store %arg9[%swap3A_920, %swap3A_921], %max3A_880 {strides = array<i32>} : memref<328x128xf32, #tpu.memory_space<vmem>>, vector<16xf32>,
          %swap3A_923 = arith.index_cast %squeeze3A_841 : i32 to index
          %swap3A_924 = arith.constant 80 : index
          %swap3A_925 = tpu.vector_load %arg9[%swap3A_923, %swap3A_924] {strides = array<i32>} : memref<328x128xf32, #tpu.memory_space<vmem>>, vector<16xf32>,
          tpu.vector_store %arg9[%swap3A_923, %swap3A_924], %max3A_887 {strides = array<i32>} : memref<328x128xf32, #tpu.memory_space<vmem>>, vector<16xf32>,
          %swap3A_926 = arith.index_cast %squeeze3A_841 : i32 to index
          %swap3A_927 = arith.constant 96 : index
          %swap3A_928 = tpu.vector_load %arg9[%swap3A_926, %swap3A_927] {strides = array<i32>} : memref<328x128xf32, #tpu.memory_space<vmem>>, vector<16xf32>,
          tpu.vector_store %arg9[%swap3A_926, %swap3A_927], %max3A_894 {strides = array<i32>} : memref<328x128xf32, #tpu.memory_space<vmem>>, vector<16xf32>,
          %swap3A_929 = arith.index_cast %squeeze3A_841 : i32 to index
          %swap3A_930 = arith.constant 112 : index
          %swap3A_931 = tpu.vector_load %arg9[%swap3A_929, %swap3A_930] {strides = array<i32>} : memref<328x128xf32, #tpu.memory_space<vmem>>, vector<16xf32>,
          tpu.vector_store %arg9[%swap3A_929, %swap3A_930], %max3A_901 {strides = array<i32>} : memref<328x128xf32, #tpu.memory_space<vmem>>, vector<16xf32>,
          %swap3A_932 = arith.index_cast %mul3A_845 : i32 to index
          %swap3A_933 = tpu.vector_load %arg10[%swap3A_932] {strides = array<i32>} : memref<5136xf32, #tpu.memory_space<vmem>>, vector<16xf32>,
          tpu.vector_store %arg10[%swap3A_932], %max3A_907 {strides = array<i32>} : memref<5136xf32, #tpu.memory_space<vmem>>, vector<16xf32>,
          %slice3A_934 = vector.extract_strided_slice %and3A_275 {offsets = [7], sizes = [1], strides = [1]} : vector<16xi32> to vector<1xi32>
          %squeeze3A_935 = vector.extract %slice3A_934[0] : i32 from vector<1xi32>
          %slice3A_936 = vector.extract_strided_slice %sub3A_279 {offsets = [7], sizes = [1], strides = [1]} : vector<16xi32> to vector<1xi32>
          %squeeze3A_937 = vector.extract %slice3A_936[0] : i32 from vector<1xi32>
          %mul3A_938 = arith.constant 16 : i32
          %mul3A_939 = arith.muli %squeeze3A_935, %mul3A_938 : i32
          %get3A_940 = arith.index_cast %squeeze3A_935 : i32 to index
          %get3A_941 = arith.constant 0 : index
          %get3A_942 = tpu.vector_load %arg9[%get3A_940, %get3A_941] {strides = array<i32>} : memref<328x128xf32, #tpu.memory_space<vmem>>, vector<16xf32>,
          %get3A_943 = arith.index_cast %squeeze3A_937 : i32 to index
          %get3A_944 = arith.constant 0 : index
          %get3A_945 = tpu.vector_load %arg18[%get3A_943, %get3A_944] {strides = array<i32>} : memref<128x256xf32, #tpu.memory_space<vmem>>, vector<16xf32>,
          %max3A_946 = arith.maximumf %get3A_942, %get3A_945 : vector<16xf32>
          %get3A_947 = arith.index_cast %squeeze3A_935 : i32 to index
          %get3A_948 = arith.constant 16 : index
          %get3A_949 = tpu.vector_load %arg9[%get3A_947, %get3A_948] {strides = array<i32>} : memref<328x128xf32, #tpu.memory_space<vmem>>, vector<16xf32>,
          %get3A_950 = arith.index_cast %squeeze3A_937 : i32 to index
          %get3A_951 = arith.constant 16 : index
          %get3A_952 = tpu.vector_load %arg18[%get3A_950, %get3A_951] {strides = array<i32>} : memref<128x256xf32, #tpu.memory_space<vmem>>, vector<16xf32>,
          %max3A_953 = arith.maximumf %get3A_949, %get3A_952 : vector<16xf32>
          %get3A_954 = arith.index_cast %squeeze3A_935 : i32 to index
          %get3A_955 = arith.constant 32 : index
          %get3A_956 = tpu.vector_load %arg9[%get3A_954, %get3A_955] {strides = array<i32>} : memref<328x128xf32, #tpu.memory_space<vmem>>, vector<16xf32>,
          %get3A_957 = arith.index_cast %squeeze3A_937 : i32 to index
          %get3A_958 = arith.constant 32 : index
          %get3A_959 = tpu.vector_load %arg18[%get3A_957, %get3A_958] {strides = array<i32>} : memref<128x256xf32, #tpu.memory_space<vmem>>, vector<16xf32>,
          %max3A_960 = arith.maximumf %get3A_956, %get3A_959 : vector<16xf32>
          %get3A_961 = arith.index_cast %squeeze3A_935 : i32 to index
          %get3A_962 = arith.constant 48 : index
          %get3A_963 = tpu.vector_load %arg9[%get3A_961, %get3A_962] {strides = array<i32>} : memref<328x128xf32, #tpu.memory_space<vmem>>, vector<16xf32>,
          %get3A_964 = arith.index_cast %squeeze3A_937 : i32 to index
          %get3A_965 = arith.constant 48 : index
          %get3A_966 = tpu.vector_load %arg18[%get3A_964, %get3A_965] {strides = array<i32>} : memref<128x256xf32, #tpu.memory_space<vmem>>, vector<16xf32>,
          %max3A_967 = arith.maximumf %get3A_963, %get3A_966 : vector<16xf32>
          %get3A_968 = arith.index_cast %squeeze3A_935 : i32 to index
          %get3A_969 = arith.constant 64 : index
          %get3A_970 = tpu.vector_load %arg9[%get3A_968, %get3A_969] {strides = array<i32>} : memref<328x128xf32, #tpu.memory_space<vmem>>, vector<16xf32>,
          %get3A_971 = arith.index_cast %squeeze3A_937 : i32 to index
          %get3A_972 = arith.constant 64 : index
          %get3A_973 = tpu.vector_load %arg18[%get3A_971, %get3A_972] {strides = array<i32>} : memref<128x256xf32, #tpu.memory_space<vmem>>, vector<16xf32>,
          %max3A_974 = arith.maximumf %get3A_970, %get3A_973 : vector<16xf32>
          %get3A_975 = arith.index_cast %squeeze3A_935 : i32 to index
          %get3A_976 = arith.constant 80 : index
          %get3A_977 = tpu.vector_load %arg9[%get3A_975, %get3A_976] {strides = array<i32>} : memref<328x128xf32, #tpu.memory_space<vmem>>, vector<16xf32>,
          %get3A_978 = arith.index_cast %squeeze3A_937 : i32 to index
          %get3A_979 = arith.constant 80 : index
          %get3A_980 = tpu.vector_load %arg18[%get3A_978, %get3A_979] {strides = array<i32>} : memref<128x256xf32, #tpu.memory_space<vmem>>, vector<16xf32>,
          %max3A_981 = arith.maximumf %get3A_977, %get3A_980 : vector<16xf32>
          %get3A_982 = arith.index_cast %squeeze3A_935 : i32 to index
          %get3A_983 = arith.constant 96 : index
          %get3A_984 = tpu.vector_load %arg9[%get3A_982, %get3A_983] {strides = array<i32>} : memref<328x128xf32, #tpu.memory_space<vmem>>, vector<16xf32>,
          %get3A_985 = arith.index_cast %squeeze3A_937 : i32 to index
          %get3A_986 = arith.constant 96 : index
          %get3A_987 = tpu.vector_load %arg18[%get3A_985, %get3A_986] {strides = array<i32>} : memref<128x256xf32, #tpu.memory_space<vmem>>, vector<16xf32>,
          %max3A_988 = arith.maximumf %get3A_984, %get3A_987 : vector<16xf32>
          %get3A_989 = arith.index_cast %squeeze3A_935 : i32 to index
          %get3A_990 = arith.constant 112 : index
          %get3A_991 = tpu.vector_load %arg9[%get3A_989, %get3A_990] {strides = array<i32>} : memref<328x128xf32, #tpu.memory_space<vmem>>, vector<16xf32>,
          %get3A_992 = arith.index_cast %squeeze3A_937 : i32 to index
          %get3A_993 = arith.constant 112 : index
          %get3A_994 = tpu.vector_load %arg18[%get3A_992, %get3A_993] {strides = array<i32>} : memref<128x256xf32, #tpu.memory_space<vmem>>, vector<16xf32>,
          %max3A_995 = arith.maximumf %get3A_991, %get3A_994 : vector<16xf32>
          %get3A_996 = arith.index_cast %mul3A_939 : i32 to index
          %get3A_997 = tpu.vector_load %arg10[%get3A_996] {strides = array<i32>} : memref<5136xf32, #tpu.memory_space<vmem>>, vector<16xf32>,
          %get3A_998 = arith.index_cast %squeeze3A_937 : i32 to index
          %get3A_999 = arith.constant 128 : index
          %get3A_1000 = tpu.vector_load %arg18[%get3A_998, %get3A_999] {strides = array<i32>} : memref<128x256xf32, #tpu.memory_space<vmem>>, vector<16xf32>,
          %max3A_1001 = arith.maximumf %get3A_997, %get3A_1000 : vector<16xf32>
          %swap3A_1002 = arith.index_cast %squeeze3A_935 : i32 to index
          %swap3A_1003 = arith.constant 0 : index
          %swap3A_1004 = tpu.vector_load %arg9[%swap3A_1002, %swap3A_1003] {strides = array<i32>} : memref<328x128xf32, #tpu.memory_space<vmem>>, vector<16xf32>,
          tpu.vector_store %arg9[%swap3A_1002, %swap3A_1003], %max3A_946 {strides = array<i32>} : memref<328x128xf32, #tpu.memory_space<vmem>>, vector<16xf32>,
          %swap3A_1005 = arith.index_cast %squeeze3A_935 : i32 to index
          %swap3A_1006 = arith.constant 16 : index
          %swap3A_1007 = tpu.vector_load %arg9[%swap3A_1005, %swap3A_1006] {strides = array<i32>} : memref<328x128xf32, #tpu.memory_space<vmem>>, vector<16xf32>,
          tpu.vector_store %arg9[%swap3A_1005, %swap3A_1006], %max3A_953 {strides = array<i32>} : memref<328x128xf32, #tpu.memory_space<vmem>>, vector<16xf32>,
          %swap3A_1008 = arith.index_cast %squeeze3A_935 : i32 to index
          %swap3A_1009 = arith.constant 32 : index
          %swap3A_1010 = tpu.vector_load %arg9[%swap3A_1008, %swap3A_1009] {strides = array<i32>} : memref<328x128xf32, #tpu.memory_space<vmem>>, vector<16xf32>,
          tpu.vector_store %arg9[%swap3A_1008, %swap3A_1009], %max3A_960 {strides = array<i32>} : memref<328x128xf32, #tpu.memory_space<vmem>>, vector<16xf32>,
          %swap3A_1011 = arith.index_cast %squeeze3A_935 : i32 to index
          %swap3A_1012 = arith.constant 48 : index
          %swap3A_1013 = tpu.vector_load %arg9[%swap3A_1011, %swap3A_1012] {strides = array<i32>} : memref<328x128xf32, #tpu.memory_space<vmem>>, vector<16xf32>,
          tpu.vector_store %arg9[%swap3A_1011, %swap3A_1012], %max3A_967 {strides = array<i32>} : memref<328x128xf32, #tpu.memory_space<vmem>>, vector<16xf32>,
          %swap3A_1014 = arith.index_cast %squeeze3A_935 : i32 to index
          %swap3A_1015 = arith.constant 64 : index
          %swap3A_1016 = tpu.vector_load %arg9[%swap3A_1014, %swap3A_1015] {strides = array<i32>} : memref<328x128xf32, #tpu.memory_space<vmem>>, vector<16xf32>,
          tpu.vector_store %arg9[%swap3A_1014, %swap3A_1015], %max3A_974 {strides = array<i32>} : memref<328x128xf32, #tpu.memory_space<vmem>>, vector<16xf32>,
          %swap3A_1017 = arith.index_cast %squeeze3A_935 : i32 to index
          %swap3A_1018 = arith.constant 80 : index
          %swap3A_1019 = tpu.vector_load %arg9[%swap3A_1017, %swap3A_1018] {strides = array<i32>} : memref<328x128xf32, #tpu.memory_space<vmem>>, vector<16xf32>,
          tpu.vector_store %arg9[%swap3A_1017, %swap3A_1018], %max3A_981 {strides = array<i32>} : memref<328x128xf32, #tpu.memory_space<vmem>>, vector<16xf32>,
          %swap3A_1020 = arith.index_cast %squeeze3A_935 : i32 to index
          %swap3A_1021 = arith.constant 96 : index
          %swap3A_1022 = tpu.vector_load %arg9[%swap3A_1020, %swap3A_1021] {strides = array<i32>} : memref<328x128xf32, #tpu.memory_space<vmem>>, vector<16xf32>,
          tpu.vector_store %arg9[%swap3A_1020, %swap3A_1021], %max3A_988 {strides = array<i32>} : memref<328x128xf32, #tpu.memory_space<vmem>>, vector<16xf32>,
          %swap3A_1023 = arith.index_cast %squeeze3A_935 : i32 to index
          %swap3A_1024 = arith.constant 112 : index
          %swap3A_1025 = tpu.vector_load %arg9[%swap3A_1023, %swap3A_1024] {strides = array<i32>} : memref<328x128xf32, #tpu.memory_space<vmem>>, vector<16xf32>,
          tpu.vector_store %arg9[%swap3A_1023, %swap3A_1024], %max3A_995 {strides = array<i32>} : memref<328x128xf32, #tpu.memory_space<vmem>>, vector<16xf32>,
          %swap3A_1026 = arith.index_cast %mul3A_939 : i32 to index
          %swap3A_1027 = tpu.vector_load %arg10[%swap3A_1026] {strides = array<i32>} : memref<5136xf32, #tpu.memory_space<vmem>>, vector<16xf32>,
          tpu.vector_store %arg10[%swap3A_1026], %max3A_1001 {strides = array<i32>} : memref<5136xf32, #tpu.memory_space<vmem>>, vector<16xf32>,
          %slice3A_1028 = vector.extract_strided_slice %and3A_275 {offsets = [8], sizes = [1], strides = [1]} : vector<16xi32> to vector<1xi32>
          %squeeze3A_1029 = vector.extract %slice3A_1028[0] : i32 from vector<1xi32>
          %slice3A_1030 = vector.extract_strided_slice %sub3A_279 {offsets = [8], sizes = [1], strides = [1]} : vector<16xi32> to vector<1xi32>
          %squeeze3A_1031 = vector.extract %slice3A_1030[0] : i32 from vector<1xi32>
          %mul3A_1032 = arith.constant 16 : i32
          %mul3A_1033 = arith.muli %squeeze3A_1029, %mul3A_1032 : i32
          %get3A_1034 = arith.index_cast %squeeze3A_1029 : i32 to index
          %get3A_1035 = arith.constant 0 : index
          %get3A_1036 = tpu.vector_load %arg9[%get3A_1034, %get3A_1035] {strides = array<i32>} : memref<328x128xf32, #tpu.memory_space<vmem>>, vector<16xf32>,
          %get3A_1037 = arith.index_cast %squeeze3A_1031 : i32 to index
          %get3A_1038 = arith.constant 0 : index
          %get3A_1039 = tpu.vector_load %arg18[%get3A_1037, %get3A_1038] {strides = array<i32>} : memref<128x256xf32, #tpu.memory_space<vmem>>, vector<16xf32>,
          %max3A_1040 = arith.maximumf %get3A_1036, %get3A_1039 : vector<16xf32>
          %get3A_1041 = arith.index_cast %squeeze3A_1029 : i32 to index
          %get3A_1042 = arith.constant 16 : index
          %get3A_1043 = tpu.vector_load %arg9[%get3A_1041, %get3A_1042] {strides = array<i32>} : memref<328x128xf32, #tpu.memory_space<vmem>>, vector<16xf32>,
          %get3A_1044 = arith.index_cast %squeeze3A_1031 : i32 to index
          %get3A_1045 = arith.constant 16 : index
          %get3A_1046 = tpu.vector_load %arg18[%get3A_1044, %get3A_1045] {strides = array<i32>} : memref<128x256xf32, #tpu.memory_space<vmem>>, vector<16xf32>,
          %max3A_1047 = arith.maximumf %get3A_1043, %get3A_1046 : vector<16xf32>
          %get3A_1048 = arith.index_cast %squeeze3A_1029 : i32 to index
          %get3A_1049 = arith.constant 32 : index
          %get3A_1050 = tpu.vector_load %arg9[%get3A_1048, %get3A_1049] {strides = array<i32>} : memref<328x128xf32, #tpu.memory_space<vmem>>, vector<16xf32>,
          %get3A_1051 = arith.index_cast %squeeze3A_1031 : i32 to index
          %get3A_1052 = arith.constant 32 : index
          %get3A_1053 = tpu.vector_load %arg18[%get3A_1051, %get3A_1052] {strides = array<i32>} : memref<128x256xf32, #tpu.memory_space<vmem>>, vector<16xf32>,
          %max3A_1054 = arith.maximumf %get3A_1050, %get3A_1053 : vector<16xf32>
          %get3A_1055 = arith.index_cast %squeeze3A_1029 : i32 to index
          %get3A_1056 = arith.constant 48 : index
          %get3A_1057 = tpu.vector_load %arg9[%get3A_1055, %get3A_1056] {strides = array<i32>} : memref<328x128xf32, #tpu.memory_space<vmem>>, vector<16xf32>,
          %get3A_1058 = arith.index_cast %squeeze3A_1031 : i32 to index
          %get3A_1059 = arith.constant 48 : index
          %get3A_1060 = tpu.vector_load %arg18[%get3A_1058, %get3A_1059] {strides = array<i32>} : memref<128x256xf32, #tpu.memory_space<vmem>>, vector<16xf32>,
          %max3A_1061 = arith.maximumf %get3A_1057, %get3A_1060 : vector<16xf32>
          %get3A_1062 = arith.index_cast %squeeze3A_1029 : i32 to index
          %get3A_1063 = arith.constant 64 : index
          %get3A_1064 = tpu.vector_load %arg9[%get3A_1062, %get3A_1063] {strides = array<i32>} : memref<328x128xf32, #tpu.memory_space<vmem>>, vector<16xf32>,
          %get3A_1065 = arith.index_cast %squeeze3A_1031 : i32 to index
          %get3A_1066 = arith.constant 64 : index
          %get3A_1067 = tpu.vector_load %arg18[%get3A_1065, %get3A_1066] {strides = array<i32>} : memref<128x256xf32, #tpu.memory_space<vmem>>, vector<16xf32>,
          %max3A_1068 = arith.maximumf %get3A_1064, %get3A_1067 : vector<16xf32>
          %get3A_1069 = arith.index_cast %squeeze3A_1029 : i32 to index
          %get3A_1070 = arith.constant 80 : index
          %get3A_1071 = tpu.vector_load %arg9[%get3A_1069, %get3A_1070] {strides = array<i32>} : memref<328x128xf32, #tpu.memory_space<vmem>>, vector<16xf32>,
          %get3A_1072 = arith.index_cast %squeeze3A_1031 : i32 to index
          %get3A_1073 = arith.constant 80 : index
          %get3A_1074 = tpu.vector_load %arg18[%get3A_1072, %get3A_1073] {strides = array<i32>} : memref<128x256xf32, #tpu.memory_space<vmem>>, vector<16xf32>,
          %max3A_1075 = arith.maximumf %get3A_1071, %get3A_1074 : vector<16xf32>
          %get3A_1076 = arith.index_cast %squeeze3A_1029 : i32 to index
          %get3A_1077 = arith.constant 96 : index
          %get3A_1078 = tpu.vector_load %arg9[%get3A_1076, %get3A_1077] {strides = array<i32>} : memref<328x128xf32, #tpu.memory_space<vmem>>, vector<16xf32>,
          %get3A_1079 = arith.index_cast %squeeze3A_1031 : i32 to index
          %get3A_1080 = arith.constant 96 : index
          %get3A_1081 = tpu.vector_load %arg18[%get3A_1079, %get3A_1080] {strides = array<i32>} : memref<128x256xf32, #tpu.memory_space<vmem>>, vector<16xf32>,
          %max3A_1082 = arith.maximumf %get3A_1078, %get3A_1081 : vector<16xf32>
          %get3A_1083 = arith.index_cast %squeeze3A_1029 : i32 to index
          %get3A_1084 = arith.constant 112 : index
          %get3A_1085 = tpu.vector_load %arg9[%get3A_1083, %get3A_1084] {strides = array<i32>} : memref<328x128xf32, #tpu.memory_space<vmem>>, vector<16xf32>,
          %get3A_1086 = arith.index_cast %squeeze3A_1031 : i32 to index
          %get3A_1087 = arith.constant 112 : index
          %get3A_1088 = tpu.vector_load %arg18[%get3A_1086, %get3A_1087] {strides = array<i32>} : memref<128x256xf32, #tpu.memory_space<vmem>>, vector<16xf32>,
          %max3A_1089 = arith.maximumf %get3A_1085, %get3A_1088 : vector<16xf32>
          %get3A_1090 = arith.index_cast %mul3A_1033 : i32 to index
          %get3A_1091 = tpu.vector_load %arg10[%get3A_1090] {strides = array<i32>} : memref<5136xf32, #tpu.memory_space<vmem>>, vector<16xf32>,
          %get3A_1092 = arith.index_cast %squeeze3A_1031 : i32 to index
          %get3A_1093 = arith.constant 128 : index
          %get3A_1094 = tpu.vector_load %arg18[%get3A_1092, %get3A_1093] {strides = array<i32>} : memref<128x256xf32, #tpu.memory_space<vmem>>, vector<16xf32>,
          %max3A_1095 = arith.maximumf %get3A_1091, %get3A_1094 : vector<16xf32>
          %swap3A_1096 = arith.index_cast %squeeze3A_1029 : i32 to index
          %swap3A_1097 = arith.constant 0 : index
          %swap3A_1098 = tpu.vector_load %arg9[%swap3A_1096, %swap3A_1097] {strides = array<i32>} : memref<328x128xf32, #tpu.memory_space<vmem>>, vector<16xf32>,
          tpu.vector_store %arg9[%swap3A_1096, %swap3A_1097], %max3A_1040 {strides = array<i32>} : memref<328x128xf32, #tpu.memory_space<vmem>>, vector<16xf32>,
          %swap3A_1099 = arith.index_cast %squeeze3A_1029 : i32 to index
          %swap3A_1100 = arith.constant 16 : index
          %swap3A_1101 = tpu.vector_load %arg9[%swap3A_1099, %swap3A_1100] {strides = array<i32>} : memref<328x128xf32, #tpu.memory_space<vmem>>, vector<16xf32>,
          tpu.vector_store %arg9[%swap3A_1099, %swap3A_1100], %max3A_1047 {strides = array<i32>} : memref<328x128xf32, #tpu.memory_space<vmem>>, vector<16xf32>,
          %swap3A_1102 = arith.index_cast %squeeze3A_1029 : i32 to index
          %swap3A_1103 = arith.constant 32 : index
          %swap3A_1104 = tpu.vector_load %arg9[%swap3A_1102, %swap3A_1103] {strides = array<i32>} : memref<328x128xf32, #tpu.memory_space<vmem>>, vector<16xf32>,
          tpu.vector_store %arg9[%swap3A_1102, %swap3A_1103], %max3A_1054 {strides = array<i32>} : memref<328x128xf32, #tpu.memory_space<vmem>>, vector<16xf32>,
          %swap3A_1105 = arith.index_cast %squeeze3A_1029 : i32 to index
          %swap3A_1106 = arith.constant 48 : index
          %swap3A_1107 = tpu.vector_load %arg9[%swap3A_1105, %swap3A_1106] {strides = array<i32>} : memref<328x128xf32, #tpu.memory_space<vmem>>, vector<16xf32>,
          tpu.vector_store %arg9[%swap3A_1105, %swap3A_1106], %max3A_1061 {strides = array<i32>} : memref<328x128xf32, #tpu.memory_space<vmem>>, vector<16xf32>,
          %swap3A_1108 = arith.index_cast %squeeze3A_1029 : i32 to index
          %swap3A_1109 = arith.constant 64 : index
          %swap3A_1110 = tpu.vector_load %arg9[%swap3A_1108, %swap3A_1109] {strides = array<i32>} : memref<328x128xf32, #tpu.memory_space<vmem>>, vector<16xf32>,
          tpu.vector_store %arg9[%swap3A_1108, %swap3A_1109], %max3A_1068 {strides = array<i32>} : memref<328x128xf32, #tpu.memory_space<vmem>>, vector<16xf32>,
          %swap3A_1111 = arith.index_cast %squeeze3A_1029 : i32 to index
          %swap3A_1112 = arith.constant 80 : index
          %swap3A_1113 = tpu.vector_load %arg9[%swap3A_1111, %swap3A_1112] {strides = array<i32>} : memref<328x128xf32, #tpu.memory_space<vmem>>, vector<16xf32>,
          tpu.vector_store %arg9[%swap3A_1111, %swap3A_1112], %max3A_1075 {strides = array<i32>} : memref<328x128xf32, #tpu.memory_space<vmem>>, vector<16xf32>,
          %swap3A_1114 = arith.index_cast %squeeze3A_1029 : i32 to index
          %swap3A_1115 = arith.constant 96 : index
          %swap3A_1116 = tpu.vector_load %arg9[%swap3A_1114, %swap3A_1115] {strides = array<i32>} : memref<328x128xf32, #tpu.memory_space<vmem>>, vector<16xf32>,
          tpu.vector_store %arg9[%swap3A_1114, %swap3A_1115], %max3A_1082 {strides = array<i32>} : memref<328x128xf32, #tpu.memory_space<vmem>>, vector<16xf32>,
          %swap3A_1117 = arith.index_cast %squeeze3A_1029 : i32 to index
          %swap3A_1118 = arith.constant 112 : index
          %swap3A_1119 = tpu.vector_load %arg9[%swap3A_1117, %swap3A_1118] {strides = array<i32>} : memref<328x128xf32, #tpu.memory_space<vmem>>, vector<16xf32>,
          tpu.vector_store %arg9[%swap3A_1117, %swap3A_1118], %max3A_1089 {strides = array<i32>} : memref<328x128xf32, #tpu.memory_space<vmem>>, vector<16xf32>,
          %swap3A_1120 = arith.index_cast %mul3A_1033 : i32 to index
          %swap3A_1121 = tpu.vector_load %arg10[%swap3A_1120] {strides = array<i32>} : memref<5136xf32, #tpu.memory_space<vmem>>, vector<16xf32>,
          tpu.vector_store %arg10[%swap3A_1120], %max3A_1095 {strides = array<i32>} : memref<5136xf32, #tpu.memory_space<vmem>>, vector<16xf32>,
          %slice3A_1122 = vector.extract_strided_slice %and3A_275 {offsets = [9], sizes = [1], strides = [1]} : vector<16xi32> to vector<1xi32>
          %squeeze3A_1123 = vector.extract %slice3A_1122[0] : i32 from vector<1xi32>
          %slice3A_1124 = vector.extract_strided_slice %sub3A_279 {offsets = [9], sizes = [1], strides = [1]} : vector<16xi32> to vector<1xi32>
          %squeeze3A_1125 = vector.extract %slice3A_1124[0] : i32 from vector<1xi32>
          %mul3A_1126 = arith.constant 16 : i32
          %mul3A_1127 = arith.muli %squeeze3A_1123, %mul3A_1126 : i32
          %get3A_1128 = arith.index_cast %squeeze3A_1123 : i32 to index
          %get3A_1129 = arith.constant 0 : index
          %get3A_1130 = tpu.vector_load %arg9[%get3A_1128, %get3A_1129] {strides = array<i32>} : memref<328x128xf32, #tpu.memory_space<vmem>>, vector<16xf32>,
          %get3A_1131 = arith.index_cast %squeeze3A_1125 : i32 to index
          %get3A_1132 = arith.constant 0 : index
          %get3A_1133 = tpu.vector_load %arg18[%get3A_1131, %get3A_1132] {strides = array<i32>} : memref<128x256xf32, #tpu.memory_space<vmem>>, vector<16xf32>,
          %max3A_1134 = arith.maximumf %get3A_1130, %get3A_1133 : vector<16xf32>
          %get3A_1135 = arith.index_cast %squeeze3A_1123 : i32 to index
          %get3A_1136 = arith.constant 16 : index
          %get3A_1137 = tpu.vector_load %arg9[%get3A_1135, %get3A_1136] {strides = array<i32>} : memref<328x128xf32, #tpu.memory_space<vmem>>, vector<16xf32>,
          %get3A_1138 = arith.index_cast %squeeze3A_1125 : i32 to index
          %get3A_1139 = arith.constant 16 : index
          %get3A_1140 = tpu.vector_load %arg18[%get3A_1138, %get3A_1139] {strides = array<i32>} : memref<128x256xf32, #tpu.memory_space<vmem>>, vector<16xf32>,
          %max3A_1141 = arith.maximumf %get3A_1137, %get3A_1140 : vector<16xf32>
          %get3A_1142 = arith.index_cast %squeeze3A_1123 : i32 to index
          %get3A_1143 = arith.constant 32 : index
          %get3A_1144 = tpu.vector_load %arg9[%get3A_1142, %get3A_1143] {strides = array<i32>} : memref<328x128xf32, #tpu.memory_space<vmem>>, vector<16xf32>,
          %get3A_1145 = arith.index_cast %squeeze3A_1125 : i32 to index
          %get3A_1146 = arith.constant 32 : index
          %get3A_1147 = tpu.vector_load %arg18[%get3A_1145, %get3A_1146] {strides = array<i32>} : memref<128x256xf32, #tpu.memory_space<vmem>>, vector<16xf32>,
          %max3A_1148 = arith.maximumf %get3A_1144, %get3A_1147 : vector<16xf32>
          %get3A_1149 = arith.index_cast %squeeze3A_1123 : i32 to index
          %get3A_1150 = arith.constant 48 : index
          %get3A_1151 = tpu.vector_load %arg9[%get3A_1149, %get3A_1150] {strides = array<i32>} : memref<328x128xf32, #tpu.memory_space<vmem>>, vector<16xf32>,
          %get3A_1152 = arith.index_cast %squeeze3A_1125 : i32 to index
          %get3A_1153 = arith.constant 48 : index
          %get3A_1154 = tpu.vector_load %arg18[%get3A_1152, %get3A_1153] {strides = array<i32>} : memref<128x256xf32, #tpu.memory_space<vmem>>, vector<16xf32>,
          %max3A_1155 = arith.maximumf %get3A_1151, %get3A_1154 : vector<16xf32>
          %get3A_1156 = arith.index_cast %squeeze3A_1123 : i32 to index
          %get3A_1157 = arith.constant 64 : index
          %get3A_1158 = tpu.vector_load %arg9[%get3A_1156, %get3A_1157] {strides = array<i32>} : memref<328x128xf32, #tpu.memory_space<vmem>>, vector<16xf32>,
          %get3A_1159 = arith.index_cast %squeeze3A_1125 : i32 to index
          %get3A_1160 = arith.constant 64 : index
          %get3A_1161 = tpu.vector_load %arg18[%get3A_1159, %get3A_1160] {strides = array<i32>} : memref<128x256xf32, #tpu.memory_space<vmem>>, vector<16xf32>,
          %max3A_1162 = arith.maximumf %get3A_1158, %get3A_1161 : vector<16xf32>
          %get3A_1163 = arith.index_cast %squeeze3A_1123 : i32 to index
          %get3A_1164 = arith.constant 80 : index
          %get3A_1165 = tpu.vector_load %arg9[%get3A_1163, %get3A_1164] {strides = array<i32>} : memref<328x128xf32, #tpu.memory_space<vmem>>, vector<16xf32>,
          %get3A_1166 = arith.index_cast %squeeze3A_1125 : i32 to index
          %get3A_1167 = arith.constant 80 : index
          %get3A_1168 = tpu.vector_load %arg18[%get3A_1166, %get3A_1167] {strides = array<i32>} : memref<128x256xf32, #tpu.memory_space<vmem>>, vector<16xf32>,
          %max3A_1169 = arith.maximumf %get3A_1165, %get3A_1168 : vector<16xf32>
          %get3A_1170 = arith.index_cast %squeeze3A_1123 : i32 to index
          %get3A_1171 = arith.constant 96 : index
          %get3A_1172 = tpu.vector_load %arg9[%get3A_1170, %get3A_1171] {strides = array<i32>} : memref<328x128xf32, #tpu.memory_space<vmem>>, vector<16xf32>,
          %get3A_1173 = arith.index_cast %squeeze3A_1125 : i32 to index
          %get3A_1174 = arith.constant 96 : index
          %get3A_1175 = tpu.vector_load %arg18[%get3A_1173, %get3A_1174] {strides = array<i32>} : memref<128x256xf32, #tpu.memory_space<vmem>>, vector<16xf32>,
          %max3A_1176 = arith.maximumf %get3A_1172, %get3A_1175 : vector<16xf32>
          %get3A_1177 = arith.index_cast %squeeze3A_1123 : i32 to index
          %get3A_1178 = arith.constant 112 : index
          %get3A_1179 = tpu.vector_load %arg9[%get3A_1177, %get3A_1178] {strides = array<i32>} : memref<328x128xf32, #tpu.memory_space<vmem>>, vector<16xf32>,
          %get3A_1180 = arith.index_cast %squeeze3A_1125 : i32 to index
          %get3A_1181 = arith.constant 112 : index
          %get3A_1182 = tpu.vector_load %arg18[%get3A_1180, %get3A_1181] {strides = array<i32>} : memref<128x256xf32, #tpu.memory_space<vmem>>, vector<16xf32>,
          %max3A_1183 = arith.maximumf %get3A_1179, %get3A_1182 : vector<16xf32>
          %get3A_1184 = arith.index_cast %mul3A_1127 : i32 to index
          %get3A_1185 = tpu.vector_load %arg10[%get3A_1184] {strides = array<i32>} : memref<5136xf32, #tpu.memory_space<vmem>>, vector<16xf32>,
          %get3A_1186 = arith.index_cast %squeeze3A_1125 : i32 to index
          %get3A_1187 = arith.constant 128 : index
          %get3A_1188 = tpu.vector_load %arg18[%get3A_1186, %get3A_1187] {strides = array<i32>} : memref<128x256xf32, #tpu.memory_space<vmem>>, vector<16xf32>,
          %max3A_1189 = arith.maximumf %get3A_1185, %get3A_1188 : vector<16xf32>
          %swap3A_1190 = arith.index_cast %squeeze3A_1123 : i32 to index
          %swap3A_1191 = arith.constant 0 : index
          %swap3A_1192 = tpu.vector_load %arg9[%swap3A_1190, %swap3A_1191] {strides = array<i32>} : memref<328x128xf32, #tpu.memory_space<vmem>>, vector<16xf32>,
          tpu.vector_store %arg9[%swap3A_1190, %swap3A_1191], %max3A_1134 {strides = array<i32>} : memref<328x128xf32, #tpu.memory_space<vmem>>, vector<16xf32>,
          %swap3A_1193 = arith.index_cast %squeeze3A_1123 : i32 to index
          %swap3A_1194 = arith.constant 16 : index
          %swap3A_1195 = tpu.vector_load %arg9[%swap3A_1193, %swap3A_1194] {strides = array<i32>} : memref<328x128xf32, #tpu.memory_space<vmem>>, vector<16xf32>,
          tpu.vector_store %arg9[%swap3A_1193, %swap3A_1194], %max3A_1141 {strides = array<i32>} : memref<328x128xf32, #tpu.memory_space<vmem>>, vector<16xf32>,
          %swap3A_1196 = arith.index_cast %squeeze3A_1123 : i32 to index
          %swap3A_1197 = arith.constant 32 : index
          %swap3A_1198 = tpu.vector_load %arg9[%swap3A_1196, %swap3A_1197] {strides = array<i32>} : memref<328x128xf32, #tpu.memory_space<vmem>>, vector<16xf32>,
          tpu.vector_store %arg9[%swap3A_1196, %swap3A_1197], %max3A_1148 {strides = array<i32>} : memref<328x128xf32, #tpu.memory_space<vmem>>, vector<16xf32>,
          %swap3A_1199 = arith.index_cast %squeeze3A_1123 : i32 to index
          %swap3A_1200 = arith.constant 48 : index
          %swap3A_1201 = tpu.vector_load %arg9[%swap3A_1199, %swap3A_1200] {strides = array<i32>} : memref<328x128xf32, #tpu.memory_space<vmem>>, vector<16xf32>,
          tpu.vector_store %arg9[%swap3A_1199, %swap3A_1200], %max3A_1155 {strides = array<i32>} : memref<328x128xf32, #tpu.memory_space<vmem>>, vector<16xf32>,
          %swap3A_1202 = arith.index_cast %squeeze3A_1123 : i32 to index
          %swap3A_1203 = arith.constant 64 : index
          %swap3A_1204 = tpu.vector_load %arg9[%swap3A_1202, %swap3A_1203] {strides = array<i32>} : memref<328x128xf32, #tpu.memory_space<vmem>>, vector<16xf32>,
          tpu.vector_store %arg9[%swap3A_1202, %swap3A_1203], %max3A_1162 {strides = array<i32>} : memref<328x128xf32, #tpu.memory_space<vmem>>, vector<16xf32>,
          %swap3A_1205 = arith.index_cast %squeeze3A_1123 : i32 to index
          %swap3A_1206 = arith.constant 80 : index
          %swap3A_1207 = tpu.vector_load %arg9[%swap3A_1205, %swap3A_1206] {strides = array<i32>} : memref<328x128xf32, #tpu.memory_space<vmem>>, vector<16xf32>,
          tpu.vector_store %arg9[%swap3A_1205, %swap3A_1206], %max3A_1169 {strides = array<i32>} : memref<328x128xf32, #tpu.memory_space<vmem>>, vector<16xf32>,
          %swap3A_1208 = arith.index_cast %squeeze3A_1123 : i32 to index
          %swap3A_1209 = arith.constant 96 : index
          %swap3A_1210 = tpu.vector_load %arg9[%swap3A_1208, %swap3A_1209] {strides = array<i32>} : memref<328x128xf32, #tpu.memory_space<vmem>>, vector<16xf32>,
          tpu.vector_store %arg9[%swap3A_1208, %swap3A_1209], %max3A_1176 {strides = array<i32>} : memref<328x128xf32, #tpu.memory_space<vmem>>, vector<16xf32>,
          %swap3A_1211 = arith.index_cast %squeeze3A_1123 : i32 to index
          %swap3A_1212 = arith.constant 112 : index
          %swap3A_1213 = tpu.vector_load %arg9[%swap3A_1211, %swap3A_1212] {strides = array<i32>} : memref<328x128xf32, #tpu.memory_space<vmem>>, vector<16xf32>,
          tpu.vector_store %arg9[%swap3A_1211, %swap3A_1212], %max3A_1183 {strides = array<i32>} : memref<328x128xf32, #tpu.memory_space<vmem>>, vector<16xf32>,
          %swap3A_1214 = arith.index_cast %mul3A_1127 : i32 to index
          %swap3A_1215 = tpu.vector_load %arg10[%swap3A_1214] {strides = array<i32>} : memref<5136xf32, #tpu.memory_space<vmem>>, vector<16xf32>,
          tpu.vector_store %arg10[%swap3A_1214], %max3A_1189 {strides = array<i32>} : memref<5136xf32, #tpu.memory_space<vmem>>, vector<16xf32>,
          %slice3A_1216 = vector.extract_strided_slice %and3A_275 {offsets = [10], sizes = [1], strides = [1]} : vector<16xi32> to vector<1xi32>
          %squeeze3A_1217 = vector.extract %slice3A_1216[0] : i32 from vector<1xi32>
          %slice3A_1218 = vector.extract_strided_slice %sub3A_279 {offsets = [10], sizes = [1], strides = [1]} : vector<16xi32> to vector<1xi32>
          %squeeze3A_1219 = vector.extract %slice3A_1218[0] : i32 from vector<1xi32>
          %mul3A_1220 = arith.constant 16 : i32
          %mul3A_1221 = arith.muli %squeeze3A_1217, %mul3A_1220 : i32
          %get3A_1222 = arith.index_cast %squeeze3A_1217 : i32 to index
          %get3A_1223 = arith.constant 0 : index
          %get3A_1224 = tpu.vector_load %arg9[%get3A_1222, %get3A_1223] {strides = array<i32>} : memref<328x128xf32, #tpu.memory_space<vmem>>, vector<16xf32>,
          %get3A_1225 = arith.index_cast %squeeze3A_1219 : i32 to index
          %get3A_1226 = arith.constant 0 : index
          %get3A_1227 = tpu.vector_load %arg18[%get3A_1225, %get3A_1226] {strides = array<i32>} : memref<128x256xf32, #tpu.memory_space<vmem>>, vector<16xf32>,
          %max3A_1228 = arith.maximumf %get3A_1224, %get3A_1227 : vector<16xf32>
          %get3A_1229 = arith.index_cast %squeeze3A_1217 : i32 to index
          %get3A_1230 = arith.constant 16 : index
          %get3A_1231 = tpu.vector_load %arg9[%get3A_1229, %get3A_1230] {strides = array<i32>} : memref<328x128xf32, #tpu.memory_space<vmem>>, vector<16xf32>,
          %get3A_1232 = arith.index_cast %squeeze3A_1219 : i32 to index
          %get3A_1233 = arith.constant 16 : index
          %get3A_1234 = tpu.vector_load %arg18[%get3A_1232, %get3A_1233] {strides = array<i32>} : memref<128x256xf32, #tpu.memory_space<vmem>>, vector<16xf32>,
          %max3A_1235 = arith.maximumf %get3A_1231, %get3A_1234 : vector<16xf32>
          %get3A_1236 = arith.index_cast %squeeze3A_1217 : i32 to index
          %get3A_1237 = arith.constant 32 : index
          %get3A_1238 = tpu.vector_load %arg9[%get3A_1236, %get3A_1237] {strides = array<i32>} : memref<328x128xf32, #tpu.memory_space<vmem>>, vector<16xf32>,
          %get3A_1239 = arith.index_cast %squeeze3A_1219 : i32 to index
          %get3A_1240 = arith.constant 32 : index
          %get3A_1241 = tpu.vector_load %arg18[%get3A_1239, %get3A_1240] {strides = array<i32>} : memref<128x256xf32, #tpu.memory_space<vmem>>, vector<16xf32>,
          %max3A_1242 = arith.maximumf %get3A_1238, %get3A_1241 : vector<16xf32>
          %get3A_1243 = arith.index_cast %squeeze3A_1217 : i32 to index
          %get3A_1244 = arith.constant 48 : index
          %get3A_1245 = tpu.vector_load %arg9[%get3A_1243, %get3A_1244] {strides = array<i32>} : memref<328x128xf32, #tpu.memory_space<vmem>>, vector<16xf32>,
          %get3A_1246 = arith.index_cast %squeeze3A_1219 : i32 to index
          %get3A_1247 = arith.constant 48 : index
          %get3A_1248 = tpu.vector_load %arg18[%get3A_1246, %get3A_1247] {strides = array<i32>} : memref<128x256xf32, #tpu.memory_space<vmem>>, vector<16xf32>,
          %max3A_1249 = arith.maximumf %get3A_1245, %get3A_1248 : vector<16xf32>
          %get3A_1250 = arith.index_cast %squeeze3A_1217 : i32 to index
          %get3A_1251 = arith.constant 64 : index
          %get3A_1252 = tpu.vector_load %arg9[%get3A_1250, %get3A_1251] {strides = array<i32>} : memref<328x128xf32, #tpu.memory_space<vmem>>, vector<16xf32>,
          %get3A_1253 = arith.index_cast %squeeze3A_1219 : i32 to index
          %get3A_1254 = arith.constant 64 : index
          %get3A_1255 = tpu.vector_load %arg18[%get3A_1253, %get3A_1254] {strides = array<i32>} : memref<128x256xf32, #tpu.memory_space<vmem>>, vector<16xf32>,
          %max3A_1256 = arith.maximumf %get3A_1252, %get3A_1255 : vector<16xf32>
          %get3A_1257 = arith.index_cast %squeeze3A_1217 : i32 to index
          %get3A_1258 = arith.constant 80 : index
          %get3A_1259 = tpu.vector_load %arg9[%get3A_1257, %get3A_1258] {strides = array<i32>} : memref<328x128xf32, #tpu.memory_space<vmem>>, vector<16xf32>,
          %get3A_1260 = arith.index_cast %squeeze3A_1219 : i32 to index
          %get3A_1261 = arith.constant 80 : index
          %get3A_1262 = tpu.vector_load %arg18[%get3A_1260, %get3A_1261] {strides = array<i32>} : memref<128x256xf32, #tpu.memory_space<vmem>>, vector<16xf32>,
          %max3A_1263 = arith.maximumf %get3A_1259, %get3A_1262 : vector<16xf32>
          %get3A_1264 = arith.index_cast %squeeze3A_1217 : i32 to index
          %get3A_1265 = arith.constant 96 : index
          %get3A_1266 = tpu.vector_load %arg9[%get3A_1264, %get3A_1265] {strides = array<i32>} : memref<328x128xf32, #tpu.memory_space<vmem>>, vector<16xf32>,
          %get3A_1267 = arith.index_cast %squeeze3A_1219 : i32 to index
          %get3A_1268 = arith.constant 96 : index
          %get3A_1269 = tpu.vector_load %arg18[%get3A_1267, %get3A_1268] {strides = array<i32>} : memref<128x256xf32, #tpu.memory_space<vmem>>, vector<16xf32>,
          %max3A_1270 = arith.maximumf %get3A_1266, %get3A_1269 : vector<16xf32>
          %get3A_1271 = arith.index_cast %squeeze3A_1217 : i32 to index
          %get3A_1272 = arith.constant 112 : index
          %get3A_1273 = tpu.vector_load %arg9[%get3A_1271, %get3A_1272] {strides = array<i32>} : memref<328x128xf32, #tpu.memory_space<vmem>>, vector<16xf32>,
          %get3A_1274 = arith.index_cast %squeeze3A_1219 : i32 to index
          %get3A_1275 = arith.constant 112 : index
          %get3A_1276 = tpu.vector_load %arg18[%get3A_1274, %get3A_1275] {strides = array<i32>} : memref<128x256xf32, #tpu.memory_space<vmem>>, vector<16xf32>,
          %max3A_1277 = arith.maximumf %get3A_1273, %get3A_1276 : vector<16xf32>
          %get3A_1278 = arith.index_cast %mul3A_1221 : i32 to index
          %get3A_1279 = tpu.vector_load %arg10[%get3A_1278] {strides = array<i32>} : memref<5136xf32, #tpu.memory_space<vmem>>, vector<16xf32>,
          %get3A_1280 = arith.index_cast %squeeze3A_1219 : i32 to index
          %get3A_1281 = arith.constant 128 : index
          %get3A_1282 = tpu.vector_load %arg18[%get3A_1280, %get3A_1281] {strides = array<i32>} : memref<128x256xf32, #tpu.memory_space<vmem>>, vector<16xf32>,
          %max3A_1283 = arith.maximumf %get3A_1279, %get3A_1282 : vector<16xf32>
          %swap3A_1284 = arith.index_cast %squeeze3A_1217 : i32 to index
          %swap3A_1285 = arith.constant 0 : index
          %swap3A_1286 = tpu.vector_load %arg9[%swap3A_1284, %swap3A_1285] {strides = array<i32>} : memref<328x128xf32, #tpu.memory_space<vmem>>, vector<16xf32>,
          tpu.vector_store %arg9[%swap3A_1284, %swap3A_1285], %max3A_1228 {strides = array<i32>} : memref<328x128xf32, #tpu.memory_space<vmem>>, vector<16xf32>,
          %swap3A_1287 = arith.index_cast %squeeze3A_1217 : i32 to index
          %swap3A_1288 = arith.constant 16 : index
          %swap3A_1289 = tpu.vector_load %arg9[%swap3A_1287, %swap3A_1288] {strides = array<i32>} : memref<328x128xf32, #tpu.memory_space<vmem>>, vector<16xf32>,
          tpu.vector_store %arg9[%swap3A_1287, %swap3A_1288], %max3A_1235 {strides = array<i32>} : memref<328x128xf32, #tpu.memory_space<vmem>>, vector<16xf32>,
          %swap3A_1290 = arith.index_cast %squeeze3A_1217 : i32 to index
          %swap3A_1291 = arith.constant 32 : index
          %swap3A_1292 = tpu.vector_load %arg9[%swap3A_1290, %swap3A_1291] {strides = array<i32>} : memref<328x128xf32, #tpu.memory_space<vmem>>, vector<16xf32>,
          tpu.vector_store %arg9[%swap3A_1290, %swap3A_1291], %max3A_1242 {strides = array<i32>} : memref<328x128xf32, #tpu.memory_space<vmem>>, vector<16xf32>,
          %swap3A_1293 = arith.index_cast %squeeze3A_1217 : i32 to index
          %swap3A_1294 = arith.constant 48 : index
          %swap3A_1295 = tpu.vector_load %arg9[%swap3A_1293, %swap3A_1294] {strides = array<i32>} : memref<328x128xf32, #tpu.memory_space<vmem>>, vector<16xf32>,
          tpu.vector_store %arg9[%swap3A_1293, %swap3A_1294], %max3A_1249 {strides = array<i32>} : memref<328x128xf32, #tpu.memory_space<vmem>>, vector<16xf32>,
          %swap3A_1296 = arith.index_cast %squeeze3A_1217 : i32 to index
          %swap3A_1297 = arith.constant 64 : index
          %swap3A_1298 = tpu.vector_load %arg9[%swap3A_1296, %swap3A_1297] {strides = array<i32>} : memref<328x128xf32, #tpu.memory_space<vmem>>, vector<16xf32>,
          tpu.vector_store %arg9[%swap3A_1296, %swap3A_1297], %max3A_1256 {strides = array<i32>} : memref<328x128xf32, #tpu.memory_space<vmem>>, vector<16xf32>,
          %swap3A_1299 = arith.index_cast %squeeze3A_1217 : i32 to index
          %swap3A_1300 = arith.constant 80 : index
          %swap3A_1301 = tpu.vector_load %arg9[%swap3A_1299, %swap3A_1300] {strides = array<i32>} : memref<328x128xf32, #tpu.memory_space<vmem>>, vector<16xf32>,
          tpu.vector_store %arg9[%swap3A_1299, %swap3A_1300], %max3A_1263 {strides = array<i32>} : memref<328x128xf32, #tpu.memory_space<vmem>>, vector<16xf32>,
          %swap3A_1302 = arith.index_cast %squeeze3A_1217 : i32 to index
          %swap3A_1303 = arith.constant 96 : index
          %swap3A_1304 = tpu.vector_load %arg9[%swap3A_1302, %swap3A_1303] {strides = array<i32>} : memref<328x128xf32, #tpu.memory_space<vmem>>, vector<16xf32>,
          tpu.vector_store %arg9[%swap3A_1302, %swap3A_1303], %max3A_1270 {strides = array<i32>} : memref<328x128xf32, #tpu.memory_space<vmem>>, vector<16xf32>,
          %swap3A_1305 = arith.index_cast %squeeze3A_1217 : i32 to index
          %swap3A_1306 = arith.constant 112 : index
          %swap3A_1307 = tpu.vector_load %arg9[%swap3A_1305, %swap3A_1306] {strides = array<i32>} : memref<328x128xf32, #tpu.memory_space<vmem>>, vector<16xf32>,
          tpu.vector_store %arg9[%swap3A_1305, %swap3A_1306], %max3A_1277 {strides = array<i32>} : memref<328x128xf32, #tpu.memory_space<vmem>>, vector<16xf32>,
          %swap3A_1308 = arith.index_cast %mul3A_1221 : i32 to index
          %swap3A_1309 = tpu.vector_load %arg10[%swap3A_1308] {strides = array<i32>} : memref<5136xf32, #tpu.memory_space<vmem>>, vector<16xf32>,
          tpu.vector_store %arg10[%swap3A_1308], %max3A_1283 {strides = array<i32>} : memref<5136xf32, #tpu.memory_space<vmem>>, vector<16xf32>,
          %slice3A_1310 = vector.extract_strided_slice %and3A_275 {offsets = [11], sizes = [1], strides = [1]} : vector<16xi32> to vector<1xi32>
          %squeeze3A_1311 = vector.extract %slice3A_1310[0] : i32 from vector<1xi32>
          %slice3A_1312 = vector.extract_strided_slice %sub3A_279 {offsets = [11], sizes = [1], strides = [1]} : vector<16xi32> to vector<1xi32>
          %squeeze3A_1313 = vector.extract %slice3A_1312[0] : i32 from vector<1xi32>
          %mul3A_1314 = arith.constant 16 : i32
          %mul3A_1315 = arith.muli %squeeze3A_1311, %mul3A_1314 : i32
          %get3A_1316 = arith.index_cast %squeeze3A_1311 : i32 to index
          %get3A_1317 = arith.constant 0 : index
          %get3A_1318 = tpu.vector_load %arg9[%get3A_1316, %get3A_1317] {strides = array<i32>} : memref<328x128xf32, #tpu.memory_space<vmem>>, vector<16xf32>,
          %get3A_1319 = arith.index_cast %squeeze3A_1313 : i32 to index
          %get3A_1320 = arith.constant 0 : index
          %get3A_1321 = tpu.vector_load %arg18[%get3A_1319, %get3A_1320] {strides = array<i32>} : memref<128x256xf32, #tpu.memory_space<vmem>>, vector<16xf32>,
          %max3A_1322 = arith.maximumf %get3A_1318, %get3A_1321 : vector<16xf32>
          %get3A_1323 = arith.index_cast %squeeze3A_1311 : i32 to index
          %get3A_1324 = arith.constant 16 : index
          %get3A_1325 = tpu.vector_load %arg9[%get3A_1323, %get3A_1324] {strides = array<i32>} : memref<328x128xf32, #tpu.memory_space<vmem>>, vector<16xf32>,
          %get3A_1326 = arith.index_cast %squeeze3A_1313 : i32 to index
          %get3A_1327 = arith.constant 16 : index
          %get3A_1328 = tpu.vector_load %arg18[%get3A_1326, %get3A_1327] {strides = array<i32>} : memref<128x256xf32, #tpu.memory_space<vmem>>, vector<16xf32>,
          %max3A_1329 = arith.maximumf %get3A_1325, %get3A_1328 : vector<16xf32>
          %get3A_1330 = arith.index_cast %squeeze3A_1311 : i32 to index
          %get3A_1331 = arith.constant 32 : index
          %get3A_1332 = tpu.vector_load %arg9[%get3A_1330, %get3A_1331] {strides = array<i32>} : memref<328x128xf32, #tpu.memory_space<vmem>>, vector<16xf32>,
          %get3A_1333 = arith.index_cast %squeeze3A_1313 : i32 to index
          %get3A_1334 = arith.constant 32 : index
          %get3A_1335 = tpu.vector_load %arg18[%get3A_1333, %get3A_1334] {strides = array<i32>} : memref<128x256xf32, #tpu.memory_space<vmem>>, vector<16xf32>,
          %max3A_1336 = arith.maximumf %get3A_1332, %get3A_1335 : vector<16xf32>
          %get3A_1337 = arith.index_cast %squeeze3A_1311 : i32 to index
          %get3A_1338 = arith.constant 48 : index
          %get3A_1339 = tpu.vector_load %arg9[%get3A_1337, %get3A_1338] {strides = array<i32>} : memref<328x128xf32, #tpu.memory_space<vmem>>, vector<16xf32>,
          %get3A_1340 = arith.index_cast %squeeze3A_1313 : i32 to index
          %get3A_1341 = arith.constant 48 : index
          %get3A_1342 = tpu.vector_load %arg18[%get3A_1340, %get3A_1341] {strides = array<i32>} : memref<128x256xf32, #tpu.memory_space<vmem>>, vector<16xf32>,
          %max3A_1343 = arith.maximumf %get3A_1339, %get3A_1342 : vector<16xf32>
          %get3A_1344 = arith.index_cast %squeeze3A_1311 : i32 to index
          %get3A_1345 = arith.constant 64 : index
          %get3A_1346 = tpu.vector_load %arg9[%get3A_1344, %get3A_1345] {strides = array<i32>} : memref<328x128xf32, #tpu.memory_space<vmem>>, vector<16xf32>,
          %get3A_1347 = arith.index_cast %squeeze3A_1313 : i32 to index
          %get3A_1348 = arith.constant 64 : index
          %get3A_1349 = tpu.vector_load %arg18[%get3A_1347, %get3A_1348] {strides = array<i32>} : memref<128x256xf32, #tpu.memory_space<vmem>>, vector<16xf32>,
          %max3A_1350 = arith.maximumf %get3A_1346, %get3A_1349 : vector<16xf32>
          %get3A_1351 = arith.index_cast %squeeze3A_1311 : i32 to index
          %get3A_1352 = arith.constant 80 : index
          %get3A_1353 = tpu.vector_load %arg9[%get3A_1351, %get3A_1352] {strides = array<i32>} : memref<328x128xf32, #tpu.memory_space<vmem>>, vector<16xf32>,
          %get3A_1354 = arith.index_cast %squeeze3A_1313 : i32 to index
          %get3A_1355 = arith.constant 80 : index
          %get3A_1356 = tpu.vector_load %arg18[%get3A_1354, %get3A_1355] {strides = array<i32>} : memref<128x256xf32, #tpu.memory_space<vmem>>, vector<16xf32>,
          %max3A_1357 = arith.maximumf %get3A_1353, %get3A_1356 : vector<16xf32>
          %get3A_1358 = arith.index_cast %squeeze3A_1311 : i32 to index
          %get3A_1359 = arith.constant 96 : index
          %get3A_1360 = tpu.vector_load %arg9[%get3A_1358, %get3A_1359] {strides = array<i32>} : memref<328x128xf32, #tpu.memory_space<vmem>>, vector<16xf32>,
          %get3A_1361 = arith.index_cast %squeeze3A_1313 : i32 to index
          %get3A_1362 = arith.constant 96 : index
          %get3A_1363 = tpu.vector_load %arg18[%get3A_1361, %get3A_1362] {strides = array<i32>} : memref<128x256xf32, #tpu.memory_space<vmem>>, vector<16xf32>,
          %max3A_1364 = arith.maximumf %get3A_1360, %get3A_1363 : vector<16xf32>
          %get3A_1365 = arith.index_cast %squeeze3A_1311 : i32 to index
          %get3A_1366 = arith.constant 112 : index
          %get3A_1367 = tpu.vector_load %arg9[%get3A_1365, %get3A_1366] {strides = array<i32>} : memref<328x128xf32, #tpu.memory_space<vmem>>, vector<16xf32>,
          %get3A_1368 = arith.index_cast %squeeze3A_1313 : i32 to index
          %get3A_1369 = arith.constant 112 : index
          %get3A_1370 = tpu.vector_load %arg18[%get3A_1368, %get3A_1369] {strides = array<i32>} : memref<128x256xf32, #tpu.memory_space<vmem>>, vector<16xf32>,
          %max3A_1371 = arith.maximumf %get3A_1367, %get3A_1370 : vector<16xf32>
          %get3A_1372 = arith.index_cast %mul3A_1315 : i32 to index
          %get3A_1373 = tpu.vector_load %arg10[%get3A_1372] {strides = array<i32>} : memref<5136xf32, #tpu.memory_space<vmem>>, vector<16xf32>,
          %get3A_1374 = arith.index_cast %squeeze3A_1313 : i32 to index
          %get3A_1375 = arith.constant 128 : index
          %get3A_1376 = tpu.vector_load %arg18[%get3A_1374, %get3A_1375] {strides = array<i32>} : memref<128x256xf32, #tpu.memory_space<vmem>>, vector<16xf32>,
          %max3A_1377 = arith.maximumf %get3A_1373, %get3A_1376 : vector<16xf32>
          %swap3A_1378 = arith.index_cast %squeeze3A_1311 : i32 to index
          %swap3A_1379 = arith.constant 0 : index
          %swap3A_1380 = tpu.vector_load %arg9[%swap3A_1378, %swap3A_1379] {strides = array<i32>} : memref<328x128xf32, #tpu.memory_space<vmem>>, vector<16xf32>,
          tpu.vector_store %arg9[%swap3A_1378, %swap3A_1379], %max3A_1322 {strides = array<i32>} : memref<328x128xf32, #tpu.memory_space<vmem>>, vector<16xf32>,
          %swap3A_1381 = arith.index_cast %squeeze3A_1311 : i32 to index
          %swap3A_1382 = arith.constant 16 : index
          %swap3A_1383 = tpu.vector_load %arg9[%swap3A_1381, %swap3A_1382] {strides = array<i32>} : memref<328x128xf32, #tpu.memory_space<vmem>>, vector<16xf32>,
          tpu.vector_store %arg9[%swap3A_1381, %swap3A_1382], %max3A_1329 {strides = array<i32>} : memref<328x128xf32, #tpu.memory_space<vmem>>, vector<16xf32>,
          %swap3A_1384 = arith.index_cast %squeeze3A_1311 : i32 to index
          %swap3A_1385 = arith.constant 32 : index
          %swap3A_1386 = tpu.vector_load %arg9[%swap3A_1384, %swap3A_1385] {strides = array<i32>} : memref<328x128xf32, #tpu.memory_space<vmem>>, vector<16xf32>,
          tpu.vector_store %arg9[%swap3A_1384, %swap3A_1385], %max3A_1336 {strides = array<i32>} : memref<328x128xf32, #tpu.memory_space<vmem>>, vector<16xf32>,
          %swap3A_1387 = arith.index_cast %squeeze3A_1311 : i32 to index
          %swap3A_1388 = arith.constant 48 : index
          %swap3A_1389 = tpu.vector_load %arg9[%swap3A_1387, %swap3A_1388] {strides = array<i32>} : memref<328x128xf32, #tpu.memory_space<vmem>>, vector<16xf32>,
          tpu.vector_store %arg9[%swap3A_1387, %swap3A_1388], %max3A_1343 {strides = array<i32>} : memref<328x128xf32, #tpu.memory_space<vmem>>, vector<16xf32>,
          %swap3A_1390 = arith.index_cast %squeeze3A_1311 : i32 to index
          %swap3A_1391 = arith.constant 64 : index
          %swap3A_1392 = tpu.vector_load %arg9[%swap3A_1390, %swap3A_1391] {strides = array<i32>} : memref<328x128xf32, #tpu.memory_space<vmem>>, vector<16xf32>,
          tpu.vector_store %arg9[%swap3A_1390, %swap3A_1391], %max3A_1350 {strides = array<i32>} : memref<328x128xf32, #tpu.memory_space<vmem>>, vector<16xf32>,
          %swap3A_1393 = arith.index_cast %squeeze3A_1311 : i32 to index
          %swap3A_1394 = arith.constant 80 : index
          %swap3A_1395 = tpu.vector_load %arg9[%swap3A_1393, %swap3A_1394] {strides = array<i32>} : memref<328x128xf32, #tpu.memory_space<vmem>>, vector<16xf32>,
          tpu.vector_store %arg9[%swap3A_1393, %swap3A_1394], %max3A_1357 {strides = array<i32>} : memref<328x128xf32, #tpu.memory_space<vmem>>, vector<16xf32>,
          %swap3A_1396 = arith.index_cast %squeeze3A_1311 : i32 to index
          %swap3A_1397 = arith.constant 96 : index
          %swap3A_1398 = tpu.vector_load %arg9[%swap3A_1396, %swap3A_1397] {strides = array<i32>} : memref<328x128xf32, #tpu.memory_space<vmem>>, vector<16xf32>,
          tpu.vector_store %arg9[%swap3A_1396, %swap3A_1397], %max3A_1364 {strides = array<i32>} : memref<328x128xf32, #tpu.memory_space<vmem>>, vector<16xf32>,
          %swap3A_1399 = arith.index_cast %squeeze3A_1311 : i32 to index
          %swap3A_1400 = arith.constant 112 : index
          %swap3A_1401 = tpu.vector_load %arg9[%swap3A_1399, %swap3A_1400] {strides = array<i32>} : memref<328x128xf32, #tpu.memory_space<vmem>>, vector<16xf32>,
          tpu.vector_store %arg9[%swap3A_1399, %swap3A_1400], %max3A_1371 {strides = array<i32>} : memref<328x128xf32, #tpu.memory_space<vmem>>, vector<16xf32>,
          %swap3A_1402 = arith.index_cast %mul3A_1315 : i32 to index
          %swap3A_1403 = tpu.vector_load %arg10[%swap3A_1402] {strides = array<i32>} : memref<5136xf32, #tpu.memory_space<vmem>>, vector<16xf32>,
          tpu.vector_store %arg10[%swap3A_1402], %max3A_1377 {strides = array<i32>} : memref<5136xf32, #tpu.memory_space<vmem>>, vector<16xf32>,
          %slice3A_1404 = vector.extract_strided_slice %and3A_275 {offsets = [12], sizes = [1], strides = [1]} : vector<16xi32> to vector<1xi32>
          %squeeze3A_1405 = vector.extract %slice3A_1404[0] : i32 from vector<1xi32>
          %slice3A_1406 = vector.extract_strided_slice %sub3A_279 {offsets = [12], sizes = [1], strides = [1]} : vector<16xi32> to vector<1xi32>
          %squeeze3A_1407 = vector.extract %slice3A_1406[0] : i32 from vector<1xi32>
          %mul3A_1408 = arith.constant 16 : i32
          %mul3A_1409 = arith.muli %squeeze3A_1405, %mul3A_1408 : i32
          %get3A_1410 = arith.index_cast %squeeze3A_1405 : i32 to index
          %get3A_1411 = arith.constant 0 : index
          %get3A_1412 = tpu.vector_load %arg9[%get3A_1410, %get3A_1411] {strides = array<i32>} : memref<328x128xf32, #tpu.memory_space<vmem>>, vector<16xf32>,
          %get3A_1413 = arith.index_cast %squeeze3A_1407 : i32 to index
          %get3A_1414 = arith.constant 0 : index
          %get3A_1415 = tpu.vector_load %arg18[%get3A_1413, %get3A_1414] {strides = array<i32>} : memref<128x256xf32, #tpu.memory_space<vmem>>, vector<16xf32>,
          %max3A_1416 = arith.maximumf %get3A_1412, %get3A_1415 : vector<16xf32>
          %get3A_1417 = arith.index_cast %squeeze3A_1405 : i32 to index
          %get3A_1418 = arith.constant 16 : index
          %get3A_1419 = tpu.vector_load %arg9[%get3A_1417, %get3A_1418] {strides = array<i32>} : memref<328x128xf32, #tpu.memory_space<vmem>>, vector<16xf32>,
          %get3A_1420 = arith.index_cast %squeeze3A_1407 : i32 to index
          %get3A_1421 = arith.constant 16 : index
          %get3A_1422 = tpu.vector_load %arg18[%get3A_1420, %get3A_1421] {strides = array<i32>} : memref<128x256xf32, #tpu.memory_space<vmem>>, vector<16xf32>,
          %max3A_1423 = arith.maximumf %get3A_1419, %get3A_1422 : vector<16xf32>
          %get3A_1424 = arith.index_cast %squeeze3A_1405 : i32 to index
          %get3A_1425 = arith.constant 32 : index
          %get3A_1426 = tpu.vector_load %arg9[%get3A_1424, %get3A_1425] {strides = array<i32>} : memref<328x128xf32, #tpu.memory_space<vmem>>, vector<16xf32>,
          %get3A_1427 = arith.index_cast %squeeze3A_1407 : i32 to index
          %get3A_1428 = arith.constant 32 : index
          %get3A_1429 = tpu.vector_load %arg18[%get3A_1427, %get3A_1428] {strides = array<i32>} : memref<128x256xf32, #tpu.memory_space<vmem>>, vector<16xf32>,
          %max3A_1430 = arith.maximumf %get3A_1426, %get3A_1429 : vector<16xf32>
          %get3A_1431 = arith.index_cast %squeeze3A_1405 : i32 to index
          %get3A_1432 = arith.constant 48 : index
          %get3A_1433 = tpu.vector_load %arg9[%get3A_1431, %get3A_1432] {strides = array<i32>} : memref<328x128xf32, #tpu.memory_space<vmem>>, vector<16xf32>,
          %get3A_1434 = arith.index_cast %squeeze3A_1407 : i32 to index
          %get3A_1435 = arith.constant 48 : index
          %get3A_1436 = tpu.vector_load %arg18[%get3A_1434, %get3A_1435] {strides = array<i32>} : memref<128x256xf32, #tpu.memory_space<vmem>>, vector<16xf32>,
          %max3A_1437 = arith.maximumf %get3A_1433, %get3A_1436 : vector<16xf32>
          %get3A_1438 = arith.index_cast %squeeze3A_1405 : i32 to index
          %get3A_1439 = arith.constant 64 : index
          %get3A_1440 = tpu.vector_load %arg9[%get3A_1438, %get3A_1439] {strides = array<i32>} : memref<328x128xf32, #tpu.memory_space<vmem>>, vector<16xf32>,
          %get3A_1441 = arith.index_cast %squeeze3A_1407 : i32 to index
          %get3A_1442 = arith.constant 64 : index
          %get3A_1443 = tpu.vector_load %arg18[%get3A_1441, %get3A_1442] {strides = array<i32>} : memref<128x256xf32, #tpu.memory_space<vmem>>, vector<16xf32>,
          %max3A_1444 = arith.maximumf %get3A_1440, %get3A_1443 : vector<16xf32>
          %get3A_1445 = arith.index_cast %squeeze3A_1405 : i32 to index
          %get3A_1446 = arith.constant 80 : index
          %get3A_1447 = tpu.vector_load %arg9[%get3A_1445, %get3A_1446] {strides = array<i32>} : memref<328x128xf32, #tpu.memory_space<vmem>>, vector<16xf32>,
          %get3A_1448 = arith.index_cast %squeeze3A_1407 : i32 to index
          %get3A_1449 = arith.constant 80 : index
          %get3A_1450 = tpu.vector_load %arg18[%get3A_1448, %get3A_1449] {strides = array<i32>} : memref<128x256xf32, #tpu.memory_space<vmem>>, vector<16xf32>,
          %max3A_1451 = arith.maximumf %get3A_1447, %get3A_1450 : vector<16xf32>
          %get3A_1452 = arith.index_cast %squeeze3A_1405 : i32 to index
          %get3A_1453 = arith.constant 96 : index
          %get3A_1454 = tpu.vector_load %arg9[%get3A_1452, %get3A_1453] {strides = array<i32>} : memref<328x128xf32, #tpu.memory_space<vmem>>, vector<16xf32>,
          %get3A_1455 = arith.index_cast %squeeze3A_1407 : i32 to index
          %get3A_1456 = arith.constant 96 : index
          %get3A_1457 = tpu.vector_load %arg18[%get3A_1455, %get3A_1456] {strides = array<i32>} : memref<128x256xf32, #tpu.memory_space<vmem>>, vector<16xf32>,
          %max3A_1458 = arith.maximumf %get3A_1454, %get3A_1457 : vector<16xf32>
          %get3A_1459 = arith.index_cast %squeeze3A_1405 : i32 to index
          %get3A_1460 = arith.constant 112 : index
          %get3A_1461 = tpu.vector_load %arg9[%get3A_1459, %get3A_1460] {strides = array<i32>} : memref<328x128xf32, #tpu.memory_space<vmem>>, vector<16xf32>,
          %get3A_1462 = arith.index_cast %squeeze3A_1407 : i32 to index
          %get3A_1463 = arith.constant 112 : index
          %get3A_1464 = tpu.vector_load %arg18[%get3A_1462, %get3A_1463] {strides = array<i32>} : memref<128x256xf32, #tpu.memory_space<vmem>>, vector<16xf32>,
          %max3A_1465 = arith.maximumf %get3A_1461, %get3A_1464 : vector<16xf32>
          %get3A_1466 = arith.index_cast %mul3A_1409 : i32 to index
          %get3A_1467 = tpu.vector_load %arg10[%get3A_1466] {strides = array<i32>} : memref<5136xf32, #tpu.memory_space<vmem>>, vector<16xf32>,
          %get3A_1468 = arith.index_cast %squeeze3A_1407 : i32 to index
          %get3A_1469 = arith.constant 128 : index
          %get3A_1470 = tpu.vector_load %arg18[%get3A_1468, %get3A_1469] {strides = array<i32>} : memref<128x256xf32, #tpu.memory_space<vmem>>, vector<16xf32>,
          %max3A_1471 = arith.maximumf %get3A_1467, %get3A_1470 : vector<16xf32>
          %swap3A_1472 = arith.index_cast %squeeze3A_1405 : i32 to index
          %swap3A_1473 = arith.constant 0 : index
          %swap3A_1474 = tpu.vector_load %arg9[%swap3A_1472, %swap3A_1473] {strides = array<i32>} : memref<328x128xf32, #tpu.memory_space<vmem>>, vector<16xf32>,
          tpu.vector_store %arg9[%swap3A_1472, %swap3A_1473], %max3A_1416 {strides = array<i32>} : memref<328x128xf32, #tpu.memory_space<vmem>>, vector<16xf32>,
          %swap3A_1475 = arith.index_cast %squeeze3A_1405 : i32 to index
          %swap3A_1476 = arith.constant 16 : index
          %swap3A_1477 = tpu.vector_load %arg9[%swap3A_1475, %swap3A_1476] {strides = array<i32>} : memref<328x128xf32, #tpu.memory_space<vmem>>, vector<16xf32>,
          tpu.vector_store %arg9[%swap3A_1475, %swap3A_1476], %max3A_1423 {strides = array<i32>} : memref<328x128xf32, #tpu.memory_space<vmem>>, vector<16xf32>,
          %swap3A_1478 = arith.index_cast %squeeze3A_1405 : i32 to index
          %swap3A_1479 = arith.constant 32 : index
          %swap3A_1480 = tpu.vector_load %arg9[%swap3A_1478, %swap3A_1479] {strides = array<i32>} : memref<328x128xf32, #tpu.memory_space<vmem>>, vector<16xf32>,
          tpu.vector_store %arg9[%swap3A_1478, %swap3A_1479], %max3A_1430 {strides = array<i32>} : memref<328x128xf32, #tpu.memory_space<vmem>>, vector<16xf32>,
          %swap3A_1481 = arith.index_cast %squeeze3A_1405 : i32 to index
          %swap3A_1482 = arith.constant 48 : index
          %swap3A_1483 = tpu.vector_load %arg9[%swap3A_1481, %swap3A_1482] {strides = array<i32>} : memref<328x128xf32, #tpu.memory_space<vmem>>, vector<16xf32>,
          tpu.vector_store %arg9[%swap3A_1481, %swap3A_1482], %max3A_1437 {strides = array<i32>} : memref<328x128xf32, #tpu.memory_space<vmem>>, vector<16xf32>,
          %swap3A_1484 = arith.index_cast %squeeze3A_1405 : i32 to index
          %swap3A_1485 = arith.constant 64 : index
          %swap3A_1486 = tpu.vector_load %arg9[%swap3A_1484, %swap3A_1485] {strides = array<i32>} : memref<328x128xf32, #tpu.memory_space<vmem>>, vector<16xf32>,
          tpu.vector_store %arg9[%swap3A_1484, %swap3A_1485], %max3A_1444 {strides = array<i32>} : memref<328x128xf32, #tpu.memory_space<vmem>>, vector<16xf32>,
          %swap3A_1487 = arith.index_cast %squeeze3A_1405 : i32 to index
          %swap3A_1488 = arith.constant 80 : index
          %swap3A_1489 = tpu.vector_load %arg9[%swap3A_1487, %swap3A_1488] {strides = array<i32>} : memref<328x128xf32, #tpu.memory_space<vmem>>, vector<16xf32>,
          tpu.vector_store %arg9[%swap3A_1487, %swap3A_1488], %max3A_1451 {strides = array<i32>} : memref<328x128xf32, #tpu.memory_space<vmem>>, vector<16xf32>,
          %swap3A_1490 = arith.index_cast %squeeze3A_1405 : i32 to index
          %swap3A_1491 = arith.constant 96 : index
          %swap3A_1492 = tpu.vector_load %arg9[%swap3A_1490, %swap3A_1491] {strides = array<i32>} : memref<328x128xf32, #tpu.memory_space<vmem>>, vector<16xf32>,
          tpu.vector_store %arg9[%swap3A_1490, %swap3A_1491], %max3A_1458 {strides = array<i32>} : memref<328x128xf32, #tpu.memory_space<vmem>>, vector<16xf32>,
          %swap3A_1493 = arith.index_cast %squeeze3A_1405 : i32 to index
          %swap3A_1494 = arith.constant 112 : index
          %swap3A_1495 = tpu.vector_load %arg9[%swap3A_1493, %swap3A_1494] {strides = array<i32>} : memref<328x128xf32, #tpu.memory_space<vmem>>, vector<16xf32>,
          tpu.vector_store %arg9[%swap3A_1493, %swap3A_1494], %max3A_1465 {strides = array<i32>} : memref<328x128xf32, #tpu.memory_space<vmem>>, vector<16xf32>,
          %swap3A_1496 = arith.index_cast %mul3A_1409 : i32 to index
          %swap3A_1497 = tpu.vector_load %arg10[%swap3A_1496] {strides = array<i32>} : memref<5136xf32, #tpu.memory_space<vmem>>, vector<16xf32>,
          tpu.vector_store %arg10[%swap3A_1496], %max3A_1471 {strides = array<i32>} : memref<5136xf32, #tpu.memory_space<vmem>>, vector<16xf32>,
          %slice3A_1498 = vector.extract_strided_slice %and3A_275 {offsets = [13], sizes = [1], strides = [1]} : vector<16xi32> to vector<1xi32>
          %squeeze3A_1499 = vector.extract %slice3A_1498[0] : i32 from vector<1xi32>
          %slice3A_1500 = vector.extract_strided_slice %sub3A_279 {offsets = [13], sizes = [1], strides = [1]} : vector<16xi32> to vector<1xi32>
          %squeeze3A_1501 = vector.extract %slice3A_1500[0] : i32 from vector<1xi32>
          %mul3A_1502 = arith.constant 16 : i32
          %mul3A_1503 = arith.muli %squeeze3A_1499, %mul3A_1502 : i32
          %get3A_1504 = arith.index_cast %squeeze3A_1499 : i32 to index
          %get3A_1505 = arith.constant 0 : index
          %get3A_1506 = tpu.vector_load %arg9[%get3A_1504, %get3A_1505] {strides = array<i32>} : memref<328x128xf32, #tpu.memory_space<vmem>>, vector<16xf32>,
          %get3A_1507 = arith.index_cast %squeeze3A_1501 : i32 to index
          %get3A_1508 = arith.constant 0 : index
          %get3A_1509 = tpu.vector_load %arg18[%get3A_1507, %get3A_1508] {strides = array<i32>} : memref<128x256xf32, #tpu.memory_space<vmem>>, vector<16xf32>,
          %max3A_1510 = arith.maximumf %get3A_1506, %get3A_1509 : vector<16xf32>
          %get3A_1511 = arith.index_cast %squeeze3A_1499 : i32 to index
          %get3A_1512 = arith.constant 16 : index
          %get3A_1513 = tpu.vector_load %arg9[%get3A_1511, %get3A_1512] {strides = array<i32>} : memref<328x128xf32, #tpu.memory_space<vmem>>, vector<16xf32>,
          %get3A_1514 = arith.index_cast %squeeze3A_1501 : i32 to index
          %get3A_1515 = arith.constant 16 : index
          %get3A_1516 = tpu.vector_load %arg18[%get3A_1514, %get3A_1515] {strides = array<i32>} : memref<128x256xf32, #tpu.memory_space<vmem>>, vector<16xf32>,
          %max3A_1517 = arith.maximumf %get3A_1513, %get3A_1516 : vector<16xf32>
          %get3A_1518 = arith.index_cast %squeeze3A_1499 : i32 to index
          %get3A_1519 = arith.constant 32 : index
          %get3A_1520 = tpu.vector_load %arg9[%get3A_1518, %get3A_1519] {strides = array<i32>} : memref<328x128xf32, #tpu.memory_space<vmem>>, vector<16xf32>,
          %get3A_1521 = arith.index_cast %squeeze3A_1501 : i32 to index
          %get3A_1522 = arith.constant 32 : index
          %get3A_1523 = tpu.vector_load %arg18[%get3A_1521, %get3A_1522] {strides = array<i32>} : memref<128x256xf32, #tpu.memory_space<vmem>>, vector<16xf32>,
          %max3A_1524 = arith.maximumf %get3A_1520, %get3A_1523 : vector<16xf32>
          %get3A_1525 = arith.index_cast %squeeze3A_1499 : i32 to index
          %get3A_1526 = arith.constant 48 : index
          %get3A_1527 = tpu.vector_load %arg9[%get3A_1525, %get3A_1526] {strides = array<i32>} : memref<328x128xf32, #tpu.memory_space<vmem>>, vector<16xf32>,
          %get3A_1528 = arith.index_cast %squeeze3A_1501 : i32 to index
          %get3A_1529 = arith.constant 48 : index
          %get3A_1530 = tpu.vector_load %arg18[%get3A_1528, %get3A_1529] {strides = array<i32>} : memref<128x256xf32, #tpu.memory_space<vmem>>, vector<16xf32>,
          %max3A_1531 = arith.maximumf %get3A_1527, %get3A_1530 : vector<16xf32>
          %get3A_1532 = arith.index_cast %squeeze3A_1499 : i32 to index
          %get3A_1533 = arith.constant 64 : index
          %get3A_1534 = tpu.vector_load %arg9[%get3A_1532, %get3A_1533] {strides = array<i32>} : memref<328x128xf32, #tpu.memory_space<vmem>>, vector<16xf32>,
          %get3A_1535 = arith.index_cast %squeeze3A_1501 : i32 to index
          %get3A_1536 = arith.constant 64 : index
          %get3A_1537 = tpu.vector_load %arg18[%get3A_1535, %get3A_1536] {strides = array<i32>} : memref<128x256xf32, #tpu.memory_space<vmem>>, vector<16xf32>,
          %max3A_1538 = arith.maximumf %get3A_1534, %get3A_1537 : vector<16xf32>
          %get3A_1539 = arith.index_cast %squeeze3A_1499 : i32 to index
          %get3A_1540 = arith.constant 80 : index
          %get3A_1541 = tpu.vector_load %arg9[%get3A_1539, %get3A_1540] {strides = array<i32>} : memref<328x128xf32, #tpu.memory_space<vmem>>, vector<16xf32>,
          %get3A_1542 = arith.index_cast %squeeze3A_1501 : i32 to index
          %get3A_1543 = arith.constant 80 : index
          %get3A_1544 = tpu.vector_load %arg18[%get3A_1542, %get3A_1543] {strides = array<i32>} : memref<128x256xf32, #tpu.memory_space<vmem>>, vector<16xf32>,
          %max3A_1545 = arith.maximumf %get3A_1541, %get3A_1544 : vector<16xf32>
          %get3A_1546 = arith.index_cast %squeeze3A_1499 : i32 to index
          %get3A_1547 = arith.constant 96 : index
          %get3A_1548 = tpu.vector_load %arg9[%get3A_1546, %get3A_1547] {strides = array<i32>} : memref<328x128xf32, #tpu.memory_space<vmem>>, vector<16xf32>,
          %get3A_1549 = arith.index_cast %squeeze3A_1501 : i32 to index
          %get3A_1550 = arith.constant 96 : index
          %get3A_1551 = tpu.vector_load %arg18[%get3A_1549, %get3A_1550] {strides = array<i32>} : memref<128x256xf32, #tpu.memory_space<vmem>>, vector<16xf32>,
          %max3A_1552 = arith.maximumf %get3A_1548, %get3A_1551 : vector<16xf32>
          %get3A_1553 = arith.index_cast %squeeze3A_1499 : i32 to index
          %get3A_1554 = arith.constant 112 : index
          %get3A_1555 = tpu.vector_load %arg9[%get3A_1553, %get3A_1554] {strides = array<i32>} : memref<328x128xf32, #tpu.memory_space<vmem>>, vector<16xf32>,
          %get3A_1556 = arith.index_cast %squeeze3A_1501 : i32 to index
          %get3A_1557 = arith.constant 112 : index
          %get3A_1558 = tpu.vector_load %arg18[%get3A_1556, %get3A_1557] {strides = array<i32>} : memref<128x256xf32, #tpu.memory_space<vmem>>, vector<16xf32>,
          %max3A_1559 = arith.maximumf %get3A_1555, %get3A_1558 : vector<16xf32>
          %get3A_1560 = arith.index_cast %mul3A_1503 : i32 to index
          %get3A_1561 = tpu.vector_load %arg10[%get3A_1560] {strides = array<i32>} : memref<5136xf32, #tpu.memory_space<vmem>>, vector<16xf32>,
          %get3A_1562 = arith.index_cast %squeeze3A_1501 : i32 to index
          %get3A_1563 = arith.constant 128 : index
          %get3A_1564 = tpu.vector_load %arg18[%get3A_1562, %get3A_1563] {strides = array<i32>} : memref<128x256xf32, #tpu.memory_space<vmem>>, vector<16xf32>,
          %max3A_1565 = arith.maximumf %get3A_1561, %get3A_1564 : vector<16xf32>
          %swap3A_1566 = arith.index_cast %squeeze3A_1499 : i32 to index
          %swap3A_1567 = arith.constant 0 : index
          %swap3A_1568 = tpu.vector_load %arg9[%swap3A_1566, %swap3A_1567] {strides = array<i32>} : memref<328x128xf32, #tpu.memory_space<vmem>>, vector<16xf32>,
          tpu.vector_store %arg9[%swap3A_1566, %swap3A_1567], %max3A_1510 {strides = array<i32>} : memref<328x128xf32, #tpu.memory_space<vmem>>, vector<16xf32>,
          %swap3A_1569 = arith.index_cast %squeeze3A_1499 : i32 to index
          %swap3A_1570 = arith.constant 16 : index
          %swap3A_1571 = tpu.vector_load %arg9[%swap3A_1569, %swap3A_1570] {strides = array<i32>} : memref<328x128xf32, #tpu.memory_space<vmem>>, vector<16xf32>,
          tpu.vector_store %arg9[%swap3A_1569, %swap3A_1570], %max3A_1517 {strides = array<i32>} : memref<328x128xf32, #tpu.memory_space<vmem>>, vector<16xf32>,
          %swap3A_1572 = arith.index_cast %squeeze3A_1499 : i32 to index
          %swap3A_1573 = arith.constant 32 : index
          %swap3A_1574 = tpu.vector_load %arg9[%swap3A_1572, %swap3A_1573] {strides = array<i32>} : memref<328x128xf32, #tpu.memory_space<vmem>>, vector<16xf32>,
          tpu.vector_store %arg9[%swap3A_1572, %swap3A_1573], %max3A_1524 {strides = array<i32>} : memref<328x128xf32, #tpu.memory_space<vmem>>, vector<16xf32>,
          %swap3A_1575 = arith.index_cast %squeeze3A_1499 : i32 to index
          %swap3A_1576 = arith.constant 48 : index
          %swap3A_1577 = tpu.vector_load %arg9[%swap3A_1575, %swap3A_1576] {strides = array<i32>} : memref<328x128xf32, #tpu.memory_space<vmem>>, vector<16xf32>,
          tpu.vector_store %arg9[%swap3A_1575, %swap3A_1576], %max3A_1531 {strides = array<i32>} : memref<328x128xf32, #tpu.memory_space<vmem>>, vector<16xf32>,
          %swap3A_1578 = arith.index_cast %squeeze3A_1499 : i32 to index
          %swap3A_1579 = arith.constant 64 : index
          %swap3A_1580 = tpu.vector_load %arg9[%swap3A_1578, %swap3A_1579] {strides = array<i32>} : memref<328x128xf32, #tpu.memory_space<vmem>>, vector<16xf32>,
          tpu.vector_store %arg9[%swap3A_1578, %swap3A_1579], %max3A_1538 {strides = array<i32>} : memref<328x128xf32, #tpu.memory_space<vmem>>, vector<16xf32>,
          %swap3A_1581 = arith.index_cast %squeeze3A_1499 : i32 to index
          %swap3A_1582 = arith.constant 80 : index
          %swap3A_1583 = tpu.vector_load %arg9[%swap3A_1581, %swap3A_1582] {strides = array<i32>} : memref<328x128xf32, #tpu.memory_space<vmem>>, vector<16xf32>,
          tpu.vector_store %arg9[%swap3A_1581, %swap3A_1582], %max3A_1545 {strides = array<i32>} : memref<328x128xf32, #tpu.memory_space<vmem>>, vector<16xf32>,
          %swap3A_1584 = arith.index_cast %squeeze3A_1499 : i32 to index
          %swap3A_1585 = arith.constant 96 : index
          %swap3A_1586 = tpu.vector_load %arg9[%swap3A_1584, %swap3A_1585] {strides = array<i32>} : memref<328x128xf32, #tpu.memory_space<vmem>>, vector<16xf32>,
          tpu.vector_store %arg9[%swap3A_1584, %swap3A_1585], %max3A_1552 {strides = array<i32>} : memref<328x128xf32, #tpu.memory_space<vmem>>, vector<16xf32>,
          %swap3A_1587 = arith.index_cast %squeeze3A_1499 : i32 to index
          %swap3A_1588 = arith.constant 112 : index
          %swap3A_1589 = tpu.vector_load %arg9[%swap3A_1587, %swap3A_1588] {strides = array<i32>} : memref<328x128xf32, #tpu.memory_space<vmem>>, vector<16xf32>,
          tpu.vector_store %arg9[%swap3A_1587, %swap3A_1588], %max3A_1559 {strides = array<i32>} : memref<328x128xf32, #tpu.memory_space<vmem>>, vector<16xf32>,
          %swap3A_1590 = arith.index_cast %mul3A_1503 : i32 to index
          %swap3A_1591 = tpu.vector_load %arg10[%swap3A_1590] {strides = array<i32>} : memref<5136xf32, #tpu.memory_space<vmem>>, vector<16xf32>,
          tpu.vector_store %arg10[%swap3A_1590], %max3A_1565 {strides = array<i32>} : memref<5136xf32, #tpu.memory_space<vmem>>, vector<16xf32>,
          %slice3A_1592 = vector.extract_strided_slice %and3A_275 {offsets = [14], sizes = [1], strides = [1]} : vector<16xi32> to vector<1xi32>
          %squeeze3A_1593 = vector.extract %slice3A_1592[0] : i32 from vector<1xi32>
          %slice3A_1594 = vector.extract_strided_slice %sub3A_279 {offsets = [14], sizes = [1], strides = [1]} : vector<16xi32> to vector<1xi32>
          %squeeze3A_1595 = vector.extract %slice3A_1594[0] : i32 from vector<1xi32>
          %mul3A_1596 = arith.constant 16 : i32
          %mul3A_1597 = arith.muli %squeeze3A_1593, %mul3A_1596 : i32
          %get3A_1598 = arith.index_cast %squeeze3A_1593 : i32 to index
          %get3A_1599 = arith.constant 0 : index
          %get3A_1600 = tpu.vector_load %arg9[%get3A_1598, %get3A_1599] {strides = array<i32>} : memref<328x128xf32, #tpu.memory_space<vmem>>, vector<16xf32>,
          %get3A_1601 = arith.index_cast %squeeze3A_1595 : i32 to index
          %get3A_1602 = arith.constant 0 : index
          %get3A_1603 = tpu.vector_load %arg18[%get3A_1601, %get3A_1602] {strides = array<i32>} : memref<128x256xf32, #tpu.memory_space<vmem>>, vector<16xf32>,
          %max3A_1604 = arith.maximumf %get3A_1600, %get3A_1603 : vector<16xf32>
          %get3A_1605 = arith.index_cast %squeeze3A_1593 : i32 to index
          %get3A_1606 = arith.constant 16 : index
          %get3A_1607 = tpu.vector_load %arg9[%get3A_1605, %get3A_1606] {strides = array<i32>} : memref<328x128xf32, #tpu.memory_space<vmem>>, vector<16xf32>,
          %get3A_1608 = arith.index_cast %squeeze3A_1595 : i32 to index
          %get3A_1609 = arith.constant 16 : index
          %get3A_1610 = tpu.vector_load %arg18[%get3A_1608, %get3A_1609] {strides = array<i32>} : memref<128x256xf32, #tpu.memory_space<vmem>>, vector<16xf32>,
          %max3A_1611 = arith.maximumf %get3A_1607, %get3A_1610 : vector<16xf32>
          %get3A_1612 = arith.index_cast %squeeze3A_1593 : i32 to index
          %get3A_1613 = arith.constant 32 : index
          %get3A_1614 = tpu.vector_load %arg9[%get3A_1612, %get3A_1613] {strides = array<i32>} : memref<328x128xf32, #tpu.memory_space<vmem>>, vector<16xf32>,
          %get3A_1615 = arith.index_cast %squeeze3A_1595 : i32 to index
          %get3A_1616 = arith.constant 32 : index
          %get3A_1617 = tpu.vector_load %arg18[%get3A_1615, %get3A_1616] {strides = array<i32>} : memref<128x256xf32, #tpu.memory_space<vmem>>, vector<16xf32>,
          %max3A_1618 = arith.maximumf %get3A_1614, %get3A_1617 : vector<16xf32>
          %get3A_1619 = arith.index_cast %squeeze3A_1593 : i32 to index
          %get3A_1620 = arith.constant 48 : index
          %get3A_1621 = tpu.vector_load %arg9[%get3A_1619, %get3A_1620] {strides = array<i32>} : memref<328x128xf32, #tpu.memory_space<vmem>>, vector<16xf32>,
          %get3A_1622 = arith.index_cast %squeeze3A_1595 : i32 to index
          %get3A_1623 = arith.constant 48 : index
          %get3A_1624 = tpu.vector_load %arg18[%get3A_1622, %get3A_1623] {strides = array<i32>} : memref<128x256xf32, #tpu.memory_space<vmem>>, vector<16xf32>,
          %max3A_1625 = arith.maximumf %get3A_1621, %get3A_1624 : vector<16xf32>
          %get3A_1626 = arith.index_cast %squeeze3A_1593 : i32 to index
          %get3A_1627 = arith.constant 64 : index
          %get3A_1628 = tpu.vector_load %arg9[%get3A_1626, %get3A_1627] {strides = array<i32>} : memref<328x128xf32, #tpu.memory_space<vmem>>, vector<16xf32>,
          %get3A_1629 = arith.index_cast %squeeze3A_1595 : i32 to index
          %get3A_1630 = arith.constant 64 : index
          %get3A_1631 = tpu.vector_load %arg18[%get3A_1629, %get3A_1630] {strides = array<i32>} : memref<128x256xf32, #tpu.memory_space<vmem>>, vector<16xf32>,
          %max3A_1632 = arith.maximumf %get3A_1628, %get3A_1631 : vector<16xf32>
          %get3A_1633 = arith.index_cast %squeeze3A_1593 : i32 to index
          %get3A_1634 = arith.constant 80 : index
          %get3A_1635 = tpu.vector_load %arg9[%get3A_1633, %get3A_1634] {strides = array<i32>} : memref<328x128xf32, #tpu.memory_space<vmem>>, vector<16xf32>,
          %get3A_1636 = arith.index_cast %squeeze3A_1595 : i32 to index
          %get3A_1637 = arith.constant 80 : index
          %get3A_1638 = tpu.vector_load %arg18[%get3A_1636, %get3A_1637] {strides = array<i32>} : memref<128x256xf32, #tpu.memory_space<vmem>>, vector<16xf32>,
          %max3A_1639 = arith.maximumf %get3A_1635, %get3A_1638 : vector<16xf32>
          %get3A_1640 = arith.index_cast %squeeze3A_1593 : i32 to index
          %get3A_1641 = arith.constant 96 : index
          %get3A_1642 = tpu.vector_load %arg9[%get3A_1640, %get3A_1641] {strides = array<i32>} : memref<328x128xf32, #tpu.memory_space<vmem>>, vector<16xf32>,
          %get3A_1643 = arith.index_cast %squeeze3A_1595 : i32 to index
          %get3A_1644 = arith.constant 96 : index
          %get3A_1645 = tpu.vector_load %arg18[%get3A_1643, %get3A_1644] {strides = array<i32>} : memref<128x256xf32, #tpu.memory_space<vmem>>, vector<16xf32>,
          %max3A_1646 = arith.maximumf %get3A_1642, %get3A_1645 : vector<16xf32>
          %get3A_1647 = arith.index_cast %squeeze3A_1593 : i32 to index
          %get3A_1648 = arith.constant 112 : index
          %get3A_1649 = tpu.vector_load %arg9[%get3A_1647, %get3A_1648] {strides = array<i32>} : memref<328x128xf32, #tpu.memory_space<vmem>>, vector<16xf32>,
          %get3A_1650 = arith.index_cast %squeeze3A_1595 : i32 to index
          %get3A_1651 = arith.constant 112 : index
          %get3A_1652 = tpu.vector_load %arg18[%get3A_1650, %get3A_1651] {strides = array<i32>} : memref<128x256xf32, #tpu.memory_space<vmem>>, vector<16xf32>,
          %max3A_1653 = arith.maximumf %get3A_1649, %get3A_1652 : vector<16xf32>
          %get3A_1654 = arith.index_cast %mul3A_1597 : i32 to index
          %get3A_1655 = tpu.vector_load %arg10[%get3A_1654] {strides = array<i32>} : memref<5136xf32, #tpu.memory_space<vmem>>, vector<16xf32>,
          %get3A_1656 = arith.index_cast %squeeze3A_1595 : i32 to index
          %get3A_1657 = arith.constant 128 : index
          %get3A_1658 = tpu.vector_load %arg18[%get3A_1656, %get3A_1657] {strides = array<i32>} : memref<128x256xf32, #tpu.memory_space<vmem>>, vector<16xf32>,
          %max3A_1659 = arith.maximumf %get3A_1655, %get3A_1658 : vector<16xf32>
          %swap3A_1660 = arith.index_cast %squeeze3A_1593 : i32 to index
          %swap3A_1661 = arith.constant 0 : index
          %swap3A_1662 = tpu.vector_load %arg9[%swap3A_1660, %swap3A_1661] {strides = array<i32>} : memref<328x128xf32, #tpu.memory_space<vmem>>, vector<16xf32>,
          tpu.vector_store %arg9[%swap3A_1660, %swap3A_1661], %max3A_1604 {strides = array<i32>} : memref<328x128xf32, #tpu.memory_space<vmem>>, vector<16xf32>,
          %swap3A_1663 = arith.index_cast %squeeze3A_1593 : i32 to index
          %swap3A_1664 = arith.constant 16 : index
          %swap3A_1665 = tpu.vector_load %arg9[%swap3A_1663, %swap3A_1664] {strides = array<i32>} : memref<328x128xf32, #tpu.memory_space<vmem>>, vector<16xf32>,
          tpu.vector_store %arg9[%swap3A_1663, %swap3A_1664], %max3A_1611 {strides = array<i32>} : memref<328x128xf32, #tpu.memory_space<vmem>>, vector<16xf32>,
          %swap3A_1666 = arith.index_cast %squeeze3A_1593 : i32 to index
          %swap3A_1667 = arith.constant 32 : index
          %swap3A_1668 = tpu.vector_load %arg9[%swap3A_1666, %swap3A_1667] {strides = array<i32>} : memref<328x128xf32, #tpu.memory_space<vmem>>, vector<16xf32>,
          tpu.vector_store %arg9[%swap3A_1666, %swap3A_1667], %max3A_1618 {strides = array<i32>} : memref<328x128xf32, #tpu.memory_space<vmem>>, vector<16xf32>,
          %swap3A_1669 = arith.index_cast %squeeze3A_1593 : i32 to index
          %swap3A_1670 = arith.constant 48 : index
          %swap3A_1671 = tpu.vector_load %arg9[%swap3A_1669, %swap3A_1670] {strides = array<i32>} : memref<328x128xf32, #tpu.memory_space<vmem>>, vector<16xf32>,
          tpu.vector_store %arg9[%swap3A_1669, %swap3A_1670], %max3A_1625 {strides = array<i32>} : memref<328x128xf32, #tpu.memory_space<vmem>>, vector<16xf32>,
          %swap3A_1672 = arith.index_cast %squeeze3A_1593 : i32 to index
          %swap3A_1673 = arith.constant 64 : index
          %swap3A_1674 = tpu.vector_load %arg9[%swap3A_1672, %swap3A_1673] {strides = array<i32>} : memref<328x128xf32, #tpu.memory_space<vmem>>, vector<16xf32>,
          tpu.vector_store %arg9[%swap3A_1672, %swap3A_1673], %max3A_1632 {strides = array<i32>} : memref<328x128xf32, #tpu.memory_space<vmem>>, vector<16xf32>,
          %swap3A_1675 = arith.index_cast %squeeze3A_1593 : i32 to index
          %swap3A_1676 = arith.constant 80 : index
          %swap3A_1677 = tpu.vector_load %arg9[%swap3A_1675, %swap3A_1676] {strides = array<i32>} : memref<328x128xf32, #tpu.memory_space<vmem>>, vector<16xf32>,
          tpu.vector_store %arg9[%swap3A_1675, %swap3A_1676], %max3A_1639 {strides = array<i32>} : memref<328x128xf32, #tpu.memory_space<vmem>>, vector<16xf32>,
          %swap3A_1678 = arith.index_cast %squeeze3A_1593 : i32 to index
          %swap3A_1679 = arith.constant 96 : index
          %swap3A_1680 = tpu.vector_load %arg9[%swap3A_1678, %swap3A_1679] {strides = array<i32>} : memref<328x128xf32, #tpu.memory_space<vmem>>, vector<16xf32>,
          tpu.vector_store %arg9[%swap3A_1678, %swap3A_1679], %max3A_1646 {strides = array<i32>} : memref<328x128xf32, #tpu.memory_space<vmem>>, vector<16xf32>,
          %swap3A_1681 = arith.index_cast %squeeze3A_1593 : i32 to index
          %swap3A_1682 = arith.constant 112 : index
          %swap3A_1683 = tpu.vector_load %arg9[%swap3A_1681, %swap3A_1682] {strides = array<i32>} : memref<328x128xf32, #tpu.memory_space<vmem>>, vector<16xf32>,
          tpu.vector_store %arg9[%swap3A_1681, %swap3A_1682], %max3A_1653 {strides = array<i32>} : memref<328x128xf32, #tpu.memory_space<vmem>>, vector<16xf32>,
          %swap3A_1684 = arith.index_cast %mul3A_1597 : i32 to index
          %swap3A_1685 = tpu.vector_load %arg10[%swap3A_1684] {strides = array<i32>} : memref<5136xf32, #tpu.memory_space<vmem>>, vector<16xf32>,
          tpu.vector_store %arg10[%swap3A_1684], %max3A_1659 {strides = array<i32>} : memref<5136xf32, #tpu.memory_space<vmem>>, vector<16xf32>,
          %slice3A_1686 = vector.extract_strided_slice %and3A_275 {offsets = [15], sizes = [1], strides = [1]} : vector<16xi32> to vector<1xi32>
          %squeeze3A_1687 = vector.extract %slice3A_1686[0] : i32 from vector<1xi32>
          %slice3A_1688 = vector.extract_strided_slice %sub3A_279 {offsets = [15], sizes = [1], strides = [1]} : vector<16xi32> to vector<1xi32>
          %squeeze3A_1689 = vector.extract %slice3A_1688[0] : i32 from vector<1xi32>
          %mul3A_1690 = arith.constant 16 : i32
          %mul3A_1691 = arith.muli %squeeze3A_1687, %mul3A_1690 : i32
          %get3A_1692 = arith.index_cast %squeeze3A_1687 : i32 to index
          %get3A_1693 = arith.constant 0 : index
          %get3A_1694 = tpu.vector_load %arg9[%get3A_1692, %get3A_1693] {strides = array<i32>} : memref<328x128xf32, #tpu.memory_space<vmem>>, vector<16xf32>,
          %get3A_1695 = arith.index_cast %squeeze3A_1689 : i32 to index
          %get3A_1696 = arith.constant 0 : index
          %get3A_1697 = tpu.vector_load %arg18[%get3A_1695, %get3A_1696] {strides = array<i32>} : memref<128x256xf32, #tpu.memory_space<vmem>>, vector<16xf32>,
          %max3A_1698 = arith.maximumf %get3A_1694, %get3A_1697 : vector<16xf32>
          %get3A_1699 = arith.index_cast %squeeze3A_1687 : i32 to index
          %get3A_1700 = arith.constant 16 : index
          %get3A_1701 = tpu.vector_load %arg9[%get3A_1699, %get3A_1700] {strides = array<i32>} : memref<328x128xf32, #tpu.memory_space<vmem>>, vector<16xf32>,
          %get3A_1702 = arith.index_cast %squeeze3A_1689 : i32 to index
          %get3A_1703 = arith.constant 16 : index
          %get3A_1704 = tpu.vector_load %arg18[%get3A_1702, %get3A_1703] {strides = array<i32>} : memref<128x256xf32, #tpu.memory_space<vmem>>, vector<16xf32>,
          %max3A_1705 = arith.maximumf %get3A_1701, %get3A_1704 : vector<16xf32>
          %get3A_1706 = arith.index_cast %squeeze3A_1687 : i32 to index
          %get3A_1707 = arith.constant 32 : index
          %get3A_1708 = tpu.vector_load %arg9[%get3A_1706, %get3A_1707] {strides = array<i32>} : memref<328x128xf32, #tpu.memory_space<vmem>>, vector<16xf32>,
          %get3A_1709 = arith.index_cast %squeeze3A_1689 : i32 to index
          %get3A_1710 = arith.constant 32 : index
          %get3A_1711 = tpu.vector_load %arg18[%get3A_1709, %get3A_1710] {strides = array<i32>} : memref<128x256xf32, #tpu.memory_space<vmem>>, vector<16xf32>,
          %max3A_1712 = arith.maximumf %get3A_1708, %get3A_1711 : vector<16xf32>
          %get3A_1713 = arith.index_cast %squeeze3A_1687 : i32 to index
          %get3A_1714 = arith.constant 48 : index
          %get3A_1715 = tpu.vector_load %arg9[%get3A_1713, %get3A_1714] {strides = array<i32>} : memref<328x128xf32, #tpu.memory_space<vmem>>, vector<16xf32>,
          %get3A_1716 = arith.index_cast %squeeze3A_1689 : i32 to index
          %get3A_1717 = arith.constant 48 : index
          %get3A_1718 = tpu.vector_load %arg18[%get3A_1716, %get3A_1717] {strides = array<i32>} : memref<128x256xf32, #tpu.memory_space<vmem>>, vector<16xf32>,
          %max3A_1719 = arith.maximumf %get3A_1715, %get3A_1718 : vector<16xf32>
          %get3A_1720 = arith.index_cast %squeeze3A_1687 : i32 to index
          %get3A_1721 = arith.constant 64 : index
          %get3A_1722 = tpu.vector_load %arg9[%get3A_1720, %get3A_1721] {strides = array<i32>} : memref<328x128xf32, #tpu.memory_space<vmem>>, vector<16xf32>,
          %get3A_1723 = arith.index_cast %squeeze3A_1689 : i32 to index
          %get3A_1724 = arith.constant 64 : index
          %get3A_1725 = tpu.vector_load %arg18[%get3A_1723, %get3A_1724] {strides = array<i32>} : memref<128x256xf32, #tpu.memory_space<vmem>>, vector<16xf32>,
          %max3A_1726 = arith.maximumf %get3A_1722, %get3A_1725 : vector<16xf32>
          %get3A_1727 = arith.index_cast %squeeze3A_1687 : i32 to index
          %get3A_1728 = arith.constant 80 : index
          %get3A_1729 = tpu.vector_load %arg9[%get3A_1727, %get3A_1728] {strides = array<i32>} : memref<328x128xf32, #tpu.memory_space<vmem>>, vector<16xf32>,
          %get3A_1730 = arith.index_cast %squeeze3A_1689 : i32 to index
          %get3A_1731 = arith.constant 80 : index
          %get3A_1732 = tpu.vector_load %arg18[%get3A_1730, %get3A_1731] {strides = array<i32>} : memref<128x256xf32, #tpu.memory_space<vmem>>, vector<16xf32>,
          %max3A_1733 = arith.maximumf %get3A_1729, %get3A_1732 : vector<16xf32>
          %get3A_1734 = arith.index_cast %squeeze3A_1687 : i32 to index
          %get3A_1735 = arith.constant 96 : index
          %get3A_1736 = tpu.vector_load %arg9[%get3A_1734, %get3A_1735] {strides = array<i32>} : memref<328x128xf32, #tpu.memory_space<vmem>>, vector<16xf32>,
          %get3A_1737 = arith.index_cast %squeeze3A_1689 : i32 to index
          %get3A_1738 = arith.constant 96 : index
          %get3A_1739 = tpu.vector_load %arg18[%get3A_1737, %get3A_1738] {strides = array<i32>} : memref<128x256xf32, #tpu.memory_space<vmem>>, vector<16xf32>,
          %max3A_1740 = arith.maximumf %get3A_1736, %get3A_1739 : vector<16xf32>
          %get3A_1741 = arith.index_cast %squeeze3A_1687 : i32 to index
          %get3A_1742 = arith.constant 112 : index
          %get3A_1743 = tpu.vector_load %arg9[%get3A_1741, %get3A_1742] {strides = array<i32>} : memref<328x128xf32, #tpu.memory_space<vmem>>, vector<16xf32>,
          %get3A_1744 = arith.index_cast %squeeze3A_1689 : i32 to index
          %get3A_1745 = arith.constant 112 : index
          %get3A_1746 = tpu.vector_load %arg18[%get3A_1744, %get3A_1745] {strides = array<i32>} : memref<128x256xf32, #tpu.memory_space<vmem>>, vector<16xf32>,
          %max3A_1747 = arith.maximumf %get3A_1743, %get3A_1746 : vector<16xf32>
          %get3A_1748 = arith.index_cast %mul3A_1691 : i32 to index
          %get3A_1749 = tpu.vector_load %arg10[%get3A_1748] {strides = array<i32>} : memref<5136xf32, #tpu.memory_space<vmem>>, vector<16xf32>,
          %get3A_1750 = arith.index_cast %squeeze3A_1689 : i32 to index
          %get3A_1751 = arith.constant 128 : index
          %get3A_1752 = tpu.vector_load %arg18[%get3A_1750, %get3A_1751] {strides = array<i32>} : memref<128x256xf32, #tpu.memory_space<vmem>>, vector<16xf32>,
          %max3A_1753 = arith.maximumf %get3A_1749, %get3A_1752 : vector<16xf32>
          %swap3A_1754 = arith.index_cast %squeeze3A_1687 : i32 to index
          %swap3A_1755 = arith.constant 0 : index
          %swap3A_1756 = tpu.vector_load %arg9[%swap3A_1754, %swap3A_1755] {strides = array<i32>} : memref<328x128xf32, #tpu.memory_space<vmem>>, vector<16xf32>,
          tpu.vector_store %arg9[%swap3A_1754, %swap3A_1755], %max3A_1698 {strides = array<i32>} : memref<328x128xf32, #tpu.memory_space<vmem>>, vector<16xf32>,
          %swap3A_1757 = arith.index_cast %squeeze3A_1687 : i32 to index
          %swap3A_1758 = arith.constant 16 : index
          %swap3A_1759 = tpu.vector_load %arg9[%swap3A_1757, %swap3A_1758] {strides = array<i32>} : memref<328x128xf32, #tpu.memory_space<vmem>>, vector<16xf32>,
          tpu.vector_store %arg9[%swap3A_1757, %swap3A_1758], %max3A_1705 {strides = array<i32>} : memref<328x128xf32, #tpu.memory_space<vmem>>, vector<16xf32>,
          %swap3A_1760 = arith.index_cast %squeeze3A_1687 : i32 to index
          %swap3A_1761 = arith.constant 32 : index
          %swap3A_1762 = tpu.vector_load %arg9[%swap3A_1760, %swap3A_1761] {strides = array<i32>} : memref<328x128xf32, #tpu.memory_space<vmem>>, vector<16xf32>,
          tpu.vector_store %arg9[%swap3A_1760, %swap3A_1761], %max3A_1712 {strides = array<i32>} : memref<328x128xf32, #tpu.memory_space<vmem>>, vector<16xf32>,
          %swap3A_1763 = arith.index_cast %squeeze3A_1687 : i32 to index
          %swap3A_1764 = arith.constant 48 : index
          %swap3A_1765 = tpu.vector_load %arg9[%swap3A_1763, %swap3A_1764] {strides = array<i32>} : memref<328x128xf32, #tpu.memory_space<vmem>>, vector<16xf32>,
          tpu.vector_store %arg9[%swap3A_1763, %swap3A_1764], %max3A_1719 {strides = array<i32>} : memref<328x128xf32, #tpu.memory_space<vmem>>, vector<16xf32>,
          %swap3A_1766 = arith.index_cast %squeeze3A_1687 : i32 to index
          %swap3A_1767 = arith.constant 64 : index
          %swap3A_1768 = tpu.vector_load %arg9[%swap3A_1766, %swap3A_1767] {strides = array<i32>} : memref<328x128xf32, #tpu.memory_space<vmem>>, vector<16xf32>,
          tpu.vector_store %arg9[%swap3A_1766, %swap3A_1767], %max3A_1726 {strides = array<i32>} : memref<328x128xf32, #tpu.memory_space<vmem>>, vector<16xf32>,
          %swap3A_1769 = arith.index_cast %squeeze3A_1687 : i32 to index
          %swap3A_1770 = arith.constant 80 : index
          %swap3A_1771 = tpu.vector_load %arg9[%swap3A_1769, %swap3A_1770] {strides = array<i32>} : memref<328x128xf32, #tpu.memory_space<vmem>>, vector<16xf32>,
          tpu.vector_store %arg9[%swap3A_1769, %swap3A_1770], %max3A_1733 {strides = array<i32>} : memref<328x128xf32, #tpu.memory_space<vmem>>, vector<16xf32>,
          %swap3A_1772 = arith.index_cast %squeeze3A_1687 : i32 to index
          %swap3A_1773 = arith.constant 96 : index
          %swap3A_1774 = tpu.vector_load %arg9[%swap3A_1772, %swap3A_1773] {strides = array<i32>} : memref<328x128xf32, #tpu.memory_space<vmem>>, vector<16xf32>,
          tpu.vector_store %arg9[%swap3A_1772, %swap3A_1773], %max3A_1740 {strides = array<i32>} : memref<328x128xf32, #tpu.memory_space<vmem>>, vector<16xf32>,
          %swap3A_1775 = arith.index_cast %squeeze3A_1687 : i32 to index
          %swap3A_1776 = arith.constant 112 : index
          %swap3A_1777 = tpu.vector_load %arg9[%swap3A_1775, %swap3A_1776] {strides = array<i32>} : memref<328x128xf32, #tpu.memory_space<vmem>>, vector<16xf32>,
          tpu.vector_store %arg9[%swap3A_1775, %swap3A_1776], %max3A_1747 {strides = array<i32>} : memref<328x128xf32, #tpu.memory_space<vmem>>, vector<16xf32>,
          %swap3A_1778 = arith.index_cast %mul3A_1691 : i32 to index
          %swap3A_1779 = tpu.vector_load %arg10[%swap3A_1778] {strides = array<i32>} : memref<5136xf32, #tpu.memory_space<vmem>>, vector<16xf32>,
          tpu.vector_store %arg10[%swap3A_1778], %max3A_1753 {strides = array<i32>} : memref<5136xf32, #tpu.memory_space<vmem>>, vector<16xf32>,
        }
        %while3A_267 = arith.constant 1 : i32
        scf.for %while3A_268 = %while3A_265 to %while3A_261 step %while3A_267  : i32 {
          %mul3A_269 = arith.constant 16 : i32
          %mul3A_270 = arith.muli %while3A_268, %mul3A_269 : i32
          %multiple_of3A_271 = tpu.assume_multiple %mul3A_270, 16 : i32
          %get3A = arith.index_cast %multiple_of3A_271 : i32 to index
          %get3A_272 = tpu.vector_load %arg17[%get3A] {strides = array<i32>} : memref<16400xi32, #tpu.memory_space<vmem>>, vector<16xi32>,
          %and3A_273 = arith.constant 511 : i32
          %and3A_274 = vector.broadcast %and3A_273 : i32 to vector<16xi32>
          %and3A_275 = arith.andi %get3A_272, %and3A_274 : vector<16xi32>
          %shift_right_arithmetic3A = arith.constant 9 : i32
          %shift_right_arithmetic3A_276 = vector.broadcast %shift_right_arithmetic3A : i32 to vector<16xi32>
          %shift_right_arithmetic3A_277 = arith.shrsi %get3A_272, %shift_right_arithmetic3A_276 : vector<16xi32>
          %sub3A_278 = vector.broadcast %multiple_of3A_113 : i32 to vector<16xi32>
          %sub3A_279 = arith.subi %shift_right_arithmetic3A_277, %sub3A_278 : vector<16xi32>
          %slice3A = vector.extract_strided_slice %and3A_275 {offsets = [0], sizes = [1], strides = [1]} : vector<16xi32> to vector<1xi32>
          %squeeze3A = vector.extract %slice3A[0] : i32 from vector<1xi32>
          %slice3A_280 = vector.extract_strided_slice %sub3A_279 {offsets = [0], sizes = [1], strides = [1]} : vector<16xi32> to vector<1xi32>
          %squeeze3A_281 = vector.extract %slice3A_280[0] : i32 from vector<1xi32>
          %mul3A_282 = arith.constant 16 : i32
          %mul3A_283 = arith.muli %squeeze3A, %mul3A_282 : i32
          %get3A_284 = arith.index_cast %squeeze3A : i32 to index
          %get3A_285 = arith.constant 0 : index
          %get3A_286 = tpu.vector_load %arg9[%get3A_284, %get3A_285] {strides = array<i32>} : memref<328x128xf32, #tpu.memory_space<vmem>>, vector<16xf32>,
          %get3A_287 = arith.index_cast %squeeze3A_281 : i32 to index
          %get3A_288 = arith.constant 0 : index
          %get3A_289 = tpu.vector_load %arg18[%get3A_287, %get3A_288] {strides = array<i32>} : memref<128x256xf32, #tpu.memory_space<vmem>>, vector<16xf32>,
          %max3A = arith.maximumf %get3A_286, %get3A_289 : vector<16xf32>
          %get3A_290 = arith.index_cast %squeeze3A : i32 to index
          %get3A_291 = arith.constant 16 : index
          %get3A_292 = tpu.vector_load %arg9[%get3A_290, %get3A_291] {strides = array<i32>} : memref<328x128xf32, #tpu.memory_space<vmem>>, vector<16xf32>,
          %get3A_293 = arith.index_cast %squeeze3A_281 : i32 to index
          %get3A_294 = arith.constant 16 : index
          %get3A_295 = tpu.vector_load %arg18[%get3A_293, %get3A_294] {strides = array<i32>} : memref<128x256xf32, #tpu.memory_space<vmem>>, vector<16xf32>,
          %max3A_296 = arith.maximumf %get3A_292, %get3A_295 : vector<16xf32>
          %get3A_297 = arith.index_cast %squeeze3A : i32 to index
          %get3A_298 = arith.constant 32 : index
          %get3A_299 = tpu.vector_load %arg9[%get3A_297, %get3A_298] {strides = array<i32>} : memref<328x128xf32, #tpu.memory_space<vmem>>, vector<16xf32>,
          %get3A_300 = arith.index_cast %squeeze3A_281 : i32 to index
          %get3A_301 = arith.constant 32 : index
          %get3A_302 = tpu.vector_load %arg18[%get3A_300, %get3A_301] {strides = array<i32>} : memref<128x256xf32, #tpu.memory_space<vmem>>, vector<16xf32>,
          %max3A_303 = arith.maximumf %get3A_299, %get3A_302 : vector<16xf32>
          %get3A_304 = arith.index_cast %squeeze3A : i32 to index
          %get3A_305 = arith.constant 48 : index
          %get3A_306 = tpu.vector_load %arg9[%get3A_304, %get3A_305] {strides = array<i32>} : memref<328x128xf32, #tpu.memory_space<vmem>>, vector<16xf32>,
          %get3A_307 = arith.index_cast %squeeze3A_281 : i32 to index
          %get3A_308 = arith.constant 48 : index
          %get3A_309 = tpu.vector_load %arg18[%get3A_307, %get3A_308] {strides = array<i32>} : memref<128x256xf32, #tpu.memory_space<vmem>>, vector<16xf32>,
          %max3A_310 = arith.maximumf %get3A_306, %get3A_309 : vector<16xf32>
          %get3A_311 = arith.index_cast %squeeze3A : i32 to index
          %get3A_312 = arith.constant 64 : index
          %get3A_313 = tpu.vector_load %arg9[%get3A_311, %get3A_312] {strides = array<i32>} : memref<328x128xf32, #tpu.memory_space<vmem>>, vector<16xf32>,
          %get3A_314 = arith.index_cast %squeeze3A_281 : i32 to index
          %get3A_315 = arith.constant 64 : index
          %get3A_316 = tpu.vector_load %arg18[%get3A_314, %get3A_315] {strides = array<i32>} : memref<128x256xf32, #tpu.memory_space<vmem>>, vector<16xf32>,
          %max3A_317 = arith.maximumf %get3A_313, %get3A_316 : vector<16xf32>
          %get3A_318 = arith.index_cast %squeeze3A : i32 to index
          %get3A_319 = arith.constant 80 : index
          %get3A_320 = tpu.vector_load %arg9[%get3A_318, %get3A_319] {strides = array<i32>} : memref<328x128xf32, #tpu.memory_space<vmem>>, vector<16xf32>,
          %get3A_321 = arith.index_cast %squeeze3A_281 : i32 to index
          %get3A_322 = arith.constant 80 : index
          %get3A_323 = tpu.vector_load %arg18[%get3A_321, %get3A_322] {strides = array<i32>} : memref<128x256xf32, #tpu.memory_space<vmem>>, vector<16xf32>,
          %max3A_324 = arith.maximumf %get3A_320, %get3A_323 : vector<16xf32>
          %get3A_325 = arith.index_cast %squeeze3A : i32 to index
          %get3A_326 = arith.constant 96 : index
          %get3A_327 = tpu.vector_load %arg9[%get3A_325, %get3A_326] {strides = array<i32>} : memref<328x128xf32, #tpu.memory_space<vmem>>, vector<16xf32>,
          %get3A_328 = arith.index_cast %squeeze3A_281 : i32 to index
          %get3A_329 = arith.constant 96 : index
          %get3A_330 = tpu.vector_load %arg18[%get3A_328, %get3A_329] {strides = array<i32>} : memref<128x256xf32, #tpu.memory_space<vmem>>, vector<16xf32>,
          %max3A_331 = arith.maximumf %get3A_327, %get3A_330 : vector<16xf32>
          %get3A_332 = arith.index_cast %squeeze3A : i32 to index
          %get3A_333 = arith.constant 112 : index
          %get3A_334 = tpu.vector_load %arg9[%get3A_332, %get3A_333] {strides = array<i32>} : memref<328x128xf32, #tpu.memory_space<vmem>>, vector<16xf32>,
          %get3A_335 = arith.index_cast %squeeze3A_281 : i32 to index
          %get3A_336 = arith.constant 112 : index
          %get3A_337 = tpu.vector_load %arg18[%get3A_335, %get3A_336] {strides = array<i32>} : memref<128x256xf32, #tpu.memory_space<vmem>>, vector<16xf32>,
          %max3A_338 = arith.maximumf %get3A_334, %get3A_337 : vector<16xf32>
          %get3A_339 = arith.index_cast %mul3A_283 : i32 to index
          %get3A_340 = tpu.vector_load %arg10[%get3A_339] {strides = array<i32>} : memref<5136xf32, #tpu.memory_space<vmem>>, vector<16xf32>,
          %get3A_341 = arith.index_cast %squeeze3A_281 : i32 to index
          %get3A_342 = arith.constant 128 : index
          %get3A_343 = tpu.vector_load %arg18[%get3A_341, %get3A_342] {strides = array<i32>} : memref<128x256xf32, #tpu.memory_space<vmem>>, vector<16xf32>,
          %max3A_344 = arith.maximumf %get3A_340, %get3A_343 : vector<16xf32>
          %swap3A = arith.index_cast %squeeze3A : i32 to index
          %swap3A_345 = arith.constant 0 : index
          %swap3A_346 = tpu.vector_load %arg9[%swap3A, %swap3A_345] {strides = array<i32>} : memref<328x128xf32, #tpu.memory_space<vmem>>, vector<16xf32>,
          tpu.vector_store %arg9[%swap3A, %swap3A_345], %max3A {strides = array<i32>} : memref<328x128xf32, #tpu.memory_space<vmem>>, vector<16xf32>,
          %swap3A_347 = arith.index_cast %squeeze3A : i32 to index
          %swap3A_348 = arith.constant 16 : index
          %swap3A_349 = tpu.vector_load %arg9[%swap3A_347, %swap3A_348] {strides = array<i32>} : memref<328x128xf32, #tpu.memory_space<vmem>>, vector<16xf32>,
          tpu.vector_store %arg9[%swap3A_347, %swap3A_348], %max3A_296 {strides = array<i32>} : memref<328x128xf32, #tpu.memory_space<vmem>>, vector<16xf32>,
          %swap3A_350 = arith.index_cast %squeeze3A : i32 to index
          %swap3A_351 = arith.constant 32 : index
          %swap3A_352 = tpu.vector_load %arg9[%swap3A_350, %swap3A_351] {strides = array<i32>} : memref<328x128xf32, #tpu.memory_space<vmem>>, vector<16xf32>,
          tpu.vector_store %arg9[%swap3A_350, %swap3A_351], %max3A_303 {strides = array<i32>} : memref<328x128xf32, #tpu.memory_space<vmem>>, vector<16xf32>,
          %swap3A_353 = arith.index_cast %squeeze3A : i32 to index
          %swap3A_354 = arith.constant 48 : index
          %swap3A_355 = tpu.vector_load %arg9[%swap3A_353, %swap3A_354] {strides = array<i32>} : memref<328x128xf32, #tpu.memory_space<vmem>>, vector<16xf32>,
          tpu.vector_store %arg9[%swap3A_353, %swap3A_354], %max3A_310 {strides = array<i32>} : memref<328x128xf32, #tpu.memory_space<vmem>>, vector<16xf32>,
          %swap3A_356 = arith.index_cast %squeeze3A : i32 to index
          %swap3A_357 = arith.constant 64 : index
          %swap3A_358 = tpu.vector_load %arg9[%swap3A_356, %swap3A_357] {strides = array<i32>} : memref<328x128xf32, #tpu.memory_space<vmem>>, vector<16xf32>,
          tpu.vector_store %arg9[%swap3A_356, %swap3A_357], %max3A_317 {strides = array<i32>} : memref<328x128xf32, #tpu.memory_space<vmem>>, vector<16xf32>,
          %swap3A_359 = arith.index_cast %squeeze3A : i32 to index
          %swap3A_360 = arith.constant 80 : index
          %swap3A_361 = tpu.vector_load %arg9[%swap3A_359, %swap3A_360] {strides = array<i32>} : memref<328x128xf32, #tpu.memory_space<vmem>>, vector<16xf32>,
          tpu.vector_store %arg9[%swap3A_359, %swap3A_360], %max3A_324 {strides = array<i32>} : memref<328x128xf32, #tpu.memory_space<vmem>>, vector<16xf32>,
          %swap3A_362 = arith.index_cast %squeeze3A : i32 to index
          %swap3A_363 = arith.constant 96 : index
          %swap3A_364 = tpu.vector_load %arg9[%swap3A_362, %swap3A_363] {strides = array<i32>} : memref<328x128xf32, #tpu.memory_space<vmem>>, vector<16xf32>,
          tpu.vector_store %arg9[%swap3A_362, %swap3A_363], %max3A_331 {strides = array<i32>} : memref<328x128xf32, #tpu.memory_space<vmem>>, vector<16xf32>,
          %swap3A_365 = arith.index_cast %squeeze3A : i32 to index
          %swap3A_366 = arith.constant 112 : index
          %swap3A_367 = tpu.vector_load %arg9[%swap3A_365, %swap3A_366] {strides = array<i32>} : memref<328x128xf32, #tpu.memory_space<vmem>>, vector<16xf32>,
          tpu.vector_store %arg9[%swap3A_365, %swap3A_366], %max3A_338 {strides = array<i32>} : memref<328x128xf32, #tpu.memory_space<vmem>>, vector<16xf32>,
          %swap3A_368 = arith.index_cast %mul3A_283 : i32 to index
          %swap3A_369 = tpu.vector_load %arg10[%swap3A_368] {strides = array<i32>} : memref<5136xf32, #tpu.memory_space<vmem>>, vector<16xf32>,
          tpu.vector_store %arg10[%swap3A_368], %max3A_344 {strides = array<i32>} : memref<5136xf32, #tpu.memory_space<vmem>>, vector<16xf32>,
          %slice3A_370 = vector.extract_strided_slice %and3A_275 {offsets = [1], sizes = [1], strides = [1]} : vector<16xi32> to vector<1xi32>
          %squeeze3A_371 = vector.extract %slice3A_370[0] : i32 from vector<1xi32>
          %slice3A_372 = vector.extract_strided_slice %sub3A_279 {offsets = [1], sizes = [1], strides = [1]} : vector<16xi32> to vector<1xi32>
          %squeeze3A_373 = vector.extract %slice3A_372[0] : i32 from vector<1xi32>
          %mul3A_374 = arith.constant 16 : i32
          %mul3A_375 = arith.muli %squeeze3A_371, %mul3A_374 : i32
          %get3A_376 = arith.index_cast %squeeze3A_371 : i32 to index
          %get3A_377 = arith.constant 0 : index
          %get3A_378 = tpu.vector_load %arg9[%get3A_376, %get3A_377] {strides = array<i32>} : memref<328x128xf32, #tpu.memory_space<vmem>>, vector<16xf32>,
          %get3A_379 = arith.index_cast %squeeze3A_373 : i32 to index
          %get3A_380 = arith.constant 0 : index
          %get3A_381 = tpu.vector_load %arg18[%get3A_379, %get3A_380] {strides = array<i32>} : memref<128x256xf32, #tpu.memory_space<vmem>>, vector<16xf32>,
          %max3A_382 = arith.maximumf %get3A_378, %get3A_381 : vector<16xf32>
          %get3A_383 = arith.index_cast %squeeze3A_371 : i32 to index
          %get3A_384 = arith.constant 16 : index
          %get3A_385 = tpu.vector_load %arg9[%get3A_383, %get3A_384] {strides = array<i32>} : memref<328x128xf32, #tpu.memory_space<vmem>>, vector<16xf32>,
          %get3A_386 = arith.index_cast %squeeze3A_373 : i32 to index
          %get3A_387 = arith.constant 16 : index
          %get3A_388 = tpu.vector_load %arg18[%get3A_386, %get3A_387] {strides = array<i32>} : memref<128x256xf32, #tpu.memory_space<vmem>>, vector<16xf32>,
          %max3A_389 = arith.maximumf %get3A_385, %get3A_388 : vector<16xf32>
          %get3A_390 = arith.index_cast %squeeze3A_371 : i32 to index
          %get3A_391 = arith.constant 32 : index
          %get3A_392 = tpu.vector_load %arg9[%get3A_390, %get3A_391] {strides = array<i32>} : memref<328x128xf32, #tpu.memory_space<vmem>>, vector<16xf32>,
          %get3A_393 = arith.index_cast %squeeze3A_373 : i32 to index
          %get3A_394 = arith.constant 32 : index
          %get3A_395 = tpu.vector_load %arg18[%get3A_393, %get3A_394] {strides = array<i32>} : memref<128x256xf32, #tpu.memory_space<vmem>>, vector<16xf32>,
          %max3A_396 = arith.maximumf %get3A_392, %get3A_395 : vector<16xf32>
          %get3A_397 = arith.index_cast %squeeze3A_371 : i32 to index
          %get3A_398 = arith.constant 48 : index
          %get3A_399 = tpu.vector_load %arg9[%get3A_397, %get3A_398] {strides = array<i32>} : memref<328x128xf32, #tpu.memory_space<vmem>>, vector<16xf32>,
          %get3A_400 = arith.index_cast %squeeze3A_373 : i32 to index
          %get3A_401 = arith.constant 48 : index
          %get3A_402 = tpu.vector_load %arg18[%get3A_400, %get3A_401] {strides = array<i32>} : memref<128x256xf32, #tpu.memory_space<vmem>>, vector<16xf32>,
          %max3A_403 = arith.maximumf %get3A_399, %get3A_402 : vector<16xf32>
          %get3A_404 = arith.index_cast %squeeze3A_371 : i32 to index
          %get3A_405 = arith.constant 64 : index
          %get3A_406 = tpu.vector_load %arg9[%get3A_404, %get3A_405] {strides = array<i32>} : memref<328x128xf32, #tpu.memory_space<vmem>>, vector<16xf32>,
          %get3A_407 = arith.index_cast %squeeze3A_373 : i32 to index
          %get3A_408 = arith.constant 64 : index
          %get3A_409 = tpu.vector_load %arg18[%get3A_407, %get3A_408] {strides = array<i32>} : memref<128x256xf32, #tpu.memory_space<vmem>>, vector<16xf32>,
          %max3A_410 = arith.maximumf %get3A_406, %get3A_409 : vector<16xf32>
          %get3A_411 = arith.index_cast %squeeze3A_371 : i32 to index
          %get3A_412 = arith.constant 80 : index
          %get3A_413 = tpu.vector_load %arg9[%get3A_411, %get3A_412] {strides = array<i32>} : memref<328x128xf32, #tpu.memory_space<vmem>>, vector<16xf32>,
          %get3A_414 = arith.index_cast %squeeze3A_373 : i32 to index
          %get3A_415 = arith.constant 80 : index
          %get3A_416 = tpu.vector_load %arg18[%get3A_414, %get3A_415] {strides = array<i32>} : memref<128x256xf32, #tpu.memory_space<vmem>>, vector<16xf32>,
          %max3A_417 = arith.maximumf %get3A_413, %get3A_416 : vector<16xf32>
          %get3A_418 = arith.index_cast %squeeze3A_371 : i32 to index
          %get3A_419 = arith.constant 96 : index
          %get3A_420 = tpu.vector_load %arg9[%get3A_418, %get3A_419] {strides = array<i32>} : memref<328x128xf32, #tpu.memory_space<vmem>>, vector<16xf32>,
          %get3A_421 = arith.index_cast %squeeze3A_373 : i32 to index
          %get3A_422 = arith.constant 96 : index
          %get3A_423 = tpu.vector_load %arg18[%get3A_421, %get3A_422] {strides = array<i32>} : memref<128x256xf32, #tpu.memory_space<vmem>>, vector<16xf32>,
          %max3A_424 = arith.maximumf %get3A_420, %get3A_423 : vector<16xf32>
          %get3A_425 = arith.index_cast %squeeze3A_371 : i32 to index
          %get3A_426 = arith.constant 112 : index
          %get3A_427 = tpu.vector_load %arg9[%get3A_425, %get3A_426] {strides = array<i32>} : memref<328x128xf32, #tpu.memory_space<vmem>>, vector<16xf32>,
          %get3A_428 = arith.index_cast %squeeze3A_373 : i32 to index
          %get3A_429 = arith.constant 112 : index
          %get3A_430 = tpu.vector_load %arg18[%get3A_428, %get3A_429] {strides = array<i32>} : memref<128x256xf32, #tpu.memory_space<vmem>>, vector<16xf32>,
          %max3A_431 = arith.maximumf %get3A_427, %get3A_430 : vector<16xf32>
          %get3A_432 = arith.index_cast %mul3A_375 : i32 to index
          %get3A_433 = tpu.vector_load %arg10[%get3A_432] {strides = array<i32>} : memref<5136xf32, #tpu.memory_space<vmem>>, vector<16xf32>,
          %get3A_434 = arith.index_cast %squeeze3A_373 : i32 to index
          %get3A_435 = arith.constant 128 : index
          %get3A_436 = tpu.vector_load %arg18[%get3A_434, %get3A_435] {strides = array<i32>} : memref<128x256xf32, #tpu.memory_space<vmem>>, vector<16xf32>,
          %max3A_437 = arith.maximumf %get3A_433, %get3A_436 : vector<16xf32>
          %swap3A_438 = arith.index_cast %squeeze3A_371 : i32 to index
          %swap3A_439 = arith.constant 0 : index
          %swap3A_440 = tpu.vector_load %arg9[%swap3A_438, %swap3A_439] {strides = array<i32>} : memref<328x128xf32, #tpu.memory_space<vmem>>, vector<16xf32>,
          tpu.vector_store %arg9[%swap3A_438, %swap3A_439], %max3A_382 {strides = array<i32>} : memref<328x128xf32, #tpu.memory_space<vmem>>, vector<16xf32>,
          %swap3A_441 = arith.index_cast %squeeze3A_371 : i32 to index
          %swap3A_442 = arith.constant 16 : index
          %swap3A_443 = tpu.vector_load %arg9[%swap3A_441, %swap3A_442] {strides = array<i32>} : memref<328x128xf32, #tpu.memory_space<vmem>>, vector<16xf32>,
          tpu.vector_store %arg9[%swap3A_441, %swap3A_442], %max3A_389 {strides = array<i32>} : memref<328x128xf32, #tpu.memory_space<vmem>>, vector<16xf32>,
          %swap3A_444 = arith.index_cast %squeeze3A_371 : i32 to index
          %swap3A_445 = arith.constant 32 : index
          %swap3A_446 = tpu.vector_load %arg9[%swap3A_444, %swap3A_445] {strides = array<i32>} : memref<328x128xf32, #tpu.memory_space<vmem>>, vector<16xf32>,
          tpu.vector_store %arg9[%swap3A_444, %swap3A_445], %max3A_396 {strides = array<i32>} : memref<328x128xf32, #tpu.memory_space<vmem>>, vector<16xf32>,
          %swap3A_447 = arith.index_cast %squeeze3A_371 : i32 to index
          %swap3A_448 = arith.constant 48 : index
          %swap3A_449 = tpu.vector_load %arg9[%swap3A_447, %swap3A_448] {strides = array<i32>} : memref<328x128xf32, #tpu.memory_space<vmem>>, vector<16xf32>,
          tpu.vector_store %arg9[%swap3A_447, %swap3A_448], %max3A_403 {strides = array<i32>} : memref<328x128xf32, #tpu.memory_space<vmem>>, vector<16xf32>,
          %swap3A_450 = arith.index_cast %squeeze3A_371 : i32 to index
          %swap3A_451 = arith.constant 64 : index
          %swap3A_452 = tpu.vector_load %arg9[%swap3A_450, %swap3A_451] {strides = array<i32>} : memref<328x128xf32, #tpu.memory_space<vmem>>, vector<16xf32>,
          tpu.vector_store %arg9[%swap3A_450, %swap3A_451], %max3A_410 {strides = array<i32>} : memref<328x128xf32, #tpu.memory_space<vmem>>, vector<16xf32>,
          %swap3A_453 = arith.index_cast %squeeze3A_371 : i32 to index
          %swap3A_454 = arith.constant 80 : index
          %swap3A_455 = tpu.vector_load %arg9[%swap3A_453, %swap3A_454] {strides = array<i32>} : memref<328x128xf32, #tpu.memory_space<vmem>>, vector<16xf32>,
          tpu.vector_store %arg9[%swap3A_453, %swap3A_454], %max3A_417 {strides = array<i32>} : memref<328x128xf32, #tpu.memory_space<vmem>>, vector<16xf32>,
          %swap3A_456 = arith.index_cast %squeeze3A_371 : i32 to index
          %swap3A_457 = arith.constant 96 : index
          %swap3A_458 = tpu.vector_load %arg9[%swap3A_456, %swap3A_457] {strides = array<i32>} : memref<328x128xf32, #tpu.memory_space<vmem>>, vector<16xf32>,
          tpu.vector_store %arg9[%swap3A_456, %swap3A_457], %max3A_424 {strides = array<i32>} : memref<328x128xf32, #tpu.memory_space<vmem>>, vector<16xf32>,
          %swap3A_459 = arith.index_cast %squeeze3A_371 : i32 to index
          %swap3A_460 = arith.constant 112 : index
          %swap3A_461 = tpu.vector_load %arg9[%swap3A_459, %swap3A_460] {strides = array<i32>} : memref<328x128xf32, #tpu.memory_space<vmem>>, vector<16xf32>,
          tpu.vector_store %arg9[%swap3A_459, %swap3A_460], %max3A_431 {strides = array<i32>} : memref<328x128xf32, #tpu.memory_space<vmem>>, vector<16xf32>,
          %swap3A_462 = arith.index_cast %mul3A_375 : i32 to index
          %swap3A_463 = tpu.vector_load %arg10[%swap3A_462] {strides = array<i32>} : memref<5136xf32, #tpu.memory_space<vmem>>, vector<16xf32>,
          tpu.vector_store %arg10[%swap3A_462], %max3A_437 {strides = array<i32>} : memref<5136xf32, #tpu.memory_space<vmem>>, vector<16xf32>,
          %slice3A_464 = vector.extract_strided_slice %and3A_275 {offsets = [2], sizes = [1], strides = [1]} : vector<16xi32> to vector<1xi32>
          %squeeze3A_465 = vector.extract %slice3A_464[0] : i32 from vector<1xi32>
          %slice3A_466 = vector.extract_strided_slice %sub3A_279 {offsets = [2], sizes = [1], strides = [1]} : vector<16xi32> to vector<1xi32>
          %squeeze3A_467 = vector.extract %slice3A_466[0] : i32 from vector<1xi32>
          %mul3A_468 = arith.constant 16 : i32
          %mul3A_469 = arith.muli %squeeze3A_465, %mul3A_468 : i32
          %get3A_470 = arith.index_cast %squeeze3A_465 : i32 to index
          %get3A_471 = arith.constant 0 : index
          %get3A_472 = tpu.vector_load %arg9[%get3A_470, %get3A_471] {strides = array<i32>} : memref<328x128xf32, #tpu.memory_space<vmem>>, vector<16xf32>,
          %get3A_473 = arith.index_cast %squeeze3A_467 : i32 to index
          %get3A_474 = arith.constant 0 : index
          %get3A_475 = tpu.vector_load %arg18[%get3A_473, %get3A_474] {strides = array<i32>} : memref<128x256xf32, #tpu.memory_space<vmem>>, vector<16xf32>,
          %max3A_476 = arith.maximumf %get3A_472, %get3A_475 : vector<16xf32>
          %get3A_477 = arith.index_cast %squeeze3A_465 : i32 to index
          %get3A_478 = arith.constant 16 : index
          %get3A_479 = tpu.vector_load %arg9[%get3A_477, %get3A_478] {strides = array<i32>} : memref<328x128xf32, #tpu.memory_space<vmem>>, vector<16xf32>,
          %get3A_480 = arith.index_cast %squeeze3A_467 : i32 to index
          %get3A_481 = arith.constant 16 : index
          %get3A_482 = tpu.vector_load %arg18[%get3A_480, %get3A_481] {strides = array<i32>} : memref<128x256xf32, #tpu.memory_space<vmem>>, vector<16xf32>,
          %max3A_483 = arith.maximumf %get3A_479, %get3A_482 : vector<16xf32>
          %get3A_484 = arith.index_cast %squeeze3A_465 : i32 to index
          %get3A_485 = arith.constant 32 : index
          %get3A_486 = tpu.vector_load %arg9[%get3A_484, %get3A_485] {strides = array<i32>} : memref<328x128xf32, #tpu.memory_space<vmem>>, vector<16xf32>,
          %get3A_487 = arith.index_cast %squeeze3A_467 : i32 to index
          %get3A_488 = arith.constant 32 : index
          %get3A_489 = tpu.vector_load %arg18[%get3A_487, %get3A_488] {strides = array<i32>} : memref<128x256xf32, #tpu.memory_space<vmem>>, vector<16xf32>,
          %max3A_490 = arith.maximumf %get3A_486, %get3A_489 : vector<16xf32>
          %get3A_491 = arith.index_cast %squeeze3A_465 : i32 to index
          %get3A_492 = arith.constant 48 : index
          %get3A_493 = tpu.vector_load %arg9[%get3A_491, %get3A_492] {strides = array<i32>} : memref<328x128xf32, #tpu.memory_space<vmem>>, vector<16xf32>,
          %get3A_494 = arith.index_cast %squeeze3A_467 : i32 to index
          %get3A_495 = arith.constant 48 : index
          %get3A_496 = tpu.vector_load %arg18[%get3A_494, %get3A_495] {strides = array<i32>} : memref<128x256xf32, #tpu.memory_space<vmem>>, vector<16xf32>,
          %max3A_497 = arith.maximumf %get3A_493, %get3A_496 : vector<16xf32>
          %get3A_498 = arith.index_cast %squeeze3A_465 : i32 to index
          %get3A_499 = arith.constant 64 : index
          %get3A_500 = tpu.vector_load %arg9[%get3A_498, %get3A_499] {strides = array<i32>} : memref<328x128xf32, #tpu.memory_space<vmem>>, vector<16xf32>,
          %get3A_501 = arith.index_cast %squeeze3A_467 : i32 to index
          %get3A_502 = arith.constant 64 : index
          %get3A_503 = tpu.vector_load %arg18[%get3A_501, %get3A_502] {strides = array<i32>} : memref<128x256xf32, #tpu.memory_space<vmem>>, vector<16xf32>,
          %max3A_504 = arith.maximumf %get3A_500, %get3A_503 : vector<16xf32>
          %get3A_505 = arith.index_cast %squeeze3A_465 : i32 to index
          %get3A_506 = arith.constant 80 : index
          %get3A_507 = tpu.vector_load %arg9[%get3A_505, %get3A_506] {strides = array<i32>} : memref<328x128xf32, #tpu.memory_space<vmem>>, vector<16xf32>,
          %get3A_508 = arith.index_cast %squeeze3A_467 : i32 to index
          %get3A_509 = arith.constant 80 : index
          %get3A_510 = tpu.vector_load %arg18[%get3A_508, %get3A_509] {strides = array<i32>} : memref<128x256xf32, #tpu.memory_space<vmem>>, vector<16xf32>,
          %max3A_511 = arith.maximumf %get3A_507, %get3A_510 : vector<16xf32>
          %get3A_512 = arith.index_cast %squeeze3A_465 : i32 to index
          %get3A_513 = arith.constant 96 : index
          %get3A_514 = tpu.vector_load %arg9[%get3A_512, %get3A_513] {strides = array<i32>} : memref<328x128xf32, #tpu.memory_space<vmem>>, vector<16xf32>,
          %get3A_515 = arith.index_cast %squeeze3A_467 : i32 to index
          %get3A_516 = arith.constant 96 : index
          %get3A_517 = tpu.vector_load %arg18[%get3A_515, %get3A_516] {strides = array<i32>} : memref<128x256xf32, #tpu.memory_space<vmem>>, vector<16xf32>,
          %max3A_518 = arith.maximumf %get3A_514, %get3A_517 : vector<16xf32>
          %get3A_519 = arith.index_cast %squeeze3A_465 : i32 to index
          %get3A_520 = arith.constant 112 : index
          %get3A_521 = tpu.vector_load %arg9[%get3A_519, %get3A_520] {strides = array<i32>} : memref<328x128xf32, #tpu.memory_space<vmem>>, vector<16xf32>,
          %get3A_522 = arith.index_cast %squeeze3A_467 : i32 to index
          %get3A_523 = arith.constant 112 : index
          %get3A_524 = tpu.vector_load %arg18[%get3A_522, %get3A_523] {strides = array<i32>} : memref<128x256xf32, #tpu.memory_space<vmem>>, vector<16xf32>,
          %max3A_525 = arith.maximumf %get3A_521, %get3A_524 : vector<16xf32>
          %get3A_526 = arith.index_cast %mul3A_469 : i32 to index
          %get3A_527 = tpu.vector_load %arg10[%get3A_526] {strides = array<i32>} : memref<5136xf32, #tpu.memory_space<vmem>>, vector<16xf32>,
          %get3A_528 = arith.index_cast %squeeze3A_467 : i32 to index
          %get3A_529 = arith.constant 128 : index
          %get3A_530 = tpu.vector_load %arg18[%get3A_528, %get3A_529] {strides = array<i32>} : memref<128x256xf32, #tpu.memory_space<vmem>>, vector<16xf32>,
          %max3A_531 = arith.maximumf %get3A_527, %get3A_530 : vector<16xf32>
          %swap3A_532 = arith.index_cast %squeeze3A_465 : i32 to index
          %swap3A_533 = arith.constant 0 : index
          %swap3A_534 = tpu.vector_load %arg9[%swap3A_532, %swap3A_533] {strides = array<i32>} : memref<328x128xf32, #tpu.memory_space<vmem>>, vector<16xf32>,
          tpu.vector_store %arg9[%swap3A_532, %swap3A_533], %max3A_476 {strides = array<i32>} : memref<328x128xf32, #tpu.memory_space<vmem>>, vector<16xf32>,
          %swap3A_535 = arith.index_cast %squeeze3A_465 : i32 to index
          %swap3A_536 = arith.constant 16 : index
          %swap3A_537 = tpu.vector_load %arg9[%swap3A_535, %swap3A_536] {strides = array<i32>} : memref<328x128xf32, #tpu.memory_space<vmem>>, vector<16xf32>,
          tpu.vector_store %arg9[%swap3A_535, %swap3A_536], %max3A_483 {strides = array<i32>} : memref<328x128xf32, #tpu.memory_space<vmem>>, vector<16xf32>,
          %swap3A_538 = arith.index_cast %squeeze3A_465 : i32 to index
          %swap3A_539 = arith.constant 32 : index
          %swap3A_540 = tpu.vector_load %arg9[%swap3A_538, %swap3A_539] {strides = array<i32>} : memref<328x128xf32, #tpu.memory_space<vmem>>, vector<16xf32>,
          tpu.vector_store %arg9[%swap3A_538, %swap3A_539], %max3A_490 {strides = array<i32>} : memref<328x128xf32, #tpu.memory_space<vmem>>, vector<16xf32>,
          %swap3A_541 = arith.index_cast %squeeze3A_465 : i32 to index
          %swap3A_542 = arith.constant 48 : index
          %swap3A_543 = tpu.vector_load %arg9[%swap3A_541, %swap3A_542] {strides = array<i32>} : memref<328x128xf32, #tpu.memory_space<vmem>>, vector<16xf32>,
          tpu.vector_store %arg9[%swap3A_541, %swap3A_542], %max3A_497 {strides = array<i32>} : memref<328x128xf32, #tpu.memory_space<vmem>>, vector<16xf32>,
          %swap3A_544 = arith.index_cast %squeeze3A_465 : i32 to index
          %swap3A_545 = arith.constant 64 : index
          %swap3A_546 = tpu.vector_load %arg9[%swap3A_544, %swap3A_545] {strides = array<i32>} : memref<328x128xf32, #tpu.memory_space<vmem>>, vector<16xf32>,
          tpu.vector_store %arg9[%swap3A_544, %swap3A_545], %max3A_504 {strides = array<i32>} : memref<328x128xf32, #tpu.memory_space<vmem>>, vector<16xf32>,
          %swap3A_547 = arith.index_cast %squeeze3A_465 : i32 to index
          %swap3A_548 = arith.constant 80 : index
          %swap3A_549 = tpu.vector_load %arg9[%swap3A_547, %swap3A_548] {strides = array<i32>} : memref<328x128xf32, #tpu.memory_space<vmem>>, vector<16xf32>,
          tpu.vector_store %arg9[%swap3A_547, %swap3A_548], %max3A_511 {strides = array<i32>} : memref<328x128xf32, #tpu.memory_space<vmem>>, vector<16xf32>,
          %swap3A_550 = arith.index_cast %squeeze3A_465 : i32 to index
          %swap3A_551 = arith.constant 96 : index
          %swap3A_552 = tpu.vector_load %arg9[%swap3A_550, %swap3A_551] {strides = array<i32>} : memref<328x128xf32, #tpu.memory_space<vmem>>, vector<16xf32>,
          tpu.vector_store %arg9[%swap3A_550, %swap3A_551], %max3A_518 {strides = array<i32>} : memref<328x128xf32, #tpu.memory_space<vmem>>, vector<16xf32>,
          %swap3A_553 = arith.index_cast %squeeze3A_465 : i32 to index
          %swap3A_554 = arith.constant 112 : index
          %swap3A_555 = tpu.vector_load %arg9[%swap3A_553, %swap3A_554] {strides = array<i32>} : memref<328x128xf32, #tpu.memory_space<vmem>>, vector<16xf32>,
          tpu.vector_store %arg9[%swap3A_553, %swap3A_554], %max3A_525 {strides = array<i32>} : memref<328x128xf32, #tpu.memory_space<vmem>>, vector<16xf32>,
          %swap3A_556 = arith.index_cast %mul3A_469 : i32 to index
          %swap3A_557 = tpu.vector_load %arg10[%swap3A_556] {strides = array<i32>} : memref<5136xf32, #tpu.memory_space<vmem>>, vector<16xf32>,
          tpu.vector_store %arg10[%swap3A_556], %max3A_531 {strides = array<i32>} : memref<5136xf32, #tpu.memory_space<vmem>>, vector<16xf32>,
          %slice3A_558 = vector.extract_strided_slice %and3A_275 {offsets = [3], sizes = [1], strides = [1]} : vector<16xi32> to vector<1xi32>
          %squeeze3A_559 = vector.extract %slice3A_558[0] : i32 from vector<1xi32>
          %slice3A_560 = vector.extract_strided_slice %sub3A_279 {offsets = [3], sizes = [1], strides = [1]} : vector<16xi32> to vector<1xi32>
          %squeeze3A_561 = vector.extract %slice3A_560[0] : i32 from vector<1xi32>
          %mul3A_562 = arith.constant 16 : i32
          %mul3A_563 = arith.muli %squeeze3A_559, %mul3A_562 : i32
          %get3A_564 = arith.index_cast %squeeze3A_559 : i32 to index
          %get3A_565 = arith.constant 0 : index
          %get3A_566 = tpu.vector_load %arg9[%get3A_564, %get3A_565] {strides = array<i32>} : memref<328x128xf32, #tpu.memory_space<vmem>>, vector<16xf32>,
          %get3A_567 = arith.index_cast %squeeze3A_561 : i32 to index
          %get3A_568 = arith.constant 0 : index
          %get3A_569 = tpu.vector_load %arg18[%get3A_567, %get3A_568] {strides = array<i32>} : memref<128x256xf32, #tpu.memory_space<vmem>>, vector<16xf32>,
          %max3A_570 = arith.maximumf %get3A_566, %get3A_569 : vector<16xf32>
          %get3A_571 = arith.index_cast %squeeze3A_559 : i32 to index
          %get3A_572 = arith.constant 16 : index
          %get3A_573 = tpu.vector_load %arg9[%get3A_571, %get3A_572] {strides = array<i32>} : memref<328x128xf32, #tpu.memory_space<vmem>>, vector<16xf32>,
          %get3A_574 = arith.index_cast %squeeze3A_561 : i32 to index
          %get3A_575 = arith.constant 16 : index
          %get3A_576 = tpu.vector_load %arg18[%get3A_574, %get3A_575] {strides = array<i32>} : memref<128x256xf32, #tpu.memory_space<vmem>>, vector<16xf32>,
          %max3A_577 = arith.maximumf %get3A_573, %get3A_576 : vector<16xf32>
          %get3A_578 = arith.index_cast %squeeze3A_559 : i32 to index
          %get3A_579 = arith.constant 32 : index
          %get3A_580 = tpu.vector_load %arg9[%get3A_578, %get3A_579] {strides = array<i32>} : memref<328x128xf32, #tpu.memory_space<vmem>>, vector<16xf32>,
          %get3A_581 = arith.index_cast %squeeze3A_561 : i32 to index
          %get3A_582 = arith.constant 32 : index
          %get3A_583 = tpu.vector_load %arg18[%get3A_581, %get3A_582] {strides = array<i32>} : memref<128x256xf32, #tpu.memory_space<vmem>>, vector<16xf32>,
          %max3A_584 = arith.maximumf %get3A_580, %get3A_583 : vector<16xf32>
          %get3A_585 = arith.index_cast %squeeze3A_559 : i32 to index
          %get3A_586 = arith.constant 48 : index
          %get3A_587 = tpu.vector_load %arg9[%get3A_585, %get3A_586] {strides = array<i32>} : memref<328x128xf32, #tpu.memory_space<vmem>>, vector<16xf32>,
          %get3A_588 = arith.index_cast %squeeze3A_561 : i32 to index
          %get3A_589 = arith.constant 48 : index
          %get3A_590 = tpu.vector_load %arg18[%get3A_588, %get3A_589] {strides = array<i32>} : memref<128x256xf32, #tpu.memory_space<vmem>>, vector<16xf32>,
          %max3A_591 = arith.maximumf %get3A_587, %get3A_590 : vector<16xf32>
          %get3A_592 = arith.index_cast %squeeze3A_559 : i32 to index
          %get3A_593 = arith.constant 64 : index
          %get3A_594 = tpu.vector_load %arg9[%get3A_592, %get3A_593] {strides = array<i32>} : memref<328x128xf32, #tpu.memory_space<vmem>>, vector<16xf32>,
          %get3A_595 = arith.index_cast %squeeze3A_561 : i32 to index
          %get3A_596 = arith.constant 64 : index
          %get3A_597 = tpu.vector_load %arg18[%get3A_595, %get3A_596] {strides = array<i32>} : memref<128x256xf32, #tpu.memory_space<vmem>>, vector<16xf32>,
          %max3A_598 = arith.maximumf %get3A_594, %get3A_597 : vector<16xf32>
          %get3A_599 = arith.index_cast %squeeze3A_559 : i32 to index
          %get3A_600 = arith.constant 80 : index
          %get3A_601 = tpu.vector_load %arg9[%get3A_599, %get3A_600] {strides = array<i32>} : memref<328x128xf32, #tpu.memory_space<vmem>>, vector<16xf32>,
          %get3A_602 = arith.index_cast %squeeze3A_561 : i32 to index
          %get3A_603 = arith.constant 80 : index
          %get3A_604 = tpu.vector_load %arg18[%get3A_602, %get3A_603] {strides = array<i32>} : memref<128x256xf32, #tpu.memory_space<vmem>>, vector<16xf32>,
          %max3A_605 = arith.maximumf %get3A_601, %get3A_604 : vector<16xf32>
          %get3A_606 = arith.index_cast %squeeze3A_559 : i32 to index
          %get3A_607 = arith.constant 96 : index
          %get3A_608 = tpu.vector_load %arg9[%get3A_606, %get3A_607] {strides = array<i32>} : memref<328x128xf32, #tpu.memory_space<vmem>>, vector<16xf32>,
          %get3A_609 = arith.index_cast %squeeze3A_561 : i32 to index
          %get3A_610 = arith.constant 96 : index
          %get3A_611 = tpu.vector_load %arg18[%get3A_609, %get3A_610] {strides = array<i32>} : memref<128x256xf32, #tpu.memory_space<vmem>>, vector<16xf32>,
          %max3A_612 = arith.maximumf %get3A_608, %get3A_611 : vector<16xf32>
          %get3A_613 = arith.index_cast %squeeze3A_559 : i32 to index
          %get3A_614 = arith.constant 112 : index
          %get3A_615 = tpu.vector_load %arg9[%get3A_613, %get3A_614] {strides = array<i32>} : memref<328x128xf32, #tpu.memory_space<vmem>>, vector<16xf32>,
          %get3A_616 = arith.index_cast %squeeze3A_561 : i32 to index
          %get3A_617 = arith.constant 112 : index
          %get3A_618 = tpu.vector_load %arg18[%get3A_616, %get3A_617] {strides = array<i32>} : memref<128x256xf32, #tpu.memory_space<vmem>>, vector<16xf32>,
          %max3A_619 = arith.maximumf %get3A_615, %get3A_618 : vector<16xf32>
          %get3A_620 = arith.index_cast %mul3A_563 : i32 to index
          %get3A_621 = tpu.vector_load %arg10[%get3A_620] {strides = array<i32>} : memref<5136xf32, #tpu.memory_space<vmem>>, vector<16xf32>,
          %get3A_622 = arith.index_cast %squeeze3A_561 : i32 to index
          %get3A_623 = arith.constant 128 : index
          %get3A_624 = tpu.vector_load %arg18[%get3A_622, %get3A_623] {strides = array<i32>} : memref<128x256xf32, #tpu.memory_space<vmem>>, vector<16xf32>,
          %max3A_625 = arith.maximumf %get3A_621, %get3A_624 : vector<16xf32>
          %swap3A_626 = arith.index_cast %squeeze3A_559 : i32 to index
          %swap3A_627 = arith.constant 0 : index
          %swap3A_628 = tpu.vector_load %arg9[%swap3A_626, %swap3A_627] {strides = array<i32>} : memref<328x128xf32, #tpu.memory_space<vmem>>, vector<16xf32>,
          tpu.vector_store %arg9[%swap3A_626, %swap3A_627], %max3A_570 {strides = array<i32>} : memref<328x128xf32, #tpu.memory_space<vmem>>, vector<16xf32>,
          %swap3A_629 = arith.index_cast %squeeze3A_559 : i32 to index
          %swap3A_630 = arith.constant 16 : index
          %swap3A_631 = tpu.vector_load %arg9[%swap3A_629, %swap3A_630] {strides = array<i32>} : memref<328x128xf32, #tpu.memory_space<vmem>>, vector<16xf32>,
          tpu.vector_store %arg9[%swap3A_629, %swap3A_630], %max3A_577 {strides = array<i32>} : memref<328x128xf32, #tpu.memory_space<vmem>>, vector<16xf32>,
          %swap3A_632 = arith.index_cast %squeeze3A_559 : i32 to index
          %swap3A_633 = arith.constant 32 : index
          %swap3A_634 = tpu.vector_load %arg9[%swap3A_632, %swap3A_633] {strides = array<i32>} : memref<328x128xf32, #tpu.memory_space<vmem>>, vector<16xf32>,
          tpu.vector_store %arg9[%swap3A_632, %swap3A_633], %max3A_584 {strides = array<i32>} : memref<328x128xf32, #tpu.memory_space<vmem>>, vector<16xf32>,
          %swap3A_635 = arith.index_cast %squeeze3A_559 : i32 to index
          %swap3A_636 = arith.constant 48 : index
          %swap3A_637 = tpu.vector_load %arg9[%swap3A_635, %swap3A_636] {strides = array<i32>} : memref<328x128xf32, #tpu.memory_space<vmem>>, vector<16xf32>,
          tpu.vector_store %arg9[%swap3A_635, %swap3A_636], %max3A_591 {strides = array<i32>} : memref<328x128xf32, #tpu.memory_space<vmem>>, vector<16xf32>,
          %swap3A_638 = arith.index_cast %squeeze3A_559 : i32 to index
          %swap3A_639 = arith.constant 64 : index
          %swap3A_640 = tpu.vector_load %arg9[%swap3A_638, %swap3A_639] {strides = array<i32>} : memref<328x128xf32, #tpu.memory_space<vmem>>, vector<16xf32>,
          tpu.vector_store %arg9[%swap3A_638, %swap3A_639], %max3A_598 {strides = array<i32>} : memref<328x128xf32, #tpu.memory_space<vmem>>, vector<16xf32>,
          %swap3A_641 = arith.index_cast %squeeze3A_559 : i32 to index
          %swap3A_642 = arith.constant 80 : index
          %swap3A_643 = tpu.vector_load %arg9[%swap3A_641, %swap3A_642] {strides = array<i32>} : memref<328x128xf32, #tpu.memory_space<vmem>>, vector<16xf32>,
          tpu.vector_store %arg9[%swap3A_641, %swap3A_642], %max3A_605 {strides = array<i32>} : memref<328x128xf32, #tpu.memory_space<vmem>>, vector<16xf32>,
          %swap3A_644 = arith.index_cast %squeeze3A_559 : i32 to index
          %swap3A_645 = arith.constant 96 : index
          %swap3A_646 = tpu.vector_load %arg9[%swap3A_644, %swap3A_645] {strides = array<i32>} : memref<328x128xf32, #tpu.memory_space<vmem>>, vector<16xf32>,
          tpu.vector_store %arg9[%swap3A_644, %swap3A_645], %max3A_612 {strides = array<i32>} : memref<328x128xf32, #tpu.memory_space<vmem>>, vector<16xf32>,
          %swap3A_647 = arith.index_cast %squeeze3A_559 : i32 to index
          %swap3A_648 = arith.constant 112 : index
          %swap3A_649 = tpu.vector_load %arg9[%swap3A_647, %swap3A_648] {strides = array<i32>} : memref<328x128xf32, #tpu.memory_space<vmem>>, vector<16xf32>,
          tpu.vector_store %arg9[%swap3A_647, %swap3A_648], %max3A_619 {strides = array<i32>} : memref<328x128xf32, #tpu.memory_space<vmem>>, vector<16xf32>,
          %swap3A_650 = arith.index_cast %mul3A_563 : i32 to index
          %swap3A_651 = tpu.vector_load %arg10[%swap3A_650] {strides = array<i32>} : memref<5136xf32, #tpu.memory_space<vmem>>, vector<16xf32>,
          tpu.vector_store %arg10[%swap3A_650], %max3A_625 {strides = array<i32>} : memref<5136xf32, #tpu.memory_space<vmem>>, vector<16xf32>,
          %slice3A_652 = vector.extract_strided_slice %and3A_275 {offsets = [4], sizes = [1], strides = [1]} : vector<16xi32> to vector<1xi32>
          %squeeze3A_653 = vector.extract %slice3A_652[0] : i32 from vector<1xi32>
          %slice3A_654 = vector.extract_strided_slice %sub3A_279 {offsets = [4], sizes = [1], strides = [1]} : vector<16xi32> to vector<1xi32>
          %squeeze3A_655 = vector.extract %slice3A_654[0] : i32 from vector<1xi32>
          %mul3A_656 = arith.constant 16 : i32
          %mul3A_657 = arith.muli %squeeze3A_653, %mul3A_656 : i32
          %get3A_658 = arith.index_cast %squeeze3A_653 : i32 to index
          %get3A_659 = arith.constant 0 : index
          %get3A_660 = tpu.vector_load %arg9[%get3A_658, %get3A_659] {strides = array<i32>} : memref<328x128xf32, #tpu.memory_space<vmem>>, vector<16xf32>,
          %get3A_661 = arith.index_cast %squeeze3A_655 : i32 to index
          %get3A_662 = arith.constant 0 : index
          %get3A_663 = tpu.vector_load %arg18[%get3A_661, %get3A_662] {strides = array<i32>} : memref<128x256xf32, #tpu.memory_space<vmem>>, vector<16xf32>,
          %max3A_664 = arith.maximumf %get3A_660, %get3A_663 : vector<16xf32>
          %get3A_665 = arith.index_cast %squeeze3A_653 : i32 to index
          %get3A_666 = arith.constant 16 : index
          %get3A_667 = tpu.vector_load %arg9[%get3A_665, %get3A_666] {strides = array<i32>} : memref<328x128xf32, #tpu.memory_space<vmem>>, vector<16xf32>,
          %get3A_668 = arith.index_cast %squeeze3A_655 : i32 to index
          %get3A_669 = arith.constant 16 : index
          %get3A_670 = tpu.vector_load %arg18[%get3A_668, %get3A_669] {strides = array<i32>} : memref<128x256xf32, #tpu.memory_space<vmem>>, vector<16xf32>,
          %max3A_671 = arith.maximumf %get3A_667, %get3A_670 : vector<16xf32>
          %get3A_672 = arith.index_cast %squeeze3A_653 : i32 to index
          %get3A_673 = arith.constant 32 : index
          %get3A_674 = tpu.vector_load %arg9[%get3A_672, %get3A_673] {strides = array<i32>} : memref<328x128xf32, #tpu.memory_space<vmem>>, vector<16xf32>,
          %get3A_675 = arith.index_cast %squeeze3A_655 : i32 to index
          %get3A_676 = arith.constant 32 : index
          %get3A_677 = tpu.vector_load %arg18[%get3A_675, %get3A_676] {strides = array<i32>} : memref<128x256xf32, #tpu.memory_space<vmem>>, vector<16xf32>,
          %max3A_678 = arith.maximumf %get3A_674, %get3A_677 : vector<16xf32>
          %get3A_679 = arith.index_cast %squeeze3A_653 : i32 to index
          %get3A_680 = arith.constant 48 : index
          %get3A_681 = tpu.vector_load %arg9[%get3A_679, %get3A_680] {strides = array<i32>} : memref<328x128xf32, #tpu.memory_space<vmem>>, vector<16xf32>,
          %get3A_682 = arith.index_cast %squeeze3A_655 : i32 to index
          %get3A_683 = arith.constant 48 : index
          %get3A_684 = tpu.vector_load %arg18[%get3A_682, %get3A_683] {strides = array<i32>} : memref<128x256xf32, #tpu.memory_space<vmem>>, vector<16xf32>,
          %max3A_685 = arith.maximumf %get3A_681, %get3A_684 : vector<16xf32>
          %get3A_686 = arith.index_cast %squeeze3A_653 : i32 to index
          %get3A_687 = arith.constant 64 : index
          %get3A_688 = tpu.vector_load %arg9[%get3A_686, %get3A_687] {strides = array<i32>} : memref<328x128xf32, #tpu.memory_space<vmem>>, vector<16xf32>,
          %get3A_689 = arith.index_cast %squeeze3A_655 : i32 to index
          %get3A_690 = arith.constant 64 : index
          %get3A_691 = tpu.vector_load %arg18[%get3A_689, %get3A_690] {strides = array<i32>} : memref<128x256xf32, #tpu.memory_space<vmem>>, vector<16xf32>,
          %max3A_692 = arith.maximumf %get3A_688, %get3A_691 : vector<16xf32>
          %get3A_693 = arith.index_cast %squeeze3A_653 : i32 to index
          %get3A_694 = arith.constant 80 : index
          %get3A_695 = tpu.vector_load %arg9[%get3A_693, %get3A_694] {strides = array<i32>} : memref<328x128xf32, #tpu.memory_space<vmem>>, vector<16xf32>,
          %get3A_696 = arith.index_cast %squeeze3A_655 : i32 to index
          %get3A_697 = arith.constant 80 : index
          %get3A_698 = tpu.vector_load %arg18[%get3A_696, %get3A_697] {strides = array<i32>} : memref<128x256xf32, #tpu.memory_space<vmem>>, vector<16xf32>,
          %max3A_699 = arith.maximumf %get3A_695, %get3A_698 : vector<16xf32>
          %get3A_700 = arith.index_cast %squeeze3A_653 : i32 to index
          %get3A_701 = arith.constant 96 : index
          %get3A_702 = tpu.vector_load %arg9[%get3A_700, %get3A_701] {strides = array<i32>} : memref<328x128xf32, #tpu.memory_space<vmem>>, vector<16xf32>,
          %get3A_703 = arith.index_cast %squeeze3A_655 : i32 to index
          %get3A_704 = arith.constant 96 : index
          %get3A_705 = tpu.vector_load %arg18[%get3A_703, %get3A_704] {strides = array<i32>} : memref<128x256xf32, #tpu.memory_space<vmem>>, vector<16xf32>,
          %max3A_706 = arith.maximumf %get3A_702, %get3A_705 : vector<16xf32>
          %get3A_707 = arith.index_cast %squeeze3A_653 : i32 to index
          %get3A_708 = arith.constant 112 : index
          %get3A_709 = tpu.vector_load %arg9[%get3A_707, %get3A_708] {strides = array<i32>} : memref<328x128xf32, #tpu.memory_space<vmem>>, vector<16xf32>,
          %get3A_710 = arith.index_cast %squeeze3A_655 : i32 to index
          %get3A_711 = arith.constant 112 : index
          %get3A_712 = tpu.vector_load %arg18[%get3A_710, %get3A_711] {strides = array<i32>} : memref<128x256xf32, #tpu.memory_space<vmem>>, vector<16xf32>,
          %max3A_713 = arith.maximumf %get3A_709, %get3A_712 : vector<16xf32>
          %get3A_714 = arith.index_cast %mul3A_657 : i32 to index
          %get3A_715 = tpu.vector_load %arg10[%get3A_714] {strides = array<i32>} : memref<5136xf32, #tpu.memory_space<vmem>>, vector<16xf32>,
          %get3A_716 = arith.index_cast %squeeze3A_655 : i32 to index
          %get3A_717 = arith.constant 128 : index
          %get3A_718 = tpu.vector_load %arg18[%get3A_716, %get3A_717] {strides = array<i32>} : memref<128x256xf32, #tpu.memory_space<vmem>>, vector<16xf32>,
          %max3A_719 = arith.maximumf %get3A_715, %get3A_718 : vector<16xf32>
          %swap3A_720 = arith.index_cast %squeeze3A_653 : i32 to index
          %swap3A_721 = arith.constant 0 : index
          %swap3A_722 = tpu.vector_load %arg9[%swap3A_720, %swap3A_721] {strides = array<i32>} : memref<328x128xf32, #tpu.memory_space<vmem>>, vector<16xf32>,
          tpu.vector_store %arg9[%swap3A_720, %swap3A_721], %max3A_664 {strides = array<i32>} : memref<328x128xf32, #tpu.memory_space<vmem>>, vector<16xf32>,
          %swap3A_723 = arith.index_cast %squeeze3A_653 : i32 to index
          %swap3A_724 = arith.constant 16 : index
          %swap3A_725 = tpu.vector_load %arg9[%swap3A_723, %swap3A_724] {strides = array<i32>} : memref<328x128xf32, #tpu.memory_space<vmem>>, vector<16xf32>,
          tpu.vector_store %arg9[%swap3A_723, %swap3A_724], %max3A_671 {strides = array<i32>} : memref<328x128xf32, #tpu.memory_space<vmem>>, vector<16xf32>,
          %swap3A_726 = arith.index_cast %squeeze3A_653 : i32 to index
          %swap3A_727 = arith.constant 32 : index
          %swap3A_728 = tpu.vector_load %arg9[%swap3A_726, %swap3A_727] {strides = array<i32>} : memref<328x128xf32, #tpu.memory_space<vmem>>, vector<16xf32>,
          tpu.vector_store %arg9[%swap3A_726, %swap3A_727], %max3A_678 {strides = array<i32>} : memref<328x128xf32, #tpu.memory_space<vmem>>, vector<16xf32>,
          %swap3A_729 = arith.index_cast %squeeze3A_653 : i32 to index
          %swap3A_730 = arith.constant 48 : index
          %swap3A_731 = tpu.vector_load %arg9[%swap3A_729, %swap3A_730] {strides = array<i32>} : memref<328x128xf32, #tpu.memory_space<vmem>>, vector<16xf32>,
          tpu.vector_store %arg9[%swap3A_729, %swap3A_730], %max3A_685 {strides = array<i32>} : memref<328x128xf32, #tpu.memory_space<vmem>>, vector<16xf32>,
          %swap3A_732 = arith.index_cast %squeeze3A_653 : i32 to index
          %swap3A_733 = arith.constant 64 : index
          %swap3A_734 = tpu.vector_load %arg9[%swap3A_732, %swap3A_733] {strides = array<i32>} : memref<328x128xf32, #tpu.memory_space<vmem>>, vector<16xf32>,
          tpu.vector_store %arg9[%swap3A_732, %swap3A_733], %max3A_692 {strides = array<i32>} : memref<328x128xf32, #tpu.memory_space<vmem>>, vector<16xf32>,
          %swap3A_735 = arith.index_cast %squeeze3A_653 : i32 to index
          %swap3A_736 = arith.constant 80 : index
          %swap3A_737 = tpu.vector_load %arg9[%swap3A_735, %swap3A_736] {strides = array<i32>} : memref<328x128xf32, #tpu.memory_space<vmem>>, vector<16xf32>,
          tpu.vector_store %arg9[%swap3A_735, %swap3A_736], %max3A_699 {strides = array<i32>} : memref<328x128xf32, #tpu.memory_space<vmem>>, vector<16xf32>,
          %swap3A_738 = arith.index_cast %squeeze3A_653 : i32 to index
          %swap3A_739 = arith.constant 96 : index
          %swap3A_740 = tpu.vector_load %arg9[%swap3A_738, %swap3A_739] {strides = array<i32>} : memref<328x128xf32, #tpu.memory_space<vmem>>, vector<16xf32>,
          tpu.vector_store %arg9[%swap3A_738, %swap3A_739], %max3A_706 {strides = array<i32>} : memref<328x128xf32, #tpu.memory_space<vmem>>, vector<16xf32>,
          %swap3A_741 = arith.index_cast %squeeze3A_653 : i32 to index
          %swap3A_742 = arith.constant 112 : index
          %swap3A_743 = tpu.vector_load %arg9[%swap3A_741, %swap3A_742] {strides = array<i32>} : memref<328x128xf32, #tpu.memory_space<vmem>>, vector<16xf32>,
          tpu.vector_store %arg9[%swap3A_741, %swap3A_742], %max3A_713 {strides = array<i32>} : memref<328x128xf32, #tpu.memory_space<vmem>>, vector<16xf32>,
          %swap3A_744 = arith.index_cast %mul3A_657 : i32 to index
          %swap3A_745 = tpu.vector_load %arg10[%swap3A_744] {strides = array<i32>} : memref<5136xf32, #tpu.memory_space<vmem>>, vector<16xf32>,
          tpu.vector_store %arg10[%swap3A_744], %max3A_719 {strides = array<i32>} : memref<5136xf32, #tpu.memory_space<vmem>>, vector<16xf32>,
          %slice3A_746 = vector.extract_strided_slice %and3A_275 {offsets = [5], sizes = [1], strides = [1]} : vector<16xi32> to vector<1xi32>
          %squeeze3A_747 = vector.extract %slice3A_746[0] : i32 from vector<1xi32>
          %slice3A_748 = vector.extract_strided_slice %sub3A_279 {offsets = [5], sizes = [1], strides = [1]} : vector<16xi32> to vector<1xi32>
          %squeeze3A_749 = vector.extract %slice3A_748[0] : i32 from vector<1xi32>
          %mul3A_750 = arith.constant 16 : i32
          %mul3A_751 = arith.muli %squeeze3A_747, %mul3A_750 : i32
          %get3A_752 = arith.index_cast %squeeze3A_747 : i32 to index
          %get3A_753 = arith.constant 0 : index
          %get3A_754 = tpu.vector_load %arg9[%get3A_752, %get3A_753] {strides = array<i32>} : memref<328x128xf32, #tpu.memory_space<vmem>>, vector<16xf32>,
          %get3A_755 = arith.index_cast %squeeze3A_749 : i32 to index
          %get3A_756 = arith.constant 0 : index
          %get3A_757 = tpu.vector_load %arg18[%get3A_755, %get3A_756] {strides = array<i32>} : memref<128x256xf32, #tpu.memory_space<vmem>>, vector<16xf32>,
          %max3A_758 = arith.maximumf %get3A_754, %get3A_757 : vector<16xf32>
          %get3A_759 = arith.index_cast %squeeze3A_747 : i32 to index
          %get3A_760 = arith.constant 16 : index
          %get3A_761 = tpu.vector_load %arg9[%get3A_759, %get3A_760] {strides = array<i32>} : memref<328x128xf32, #tpu.memory_space<vmem>>, vector<16xf32>,
          %get3A_762 = arith.index_cast %squeeze3A_749 : i32 to index
          %get3A_763 = arith.constant 16 : index
          %get3A_764 = tpu.vector_load %arg18[%get3A_762, %get3A_763] {strides = array<i32>} : memref<128x256xf32, #tpu.memory_space<vmem>>, vector<16xf32>,
          %max3A_765 = arith.maximumf %get3A_761, %get3A_764 : vector<16xf32>
          %get3A_766 = arith.index_cast %squeeze3A_747 : i32 to index
          %get3A_767 = arith.constant 32 : index
          %get3A_768 = tpu.vector_load %arg9[%get3A_766, %get3A_767] {strides = array<i32>} : memref<328x128xf32, #tpu.memory_space<vmem>>, vector<16xf32>,
          %get3A_769 = arith.index_cast %squeeze3A_749 : i32 to index
          %get3A_770 = arith.constant 32 : index
          %get3A_771 = tpu.vector_load %arg18[%get3A_769, %get3A_770] {strides = array<i32>} : memref<128x256xf32, #tpu.memory_space<vmem>>, vector<16xf32>,
          %max3A_772 = arith.maximumf %get3A_768, %get3A_771 : vector<16xf32>
          %get3A_773 = arith.index_cast %squeeze3A_747 : i32 to index
          %get3A_774 = arith.constant 48 : index
          %get3A_775 = tpu.vector_load %arg9[%get3A_773, %get3A_774] {strides = array<i32>} : memref<328x128xf32, #tpu.memory_space<vmem>>, vector<16xf32>,
          %get3A_776 = arith.index_cast %squeeze3A_749 : i32 to index
          %get3A_777 = arith.constant 48 : index
          %get3A_778 = tpu.vector_load %arg18[%get3A_776, %get3A_777] {strides = array<i32>} : memref<128x256xf32, #tpu.memory_space<vmem>>, vector<16xf32>,
          %max3A_779 = arith.maximumf %get3A_775, %get3A_778 : vector<16xf32>
          %get3A_780 = arith.index_cast %squeeze3A_747 : i32 to index
          %get3A_781 = arith.constant 64 : index
          %get3A_782 = tpu.vector_load %arg9[%get3A_780, %get3A_781] {strides = array<i32>} : memref<328x128xf32, #tpu.memory_space<vmem>>, vector<16xf32>,
          %get3A_783 = arith.index_cast %squeeze3A_749 : i32 to index
          %get3A_784 = arith.constant 64 : index
          %get3A_785 = tpu.vector_load %arg18[%get3A_783, %get3A_784] {strides = array<i32>} : memref<128x256xf32, #tpu.memory_space<vmem>>, vector<16xf32>,
          %max3A_786 = arith.maximumf %get3A_782, %get3A_785 : vector<16xf32>
          %get3A_787 = arith.index_cast %squeeze3A_747 : i32 to index
          %get3A_788 = arith.constant 80 : index
          %get3A_789 = tpu.vector_load %arg9[%get3A_787, %get3A_788] {strides = array<i32>} : memref<328x128xf32, #tpu.memory_space<vmem>>, vector<16xf32>,
          %get3A_790 = arith.index_cast %squeeze3A_749 : i32 to index
          %get3A_791 = arith.constant 80 : index
          %get3A_792 = tpu.vector_load %arg18[%get3A_790, %get3A_791] {strides = array<i32>} : memref<128x256xf32, #tpu.memory_space<vmem>>, vector<16xf32>,
          %max3A_793 = arith.maximumf %get3A_789, %get3A_792 : vector<16xf32>
          %get3A_794 = arith.index_cast %squeeze3A_747 : i32 to index
          %get3A_795 = arith.constant 96 : index
          %get3A_796 = tpu.vector_load %arg9[%get3A_794, %get3A_795] {strides = array<i32>} : memref<328x128xf32, #tpu.memory_space<vmem>>, vector<16xf32>,
          %get3A_797 = arith.index_cast %squeeze3A_749 : i32 to index
          %get3A_798 = arith.constant 96 : index
          %get3A_799 = tpu.vector_load %arg18[%get3A_797, %get3A_798] {strides = array<i32>} : memref<128x256xf32, #tpu.memory_space<vmem>>, vector<16xf32>,
          %max3A_800 = arith.maximumf %get3A_796, %get3A_799 : vector<16xf32>
          %get3A_801 = arith.index_cast %squeeze3A_747 : i32 to index
          %get3A_802 = arith.constant 112 : index
          %get3A_803 = tpu.vector_load %arg9[%get3A_801, %get3A_802] {strides = array<i32>} : memref<328x128xf32, #tpu.memory_space<vmem>>, vector<16xf32>,
          %get3A_804 = arith.index_cast %squeeze3A_749 : i32 to index
          %get3A_805 = arith.constant 112 : index
          %get3A_806 = tpu.vector_load %arg18[%get3A_804, %get3A_805] {strides = array<i32>} : memref<128x256xf32, #tpu.memory_space<vmem>>, vector<16xf32>,
          %max3A_807 = arith.maximumf %get3A_803, %get3A_806 : vector<16xf32>
          %get3A_808 = arith.index_cast %mul3A_751 : i32 to index
          %get3A_809 = tpu.vector_load %arg10[%get3A_808] {strides = array<i32>} : memref<5136xf32, #tpu.memory_space<vmem>>, vector<16xf32>,
          %get3A_810 = arith.index_cast %squeeze3A_749 : i32 to index
          %get3A_811 = arith.constant 128 : index
          %get3A_812 = tpu.vector_load %arg18[%get3A_810, %get3A_811] {strides = array<i32>} : memref<128x256xf32, #tpu.memory_space<vmem>>, vector<16xf32>,
          %max3A_813 = arith.maximumf %get3A_809, %get3A_812 : vector<16xf32>
          %swap3A_814 = arith.index_cast %squeeze3A_747 : i32 to index
          %swap3A_815 = arith.constant 0 : index
          %swap3A_816 = tpu.vector_load %arg9[%swap3A_814, %swap3A_815] {strides = array<i32>} : memref<328x128xf32, #tpu.memory_space<vmem>>, vector<16xf32>,
          tpu.vector_store %arg9[%swap3A_814, %swap3A_815], %max3A_758 {strides = array<i32>} : memref<328x128xf32, #tpu.memory_space<vmem>>, vector<16xf32>,
          %swap3A_817 = arith.index_cast %squeeze3A_747 : i32 to index
          %swap3A_818 = arith.constant 16 : index
          %swap3A_819 = tpu.vector_load %arg9[%swap3A_817, %swap3A_818] {strides = array<i32>} : memref<328x128xf32, #tpu.memory_space<vmem>>, vector<16xf32>,
          tpu.vector_store %arg9[%swap3A_817, %swap3A_818], %max3A_765 {strides = array<i32>} : memref<328x128xf32, #tpu.memory_space<vmem>>, vector<16xf32>,
          %swap3A_820 = arith.index_cast %squeeze3A_747 : i32 to index
          %swap3A_821 = arith.constant 32 : index
          %swap3A_822 = tpu.vector_load %arg9[%swap3A_820, %swap3A_821] {strides = array<i32>} : memref<328x128xf32, #tpu.memory_space<vmem>>, vector<16xf32>,
          tpu.vector_store %arg9[%swap3A_820, %swap3A_821], %max3A_772 {strides = array<i32>} : memref<328x128xf32, #tpu.memory_space<vmem>>, vector<16xf32>,
          %swap3A_823 = arith.index_cast %squeeze3A_747 : i32 to index
          %swap3A_824 = arith.constant 48 : index
          %swap3A_825 = tpu.vector_load %arg9[%swap3A_823, %swap3A_824] {strides = array<i32>} : memref<328x128xf32, #tpu.memory_space<vmem>>, vector<16xf32>,
          tpu.vector_store %arg9[%swap3A_823, %swap3A_824], %max3A_779 {strides = array<i32>} : memref<328x128xf32, #tpu.memory_space<vmem>>, vector<16xf32>,
          %swap3A_826 = arith.index_cast %squeeze3A_747 : i32 to index
          %swap3A_827 = arith.constant 64 : index
          %swap3A_828 = tpu.vector_load %arg9[%swap3A_826, %swap3A_827] {strides = array<i32>} : memref<328x128xf32, #tpu.memory_space<vmem>>, vector<16xf32>,
          tpu.vector_store %arg9[%swap3A_826, %swap3A_827], %max3A_786 {strides = array<i32>} : memref<328x128xf32, #tpu.memory_space<vmem>>, vector<16xf32>,
          %swap3A_829 = arith.index_cast %squeeze3A_747 : i32 to index
          %swap3A_830 = arith.constant 80 : index
          %swap3A_831 = tpu.vector_load %arg9[%swap3A_829, %swap3A_830] {strides = array<i32>} : memref<328x128xf32, #tpu.memory_space<vmem>>, vector<16xf32>,
          tpu.vector_store %arg9[%swap3A_829, %swap3A_830], %max3A_793 {strides = array<i32>} : memref<328x128xf32, #tpu.memory_space<vmem>>, vector<16xf32>,
          %swap3A_832 = arith.index_cast %squeeze3A_747 : i32 to index
          %swap3A_833 = arith.constant 96 : index
          %swap3A_834 = tpu.vector_load %arg9[%swap3A_832, %swap3A_833] {strides = array<i32>} : memref<328x128xf32, #tpu.memory_space<vmem>>, vector<16xf32>,
          tpu.vector_store %arg9[%swap3A_832, %swap3A_833], %max3A_800 {strides = array<i32>} : memref<328x128xf32, #tpu.memory_space<vmem>>, vector<16xf32>,
          %swap3A_835 = arith.index_cast %squeeze3A_747 : i32 to index
          %swap3A_836 = arith.constant 112 : index
          %swap3A_837 = tpu.vector_load %arg9[%swap3A_835, %swap3A_836] {strides = array<i32>} : memref<328x128xf32, #tpu.memory_space<vmem>>, vector<16xf32>,
          tpu.vector_store %arg9[%swap3A_835, %swap3A_836], %max3A_807 {strides = array<i32>} : memref<328x128xf32, #tpu.memory_space<vmem>>, vector<16xf32>,
          %swap3A_838 = arith.index_cast %mul3A_751 : i32 to index
          %swap3A_839 = tpu.vector_load %arg10[%swap3A_838] {strides = array<i32>} : memref<5136xf32, #tpu.memory_space<vmem>>, vector<16xf32>,
          tpu.vector_store %arg10[%swap3A_838], %max3A_813 {strides = array<i32>} : memref<5136xf32, #tpu.memory_space<vmem>>, vector<16xf32>,
          %slice3A_840 = vector.extract_strided_slice %and3A_275 {offsets = [6], sizes = [1], strides = [1]} : vector<16xi32> to vector<1xi32>
          %squeeze3A_841 = vector.extract %slice3A_840[0] : i32 from vector<1xi32>
          %slice3A_842 = vector.extract_strided_slice %sub3A_279 {offsets = [6], sizes = [1], strides = [1]} : vector<16xi32> to vector<1xi32>
          %squeeze3A_843 = vector.extract %slice3A_842[0] : i32 from vector<1xi32>
          %mul3A_844 = arith.constant 16 : i32
          %mul3A_845 = arith.muli %squeeze3A_841, %mul3A_844 : i32
          %get3A_846 = arith.index_cast %squeeze3A_841 : i32 to index
          %get3A_847 = arith.constant 0 : index
          %get3A_848 = tpu.vector_load %arg9[%get3A_846, %get3A_847] {strides = array<i32>} : memref<328x128xf32, #tpu.memory_space<vmem>>, vector<16xf32>,
          %get3A_849 = arith.index_cast %squeeze3A_843 : i32 to index
          %get3A_850 = arith.constant 0 : index
          %get3A_851 = tpu.vector_load %arg18[%get3A_849, %get3A_850] {strides = array<i32>} : memref<128x256xf32, #tpu.memory_space<vmem>>, vector<16xf32>,
          %max3A_852 = arith.maximumf %get3A_848, %get3A_851 : vector<16xf32>
          %get3A_853 = arith.index_cast %squeeze3A_841 : i32 to index
          %get3A_854 = arith.constant 16 : index
          %get3A_855 = tpu.vector_load %arg9[%get3A_853, %get3A_854] {strides = array<i32>} : memref<328x128xf32, #tpu.memory_space<vmem>>, vector<16xf32>,
          %get3A_856 = arith.index_cast %squeeze3A_843 : i32 to index
          %get3A_857 = arith.constant 16 : index
          %get3A_858 = tpu.vector_load %arg18[%get3A_856, %get3A_857] {strides = array<i32>} : memref<128x256xf32, #tpu.memory_space<vmem>>, vector<16xf32>,
          %max3A_859 = arith.maximumf %get3A_855, %get3A_858 : vector<16xf32>
          %get3A_860 = arith.index_cast %squeeze3A_841 : i32 to index
          %get3A_861 = arith.constant 32 : index
          %get3A_862 = tpu.vector_load %arg9[%get3A_860, %get3A_861] {strides = array<i32>} : memref<328x128xf32, #tpu.memory_space<vmem>>, vector<16xf32>,
          %get3A_863 = arith.index_cast %squeeze3A_843 : i32 to index
          %get3A_864 = arith.constant 32 : index
          %get3A_865 = tpu.vector_load %arg18[%get3A_863, %get3A_864] {strides = array<i32>} : memref<128x256xf32, #tpu.memory_space<vmem>>, vector<16xf32>,
          %max3A_866 = arith.maximumf %get3A_862, %get3A_865 : vector<16xf32>
          %get3A_867 = arith.index_cast %squeeze3A_841 : i32 to index
          %get3A_868 = arith.constant 48 : index
          %get3A_869 = tpu.vector_load %arg9[%get3A_867, %get3A_868] {strides = array<i32>} : memref<328x128xf32, #tpu.memory_space<vmem>>, vector<16xf32>,
          %get3A_870 = arith.index_cast %squeeze3A_843 : i32 to index
          %get3A_871 = arith.constant 48 : index
          %get3A_872 = tpu.vector_load %arg18[%get3A_870, %get3A_871] {strides = array<i32>} : memref<128x256xf32, #tpu.memory_space<vmem>>, vector<16xf32>,
          %max3A_873 = arith.maximumf %get3A_869, %get3A_872 : vector<16xf32>
          %get3A_874 = arith.index_cast %squeeze3A_841 : i32 to index
          %get3A_875 = arith.constant 64 : index
          %get3A_876 = tpu.vector_load %arg9[%get3A_874, %get3A_875] {strides = array<i32>} : memref<328x128xf32, #tpu.memory_space<vmem>>, vector<16xf32>,
          %get3A_877 = arith.index_cast %squeeze3A_843 : i32 to index
          %get3A_878 = arith.constant 64 : index
          %get3A_879 = tpu.vector_load %arg18[%get3A_877, %get3A_878] {strides = array<i32>} : memref<128x256xf32, #tpu.memory_space<vmem>>, vector<16xf32>,
          %max3A_880 = arith.maximumf %get3A_876, %get3A_879 : vector<16xf32>
          %get3A_881 = arith.index_cast %squeeze3A_841 : i32 to index
          %get3A_882 = arith.constant 80 : index
          %get3A_883 = tpu.vector_load %arg9[%get3A_881, %get3A_882] {strides = array<i32>} : memref<328x128xf32, #tpu.memory_space<vmem>>, vector<16xf32>,
          %get3A_884 = arith.index_cast %squeeze3A_843 : i32 to index
          %get3A_885 = arith.constant 80 : index
          %get3A_886 = tpu.vector_load %arg18[%get3A_884, %get3A_885] {strides = array<i32>} : memref<128x256xf32, #tpu.memory_space<vmem>>, vector<16xf32>,
          %max3A_887 = arith.maximumf %get3A_883, %get3A_886 : vector<16xf32>
          %get3A_888 = arith.index_cast %squeeze3A_841 : i32 to index
          %get3A_889 = arith.constant 96 : index
          %get3A_890 = tpu.vector_load %arg9[%get3A_888, %get3A_889] {strides = array<i32>} : memref<328x128xf32, #tpu.memory_space<vmem>>, vector<16xf32>,
          %get3A_891 = arith.index_cast %squeeze3A_843 : i32 to index
          %get3A_892 = arith.constant 96 : index
          %get3A_893 = tpu.vector_load %arg18[%get3A_891, %get3A_892] {strides = array<i32>} : memref<128x256xf32, #tpu.memory_space<vmem>>, vector<16xf32>,
          %max3A_894 = arith.maximumf %get3A_890, %get3A_893 : vector<16xf32>
          %get3A_895 = arith.index_cast %squeeze3A_841 : i32 to index
          %get3A_896 = arith.constant 112 : index
          %get3A_897 = tpu.vector_load %arg9[%get3A_895, %get3A_896] {strides = array<i32>} : memref<328x128xf32, #tpu.memory_space<vmem>>, vector<16xf32>,
          %get3A_898 = arith.index_cast %squeeze3A_843 : i32 to index
          %get3A_899 = arith.constant 112 : index
          %get3A_900 = tpu.vector_load %arg18[%get3A_898, %get3A_899] {strides = array<i32>} : memref<128x256xf32, #tpu.memory_space<vmem>>, vector<16xf32>,
          %max3A_901 = arith.maximumf %get3A_897, %get3A_900 : vector<16xf32>
          %get3A_902 = arith.index_cast %mul3A_845 : i32 to index
          %get3A_903 = tpu.vector_load %arg10[%get3A_902] {strides = array<i32>} : memref<5136xf32, #tpu.memory_space<vmem>>, vector<16xf32>,
          %get3A_904 = arith.index_cast %squeeze3A_843 : i32 to index
          %get3A_905 = arith.constant 128 : index
          %get3A_906 = tpu.vector_load %arg18[%get3A_904, %get3A_905] {strides = array<i32>} : memref<128x256xf32, #tpu.memory_space<vmem>>, vector<16xf32>,
          %max3A_907 = arith.maximumf %get3A_903, %get3A_906 : vector<16xf32>
          %swap3A_908 = arith.index_cast %squeeze3A_841 : i32 to index
          %swap3A_909 = arith.constant 0 : index
          %swap3A_910 = tpu.vector_load %arg9[%swap3A_908, %swap3A_909] {strides = array<i32>} : memref<328x128xf32, #tpu.memory_space<vmem>>, vector<16xf32>,
          tpu.vector_store %arg9[%swap3A_908, %swap3A_909], %max3A_852 {strides = array<i32>} : memref<328x128xf32, #tpu.memory_space<vmem>>, vector<16xf32>,
          %swap3A_911 = arith.index_cast %squeeze3A_841 : i32 to index
          %swap3A_912 = arith.constant 16 : index
          %swap3A_913 = tpu.vector_load %arg9[%swap3A_911, %swap3A_912] {strides = array<i32>} : memref<328x128xf32, #tpu.memory_space<vmem>>, vector<16xf32>,
          tpu.vector_store %arg9[%swap3A_911, %swap3A_912], %max3A_859 {strides = array<i32>} : memref<328x128xf32, #tpu.memory_space<vmem>>, vector<16xf32>,
          %swap3A_914 = arith.index_cast %squeeze3A_841 : i32 to index
          %swap3A_915 = arith.constant 32 : index
          %swap3A_916 = tpu.vector_load %arg9[%swap3A_914, %swap3A_915] {strides = array<i32>} : memref<328x128xf32, #tpu.memory_space<vmem>>, vector<16xf32>,
          tpu.vector_store %arg9[%swap3A_914, %swap3A_915], %max3A_866 {strides = array<i32>} : memref<328x128xf32, #tpu.memory_space<vmem>>, vector<16xf32>,
          %swap3A_917 = arith.index_cast %squeeze3A_841 : i32 to index
          %swap3A_918 = arith.constant 48 : index
          %swap3A_919 = tpu.vector_load %arg9[%swap3A_917, %swap3A_918] {strides = array<i32>} : memref<328x128xf32, #tpu.memory_space<vmem>>, vector<16xf32>,
          tpu.vector_store %arg9[%swap3A_917, %swap3A_918], %max3A_873 {strides = array<i32>} : memref<328x128xf32, #tpu.memory_space<vmem>>, vector<16xf32>,
          %swap3A_920 = arith.index_cast %squeeze3A_841 : i32 to index
          %swap3A_921 = arith.constant 64 : index
          %swap3A_922 = tpu.vector_load %arg9[%swap3A_920, %swap3A_921] {strides = array<i32>} : memref<328x128xf32, #tpu.memory_space<vmem>>, vector<16xf32>,
          tpu.vector_store %arg9[%swap3A_920, %swap3A_921], %max3A_880 {strides = array<i32>} : memref<328x128xf32, #tpu.memory_space<vmem>>, vector<16xf32>,
          %swap3A_923 = arith.index_cast %squeeze3A_841 : i32 to index
          %swap3A_924 = arith.constant 80 : index
          %swap3A_925 = tpu.vector_load %arg9[%swap3A_923, %swap3A_924] {strides = array<i32>} : memref<328x128xf32, #tpu.memory_space<vmem>>, vector<16xf32>,
          tpu.vector_store %arg9[%swap3A_923, %swap3A_924], %max3A_887 {strides = array<i32>} : memref<328x128xf32, #tpu.memory_space<vmem>>, vector<16xf32>,
          %swap3A_926 = arith.index_cast %squeeze3A_841 : i32 to index
          %swap3A_927 = arith.constant 96 : index
          %swap3A_928 = tpu.vector_load %arg9[%swap3A_926, %swap3A_927] {strides = array<i32>} : memref<328x128xf32, #tpu.memory_space<vmem>>, vector<16xf32>,
          tpu.vector_store %arg9[%swap3A_926, %swap3A_927], %max3A_894 {strides = array<i32>} : memref<328x128xf32, #tpu.memory_space<vmem>>, vector<16xf32>,
          %swap3A_929 = arith.index_cast %squeeze3A_841 : i32 to index
          %swap3A_930 = arith.constant 112 : index
          %swap3A_931 = tpu.vector_load %arg9[%swap3A_929, %swap3A_930] {strides = array<i32>} : memref<328x128xf32, #tpu.memory_space<vmem>>, vector<16xf32>,
          tpu.vector_store %arg9[%swap3A_929, %swap3A_930], %max3A_901 {strides = array<i32>} : memref<328x128xf32, #tpu.memory_space<vmem>>, vector<16xf32>,
          %swap3A_932 = arith.index_cast %mul3A_845 : i32 to index
          %swap3A_933 = tpu.vector_load %arg10[%swap3A_932] {strides = array<i32>} : memref<5136xf32, #tpu.memory_space<vmem>>, vector<16xf32>,
          tpu.vector_store %arg10[%swap3A_932], %max3A_907 {strides = array<i32>} : memref<5136xf32, #tpu.memory_space<vmem>>, vector<16xf32>,
          %slice3A_934 = vector.extract_strided_slice %and3A_275 {offsets = [7], sizes = [1], strides = [1]} : vector<16xi32> to vector<1xi32>
          %squeeze3A_935 = vector.extract %slice3A_934[0] : i32 from vector<1xi32>
          %slice3A_936 = vector.extract_strided_slice %sub3A_279 {offsets = [7], sizes = [1], strides = [1]} : vector<16xi32> to vector<1xi32>
          %squeeze3A_937 = vector.extract %slice3A_936[0] : i32 from vector<1xi32>
          %mul3A_938 = arith.constant 16 : i32
          %mul3A_939 = arith.muli %squeeze3A_935, %mul3A_938 : i32
          %get3A_940 = arith.index_cast %squeeze3A_935 : i32 to index
          %get3A_941 = arith.constant 0 : index
          %get3A_942 = tpu.vector_load %arg9[%get3A_940, %get3A_941] {strides = array<i32>} : memref<328x128xf32, #tpu.memory_space<vmem>>, vector<16xf32>,
          %get3A_943 = arith.index_cast %squeeze3A_937 : i32 to index
          %get3A_944 = arith.constant 0 : index
          %get3A_945 = tpu.vector_load %arg18[%get3A_943, %get3A_944] {strides = array<i32>} : memref<128x256xf32, #tpu.memory_space<vmem>>, vector<16xf32>,
          %max3A_946 = arith.maximumf %get3A_942, %get3A_945 : vector<16xf32>
          %get3A_947 = arith.index_cast %squeeze3A_935 : i32 to index
          %get3A_948 = arith.constant 16 : index
          %get3A_949 = tpu.vector_load %arg9[%get3A_947, %get3A_948] {strides = array<i32>} : memref<328x128xf32, #tpu.memory_space<vmem>>, vector<16xf32>,
          %get3A_950 = arith.index_cast %squeeze3A_937 : i32 to index
          %get3A_951 = arith.constant 16 : index
          %get3A_952 = tpu.vector_load %arg18[%get3A_950, %get3A_951] {strides = array<i32>} : memref<128x256xf32, #tpu.memory_space<vmem>>, vector<16xf32>,
          %max3A_953 = arith.maximumf %get3A_949, %get3A_952 : vector<16xf32>
          %get3A_954 = arith.index_cast %squeeze3A_935 : i32 to index
          %get3A_955 = arith.constant 32 : index
          %get3A_956 = tpu.vector_load %arg9[%get3A_954, %get3A_955] {strides = array<i32>} : memref<328x128xf32, #tpu.memory_space<vmem>>, vector<16xf32>,
          %get3A_957 = arith.index_cast %squeeze3A_937 : i32 to index
          %get3A_958 = arith.constant 32 : index
          %get3A_959 = tpu.vector_load %arg18[%get3A_957, %get3A_958] {strides = array<i32>} : memref<128x256xf32, #tpu.memory_space<vmem>>, vector<16xf32>,
          %max3A_960 = arith.maximumf %get3A_956, %get3A_959 : vector<16xf32>
          %get3A_961 = arith.index_cast %squeeze3A_935 : i32 to index
          %get3A_962 = arith.constant 48 : index
          %get3A_963 = tpu.vector_load %arg9[%get3A_961, %get3A_962] {strides = array<i32>} : memref<328x128xf32, #tpu.memory_space<vmem>>, vector<16xf32>,
          %get3A_964 = arith.index_cast %squeeze3A_937 : i32 to index
          %get3A_965 = arith.constant 48 : index
          %get3A_966 = tpu.vector_load %arg18[%get3A_964, %get3A_965] {strides = array<i32>} : memref<128x256xf32, #tpu.memory_space<vmem>>, vector<16xf32>,
          %max3A_967 = arith.maximumf %get3A_963, %get3A_966 : vector<16xf32>
          %get3A_968 = arith.index_cast %squeeze3A_935 : i32 to index
          %get3A_969 = arith.constant 64 : index
          %get3A_970 = tpu.vector_load %arg9[%get3A_968, %get3A_969] {strides = array<i32>} : memref<328x128xf32, #tpu.memory_space<vmem>>, vector<16xf32>,
          %get3A_971 = arith.index_cast %squeeze3A_937 : i32 to index
          %get3A_972 = arith.constant 64 : index
          %get3A_973 = tpu.vector_load %arg18[%get3A_971, %get3A_972] {strides = array<i32>} : memref<128x256xf32, #tpu.memory_space<vmem>>, vector<16xf32>,
          %max3A_974 = arith.maximumf %get3A_970, %get3A_973 : vector<16xf32>
          %get3A_975 = arith.index_cast %squeeze3A_935 : i32 to index
          %get3A_976 = arith.constant 80 : index
          %get3A_977 = tpu.vector_load %arg9[%get3A_975, %get3A_976] {strides = array<i32>} : memref<328x128xf32, #tpu.memory_space<vmem>>, vector<16xf32>,
          %get3A_978 = arith.index_cast %squeeze3A_937 : i32 to index
          %get3A_979 = arith.constant 80 : index
          %get3A_980 = tpu.vector_load %arg18[%get3A_978, %get3A_979] {strides = array<i32>} : memref<128x256xf32, #tpu.memory_space<vmem>>, vector<16xf32>,
          %max3A_981 = arith.maximumf %get3A_977, %get3A_980 : vector<16xf32>
          %get3A_982 = arith.index_cast %squeeze3A_935 : i32 to index
          %get3A_983 = arith.constant 96 : index
          %get3A_984 = tpu.vector_load %arg9[%get3A_982, %get3A_983] {strides = array<i32>} : memref<328x128xf32, #tpu.memory_space<vmem>>, vector<16xf32>,
          %get3A_985 = arith.index_cast %squeeze3A_937 : i32 to index
          %get3A_986 = arith.constant 96 : index
          %get3A_987 = tpu.vector_load %arg18[%get3A_985, %get3A_986] {strides = array<i32>} : memref<128x256xf32, #tpu.memory_space<vmem>>, vector<16xf32>,
          %max3A_988 = arith.maximumf %get3A_984, %get3A_987 : vector<16xf32>
          %get3A_989 = arith.index_cast %squeeze3A_935 : i32 to index
          %get3A_990 = arith.constant 112 : index
          %get3A_991 = tpu.vector_load %arg9[%get3A_989, %get3A_990] {strides = array<i32>} : memref<328x128xf32, #tpu.memory_space<vmem>>, vector<16xf32>,
          %get3A_992 = arith.index_cast %squeeze3A_937 : i32 to index
          %get3A_993 = arith.constant 112 : index
          %get3A_994 = tpu.vector_load %arg18[%get3A_992, %get3A_993] {strides = array<i32>} : memref<128x256xf32, #tpu.memory_space<vmem>>, vector<16xf32>,
          %max3A_995 = arith.maximumf %get3A_991, %get3A_994 : vector<16xf32>
          %get3A_996 = arith.index_cast %mul3A_939 : i32 to index
          %get3A_997 = tpu.vector_load %arg10[%get3A_996] {strides = array<i32>} : memref<5136xf32, #tpu.memory_space<vmem>>, vector<16xf32>,
          %get3A_998 = arith.index_cast %squeeze3A_937 : i32 to index
          %get3A_999 = arith.constant 128 : index
          %get3A_1000 = tpu.vector_load %arg18[%get3A_998, %get3A_999] {strides = array<i32>} : memref<128x256xf32, #tpu.memory_space<vmem>>, vector<16xf32>,
          %max3A_1001 = arith.maximumf %get3A_997, %get3A_1000 : vector<16xf32>
          %swap3A_1002 = arith.index_cast %squeeze3A_935 : i32 to index
          %swap3A_1003 = arith.constant 0 : index
          %swap3A_1004 = tpu.vector_load %arg9[%swap3A_1002, %swap3A_1003] {strides = array<i32>} : memref<328x128xf32, #tpu.memory_space<vmem>>, vector<16xf32>,
          tpu.vector_store %arg9[%swap3A_1002, %swap3A_1003], %max3A_946 {strides = array<i32>} : memref<328x128xf32, #tpu.memory_space<vmem>>, vector<16xf32>,
          %swap3A_1005 = arith.index_cast %squeeze3A_935 : i32 to index
          %swap3A_1006 = arith.constant 16 : index
          %swap3A_1007 = tpu.vector_load %arg9[%swap3A_1005, %swap3A_1006] {strides = array<i32>} : memref<328x128xf32, #tpu.memory_space<vmem>>, vector<16xf32>,
          tpu.vector_store %arg9[%swap3A_1005, %swap3A_1006], %max3A_953 {strides = array<i32>} : memref<328x128xf32, #tpu.memory_space<vmem>>, vector<16xf32>,
          %swap3A_1008 = arith.index_cast %squeeze3A_935 : i32 to index
          %swap3A_1009 = arith.constant 32 : index
          %swap3A_1010 = tpu.vector_load %arg9[%swap3A_1008, %swap3A_1009] {strides = array<i32>} : memref<328x128xf32, #tpu.memory_space<vmem>>, vector<16xf32>,
          tpu.vector_store %arg9[%swap3A_1008, %swap3A_1009], %max3A_960 {strides = array<i32>} : memref<328x128xf32, #tpu.memory_space<vmem>>, vector<16xf32>,
          %swap3A_1011 = arith.index_cast %squeeze3A_935 : i32 to index
          %swap3A_1012 = arith.constant 48 : index
          %swap3A_1013 = tpu.vector_load %arg9[%swap3A_1011, %swap3A_1012] {strides = array<i32>} : memref<328x128xf32, #tpu.memory_space<vmem>>, vector<16xf32>,
          tpu.vector_store %arg9[%swap3A_1011, %swap3A_1012], %max3A_967 {strides = array<i32>} : memref<328x128xf32, #tpu.memory_space<vmem>>, vector<16xf32>,
          %swap3A_1014 = arith.index_cast %squeeze3A_935 : i32 to index
          %swap3A_1015 = arith.constant 64 : index
          %swap3A_1016 = tpu.vector_load %arg9[%swap3A_1014, %swap3A_1015] {strides = array<i32>} : memref<328x128xf32, #tpu.memory_space<vmem>>, vector<16xf32>,
          tpu.vector_store %arg9[%swap3A_1014, %swap3A_1015], %max3A_974 {strides = array<i32>} : memref<328x128xf32, #tpu.memory_space<vmem>>, vector<16xf32>,
          %swap3A_1017 = arith.index_cast %squeeze3A_935 : i32 to index
          %swap3A_1018 = arith.constant 80 : index
          %swap3A_1019 = tpu.vector_load %arg9[%swap3A_1017, %swap3A_1018] {strides = array<i32>} : memref<328x128xf32, #tpu.memory_space<vmem>>, vector<16xf32>,
          tpu.vector_store %arg9[%swap3A_1017, %swap3A_1018], %max3A_981 {strides = array<i32>} : memref<328x128xf32, #tpu.memory_space<vmem>>, vector<16xf32>,
          %swap3A_1020 = arith.index_cast %squeeze3A_935 : i32 to index
          %swap3A_1021 = arith.constant 96 : index
          %swap3A_1022 = tpu.vector_load %arg9[%swap3A_1020, %swap3A_1021] {strides = array<i32>} : memref<328x128xf32, #tpu.memory_space<vmem>>, vector<16xf32>,
          tpu.vector_store %arg9[%swap3A_1020, %swap3A_1021], %max3A_988 {strides = array<i32>} : memref<328x128xf32, #tpu.memory_space<vmem>>, vector<16xf32>,
          %swap3A_1023 = arith.index_cast %squeeze3A_935 : i32 to index
          %swap3A_1024 = arith.constant 112 : index
          %swap3A_1025 = tpu.vector_load %arg9[%swap3A_1023, %swap3A_1024] {strides = array<i32>} : memref<328x128xf32, #tpu.memory_space<vmem>>, vector<16xf32>,
          tpu.vector_store %arg9[%swap3A_1023, %swap3A_1024], %max3A_995 {strides = array<i32>} : memref<328x128xf32, #tpu.memory_space<vmem>>, vector<16xf32>,
          %swap3A_1026 = arith.index_cast %mul3A_939 : i32 to index
          %swap3A_1027 = tpu.vector_load %arg10[%swap3A_1026] {strides = array<i32>} : memref<5136xf32, #tpu.memory_space<vmem>>, vector<16xf32>,
          tpu.vector_store %arg10[%swap3A_1026], %max3A_1001 {strides = array<i32>} : memref<5136xf32, #tpu.memory_space<vmem>>, vector<16xf32>,
          %slice3A_1028 = vector.extract_strided_slice %and3A_275 {offsets = [8], sizes = [1], strides = [1]} : vector<16xi32> to vector<1xi32>
          %squeeze3A_1029 = vector.extract %slice3A_1028[0] : i32 from vector<1xi32>
          %slice3A_1030 = vector.extract_strided_slice %sub3A_279 {offsets = [8], sizes = [1], strides = [1]} : vector<16xi32> to vector<1xi32>
          %squeeze3A_1031 = vector.extract %slice3A_1030[0] : i32 from vector<1xi32>
          %mul3A_1032 = arith.constant 16 : i32
          %mul3A_1033 = arith.muli %squeeze3A_1029, %mul3A_1032 : i32
          %get3A_1034 = arith.index_cast %squeeze3A_1029 : i32 to index
          %get3A_1035 = arith.constant 0 : index
          %get3A_1036 = tpu.vector_load %arg9[%get3A_1034, %get3A_1035] {strides = array<i32>} : memref<328x128xf32, #tpu.memory_space<vmem>>, vector<16xf32>,
          %get3A_1037 = arith.index_cast %squeeze3A_1031 : i32 to index
          %get3A_1038 = arith.constant 0 : index
          %get3A_1039 = tpu.vector_load %arg18[%get3A_1037, %get3A_1038] {strides = array<i32>} : memref<128x256xf32, #tpu.memory_space<vmem>>, vector<16xf32>,
          %max3A_1040 = arith.maximumf %get3A_1036, %get3A_1039 : vector<16xf32>
          %get3A_1041 = arith.index_cast %squeeze3A_1029 : i32 to index
          %get3A_1042 = arith.constant 16 : index
          %get3A_1043 = tpu.vector_load %arg9[%get3A_1041, %get3A_1042] {strides = array<i32>} : memref<328x128xf32, #tpu.memory_space<vmem>>, vector<16xf32>,
          %get3A_1044 = arith.index_cast %squeeze3A_1031 : i32 to index
          %get3A_1045 = arith.constant 16 : index
          %get3A_1046 = tpu.vector_load %arg18[%get3A_1044, %get3A_1045] {strides = array<i32>} : memref<128x256xf32, #tpu.memory_space<vmem>>, vector<16xf32>,
          %max3A_1047 = arith.maximumf %get3A_1043, %get3A_1046 : vector<16xf32>
          %get3A_1048 = arith.index_cast %squeeze3A_1029 : i32 to index
          %get3A_1049 = arith.constant 32 : index
          %get3A_1050 = tpu.vector_load %arg9[%get3A_1048, %get3A_1049] {strides = array<i32>} : memref<328x128xf32, #tpu.memory_space<vmem>>, vector<16xf32>,
          %get3A_1051 = arith.index_cast %squeeze3A_1031 : i32 to index
          %get3A_1052 = arith.constant 32 : index
          %get3A_1053 = tpu.vector_load %arg18[%get3A_1051, %get3A_1052] {strides = array<i32>} : memref<128x256xf32, #tpu.memory_space<vmem>>, vector<16xf32>,
          %max3A_1054 = arith.maximumf %get3A_1050, %get3A_1053 : vector<16xf32>
          %get3A_1055 = arith.index_cast %squeeze3A_1029 : i32 to index
          %get3A_1056 = arith.constant 48 : index
          %get3A_1057 = tpu.vector_load %arg9[%get3A_1055, %get3A_1056] {strides = array<i32>} : memref<328x128xf32, #tpu.memory_space<vmem>>, vector<16xf32>,
          %get3A_1058 = arith.index_cast %squeeze3A_1031 : i32 to index
          %get3A_1059 = arith.constant 48 : index
          %get3A_1060 = tpu.vector_load %arg18[%get3A_1058, %get3A_1059] {strides = array<i32>} : memref<128x256xf32, #tpu.memory_space<vmem>>, vector<16xf32>,
          %max3A_1061 = arith.maximumf %get3A_1057, %get3A_1060 : vector<16xf32>
          %get3A_1062 = arith.index_cast %squeeze3A_1029 : i32 to index
          %get3A_1063 = arith.constant 64 : index
          %get3A_1064 = tpu.vector_load %arg9[%get3A_1062, %get3A_1063] {strides = array<i32>} : memref<328x128xf32, #tpu.memory_space<vmem>>, vector<16xf32>,
          %get3A_1065 = arith.index_cast %squeeze3A_1031 : i32 to index
          %get3A_1066 = arith.constant 64 : index
          %get3A_1067 = tpu.vector_load %arg18[%get3A_1065, %get3A_1066] {strides = array<i32>} : memref<128x256xf32, #tpu.memory_space<vmem>>, vector<16xf32>,
          %max3A_1068 = arith.maximumf %get3A_1064, %get3A_1067 : vector<16xf32>
          %get3A_1069 = arith.index_cast %squeeze3A_1029 : i32 to index
          %get3A_1070 = arith.constant 80 : index
          %get3A_1071 = tpu.vector_load %arg9[%get3A_1069, %get3A_1070] {strides = array<i32>} : memref<328x128xf32, #tpu.memory_space<vmem>>, vector<16xf32>,
          %get3A_1072 = arith.index_cast %squeeze3A_1031 : i32 to index
          %get3A_1073 = arith.constant 80 : index
          %get3A_1074 = tpu.vector_load %arg18[%get3A_1072, %get3A_1073] {strides = array<i32>} : memref<128x256xf32, #tpu.memory_space<vmem>>, vector<16xf32>,
          %max3A_1075 = arith.maximumf %get3A_1071, %get3A_1074 : vector<16xf32>
          %get3A_1076 = arith.index_cast %squeeze3A_1029 : i32 to index
          %get3A_1077 = arith.constant 96 : index
          %get3A_1078 = tpu.vector_load %arg9[%get3A_1076, %get3A_1077] {strides = array<i32>} : memref<328x128xf32, #tpu.memory_space<vmem>>, vector<16xf32>,
          %get3A_1079 = arith.index_cast %squeeze3A_1031 : i32 to index
          %get3A_1080 = arith.constant 96 : index
          %get3A_1081 = tpu.vector_load %arg18[%get3A_1079, %get3A_1080] {strides = array<i32>} : memref<128x256xf32, #tpu.memory_space<vmem>>, vector<16xf32>,
          %max3A_1082 = arith.maximumf %get3A_1078, %get3A_1081 : vector<16xf32>
          %get3A_1083 = arith.index_cast %squeeze3A_1029 : i32 to index
          %get3A_1084 = arith.constant 112 : index
          %get3A_1085 = tpu.vector_load %arg9[%get3A_1083, %get3A_1084] {strides = array<i32>} : memref<328x128xf32, #tpu.memory_space<vmem>>, vector<16xf32>,
          %get3A_1086 = arith.index_cast %squeeze3A_1031 : i32 to index
          %get3A_1087 = arith.constant 112 : index
          %get3A_1088 = tpu.vector_load %arg18[%get3A_1086, %get3A_1087] {strides = array<i32>} : memref<128x256xf32, #tpu.memory_space<vmem>>, vector<16xf32>,
          %max3A_1089 = arith.maximumf %get3A_1085, %get3A_1088 : vector<16xf32>
          %get3A_1090 = arith.index_cast %mul3A_1033 : i32 to index
          %get3A_1091 = tpu.vector_load %arg10[%get3A_1090] {strides = array<i32>} : memref<5136xf32, #tpu.memory_space<vmem>>, vector<16xf32>,
          %get3A_1092 = arith.index_cast %squeeze3A_1031 : i32 to index
          %get3A_1093 = arith.constant 128 : index
          %get3A_1094 = tpu.vector_load %arg18[%get3A_1092, %get3A_1093] {strides = array<i32>} : memref<128x256xf32, #tpu.memory_space<vmem>>, vector<16xf32>,
          %max3A_1095 = arith.maximumf %get3A_1091, %get3A_1094 : vector<16xf32>
          %swap3A_1096 = arith.index_cast %squeeze3A_1029 : i32 to index
          %swap3A_1097 = arith.constant 0 : index
          %swap3A_1098 = tpu.vector_load %arg9[%swap3A_1096, %swap3A_1097] {strides = array<i32>} : memref<328x128xf32, #tpu.memory_space<vmem>>, vector<16xf32>,
          tpu.vector_store %arg9[%swap3A_1096, %swap3A_1097], %max3A_1040 {strides = array<i32>} : memref<328x128xf32, #tpu.memory_space<vmem>>, vector<16xf32>,
          %swap3A_1099 = arith.index_cast %squeeze3A_1029 : i32 to index
          %swap3A_1100 = arith.constant 16 : index
          %swap3A_1101 = tpu.vector_load %arg9[%swap3A_1099, %swap3A_1100] {strides = array<i32>} : memref<328x128xf32, #tpu.memory_space<vmem>>, vector<16xf32>,
          tpu.vector_store %arg9[%swap3A_1099, %swap3A_1100], %max3A_1047 {strides = array<i32>} : memref<328x128xf32, #tpu.memory_space<vmem>>, vector<16xf32>,
          %swap3A_1102 = arith.index_cast %squeeze3A_1029 : i32 to index
          %swap3A_1103 = arith.constant 32 : index
          %swap3A_1104 = tpu.vector_load %arg9[%swap3A_1102, %swap3A_1103] {strides = array<i32>} : memref<328x128xf32, #tpu.memory_space<vmem>>, vector<16xf32>,
          tpu.vector_store %arg9[%swap3A_1102, %swap3A_1103], %max3A_1054 {strides = array<i32>} : memref<328x128xf32, #tpu.memory_space<vmem>>, vector<16xf32>,
          %swap3A_1105 = arith.index_cast %squeeze3A_1029 : i32 to index
          %swap3A_1106 = arith.constant 48 : index
          %swap3A_1107 = tpu.vector_load %arg9[%swap3A_1105, %swap3A_1106] {strides = array<i32>} : memref<328x128xf32, #tpu.memory_space<vmem>>, vector<16xf32>,
          tpu.vector_store %arg9[%swap3A_1105, %swap3A_1106], %max3A_1061 {strides = array<i32>} : memref<328x128xf32, #tpu.memory_space<vmem>>, vector<16xf32>,
          %swap3A_1108 = arith.index_cast %squeeze3A_1029 : i32 to index
          %swap3A_1109 = arith.constant 64 : index
          %swap3A_1110 = tpu.vector_load %arg9[%swap3A_1108, %swap3A_1109] {strides = array<i32>} : memref<328x128xf32, #tpu.memory_space<vmem>>, vector<16xf32>,
          tpu.vector_store %arg9[%swap3A_1108, %swap3A_1109], %max3A_1068 {strides = array<i32>} : memref<328x128xf32, #tpu.memory_space<vmem>>, vector<16xf32>,
          %swap3A_1111 = arith.index_cast %squeeze3A_1029 : i32 to index
          %swap3A_1112 = arith.constant 80 : index
          %swap3A_1113 = tpu.vector_load %arg9[%swap3A_1111, %swap3A_1112] {strides = array<i32>} : memref<328x128xf32, #tpu.memory_space<vmem>>, vector<16xf32>,
          tpu.vector_store %arg9[%swap3A_1111, %swap3A_1112], %max3A_1075 {strides = array<i32>} : memref<328x128xf32, #tpu.memory_space<vmem>>, vector<16xf32>,
          %swap3A_1114 = arith.index_cast %squeeze3A_1029 : i32 to index
          %swap3A_1115 = arith.constant 96 : index
          %swap3A_1116 = tpu.vector_load %arg9[%swap3A_1114, %swap3A_1115] {strides = array<i32>} : memref<328x128xf32, #tpu.memory_space<vmem>>, vector<16xf32>,
          tpu.vector_store %arg9[%swap3A_1114, %swap3A_1115], %max3A_1082 {strides = array<i32>} : memref<328x128xf32, #tpu.memory_space<vmem>>, vector<16xf32>,
          %swap3A_1117 = arith.index_cast %squeeze3A_1029 : i32 to index
          %swap3A_1118 = arith.constant 112 : index
          %swap3A_1119 = tpu.vector_load %arg9[%swap3A_1117, %swap3A_1118] {strides = array<i32>} : memref<328x128xf32, #tpu.memory_space<vmem>>, vector<16xf32>,
          tpu.vector_store %arg9[%swap3A_1117, %swap3A_1118], %max3A_1089 {strides = array<i32>} : memref<328x128xf32, #tpu.memory_space<vmem>>, vector<16xf32>,
          %swap3A_1120 = arith.index_cast %mul3A_1033 : i32 to index
          %swap3A_1121 = tpu.vector_load %arg10[%swap3A_1120] {strides = array<i32>} : memref<5136xf32, #tpu.memory_space<vmem>>, vector<16xf32>,
          tpu.vector_store %arg10[%swap3A_1120], %max3A_1095 {strides = array<i32>} : memref<5136xf32, #tpu.memory_space<vmem>>, vector<16xf32>,
          %slice3A_1122 = vector.extract_strided_slice %and3A_275 {offsets = [9], sizes = [1], strides = [1]} : vector<16xi32> to vector<1xi32>
          %squeeze3A_1123 = vector.extract %slice3A_1122[0] : i32 from vector<1xi32>
          %slice3A_1124 = vector.extract_strided_slice %sub3A_279 {offsets = [9], sizes = [1], strides = [1]} : vector<16xi32> to vector<1xi32>
          %squeeze3A_1125 = vector.extract %slice3A_1124[0] : i32 from vector<1xi32>
          %mul3A_1126 = arith.constant 16 : i32
          %mul3A_1127 = arith.muli %squeeze3A_1123, %mul3A_1126 : i32
          %get3A_1128 = arith.index_cast %squeeze3A_1123 : i32 to index
          %get3A_1129 = arith.constant 0 : index
          %get3A_1130 = tpu.vector_load %arg9[%get3A_1128, %get3A_1129] {strides = array<i32>} : memref<328x128xf32, #tpu.memory_space<vmem>>, vector<16xf32>,
          %get3A_1131 = arith.index_cast %squeeze3A_1125 : i32 to index
          %get3A_1132 = arith.constant 0 : index
          %get3A_1133 = tpu.vector_load %arg18[%get3A_1131, %get3A_1132] {strides = array<i32>} : memref<128x256xf32, #tpu.memory_space<vmem>>, vector<16xf32>,
          %max3A_1134 = arith.maximumf %get3A_1130, %get3A_1133 : vector<16xf32>
          %get3A_1135 = arith.index_cast %squeeze3A_1123 : i32 to index
          %get3A_1136 = arith.constant 16 : index
          %get3A_1137 = tpu.vector_load %arg9[%get3A_1135, %get3A_1136] {strides = array<i32>} : memref<328x128xf32, #tpu.memory_space<vmem>>, vector<16xf32>,
          %get3A_1138 = arith.index_cast %squeeze3A_1125 : i32 to index
          %get3A_1139 = arith.constant 16 : index
          %get3A_1140 = tpu.vector_load %arg18[%get3A_1138, %get3A_1139] {strides = array<i32>} : memref<128x256xf32, #tpu.memory_space<vmem>>, vector<16xf32>,
          %max3A_1141 = arith.maximumf %get3A_1137, %get3A_1140 : vector<16xf32>
          %get3A_1142 = arith.index_cast %squeeze3A_1123 : i32 to index
          %get3A_1143 = arith.constant 32 : index
          %get3A_1144 = tpu.vector_load %arg9[%get3A_1142, %get3A_1143] {strides = array<i32>} : memref<328x128xf32, #tpu.memory_space<vmem>>, vector<16xf32>,
          %get3A_1145 = arith.index_cast %squeeze3A_1125 : i32 to index
          %get3A_1146 = arith.constant 32 : index
          %get3A_1147 = tpu.vector_load %arg18[%get3A_1145, %get3A_1146] {strides = array<i32>} : memref<128x256xf32, #tpu.memory_space<vmem>>, vector<16xf32>,
          %max3A_1148 = arith.maximumf %get3A_1144, %get3A_1147 : vector<16xf32>
          %get3A_1149 = arith.index_cast %squeeze3A_1123 : i32 to index
          %get3A_1150 = arith.constant 48 : index
          %get3A_1151 = tpu.vector_load %arg9[%get3A_1149, %get3A_1150] {strides = array<i32>} : memref<328x128xf32, #tpu.memory_space<vmem>>, vector<16xf32>,
          %get3A_1152 = arith.index_cast %squeeze3A_1125 : i32 to index
          %get3A_1153 = arith.constant 48 : index
          %get3A_1154 = tpu.vector_load %arg18[%get3A_1152, %get3A_1153] {strides = array<i32>} : memref<128x256xf32, #tpu.memory_space<vmem>>, vector<16xf32>,
          %max3A_1155 = arith.maximumf %get3A_1151, %get3A_1154 : vector<16xf32>
          %get3A_1156 = arith.index_cast %squeeze3A_1123 : i32 to index
          %get3A_1157 = arith.constant 64 : index
          %get3A_1158 = tpu.vector_load %arg9[%get3A_1156, %get3A_1157] {strides = array<i32>} : memref<328x128xf32, #tpu.memory_space<vmem>>, vector<16xf32>,
          %get3A_1159 = arith.index_cast %squeeze3A_1125 : i32 to index
          %get3A_1160 = arith.constant 64 : index
          %get3A_1161 = tpu.vector_load %arg18[%get3A_1159, %get3A_1160] {strides = array<i32>} : memref<128x256xf32, #tpu.memory_space<vmem>>, vector<16xf32>,
          %max3A_1162 = arith.maximumf %get3A_1158, %get3A_1161 : vector<16xf32>
          %get3A_1163 = arith.index_cast %squeeze3A_1123 : i32 to index
          %get3A_1164 = arith.constant 80 : index
          %get3A_1165 = tpu.vector_load %arg9[%get3A_1163, %get3A_1164] {strides = array<i32>} : memref<328x128xf32, #tpu.memory_space<vmem>>, vector<16xf32>,
          %get3A_1166 = arith.index_cast %squeeze3A_1125 : i32 to index
          %get3A_1167 = arith.constant 80 : index
          %get3A_1168 = tpu.vector_load %arg18[%get3A_1166, %get3A_1167] {strides = array<i32>} : memref<128x256xf32, #tpu.memory_space<vmem>>, vector<16xf32>,
          %max3A_1169 = arith.maximumf %get3A_1165, %get3A_1168 : vector<16xf32>
          %get3A_1170 = arith.index_cast %squeeze3A_1123 : i32 to index
          %get3A_1171 = arith.constant 96 : index
          %get3A_1172 = tpu.vector_load %arg9[%get3A_1170, %get3A_1171] {strides = array<i32>} : memref<328x128xf32, #tpu.memory_space<vmem>>, vector<16xf32>,
          %get3A_1173 = arith.index_cast %squeeze3A_1125 : i32 to index
          %get3A_1174 = arith.constant 96 : index
          %get3A_1175 = tpu.vector_load %arg18[%get3A_1173, %get3A_1174] {strides = array<i32>} : memref<128x256xf32, #tpu.memory_space<vmem>>, vector<16xf32>,
          %max3A_1176 = arith.maximumf %get3A_1172, %get3A_1175 : vector<16xf32>
          %get3A_1177 = arith.index_cast %squeeze3A_1123 : i32 to index
          %get3A_1178 = arith.constant 112 : index
          %get3A_1179 = tpu.vector_load %arg9[%get3A_1177, %get3A_1178] {strides = array<i32>} : memref<328x128xf32, #tpu.memory_space<vmem>>, vector<16xf32>,
          %get3A_1180 = arith.index_cast %squeeze3A_1125 : i32 to index
          %get3A_1181 = arith.constant 112 : index
          %get3A_1182 = tpu.vector_load %arg18[%get3A_1180, %get3A_1181] {strides = array<i32>} : memref<128x256xf32, #tpu.memory_space<vmem>>, vector<16xf32>,
          %max3A_1183 = arith.maximumf %get3A_1179, %get3A_1182 : vector<16xf32>
          %get3A_1184 = arith.index_cast %mul3A_1127 : i32 to index
          %get3A_1185 = tpu.vector_load %arg10[%get3A_1184] {strides = array<i32>} : memref<5136xf32, #tpu.memory_space<vmem>>, vector<16xf32>,
          %get3A_1186 = arith.index_cast %squeeze3A_1125 : i32 to index
          %get3A_1187 = arith.constant 128 : index
          %get3A_1188 = tpu.vector_load %arg18[%get3A_1186, %get3A_1187] {strides = array<i32>} : memref<128x256xf32, #tpu.memory_space<vmem>>, vector<16xf32>,
          %max3A_1189 = arith.maximumf %get3A_1185, %get3A_1188 : vector<16xf32>
          %swap3A_1190 = arith.index_cast %squeeze3A_1123 : i32 to index
          %swap3A_1191 = arith.constant 0 : index
          %swap3A_1192 = tpu.vector_load %arg9[%swap3A_1190, %swap3A_1191] {strides = array<i32>} : memref<328x128xf32, #tpu.memory_space<vmem>>, vector<16xf32>,
          tpu.vector_store %arg9[%swap3A_1190, %swap3A_1191], %max3A_1134 {strides = array<i32>} : memref<328x128xf32, #tpu.memory_space<vmem>>, vector<16xf32>,
          %swap3A_1193 = arith.index_cast %squeeze3A_1123 : i32 to index
          %swap3A_1194 = arith.constant 16 : index
          %swap3A_1195 = tpu.vector_load %arg9[%swap3A_1193, %swap3A_1194] {strides = array<i32>} : memref<328x128xf32, #tpu.memory_space<vmem>>, vector<16xf32>,
          tpu.vector_store %arg9[%swap3A_1193, %swap3A_1194], %max3A_1141 {strides = array<i32>} : memref<328x128xf32, #tpu.memory_space<vmem>>, vector<16xf32>,
          %swap3A_1196 = arith.index_cast %squeeze3A_1123 : i32 to index
          %swap3A_1197 = arith.constant 32 : index
          %swap3A_1198 = tpu.vector_load %arg9[%swap3A_1196, %swap3A_1197] {strides = array<i32>} : memref<328x128xf32, #tpu.memory_space<vmem>>, vector<16xf32>,
          tpu.vector_store %arg9[%swap3A_1196, %swap3A_1197], %max3A_1148 {strides = array<i32>} : memref<328x128xf32, #tpu.memory_space<vmem>>, vector<16xf32>,
          %swap3A_1199 = arith.index_cast %squeeze3A_1123 : i32 to index
          %swap3A_1200 = arith.constant 48 : index
          %swap3A_1201 = tpu.vector_load %arg9[%swap3A_1199, %swap3A_1200] {strides = array<i32>} : memref<328x128xf32, #tpu.memory_space<vmem>>, vector<16xf32>,
          tpu.vector_store %arg9[%swap3A_1199, %swap3A_1200], %max3A_1155 {strides = array<i32>} : memref<328x128xf32, #tpu.memory_space<vmem>>, vector<16xf32>,
          %swap3A_1202 = arith.index_cast %squeeze3A_1123 : i32 to index
          %swap3A_1203 = arith.constant 64 : index
          %swap3A_1204 = tpu.vector_load %arg9[%swap3A_1202, %swap3A_1203] {strides = array<i32>} : memref<328x128xf32, #tpu.memory_space<vmem>>, vector<16xf32>,
          tpu.vector_store %arg9[%swap3A_1202, %swap3A_1203], %max3A_1162 {strides = array<i32>} : memref<328x128xf32, #tpu.memory_space<vmem>>, vector<16xf32>,
          %swap3A_1205 = arith.index_cast %squeeze3A_1123 : i32 to index
          %swap3A_1206 = arith.constant 80 : index
          %swap3A_1207 = tpu.vector_load %arg9[%swap3A_1205, %swap3A_1206] {strides = array<i32>} : memref<328x128xf32, #tpu.memory_space<vmem>>, vector<16xf32>,
          tpu.vector_store %arg9[%swap3A_1205, %swap3A_1206], %max3A_1169 {strides = array<i32>} : memref<328x128xf32, #tpu.memory_space<vmem>>, vector<16xf32>,
          %swap3A_1208 = arith.index_cast %squeeze3A_1123 : i32 to index
          %swap3A_1209 = arith.constant 96 : index
          %swap3A_1210 = tpu.vector_load %arg9[%swap3A_1208, %swap3A_1209] {strides = array<i32>} : memref<328x128xf32, #tpu.memory_space<vmem>>, vector<16xf32>,
          tpu.vector_store %arg9[%swap3A_1208, %swap3A_1209], %max3A_1176 {strides = array<i32>} : memref<328x128xf32, #tpu.memory_space<vmem>>, vector<16xf32>,
          %swap3A_1211 = arith.index_cast %squeeze3A_1123 : i32 to index
          %swap3A_1212 = arith.constant 112 : index
          %swap3A_1213 = tpu.vector_load %arg9[%swap3A_1211, %swap3A_1212] {strides = array<i32>} : memref<328x128xf32, #tpu.memory_space<vmem>>, vector<16xf32>,
          tpu.vector_store %arg9[%swap3A_1211, %swap3A_1212], %max3A_1183 {strides = array<i32>} : memref<328x128xf32, #tpu.memory_space<vmem>>, vector<16xf32>,
          %swap3A_1214 = arith.index_cast %mul3A_1127 : i32 to index
          %swap3A_1215 = tpu.vector_load %arg10[%swap3A_1214] {strides = array<i32>} : memref<5136xf32, #tpu.memory_space<vmem>>, vector<16xf32>,
          tpu.vector_store %arg10[%swap3A_1214], %max3A_1189 {strides = array<i32>} : memref<5136xf32, #tpu.memory_space<vmem>>, vector<16xf32>,
          %slice3A_1216 = vector.extract_strided_slice %and3A_275 {offsets = [10], sizes = [1], strides = [1]} : vector<16xi32> to vector<1xi32>
          %squeeze3A_1217 = vector.extract %slice3A_1216[0] : i32 from vector<1xi32>
          %slice3A_1218 = vector.extract_strided_slice %sub3A_279 {offsets = [10], sizes = [1], strides = [1]} : vector<16xi32> to vector<1xi32>
          %squeeze3A_1219 = vector.extract %slice3A_1218[0] : i32 from vector<1xi32>
          %mul3A_1220 = arith.constant 16 : i32
          %mul3A_1221 = arith.muli %squeeze3A_1217, %mul3A_1220 : i32
          %get3A_1222 = arith.index_cast %squeeze3A_1217 : i32 to index
          %get3A_1223 = arith.constant 0 : index
          %get3A_1224 = tpu.vector_load %arg9[%get3A_1222, %get3A_1223] {strides = array<i32>} : memref<328x128xf32, #tpu.memory_space<vmem>>, vector<16xf32>,
          %get3A_1225 = arith.index_cast %squeeze3A_1219 : i32 to index
          %get3A_1226 = arith.constant 0 : index
          %get3A_1227 = tpu.vector_load %arg18[%get3A_1225, %get3A_1226] {strides = array<i32>} : memref<128x256xf32, #tpu.memory_space<vmem>>, vector<16xf32>,
          %max3A_1228 = arith.maximumf %get3A_1224, %get3A_1227 : vector<16xf32>
          %get3A_1229 = arith.index_cast %squeeze3A_1217 : i32 to index
          %get3A_1230 = arith.constant 16 : index
          %get3A_1231 = tpu.vector_load %arg9[%get3A_1229, %get3A_1230] {strides = array<i32>} : memref<328x128xf32, #tpu.memory_space<vmem>>, vector<16xf32>,
          %get3A_1232 = arith.index_cast %squeeze3A_1219 : i32 to index
          %get3A_1233 = arith.constant 16 : index
          %get3A_1234 = tpu.vector_load %arg18[%get3A_1232, %get3A_1233] {strides = array<i32>} : memref<128x256xf32, #tpu.memory_space<vmem>>, vector<16xf32>,
          %max3A_1235 = arith.maximumf %get3A_1231, %get3A_1234 : vector<16xf32>
          %get3A_1236 = arith.index_cast %squeeze3A_1217 : i32 to index
          %get3A_1237 = arith.constant 32 : index
          %get3A_1238 = tpu.vector_load %arg9[%get3A_1236, %get3A_1237] {strides = array<i32>} : memref<328x128xf32, #tpu.memory_space<vmem>>, vector<16xf32>,
          %get3A_1239 = arith.index_cast %squeeze3A_1219 : i32 to index
          %get3A_1240 = arith.constant 32 : index
          %get3A_1241 = tpu.vector_load %arg18[%get3A_1239, %get3A_1240] {strides = array<i32>} : memref<128x256xf32, #tpu.memory_space<vmem>>, vector<16xf32>,
          %max3A_1242 = arith.maximumf %get3A_1238, %get3A_1241 : vector<16xf32>
          %get3A_1243 = arith.index_cast %squeeze3A_1217 : i32 to index
          %get3A_1244 = arith.constant 48 : index
          %get3A_1245 = tpu.vector_load %arg9[%get3A_1243, %get3A_1244] {strides = array<i32>} : memref<328x128xf32, #tpu.memory_space<vmem>>, vector<16xf32>,
          %get3A_1246 = arith.index_cast %squeeze3A_1219 : i32 to index
          %get3A_1247 = arith.constant 48 : index
          %get3A_1248 = tpu.vector_load %arg18[%get3A_1246, %get3A_1247] {strides = array<i32>} : memref<128x256xf32, #tpu.memory_space<vmem>>, vector<16xf32>,
          %max3A_1249 = arith.maximumf %get3A_1245, %get3A_1248 : vector<16xf32>
          %get3A_1250 = arith.index_cast %squeeze3A_1217 : i32 to index
          %get3A_1251 = arith.constant 64 : index
          %get3A_1252 = tpu.vector_load %arg9[%get3A_1250, %get3A_1251] {strides = array<i32>} : memref<328x128xf32, #tpu.memory_space<vmem>>, vector<16xf32>,
          %get3A_1253 = arith.index_cast %squeeze3A_1219 : i32 to index
          %get3A_1254 = arith.constant 64 : index
          %get3A_1255 = tpu.vector_load %arg18[%get3A_1253, %get3A_1254] {strides = array<i32>} : memref<128x256xf32, #tpu.memory_space<vmem>>, vector<16xf32>,
          %max3A_1256 = arith.maximumf %get3A_1252, %get3A_1255 : vector<16xf32>
          %get3A_1257 = arith.index_cast %squeeze3A_1217 : i32 to index
          %get3A_1258 = arith.constant 80 : index
          %get3A_1259 = tpu.vector_load %arg9[%get3A_1257, %get3A_1258] {strides = array<i32>} : memref<328x128xf32, #tpu.memory_space<vmem>>, vector<16xf32>,
          %get3A_1260 = arith.index_cast %squeeze3A_1219 : i32 to index
          %get3A_1261 = arith.constant 80 : index
          %get3A_1262 = tpu.vector_load %arg18[%get3A_1260, %get3A_1261] {strides = array<i32>} : memref<128x256xf32, #tpu.memory_space<vmem>>, vector<16xf32>,
          %max3A_1263 = arith.maximumf %get3A_1259, %get3A_1262 : vector<16xf32>
          %get3A_1264 = arith.index_cast %squeeze3A_1217 : i32 to index
          %get3A_1265 = arith.constant 96 : index
          %get3A_1266 = tpu.vector_load %arg9[%get3A_1264, %get3A_1265] {strides = array<i32>} : memref<328x128xf32, #tpu.memory_space<vmem>>, vector<16xf32>,
          %get3A_1267 = arith.index_cast %squeeze3A_1219 : i32 to index
          %get3A_1268 = arith.constant 96 : index
          %get3A_1269 = tpu.vector_load %arg18[%get3A_1267, %get3A_1268] {strides = array<i32>} : memref<128x256xf32, #tpu.memory_space<vmem>>, vector<16xf32>,
          %max3A_1270 = arith.maximumf %get3A_1266, %get3A_1269 : vector<16xf32>
          %get3A_1271 = arith.index_cast %squeeze3A_1217 : i32 to index
          %get3A_1272 = arith.constant 112 : index
          %get3A_1273 = tpu.vector_load %arg9[%get3A_1271, %get3A_1272] {strides = array<i32>} : memref<328x128xf32, #tpu.memory_space<vmem>>, vector<16xf32>,
          %get3A_1274 = arith.index_cast %squeeze3A_1219 : i32 to index
          %get3A_1275 = arith.constant 112 : index
          %get3A_1276 = tpu.vector_load %arg18[%get3A_1274, %get3A_1275] {strides = array<i32>} : memref<128x256xf32, #tpu.memory_space<vmem>>, vector<16xf32>,
          %max3A_1277 = arith.maximumf %get3A_1273, %get3A_1276 : vector<16xf32>
          %get3A_1278 = arith.index_cast %mul3A_1221 : i32 to index
          %get3A_1279 = tpu.vector_load %arg10[%get3A_1278] {strides = array<i32>} : memref<5136xf32, #tpu.memory_space<vmem>>, vector<16xf32>,
          %get3A_1280 = arith.index_cast %squeeze3A_1219 : i32 to index
          %get3A_1281 = arith.constant 128 : index
          %get3A_1282 = tpu.vector_load %arg18[%get3A_1280, %get3A_1281] {strides = array<i32>} : memref<128x256xf32, #tpu.memory_space<vmem>>, vector<16xf32>,
          %max3A_1283 = arith.maximumf %get3A_1279, %get3A_1282 : vector<16xf32>
          %swap3A_1284 = arith.index_cast %squeeze3A_1217 : i32 to index
          %swap3A_1285 = arith.constant 0 : index
          %swap3A_1286 = tpu.vector_load %arg9[%swap3A_1284, %swap3A_1285] {strides = array<i32>} : memref<328x128xf32, #tpu.memory_space<vmem>>, vector<16xf32>,
          tpu.vector_store %arg9[%swap3A_1284, %swap3A_1285], %max3A_1228 {strides = array<i32>} : memref<328x128xf32, #tpu.memory_space<vmem>>, vector<16xf32>,
          %swap3A_1287 = arith.index_cast %squeeze3A_1217 : i32 to index
          %swap3A_1288 = arith.constant 16 : index
          %swap3A_1289 = tpu.vector_load %arg9[%swap3A_1287, %swap3A_1288] {strides = array<i32>} : memref<328x128xf32, #tpu.memory_space<vmem>>, vector<16xf32>,
          tpu.vector_store %arg9[%swap3A_1287, %swap3A_1288], %max3A_1235 {strides = array<i32>} : memref<328x128xf32, #tpu.memory_space<vmem>>, vector<16xf32>,
          %swap3A_1290 = arith.index_cast %squeeze3A_1217 : i32 to index
          %swap3A_1291 = arith.constant 32 : index
          %swap3A_1292 = tpu.vector_load %arg9[%swap3A_1290, %swap3A_1291] {strides = array<i32>} : memref<328x128xf32, #tpu.memory_space<vmem>>, vector<16xf32>,
          tpu.vector_store %arg9[%swap3A_1290, %swap3A_1291], %max3A_1242 {strides = array<i32>} : memref<328x128xf32, #tpu.memory_space<vmem>>, vector<16xf32>,
          %swap3A_1293 = arith.index_cast %squeeze3A_1217 : i32 to index
          %swap3A_1294 = arith.constant 48 : index
          %swap3A_1295 = tpu.vector_load %arg9[%swap3A_1293, %swap3A_1294] {strides = array<i32>} : memref<328x128xf32, #tpu.memory_space<vmem>>, vector<16xf32>,
          tpu.vector_store %arg9[%swap3A_1293, %swap3A_1294], %max3A_1249 {strides = array<i32>} : memref<328x128xf32, #tpu.memory_space<vmem>>, vector<16xf32>,
          %swap3A_1296 = arith.index_cast %squeeze3A_1217 : i32 to index
          %swap3A_1297 = arith.constant 64 : index
          %swap3A_1298 = tpu.vector_load %arg9[%swap3A_1296, %swap3A_1297] {strides = array<i32>} : memref<328x128xf32, #tpu.memory_space<vmem>>, vector<16xf32>,
          tpu.vector_store %arg9[%swap3A_1296, %swap3A_1297], %max3A_1256 {strides = array<i32>} : memref<328x128xf32, #tpu.memory_space<vmem>>, vector<16xf32>,
          %swap3A_1299 = arith.index_cast %squeeze3A_1217 : i32 to index
          %swap3A_1300 = arith.constant 80 : index
          %swap3A_1301 = tpu.vector_load %arg9[%swap3A_1299, %swap3A_1300] {strides = array<i32>} : memref<328x128xf32, #tpu.memory_space<vmem>>, vector<16xf32>,
          tpu.vector_store %arg9[%swap3A_1299, %swap3A_1300], %max3A_1263 {strides = array<i32>} : memref<328x128xf32, #tpu.memory_space<vmem>>, vector<16xf32>,
          %swap3A_1302 = arith.index_cast %squeeze3A_1217 : i32 to index
          %swap3A_1303 = arith.constant 96 : index
          %swap3A_1304 = tpu.vector_load %arg9[%swap3A_1302, %swap3A_1303] {strides = array<i32>} : memref<328x128xf32, #tpu.memory_space<vmem>>, vector<16xf32>,
          tpu.vector_store %arg9[%swap3A_1302, %swap3A_1303], %max3A_1270 {strides = array<i32>} : memref<328x128xf32, #tpu.memory_space<vmem>>, vector<16xf32>,
          %swap3A_1305 = arith.index_cast %squeeze3A_1217 : i32 to index
          %swap3A_1306 = arith.constant 112 : index
          %swap3A_1307 = tpu.vector_load %arg9[%swap3A_1305, %swap3A_1306] {strides = array<i32>} : memref<328x128xf32, #tpu.memory_space<vmem>>, vector<16xf32>,
          tpu.vector_store %arg9[%swap3A_1305, %swap3A_1306], %max3A_1277 {strides = array<i32>} : memref<328x128xf32, #tpu.memory_space<vmem>>, vector<16xf32>,
          %swap3A_1308 = arith.index_cast %mul3A_1221 : i32 to index
          %swap3A_1309 = tpu.vector_load %arg10[%swap3A_1308] {strides = array<i32>} : memref<5136xf32, #tpu.memory_space<vmem>>, vector<16xf32>,
          tpu.vector_store %arg10[%swap3A_1308], %max3A_1283 {strides = array<i32>} : memref<5136xf32, #tpu.memory_space<vmem>>, vector<16xf32>,
          %slice3A_1310 = vector.extract_strided_slice %and3A_275 {offsets = [11], sizes = [1], strides = [1]} : vector<16xi32> to vector<1xi32>
          %squeeze3A_1311 = vector.extract %slice3A_1310[0] : i32 from vector<1xi32>
          %slice3A_1312 = vector.extract_strided_slice %sub3A_279 {offsets = [11], sizes = [1], strides = [1]} : vector<16xi32> to vector<1xi32>
          %squeeze3A_1313 = vector.extract %slice3A_1312[0] : i32 from vector<1xi32>
          %mul3A_1314 = arith.constant 16 : i32
          %mul3A_1315 = arith.muli %squeeze3A_1311, %mul3A_1314 : i32
          %get3A_1316 = arith.index_cast %squeeze3A_1311 : i32 to index
          %get3A_1317 = arith.constant 0 : index
          %get3A_1318 = tpu.vector_load %arg9[%get3A_1316, %get3A_1317] {strides = array<i32>} : memref<328x128xf32, #tpu.memory_space<vmem>>, vector<16xf32>,
          %get3A_1319 = arith.index_cast %squeeze3A_1313 : i32 to index
          %get3A_1320 = arith.constant 0 : index
          %get3A_1321 = tpu.vector_load %arg18[%get3A_1319, %get3A_1320] {strides = array<i32>} : memref<128x256xf32, #tpu.memory_space<vmem>>, vector<16xf32>,
          %max3A_1322 = arith.maximumf %get3A_1318, %get3A_1321 : vector<16xf32>
          %get3A_1323 = arith.index_cast %squeeze3A_1311 : i32 to index
          %get3A_1324 = arith.constant 16 : index
          %get3A_1325 = tpu.vector_load %arg9[%get3A_1323, %get3A_1324] {strides = array<i32>} : memref<328x128xf32, #tpu.memory_space<vmem>>, vector<16xf32>,
          %get3A_1326 = arith.index_cast %squeeze3A_1313 : i32 to index
          %get3A_1327 = arith.constant 16 : index
          %get3A_1328 = tpu.vector_load %arg18[%get3A_1326, %get3A_1327] {strides = array<i32>} : memref<128x256xf32, #tpu.memory_space<vmem>>, vector<16xf32>,
          %max3A_1329 = arith.maximumf %get3A_1325, %get3A_1328 : vector<16xf32>
          %get3A_1330 = arith.index_cast %squeeze3A_1311 : i32 to index
          %get3A_1331 = arith.constant 32 : index
          %get3A_1332 = tpu.vector_load %arg9[%get3A_1330, %get3A_1331] {strides = array<i32>} : memref<328x128xf32, #tpu.memory_space<vmem>>, vector<16xf32>,
          %get3A_1333 = arith.index_cast %squeeze3A_1313 : i32 to index
          %get3A_1334 = arith.constant 32 : index
          %get3A_1335 = tpu.vector_load %arg18[%get3A_1333, %get3A_1334] {strides = array<i32>} : memref<128x256xf32, #tpu.memory_space<vmem>>, vector<16xf32>,
          %max3A_1336 = arith.maximumf %get3A_1332, %get3A_1335 : vector<16xf32>
          %get3A_1337 = arith.index_cast %squeeze3A_1311 : i32 to index
          %get3A_1338 = arith.constant 48 : index
          %get3A_1339 = tpu.vector_load %arg9[%get3A_1337, %get3A_1338] {strides = array<i32>} : memref<328x128xf32, #tpu.memory_space<vmem>>, vector<16xf32>,
          %get3A_1340 = arith.index_cast %squeeze3A_1313 : i32 to index
          %get3A_1341 = arith.constant 48 : index
          %get3A_1342 = tpu.vector_load %arg18[%get3A_1340, %get3A_1341] {strides = array<i32>} : memref<128x256xf32, #tpu.memory_space<vmem>>, vector<16xf32>,
          %max3A_1343 = arith.maximumf %get3A_1339, %get3A_1342 : vector<16xf32>
          %get3A_1344 = arith.index_cast %squeeze3A_1311 : i32 to index
          %get3A_1345 = arith.constant 64 : index
          %get3A_1346 = tpu.vector_load %arg9[%get3A_1344, %get3A_1345] {strides = array<i32>} : memref<328x128xf32, #tpu.memory_space<vmem>>, vector<16xf32>,
          %get3A_1347 = arith.index_cast %squeeze3A_1313 : i32 to index
          %get3A_1348 = arith.constant 64 : index
          %get3A_1349 = tpu.vector_load %arg18[%get3A_1347, %get3A_1348] {strides = array<i32>} : memref<128x256xf32, #tpu.memory_space<vmem>>, vector<16xf32>,
          %max3A_1350 = arith.maximumf %get3A_1346, %get3A_1349 : vector<16xf32>
          %get3A_1351 = arith.index_cast %squeeze3A_1311 : i32 to index
          %get3A_1352 = arith.constant 80 : index
          %get3A_1353 = tpu.vector_load %arg9[%get3A_1351, %get3A_1352] {strides = array<i32>} : memref<328x128xf32, #tpu.memory_space<vmem>>, vector<16xf32>,
          %get3A_1354 = arith.index_cast %squeeze3A_1313 : i32 to index
          %get3A_1355 = arith.constant 80 : index
          %get3A_1356 = tpu.vector_load %arg18[%get3A_1354, %get3A_1355] {strides = array<i32>} : memref<128x256xf32, #tpu.memory_space<vmem>>, vector<16xf32>,
          %max3A_1357 = arith.maximumf %get3A_1353, %get3A_1356 : vector<16xf32>
          %get3A_1358 = arith.index_cast %squeeze3A_1311 : i32 to index
          %get3A_1359 = arith.constant 96 : index
          %get3A_1360 = tpu.vector_load %arg9[%get3A_1358, %get3A_1359] {strides = array<i32>} : memref<328x128xf32, #tpu.memory_space<vmem>>, vector<16xf32>,
          %get3A_1361 = arith.index_cast %squeeze3A_1313 : i32 to index
          %get3A_1362 = arith.constant 96 : index
          %get3A_1363 = tpu.vector_load %arg18[%get3A_1361, %get3A_1362] {strides = array<i32>} : memref<128x256xf32, #tpu.memory_space<vmem>>, vector<16xf32>,
          %max3A_1364 = arith.maximumf %get3A_1360, %get3A_1363 : vector<16xf32>
          %get3A_1365 = arith.index_cast %squeeze3A_1311 : i32 to index
          %get3A_1366 = arith.constant 112 : index
          %get3A_1367 = tpu.vector_load %arg9[%get3A_1365, %get3A_1366] {strides = array<i32>} : memref<328x128xf32, #tpu.memory_space<vmem>>, vector<16xf32>,
          %get3A_1368 = arith.index_cast %squeeze3A_1313 : i32 to index
          %get3A_1369 = arith.constant 112 : index
          %get3A_1370 = tpu.vector_load %arg18[%get3A_1368, %get3A_1369] {strides = array<i32>} : memref<128x256xf32, #tpu.memory_space<vmem>>, vector<16xf32>,
          %max3A_1371 = arith.maximumf %get3A_1367, %get3A_1370 : vector<16xf32>
          %get3A_1372 = arith.index_cast %mul3A_1315 : i32 to index
          %get3A_1373 = tpu.vector_load %arg10[%get3A_1372] {strides = array<i32>} : memref<5136xf32, #tpu.memory_space<vmem>>, vector<16xf32>,
          %get3A_1374 = arith.index_cast %squeeze3A_1313 : i32 to index
          %get3A_1375 = arith.constant 128 : index
          %get3A_1376 = tpu.vector_load %arg18[%get3A_1374, %get3A_1375] {strides = array<i32>} : memref<128x256xf32, #tpu.memory_space<vmem>>, vector<16xf32>,
          %max3A_1377 = arith.maximumf %get3A_1373, %get3A_1376 : vector<16xf32>
          %swap3A_1378 = arith.index_cast %squeeze3A_1311 : i32 to index
          %swap3A_1379 = arith.constant 0 : index
          %swap3A_1380 = tpu.vector_load %arg9[%swap3A_1378, %swap3A_1379] {strides = array<i32>} : memref<328x128xf32, #tpu.memory_space<vmem>>, vector<16xf32>,
          tpu.vector_store %arg9[%swap3A_1378, %swap3A_1379], %max3A_1322 {strides = array<i32>} : memref<328x128xf32, #tpu.memory_space<vmem>>, vector<16xf32>,
          %swap3A_1381 = arith.index_cast %squeeze3A_1311 : i32 to index
          %swap3A_1382 = arith.constant 16 : index
          %swap3A_1383 = tpu.vector_load %arg9[%swap3A_1381, %swap3A_1382] {strides = array<i32>} : memref<328x128xf32, #tpu.memory_space<vmem>>, vector<16xf32>,
          tpu.vector_store %arg9[%swap3A_1381, %swap3A_1382], %max3A_1329 {strides = array<i32>} : memref<328x128xf32, #tpu.memory_space<vmem>>, vector<16xf32>,
          %swap3A_1384 = arith.index_cast %squeeze3A_1311 : i32 to index
          %swap3A_1385 = arith.constant 32 : index
          %swap3A_1386 = tpu.vector_load %arg9[%swap3A_1384, %swap3A_1385] {strides = array<i32>} : memref<328x128xf32, #tpu.memory_space<vmem>>, vector<16xf32>,
          tpu.vector_store %arg9[%swap3A_1384, %swap3A_1385], %max3A_1336 {strides = array<i32>} : memref<328x128xf32, #tpu.memory_space<vmem>>, vector<16xf32>,
          %swap3A_1387 = arith.index_cast %squeeze3A_1311 : i32 to index
          %swap3A_1388 = arith.constant 48 : index
          %swap3A_1389 = tpu.vector_load %arg9[%swap3A_1387, %swap3A_1388] {strides = array<i32>} : memref<328x128xf32, #tpu.memory_space<vmem>>, vector<16xf32>,
          tpu.vector_store %arg9[%swap3A_1387, %swap3A_1388], %max3A_1343 {strides = array<i32>} : memref<328x128xf32, #tpu.memory_space<vmem>>, vector<16xf32>,
          %swap3A_1390 = arith.index_cast %squeeze3A_1311 : i32 to index
          %swap3A_1391 = arith.constant 64 : index
          %swap3A_1392 = tpu.vector_load %arg9[%swap3A_1390, %swap3A_1391] {strides = array<i32>} : memref<328x128xf32, #tpu.memory_space<vmem>>, vector<16xf32>,
          tpu.vector_store %arg9[%swap3A_1390, %swap3A_1391], %max3A_1350 {strides = array<i32>} : memref<328x128xf32, #tpu.memory_space<vmem>>, vector<16xf32>,
          %swap3A_1393 = arith.index_cast %squeeze3A_1311 : i32 to index
          %swap3A_1394 = arith.constant 80 : index
          %swap3A_1395 = tpu.vector_load %arg9[%swap3A_1393, %swap3A_1394] {strides = array<i32>} : memref<328x128xf32, #tpu.memory_space<vmem>>, vector<16xf32>,
          tpu.vector_store %arg9[%swap3A_1393, %swap3A_1394], %max3A_1357 {strides = array<i32>} : memref<328x128xf32, #tpu.memory_space<vmem>>, vector<16xf32>,
          %swap3A_1396 = arith.index_cast %squeeze3A_1311 : i32 to index
          %swap3A_1397 = arith.constant 96 : index
          %swap3A_1398 = tpu.vector_load %arg9[%swap3A_1396, %swap3A_1397] {strides = array<i32>} : memref<328x128xf32, #tpu.memory_space<vmem>>, vector<16xf32>,
          tpu.vector_store %arg9[%swap3A_1396, %swap3A_1397], %max3A_1364 {strides = array<i32>} : memref<328x128xf32, #tpu.memory_space<vmem>>, vector<16xf32>,
          %swap3A_1399 = arith.index_cast %squeeze3A_1311 : i32 to index
          %swap3A_1400 = arith.constant 112 : index
          %swap3A_1401 = tpu.vector_load %arg9[%swap3A_1399, %swap3A_1400] {strides = array<i32>} : memref<328x128xf32, #tpu.memory_space<vmem>>, vector<16xf32>,
          tpu.vector_store %arg9[%swap3A_1399, %swap3A_1400], %max3A_1371 {strides = array<i32>} : memref<328x128xf32, #tpu.memory_space<vmem>>, vector<16xf32>,
          %swap3A_1402 = arith.index_cast %mul3A_1315 : i32 to index
          %swap3A_1403 = tpu.vector_load %arg10[%swap3A_1402] {strides = array<i32>} : memref<5136xf32, #tpu.memory_space<vmem>>, vector<16xf32>,
          tpu.vector_store %arg10[%swap3A_1402], %max3A_1377 {strides = array<i32>} : memref<5136xf32, #tpu.memory_space<vmem>>, vector<16xf32>,
          %slice3A_1404 = vector.extract_strided_slice %and3A_275 {offsets = [12], sizes = [1], strides = [1]} : vector<16xi32> to vector<1xi32>
          %squeeze3A_1405 = vector.extract %slice3A_1404[0] : i32 from vector<1xi32>
          %slice3A_1406 = vector.extract_strided_slice %sub3A_279 {offsets = [12], sizes = [1], strides = [1]} : vector<16xi32> to vector<1xi32>
          %squeeze3A_1407 = vector.extract %slice3A_1406[0] : i32 from vector<1xi32>
          %mul3A_1408 = arith.constant 16 : i32
          %mul3A_1409 = arith.muli %squeeze3A_1405, %mul3A_1408 : i32
          %get3A_1410 = arith.index_cast %squeeze3A_1405 : i32 to index
          %get3A_1411 = arith.constant 0 : index
          %get3A_1412 = tpu.vector_load %arg9[%get3A_1410, %get3A_1411] {strides = array<i32>} : memref<328x128xf32, #tpu.memory_space<vmem>>, vector<16xf32>,
          %get3A_1413 = arith.index_cast %squeeze3A_1407 : i32 to index
          %get3A_1414 = arith.constant 0 : index
          %get3A_1415 = tpu.vector_load %arg18[%get3A_1413, %get3A_1414] {strides = array<i32>} : memref<128x256xf32, #tpu.memory_space<vmem>>, vector<16xf32>,
          %max3A_1416 = arith.maximumf %get3A_1412, %get3A_1415 : vector<16xf32>
          %get3A_1417 = arith.index_cast %squeeze3A_1405 : i32 to index
          %get3A_1418 = arith.constant 16 : index
          %get3A_1419 = tpu.vector_load %arg9[%get3A_1417, %get3A_1418] {strides = array<i32>} : memref<328x128xf32, #tpu.memory_space<vmem>>, vector<16xf32>,
          %get3A_1420 = arith.index_cast %squeeze3A_1407 : i32 to index
          %get3A_1421 = arith.constant 16 : index
          %get3A_1422 = tpu.vector_load %arg18[%get3A_1420, %get3A_1421] {strides = array<i32>} : memref<128x256xf32, #tpu.memory_space<vmem>>, vector<16xf32>,
          %max3A_1423 = arith.maximumf %get3A_1419, %get3A_1422 : vector<16xf32>
          %get3A_1424 = arith.index_cast %squeeze3A_1405 : i32 to index
          %get3A_1425 = arith.constant 32 : index
          %get3A_1426 = tpu.vector_load %arg9[%get3A_1424, %get3A_1425] {strides = array<i32>} : memref<328x128xf32, #tpu.memory_space<vmem>>, vector<16xf32>,
          %get3A_1427 = arith.index_cast %squeeze3A_1407 : i32 to index
          %get3A_1428 = arith.constant 32 : index
          %get3A_1429 = tpu.vector_load %arg18[%get3A_1427, %get3A_1428] {strides = array<i32>} : memref<128x256xf32, #tpu.memory_space<vmem>>, vector<16xf32>,
          %max3A_1430 = arith.maximumf %get3A_1426, %get3A_1429 : vector<16xf32>
          %get3A_1431 = arith.index_cast %squeeze3A_1405 : i32 to index
          %get3A_1432 = arith.constant 48 : index
          %get3A_1433 = tpu.vector_load %arg9[%get3A_1431, %get3A_1432] {strides = array<i32>} : memref<328x128xf32, #tpu.memory_space<vmem>>, vector<16xf32>,
          %get3A_1434 = arith.index_cast %squeeze3A_1407 : i32 to index
          %get3A_1435 = arith.constant 48 : index
          %get3A_1436 = tpu.vector_load %arg18[%get3A_1434, %get3A_1435] {strides = array<i32>} : memref<128x256xf32, #tpu.memory_space<vmem>>, vector<16xf32>,
          %max3A_1437 = arith.maximumf %get3A_1433, %get3A_1436 : vector<16xf32>
          %get3A_1438 = arith.index_cast %squeeze3A_1405 : i32 to index
          %get3A_1439 = arith.constant 64 : index
          %get3A_1440 = tpu.vector_load %arg9[%get3A_1438, %get3A_1439] {strides = array<i32>} : memref<328x128xf32, #tpu.memory_space<vmem>>, vector<16xf32>,
          %get3A_1441 = arith.index_cast %squeeze3A_1407 : i32 to index
          %get3A_1442 = arith.constant 64 : index
          %get3A_1443 = tpu.vector_load %arg18[%get3A_1441, %get3A_1442] {strides = array<i32>} : memref<128x256xf32, #tpu.memory_space<vmem>>, vector<16xf32>,
          %max3A_1444 = arith.maximumf %get3A_1440, %get3A_1443 : vector<16xf32>
          %get3A_1445 = arith.index_cast %squeeze3A_1405 : i32 to index
          %get3A_1446 = arith.constant 80 : index
          %get3A_1447 = tpu.vector_load %arg9[%get3A_1445, %get3A_1446] {strides = array<i32>} : memref<328x128xf32, #tpu.memory_space<vmem>>, vector<16xf32>,
          %get3A_1448 = arith.index_cast %squeeze3A_1407 : i32 to index
          %get3A_1449 = arith.constant 80 : index
          %get3A_1450 = tpu.vector_load %arg18[%get3A_1448, %get3A_1449] {strides = array<i32>} : memref<128x256xf32, #tpu.memory_space<vmem>>, vector<16xf32>,
          %max3A_1451 = arith.maximumf %get3A_1447, %get3A_1450 : vector<16xf32>
          %get3A_1452 = arith.index_cast %squeeze3A_1405 : i32 to index
          %get3A_1453 = arith.constant 96 : index
          %get3A_1454 = tpu.vector_load %arg9[%get3A_1452, %get3A_1453] {strides = array<i32>} : memref<328x128xf32, #tpu.memory_space<vmem>>, vector<16xf32>,
          %get3A_1455 = arith.index_cast %squeeze3A_1407 : i32 to index
          %get3A_1456 = arith.constant 96 : index
          %get3A_1457 = tpu.vector_load %arg18[%get3A_1455, %get3A_1456] {strides = array<i32>} : memref<128x256xf32, #tpu.memory_space<vmem>>, vector<16xf32>,
          %max3A_1458 = arith.maximumf %get3A_1454, %get3A_1457 : vector<16xf32>
          %get3A_1459 = arith.index_cast %squeeze3A_1405 : i32 to index
          %get3A_1460 = arith.constant 112 : index
          %get3A_1461 = tpu.vector_load %arg9[%get3A_1459, %get3A_1460] {strides = array<i32>} : memref<328x128xf32, #tpu.memory_space<vmem>>, vector<16xf32>,
          %get3A_1462 = arith.index_cast %squeeze3A_1407 : i32 to index
          %get3A_1463 = arith.constant 112 : index
          %get3A_1464 = tpu.vector_load %arg18[%get3A_1462, %get3A_1463] {strides = array<i32>} : memref<128x256xf32, #tpu.memory_space<vmem>>, vector<16xf32>,
          %max3A_1465 = arith.maximumf %get3A_1461, %get3A_1464 : vector<16xf32>
          %get3A_1466 = arith.index_cast %mul3A_1409 : i32 to index
          %get3A_1467 = tpu.vector_load %arg10[%get3A_1466] {strides = array<i32>} : memref<5136xf32, #tpu.memory_space<vmem>>, vector<16xf32>,
          %get3A_1468 = arith.index_cast %squeeze3A_1407 : i32 to index
          %get3A_1469 = arith.constant 128 : index
          %get3A_1470 = tpu.vector_load %arg18[%get3A_1468, %get3A_1469] {strides = array<i32>} : memref<128x256xf32, #tpu.memory_space<vmem>>, vector<16xf32>,
          %max3A_1471 = arith.maximumf %get3A_1467, %get3A_1470 : vector<16xf32>
          %swap3A_1472 = arith.index_cast %squeeze3A_1405 : i32 to index
          %swap3A_1473 = arith.constant 0 : index
          %swap3A_1474 = tpu.vector_load %arg9[%swap3A_1472, %swap3A_1473] {strides = array<i32>} : memref<328x128xf32, #tpu.memory_space<vmem>>, vector<16xf32>,
          tpu.vector_store %arg9[%swap3A_1472, %swap3A_1473], %max3A_1416 {strides = array<i32>} : memref<328x128xf32, #tpu.memory_space<vmem>>, vector<16xf32>,
          %swap3A_1475 = arith.index_cast %squeeze3A_1405 : i32 to index
          %swap3A_1476 = arith.constant 16 : index
          %swap3A_1477 = tpu.vector_load %arg9[%swap3A_1475, %swap3A_1476] {strides = array<i32>} : memref<328x128xf32, #tpu.memory_space<vmem>>, vector<16xf32>,
          tpu.vector_store %arg9[%swap3A_1475, %swap3A_1476], %max3A_1423 {strides = array<i32>} : memref<328x128xf32, #tpu.memory_space<vmem>>, vector<16xf32>,
          %swap3A_1478 = arith.index_cast %squeeze3A_1405 : i32 to index
          %swap3A_1479 = arith.constant 32 : index
          %swap3A_1480 = tpu.vector_load %arg9[%swap3A_1478, %swap3A_1479] {strides = array<i32>} : memref<328x128xf32, #tpu.memory_space<vmem>>, vector<16xf32>,
          tpu.vector_store %arg9[%swap3A_1478, %swap3A_1479], %max3A_1430 {strides = array<i32>} : memref<328x128xf32, #tpu.memory_space<vmem>>, vector<16xf32>,
          %swap3A_1481 = arith.index_cast %squeeze3A_1405 : i32 to index
          %swap3A_1482 = arith.constant 48 : index
          %swap3A_1483 = tpu.vector_load %arg9[%swap3A_1481, %swap3A_1482] {strides = array<i32>} : memref<328x128xf32, #tpu.memory_space<vmem>>, vector<16xf32>,
          tpu.vector_store %arg9[%swap3A_1481, %swap3A_1482], %max3A_1437 {strides = array<i32>} : memref<328x128xf32, #tpu.memory_space<vmem>>, vector<16xf32>,
          %swap3A_1484 = arith.index_cast %squeeze3A_1405 : i32 to index
          %swap3A_1485 = arith.constant 64 : index
          %swap3A_1486 = tpu.vector_load %arg9[%swap3A_1484, %swap3A_1485] {strides = array<i32>} : memref<328x128xf32, #tpu.memory_space<vmem>>, vector<16xf32>,
          tpu.vector_store %arg9[%swap3A_1484, %swap3A_1485], %max3A_1444 {strides = array<i32>} : memref<328x128xf32, #tpu.memory_space<vmem>>, vector<16xf32>,
          %swap3A_1487 = arith.index_cast %squeeze3A_1405 : i32 to index
          %swap3A_1488 = arith.constant 80 : index
          %swap3A_1489 = tpu.vector_load %arg9[%swap3A_1487, %swap3A_1488] {strides = array<i32>} : memref<328x128xf32, #tpu.memory_space<vmem>>, vector<16xf32>,
          tpu.vector_store %arg9[%swap3A_1487, %swap3A_1488], %max3A_1451 {strides = array<i32>} : memref<328x128xf32, #tpu.memory_space<vmem>>, vector<16xf32>,
          %swap3A_1490 = arith.index_cast %squeeze3A_1405 : i32 to index
          %swap3A_1491 = arith.constant 96 : index
          %swap3A_1492 = tpu.vector_load %arg9[%swap3A_1490, %swap3A_1491] {strides = array<i32>} : memref<328x128xf32, #tpu.memory_space<vmem>>, vector<16xf32>,
          tpu.vector_store %arg9[%swap3A_1490, %swap3A_1491], %max3A_1458 {strides = array<i32>} : memref<328x128xf32, #tpu.memory_space<vmem>>, vector<16xf32>,
          %swap3A_1493 = arith.index_cast %squeeze3A_1405 : i32 to index
          %swap3A_1494 = arith.constant 112 : index
          %swap3A_1495 = tpu.vector_load %arg9[%swap3A_1493, %swap3A_1494] {strides = array<i32>} : memref<328x128xf32, #tpu.memory_space<vmem>>, vector<16xf32>,
          tpu.vector_store %arg9[%swap3A_1493, %swap3A_1494], %max3A_1465 {strides = array<i32>} : memref<328x128xf32, #tpu.memory_space<vmem>>, vector<16xf32>,
          %swap3A_1496 = arith.index_cast %mul3A_1409 : i32 to index
          %swap3A_1497 = tpu.vector_load %arg10[%swap3A_1496] {strides = array<i32>} : memref<5136xf32, #tpu.memory_space<vmem>>, vector<16xf32>,
          tpu.vector_store %arg10[%swap3A_1496], %max3A_1471 {strides = array<i32>} : memref<5136xf32, #tpu.memory_space<vmem>>, vector<16xf32>,
          %slice3A_1498 = vector.extract_strided_slice %and3A_275 {offsets = [13], sizes = [1], strides = [1]} : vector<16xi32> to vector<1xi32>
          %squeeze3A_1499 = vector.extract %slice3A_1498[0] : i32 from vector<1xi32>
          %slice3A_1500 = vector.extract_strided_slice %sub3A_279 {offsets = [13], sizes = [1], strides = [1]} : vector<16xi32> to vector<1xi32>
          %squeeze3A_1501 = vector.extract %slice3A_1500[0] : i32 from vector<1xi32>
          %mul3A_1502 = arith.constant 16 : i32
          %mul3A_1503 = arith.muli %squeeze3A_1499, %mul3A_1502 : i32
          %get3A_1504 = arith.index_cast %squeeze3A_1499 : i32 to index
          %get3A_1505 = arith.constant 0 : index
          %get3A_1506 = tpu.vector_load %arg9[%get3A_1504, %get3A_1505] {strides = array<i32>} : memref<328x128xf32, #tpu.memory_space<vmem>>, vector<16xf32>,
          %get3A_1507 = arith.index_cast %squeeze3A_1501 : i32 to index
          %get3A_1508 = arith.constant 0 : index
          %get3A_1509 = tpu.vector_load %arg18[%get3A_1507, %get3A_1508] {strides = array<i32>} : memref<128x256xf32, #tpu.memory_space<vmem>>, vector<16xf32>,
          %max3A_1510 = arith.maximumf %get3A_1506, %get3A_1509 : vector<16xf32>
          %get3A_1511 = arith.index_cast %squeeze3A_1499 : i32 to index
          %get3A_1512 = arith.constant 16 : index
          %get3A_1513 = tpu.vector_load %arg9[%get3A_1511, %get3A_1512] {strides = array<i32>} : memref<328x128xf32, #tpu.memory_space<vmem>>, vector<16xf32>,
          %get3A_1514 = arith.index_cast %squeeze3A_1501 : i32 to index
          %get3A_1515 = arith.constant 16 : index
          %get3A_1516 = tpu.vector_load %arg18[%get3A_1514, %get3A_1515] {strides = array<i32>} : memref<128x256xf32, #tpu.memory_space<vmem>>, vector<16xf32>,
          %max3A_1517 = arith.maximumf %get3A_1513, %get3A_1516 : vector<16xf32>
          %get3A_1518 = arith.index_cast %squeeze3A_1499 : i32 to index
          %get3A_1519 = arith.constant 32 : index
          %get3A_1520 = tpu.vector_load %arg9[%get3A_1518, %get3A_1519] {strides = array<i32>} : memref<328x128xf32, #tpu.memory_space<vmem>>, vector<16xf32>,
          %get3A_1521 = arith.index_cast %squeeze3A_1501 : i32 to index
          %get3A_1522 = arith.constant 32 : index
          %get3A_1523 = tpu.vector_load %arg18[%get3A_1521, %get3A_1522] {strides = array<i32>} : memref<128x256xf32, #tpu.memory_space<vmem>>, vector<16xf32>,
          %max3A_1524 = arith.maximumf %get3A_1520, %get3A_1523 : vector<16xf32>
          %get3A_1525 = arith.index_cast %squeeze3A_1499 : i32 to index
          %get3A_1526 = arith.constant 48 : index
          %get3A_1527 = tpu.vector_load %arg9[%get3A_1525, %get3A_1526] {strides = array<i32>} : memref<328x128xf32, #tpu.memory_space<vmem>>, vector<16xf32>,
          %get3A_1528 = arith.index_cast %squeeze3A_1501 : i32 to index
          %get3A_1529 = arith.constant 48 : index
          %get3A_1530 = tpu.vector_load %arg18[%get3A_1528, %get3A_1529] {strides = array<i32>} : memref<128x256xf32, #tpu.memory_space<vmem>>, vector<16xf32>,
          %max3A_1531 = arith.maximumf %get3A_1527, %get3A_1530 : vector<16xf32>
          %get3A_1532 = arith.index_cast %squeeze3A_1499 : i32 to index
          %get3A_1533 = arith.constant 64 : index
          %get3A_1534 = tpu.vector_load %arg9[%get3A_1532, %get3A_1533] {strides = array<i32>} : memref<328x128xf32, #tpu.memory_space<vmem>>, vector<16xf32>,
          %get3A_1535 = arith.index_cast %squeeze3A_1501 : i32 to index
          %get3A_1536 = arith.constant 64 : index
          %get3A_1537 = tpu.vector_load %arg18[%get3A_1535, %get3A_1536] {strides = array<i32>} : memref<128x256xf32, #tpu.memory_space<vmem>>, vector<16xf32>,
          %max3A_1538 = arith.maximumf %get3A_1534, %get3A_1537 : vector<16xf32>
          %get3A_1539 = arith.index_cast %squeeze3A_1499 : i32 to index
          %get3A_1540 = arith.constant 80 : index
          %get3A_1541 = tpu.vector_load %arg9[%get3A_1539, %get3A_1540] {strides = array<i32>} : memref<328x128xf32, #tpu.memory_space<vmem>>, vector<16xf32>,
          %get3A_1542 = arith.index_cast %squeeze3A_1501 : i32 to index
          %get3A_1543 = arith.constant 80 : index
          %get3A_1544 = tpu.vector_load %arg18[%get3A_1542, %get3A_1543] {strides = array<i32>} : memref<128x256xf32, #tpu.memory_space<vmem>>, vector<16xf32>,
          %max3A_1545 = arith.maximumf %get3A_1541, %get3A_1544 : vector<16xf32>
          %get3A_1546 = arith.index_cast %squeeze3A_1499 : i32 to index
          %get3A_1547 = arith.constant 96 : index
          %get3A_1548 = tpu.vector_load %arg9[%get3A_1546, %get3A_1547] {strides = array<i32>} : memref<328x128xf32, #tpu.memory_space<vmem>>, vector<16xf32>,
          %get3A_1549 = arith.index_cast %squeeze3A_1501 : i32 to index
          %get3A_1550 = arith.constant 96 : index
          %get3A_1551 = tpu.vector_load %arg18[%get3A_1549, %get3A_1550] {strides = array<i32>} : memref<128x256xf32, #tpu.memory_space<vmem>>, vector<16xf32>,
          %max3A_1552 = arith.maximumf %get3A_1548, %get3A_1551 : vector<16xf32>
          %get3A_1553 = arith.index_cast %squeeze3A_1499 : i32 to index
          %get3A_1554 = arith.constant 112 : index
          %get3A_1555 = tpu.vector_load %arg9[%get3A_1553, %get3A_1554] {strides = array<i32>} : memref<328x128xf32, #tpu.memory_space<vmem>>, vector<16xf32>,
          %get3A_1556 = arith.index_cast %squeeze3A_1501 : i32 to index
          %get3A_1557 = arith.constant 112 : index
          %get3A_1558 = tpu.vector_load %arg18[%get3A_1556, %get3A_1557] {strides = array<i32>} : memref<128x256xf32, #tpu.memory_space<vmem>>, vector<16xf32>,
          %max3A_1559 = arith.maximumf %get3A_1555, %get3A_1558 : vector<16xf32>
          %get3A_1560 = arith.index_cast %mul3A_1503 : i32 to index
          %get3A_1561 = tpu.vector_load %arg10[%get3A_1560] {strides = array<i32>} : memref<5136xf32, #tpu.memory_space<vmem>>, vector<16xf32>,
          %get3A_1562 = arith.index_cast %squeeze3A_1501 : i32 to index
          %get3A_1563 = arith.constant 128 : index
          %get3A_1564 = tpu.vector_load %arg18[%get3A_1562, %get3A_1563] {strides = array<i32>} : memref<128x256xf32, #tpu.memory_space<vmem>>, vector<16xf32>,
          %max3A_1565 = arith.maximumf %get3A_1561, %get3A_1564 : vector<16xf32>
          %swap3A_1566 = arith.index_cast %squeeze3A_1499 : i32 to index
          %swap3A_1567 = arith.constant 0 : index
          %swap3A_1568 = tpu.vector_load %arg9[%swap3A_1566, %swap3A_1567] {strides = array<i32>} : memref<328x128xf32, #tpu.memory_space<vmem>>, vector<16xf32>,
          tpu.vector_store %arg9[%swap3A_1566, %swap3A_1567], %max3A_1510 {strides = array<i32>} : memref<328x128xf32, #tpu.memory_space<vmem>>, vector<16xf32>,
          %swap3A_1569 = arith.index_cast %squeeze3A_1499 : i32 to index
          %swap3A_1570 = arith.constant 16 : index
          %swap3A_1571 = tpu.vector_load %arg9[%swap3A_1569, %swap3A_1570] {strides = array<i32>} : memref<328x128xf32, #tpu.memory_space<vmem>>, vector<16xf32>,
          tpu.vector_store %arg9[%swap3A_1569, %swap3A_1570], %max3A_1517 {strides = array<i32>} : memref<328x128xf32, #tpu.memory_space<vmem>>, vector<16xf32>,
          %swap3A_1572 = arith.index_cast %squeeze3A_1499 : i32 to index
          %swap3A_1573 = arith.constant 32 : index
          %swap3A_1574 = tpu.vector_load %arg9[%swap3A_1572, %swap3A_1573] {strides = array<i32>} : memref<328x128xf32, #tpu.memory_space<vmem>>, vector<16xf32>,
          tpu.vector_store %arg9[%swap3A_1572, %swap3A_1573], %max3A_1524 {strides = array<i32>} : memref<328x128xf32, #tpu.memory_space<vmem>>, vector<16xf32>,
          %swap3A_1575 = arith.index_cast %squeeze3A_1499 : i32 to index
          %swap3A_1576 = arith.constant 48 : index
          %swap3A_1577 = tpu.vector_load %arg9[%swap3A_1575, %swap3A_1576] {strides = array<i32>} : memref<328x128xf32, #tpu.memory_space<vmem>>, vector<16xf32>,
          tpu.vector_store %arg9[%swap3A_1575, %swap3A_1576], %max3A_1531 {strides = array<i32>} : memref<328x128xf32, #tpu.memory_space<vmem>>, vector<16xf32>,
          %swap3A_1578 = arith.index_cast %squeeze3A_1499 : i32 to index
          %swap3A_1579 = arith.constant 64 : index
          %swap3A_1580 = tpu.vector_load %arg9[%swap3A_1578, %swap3A_1579] {strides = array<i32>} : memref<328x128xf32, #tpu.memory_space<vmem>>, vector<16xf32>,
          tpu.vector_store %arg9[%swap3A_1578, %swap3A_1579], %max3A_1538 {strides = array<i32>} : memref<328x128xf32, #tpu.memory_space<vmem>>, vector<16xf32>,
          %swap3A_1581 = arith.index_cast %squeeze3A_1499 : i32 to index
          %swap3A_1582 = arith.constant 80 : index
          %swap3A_1583 = tpu.vector_load %arg9[%swap3A_1581, %swap3A_1582] {strides = array<i32>} : memref<328x128xf32, #tpu.memory_space<vmem>>, vector<16xf32>,
          tpu.vector_store %arg9[%swap3A_1581, %swap3A_1582], %max3A_1545 {strides = array<i32>} : memref<328x128xf32, #tpu.memory_space<vmem>>, vector<16xf32>,
          %swap3A_1584 = arith.index_cast %squeeze3A_1499 : i32 to index
          %swap3A_1585 = arith.constant 96 : index
          %swap3A_1586 = tpu.vector_load %arg9[%swap3A_1584, %swap3A_1585] {strides = array<i32>} : memref<328x128xf32, #tpu.memory_space<vmem>>, vector<16xf32>,
          tpu.vector_store %arg9[%swap3A_1584, %swap3A_1585], %max3A_1552 {strides = array<i32>} : memref<328x128xf32, #tpu.memory_space<vmem>>, vector<16xf32>,
          %swap3A_1587 = arith.index_cast %squeeze3A_1499 : i32 to index
          %swap3A_1588 = arith.constant 112 : index
          %swap3A_1589 = tpu.vector_load %arg9[%swap3A_1587, %swap3A_1588] {strides = array<i32>} : memref<328x128xf32, #tpu.memory_space<vmem>>, vector<16xf32>,
          tpu.vector_store %arg9[%swap3A_1587, %swap3A_1588], %max3A_1559 {strides = array<i32>} : memref<328x128xf32, #tpu.memory_space<vmem>>, vector<16xf32>,
          %swap3A_1590 = arith.index_cast %mul3A_1503 : i32 to index
          %swap3A_1591 = tpu.vector_load %arg10[%swap3A_1590] {strides = array<i32>} : memref<5136xf32, #tpu.memory_space<vmem>>, vector<16xf32>,
          tpu.vector_store %arg10[%swap3A_1590], %max3A_1565 {strides = array<i32>} : memref<5136xf32, #tpu.memory_space<vmem>>, vector<16xf32>,
          %slice3A_1592 = vector.extract_strided_slice %and3A_275 {offsets = [14], sizes = [1], strides = [1]} : vector<16xi32> to vector<1xi32>
          %squeeze3A_1593 = vector.extract %slice3A_1592[0] : i32 from vector<1xi32>
          %slice3A_1594 = vector.extract_strided_slice %sub3A_279 {offsets = [14], sizes = [1], strides = [1]} : vector<16xi32> to vector<1xi32>
          %squeeze3A_1595 = vector.extract %slice3A_1594[0] : i32 from vector<1xi32>
          %mul3A_1596 = arith.constant 16 : i32
          %mul3A_1597 = arith.muli %squeeze3A_1593, %mul3A_1596 : i32
          %get3A_1598 = arith.index_cast %squeeze3A_1593 : i32 to index
          %get3A_1599 = arith.constant 0 : index
          %get3A_1600 = tpu.vector_load %arg9[%get3A_1598, %get3A_1599] {strides = array<i32>} : memref<328x128xf32, #tpu.memory_space<vmem>>, vector<16xf32>,
          %get3A_1601 = arith.index_cast %squeeze3A_1595 : i32 to index
          %get3A_1602 = arith.constant 0 : index
          %get3A_1603 = tpu.vector_load %arg18[%get3A_1601, %get3A_1602] {strides = array<i32>} : memref<128x256xf32, #tpu.memory_space<vmem>>, vector<16xf32>,
          %max3A_1604 = arith.maximumf %get3A_1600, %get3A_1603 : vector<16xf32>
          %get3A_1605 = arith.index_cast %squeeze3A_1593 : i32 to index
          %get3A_1606 = arith.constant 16 : index
          %get3A_1607 = tpu.vector_load %arg9[%get3A_1605, %get3A_1606] {strides = array<i32>} : memref<328x128xf32, #tpu.memory_space<vmem>>, vector<16xf32>,
          %get3A_1608 = arith.index_cast %squeeze3A_1595 : i32 to index
          %get3A_1609 = arith.constant 16 : index
          %get3A_1610 = tpu.vector_load %arg18[%get3A_1608, %get3A_1609] {strides = array<i32>} : memref<128x256xf32, #tpu.memory_space<vmem>>, vector<16xf32>,
          %max3A_1611 = arith.maximumf %get3A_1607, %get3A_1610 : vector<16xf32>
          %get3A_1612 = arith.index_cast %squeeze3A_1593 : i32 to index
          %get3A_1613 = arith.constant 32 : index
          %get3A_1614 = tpu.vector_load %arg9[%get3A_1612, %get3A_1613] {strides = array<i32>} : memref<328x128xf32, #tpu.memory_space<vmem>>, vector<16xf32>,
          %get3A_1615 = arith.index_cast %squeeze3A_1595 : i32 to index
          %get3A_1616 = arith.constant 32 : index
          %get3A_1617 = tpu.vector_load %arg18[%get3A_1615, %get3A_1616] {strides = array<i32>} : memref<128x256xf32, #tpu.memory_space<vmem>>, vector<16xf32>,
          %max3A_1618 = arith.maximumf %get3A_1614, %get3A_1617 : vector<16xf32>
          %get3A_1619 = arith.index_cast %squeeze3A_1593 : i32 to index
          %get3A_1620 = arith.constant 48 : index
          %get3A_1621 = tpu.vector_load %arg9[%get3A_1619, %get3A_1620] {strides = array<i32>} : memref<328x128xf32, #tpu.memory_space<vmem>>, vector<16xf32>,
          %get3A_1622 = arith.index_cast %squeeze3A_1595 : i32 to index
          %get3A_1623 = arith.constant 48 : index
          %get3A_1624 = tpu.vector_load %arg18[%get3A_1622, %get3A_1623] {strides = array<i32>} : memref<128x256xf32, #tpu.memory_space<vmem>>, vector<16xf32>,
          %max3A_1625 = arith.maximumf %get3A_1621, %get3A_1624 : vector<16xf32>
          %get3A_1626 = arith.index_cast %squeeze3A_1593 : i32 to index
          %get3A_1627 = arith.constant 64 : index
          %get3A_1628 = tpu.vector_load %arg9[%get3A_1626, %get3A_1627] {strides = array<i32>} : memref<328x128xf32, #tpu.memory_space<vmem>>, vector<16xf32>,
          %get3A_1629 = arith.index_cast %squeeze3A_1595 : i32 to index
          %get3A_1630 = arith.constant 64 : index
          %get3A_1631 = tpu.vector_load %arg18[%get3A_1629, %get3A_1630] {strides = array<i32>} : memref<128x256xf32, #tpu.memory_space<vmem>>, vector<16xf32>,
          %max3A_1632 = arith.maximumf %get3A_1628, %get3A_1631 : vector<16xf32>
          %get3A_1633 = arith.index_cast %squeeze3A_1593 : i32 to index
          %get3A_1634 = arith.constant 80 : index
          %get3A_1635 = tpu.vector_load %arg9[%get3A_1633, %get3A_1634] {strides = array<i32>} : memref<328x128xf32, #tpu.memory_space<vmem>>, vector<16xf32>,
          %get3A_1636 = arith.index_cast %squeeze3A_1595 : i32 to index
          %get3A_1637 = arith.constant 80 : index
          %get3A_1638 = tpu.vector_load %arg18[%get3A_1636, %get3A_1637] {strides = array<i32>} : memref<128x256xf32, #tpu.memory_space<vmem>>, vector<16xf32>,
          %max3A_1639 = arith.maximumf %get3A_1635, %get3A_1638 : vector<16xf32>
          %get3A_1640 = arith.index_cast %squeeze3A_1593 : i32 to index
          %get3A_1641 = arith.constant 96 : index
          %get3A_1642 = tpu.vector_load %arg9[%get3A_1640, %get3A_1641] {strides = array<i32>} : memref<328x128xf32, #tpu.memory_space<vmem>>, vector<16xf32>,
          %get3A_1643 = arith.index_cast %squeeze3A_1595 : i32 to index
          %get3A_1644 = arith.constant 96 : index
          %get3A_1645 = tpu.vector_load %arg18[%get3A_1643, %get3A_1644] {strides = array<i32>} : memref<128x256xf32, #tpu.memory_space<vmem>>, vector<16xf32>,
          %max3A_1646 = arith.maximumf %get3A_1642, %get3A_1645 : vector<16xf32>
          %get3A_1647 = arith.index_cast %squeeze3A_1593 : i32 to index
          %get3A_1648 = arith.constant 112 : index
          %get3A_1649 = tpu.vector_load %arg9[%get3A_1647, %get3A_1648] {strides = array<i32>} : memref<328x128xf32, #tpu.memory_space<vmem>>, vector<16xf32>,
          %get3A_1650 = arith.index_cast %squeeze3A_1595 : i32 to index
          %get3A_1651 = arith.constant 112 : index
          %get3A_1652 = tpu.vector_load %arg18[%get3A_1650, %get3A_1651] {strides = array<i32>} : memref<128x256xf32, #tpu.memory_space<vmem>>, vector<16xf32>,
          %max3A_1653 = arith.maximumf %get3A_1649, %get3A_1652 : vector<16xf32>
          %get3A_1654 = arith.index_cast %mul3A_1597 : i32 to index
          %get3A_1655 = tpu.vector_load %arg10[%get3A_1654] {strides = array<i32>} : memref<5136xf32, #tpu.memory_space<vmem>>, vector<16xf32>,
          %get3A_1656 = arith.index_cast %squeeze3A_1595 : i32 to index
          %get3A_1657 = arith.constant 128 : index
          %get3A_1658 = tpu.vector_load %arg18[%get3A_1656, %get3A_1657] {strides = array<i32>} : memref<128x256xf32, #tpu.memory_space<vmem>>, vector<16xf32>,
          %max3A_1659 = arith.maximumf %get3A_1655, %get3A_1658 : vector<16xf32>
          %swap3A_1660 = arith.index_cast %squeeze3A_1593 : i32 to index
          %swap3A_1661 = arith.constant 0 : index
          %swap3A_1662 = tpu.vector_load %arg9[%swap3A_1660, %swap3A_1661] {strides = array<i32>} : memref<328x128xf32, #tpu.memory_space<vmem>>, vector<16xf32>,
          tpu.vector_store %arg9[%swap3A_1660, %swap3A_1661], %max3A_1604 {strides = array<i32>} : memref<328x128xf32, #tpu.memory_space<vmem>>, vector<16xf32>,
          %swap3A_1663 = arith.index_cast %squeeze3A_1593 : i32 to index
          %swap3A_1664 = arith.constant 16 : index
          %swap3A_1665 = tpu.vector_load %arg9[%swap3A_1663, %swap3A_1664] {strides = array<i32>} : memref<328x128xf32, #tpu.memory_space<vmem>>, vector<16xf32>,
          tpu.vector_store %arg9[%swap3A_1663, %swap3A_1664], %max3A_1611 {strides = array<i32>} : memref<328x128xf32, #tpu.memory_space<vmem>>, vector<16xf32>,
          %swap3A_1666 = arith.index_cast %squeeze3A_1593 : i32 to index
          %swap3A_1667 = arith.constant 32 : index
          %swap3A_1668 = tpu.vector_load %arg9[%swap3A_1666, %swap3A_1667] {strides = array<i32>} : memref<328x128xf32, #tpu.memory_space<vmem>>, vector<16xf32>,
          tpu.vector_store %arg9[%swap3A_1666, %swap3A_1667], %max3A_1618 {strides = array<i32>} : memref<328x128xf32, #tpu.memory_space<vmem>>, vector<16xf32>,
          %swap3A_1669 = arith.index_cast %squeeze3A_1593 : i32 to index
          %swap3A_1670 = arith.constant 48 : index
          %swap3A_1671 = tpu.vector_load %arg9[%swap3A_1669, %swap3A_1670] {strides = array<i32>} : memref<328x128xf32, #tpu.memory_space<vmem>>, vector<16xf32>,
          tpu.vector_store %arg9[%swap3A_1669, %swap3A_1670], %max3A_1625 {strides = array<i32>} : memref<328x128xf32, #tpu.memory_space<vmem>>, vector<16xf32>,
          %swap3A_1672 = arith.index_cast %squeeze3A_1593 : i32 to index
          %swap3A_1673 = arith.constant 64 : index
          %swap3A_1674 = tpu.vector_load %arg9[%swap3A_1672, %swap3A_1673] {strides = array<i32>} : memref<328x128xf32, #tpu.memory_space<vmem>>, vector<16xf32>,
          tpu.vector_store %arg9[%swap3A_1672, %swap3A_1673], %max3A_1632 {strides = array<i32>} : memref<328x128xf32, #tpu.memory_space<vmem>>, vector<16xf32>,
          %swap3A_1675 = arith.index_cast %squeeze3A_1593 : i32 to index
          %swap3A_1676 = arith.constant 80 : index
          %swap3A_1677 = tpu.vector_load %arg9[%swap3A_1675, %swap3A_1676] {strides = array<i32>} : memref<328x128xf32, #tpu.memory_space<vmem>>, vector<16xf32>,
          tpu.vector_store %arg9[%swap3A_1675, %swap3A_1676], %max3A_1639 {strides = array<i32>} : memref<328x128xf32, #tpu.memory_space<vmem>>, vector<16xf32>,
          %swap3A_1678 = arith.index_cast %squeeze3A_1593 : i32 to index
          %swap3A_1679 = arith.constant 96 : index
          %swap3A_1680 = tpu.vector_load %arg9[%swap3A_1678, %swap3A_1679] {strides = array<i32>} : memref<328x128xf32, #tpu.memory_space<vmem>>, vector<16xf32>,
          tpu.vector_store %arg9[%swap3A_1678, %swap3A_1679], %max3A_1646 {strides = array<i32>} : memref<328x128xf32, #tpu.memory_space<vmem>>, vector<16xf32>,
          %swap3A_1681 = arith.index_cast %squeeze3A_1593 : i32 to index
          %swap3A_1682 = arith.constant 112 : index
          %swap3A_1683 = tpu.vector_load %arg9[%swap3A_1681, %swap3A_1682] {strides = array<i32>} : memref<328x128xf32, #tpu.memory_space<vmem>>, vector<16xf32>,
          tpu.vector_store %arg9[%swap3A_1681, %swap3A_1682], %max3A_1653 {strides = array<i32>} : memref<328x128xf32, #tpu.memory_space<vmem>>, vector<16xf32>,
          %swap3A_1684 = arith.index_cast %mul3A_1597 : i32 to index
          %swap3A_1685 = tpu.vector_load %arg10[%swap3A_1684] {strides = array<i32>} : memref<5136xf32, #tpu.memory_space<vmem>>, vector<16xf32>,
          tpu.vector_store %arg10[%swap3A_1684], %max3A_1659 {strides = array<i32>} : memref<5136xf32, #tpu.memory_space<vmem>>, vector<16xf32>,
          %slice3A_1686 = vector.extract_strided_slice %and3A_275 {offsets = [15], sizes = [1], strides = [1]} : vector<16xi32> to vector<1xi32>
          %squeeze3A_1687 = vector.extract %slice3A_1686[0] : i32 from vector<1xi32>
          %slice3A_1688 = vector.extract_strided_slice %sub3A_279 {offsets = [15], sizes = [1], strides = [1]} : vector<16xi32> to vector<1xi32>
          %squeeze3A_1689 = vector.extract %slice3A_1688[0] : i32 from vector<1xi32>
          %mul3A_1690 = arith.constant 16 : i32
          %mul3A_1691 = arith.muli %squeeze3A_1687, %mul3A_1690 : i32
          %get3A_1692 = arith.index_cast %squeeze3A_1687 : i32 to index
          %get3A_1693 = arith.constant 0 : index
          %get3A_1694 = tpu.vector_load %arg9[%get3A_1692, %get3A_1693] {strides = array<i32>} : memref<328x128xf32, #tpu.memory_space<vmem>>, vector<16xf32>,
          %get3A_1695 = arith.index_cast %squeeze3A_1689 : i32 to index
          %get3A_1696 = arith.constant 0 : index
          %get3A_1697 = tpu.vector_load %arg18[%get3A_1695, %get3A_1696] {strides = array<i32>} : memref<128x256xf32, #tpu.memory_space<vmem>>, vector<16xf32>,
          %max3A_1698 = arith.maximumf %get3A_1694, %get3A_1697 : vector<16xf32>
          %get3A_1699 = arith.index_cast %squeeze3A_1687 : i32 to index
          %get3A_1700 = arith.constant 16 : index
          %get3A_1701 = tpu.vector_load %arg9[%get3A_1699, %get3A_1700] {strides = array<i32>} : memref<328x128xf32, #tpu.memory_space<vmem>>, vector<16xf32>,
          %get3A_1702 = arith.index_cast %squeeze3A_1689 : i32 to index
          %get3A_1703 = arith.constant 16 : index
          %get3A_1704 = tpu.vector_load %arg18[%get3A_1702, %get3A_1703] {strides = array<i32>} : memref<128x256xf32, #tpu.memory_space<vmem>>, vector<16xf32>,
          %max3A_1705 = arith.maximumf %get3A_1701, %get3A_1704 : vector<16xf32>
          %get3A_1706 = arith.index_cast %squeeze3A_1687 : i32 to index
          %get3A_1707 = arith.constant 32 : index
          %get3A_1708 = tpu.vector_load %arg9[%get3A_1706, %get3A_1707] {strides = array<i32>} : memref<328x128xf32, #tpu.memory_space<vmem>>, vector<16xf32>,
          %get3A_1709 = arith.index_cast %squeeze3A_1689 : i32 to index
          %get3A_1710 = arith.constant 32 : index
          %get3A_1711 = tpu.vector_load %arg18[%get3A_1709, %get3A_1710] {strides = array<i32>} : memref<128x256xf32, #tpu.memory_space<vmem>>, vector<16xf32>,
          %max3A_1712 = arith.maximumf %get3A_1708, %get3A_1711 : vector<16xf32>
          %get3A_1713 = arith.index_cast %squeeze3A_1687 : i32 to index
          %get3A_1714 = arith.constant 48 : index
          %get3A_1715 = tpu.vector_load %arg9[%get3A_1713, %get3A_1714] {strides = array<i32>} : memref<328x128xf32, #tpu.memory_space<vmem>>, vector<16xf32>,
          %get3A_1716 = arith.index_cast %squeeze3A_1689 : i32 to index
          %get3A_1717 = arith.constant 48 : index
          %get3A_1718 = tpu.vector_load %arg18[%get3A_1716, %get3A_1717] {strides = array<i32>} : memref<128x256xf32, #tpu.memory_space<vmem>>, vector<16xf32>,
          %max3A_1719 = arith.maximumf %get3A_1715, %get3A_1718 : vector<16xf32>
          %get3A_1720 = arith.index_cast %squeeze3A_1687 : i32 to index
          %get3A_1721 = arith.constant 64 : index
          %get3A_1722 = tpu.vector_load %arg9[%get3A_1720, %get3A_1721] {strides = array<i32>} : memref<328x128xf32, #tpu.memory_space<vmem>>, vector<16xf32>,
          %get3A_1723 = arith.index_cast %squeeze3A_1689 : i32 to index
          %get3A_1724 = arith.constant 64 : index
          %get3A_1725 = tpu.vector_load %arg18[%get3A_1723, %get3A_1724] {strides = array<i32>} : memref<128x256xf32, #tpu.memory_space<vmem>>, vector<16xf32>,
          %max3A_1726 = arith.maximumf %get3A_1722, %get3A_1725 : vector<16xf32>
          %get3A_1727 = arith.index_cast %squeeze3A_1687 : i32 to index
          %get3A_1728 = arith.constant 80 : index
          %get3A_1729 = tpu.vector_load %arg9[%get3A_1727, %get3A_1728] {strides = array<i32>} : memref<328x128xf32, #tpu.memory_space<vmem>>, vector<16xf32>,
          %get3A_1730 = arith.index_cast %squeeze3A_1689 : i32 to index
          %get3A_1731 = arith.constant 80 : index
          %get3A_1732 = tpu.vector_load %arg18[%get3A_1730, %get3A_1731] {strides = array<i32>} : memref<128x256xf32, #tpu.memory_space<vmem>>, vector<16xf32>,
          %max3A_1733 = arith.maximumf %get3A_1729, %get3A_1732 : vector<16xf32>
          %get3A_1734 = arith.index_cast %squeeze3A_1687 : i32 to index
          %get3A_1735 = arith.constant 96 : index
          %get3A_1736 = tpu.vector_load %arg9[%get3A_1734, %get3A_1735] {strides = array<i32>} : memref<328x128xf32, #tpu.memory_space<vmem>>, vector<16xf32>,
          %get3A_1737 = arith.index_cast %squeeze3A_1689 : i32 to index
          %get3A_1738 = arith.constant 96 : index
          %get3A_1739 = tpu.vector_load %arg18[%get3A_1737, %get3A_1738] {strides = array<i32>} : memref<128x256xf32, #tpu.memory_space<vmem>>, vector<16xf32>,
          %max3A_1740 = arith.maximumf %get3A_1736, %get3A_1739 : vector<16xf32>
          %get3A_1741 = arith.index_cast %squeeze3A_1687 : i32 to index
          %get3A_1742 = arith.constant 112 : index
          %get3A_1743 = tpu.vector_load %arg9[%get3A_1741, %get3A_1742] {strides = array<i32>} : memref<328x128xf32, #tpu.memory_space<vmem>>, vector<16xf32>,
          %get3A_1744 = arith.index_cast %squeeze3A_1689 : i32 to index
          %get3A_1745 = arith.constant 112 : index
          %get3A_1746 = tpu.vector_load %arg18[%get3A_1744, %get3A_1745] {strides = array<i32>} : memref<128x256xf32, #tpu.memory_space<vmem>>, vector<16xf32>,
          %max3A_1747 = arith.maximumf %get3A_1743, %get3A_1746 : vector<16xf32>
          %get3A_1748 = arith.index_cast %mul3A_1691 : i32 to index
          %get3A_1749 = tpu.vector_load %arg10[%get3A_1748] {strides = array<i32>} : memref<5136xf32, #tpu.memory_space<vmem>>, vector<16xf32>,
          %get3A_1750 = arith.index_cast %squeeze3A_1689 : i32 to index
          %get3A_1751 = arith.constant 128 : index
          %get3A_1752 = tpu.vector_load %arg18[%get3A_1750, %get3A_1751] {strides = array<i32>} : memref<128x256xf32, #tpu.memory_space<vmem>>, vector<16xf32>,
          %max3A_1753 = arith.maximumf %get3A_1749, %get3A_1752 : vector<16xf32>
          %swap3A_1754 = arith.index_cast %squeeze3A_1687 : i32 to index
          %swap3A_1755 = arith.constant 0 : index
          %swap3A_1756 = tpu.vector_load %arg9[%swap3A_1754, %swap3A_1755] {strides = array<i32>} : memref<328x128xf32, #tpu.memory_space<vmem>>, vector<16xf32>,
          tpu.vector_store %arg9[%swap3A_1754, %swap3A_1755], %max3A_1698 {strides = array<i32>} : memref<328x128xf32, #tpu.memory_space<vmem>>, vector<16xf32>,
          %swap3A_1757 = arith.index_cast %squeeze3A_1687 : i32 to index
          %swap3A_1758 = arith.constant 16 : index
          %swap3A_1759 = tpu.vector_load %arg9[%swap3A_1757, %swap3A_1758] {strides = array<i32>} : memref<328x128xf32, #tpu.memory_space<vmem>>, vector<16xf32>,
          tpu.vector_store %arg9[%swap3A_1757, %swap3A_1758], %max3A_1705 {strides = array<i32>} : memref<328x128xf32, #tpu.memory_space<vmem>>, vector<16xf32>,
          %swap3A_1760 = arith.index_cast %squeeze3A_1687 : i32 to index
          %swap3A_1761 = arith.constant 32 : index
          %swap3A_1762 = tpu.vector_load %arg9[%swap3A_1760, %swap3A_1761] {strides = array<i32>} : memref<328x128xf32, #tpu.memory_space<vmem>>, vector<16xf32>,
          tpu.vector_store %arg9[%swap3A_1760, %swap3A_1761], %max3A_1712 {strides = array<i32>} : memref<328x128xf32, #tpu.memory_space<vmem>>, vector<16xf32>,
          %swap3A_1763 = arith.index_cast %squeeze3A_1687 : i32 to index
          %swap3A_1764 = arith.constant 48 : index
          %swap3A_1765 = tpu.vector_load %arg9[%swap3A_1763, %swap3A_1764] {strides = array<i32>} : memref<328x128xf32, #tpu.memory_space<vmem>>, vector<16xf32>,
          tpu.vector_store %arg9[%swap3A_1763, %swap3A_1764], %max3A_1719 {strides = array<i32>} : memref<328x128xf32, #tpu.memory_space<vmem>>, vector<16xf32>,
          %swap3A_1766 = arith.index_cast %squeeze3A_1687 : i32 to index
          %swap3A_1767 = arith.constant 64 : index
          %swap3A_1768 = tpu.vector_load %arg9[%swap3A_1766, %swap3A_1767] {strides = array<i32>} : memref<328x128xf32, #tpu.memory_space<vmem>>, vector<16xf32>,
          tpu.vector_store %arg9[%swap3A_1766, %swap3A_1767], %max3A_1726 {strides = array<i32>} : memref<328x128xf32, #tpu.memory_space<vmem>>, vector<16xf32>,
          %swap3A_1769 = arith.index_cast %squeeze3A_1687 : i32 to index
          %swap3A_1770 = arith.constant 80 : index
          %swap3A_1771 = tpu.vector_load %arg9[%swap3A_1769, %swap3A_1770] {strides = array<i32>} : memref<328x128xf32, #tpu.memory_space<vmem>>, vector<16xf32>,
          tpu.vector_store %arg9[%swap3A_1769, %swap3A_1770], %max3A_1733 {strides = array<i32>} : memref<328x128xf32, #tpu.memory_space<vmem>>, vector<16xf32>,
          %swap3A_1772 = arith.index_cast %squeeze3A_1687 : i32 to index
          %swap3A_1773 = arith.constant 96 : index
          %swap3A_1774 = tpu.vector_load %arg9[%swap3A_1772, %swap3A_1773] {strides = array<i32>} : memref<328x128xf32, #tpu.memory_space<vmem>>, vector<16xf32>,
          tpu.vector_store %arg9[%swap3A_1772, %swap3A_1773], %max3A_1740 {strides = array<i32>} : memref<328x128xf32, #tpu.memory_space<vmem>>, vector<16xf32>,
          %swap3A_1775 = arith.index_cast %squeeze3A_1687 : i32 to index
          %swap3A_1776 = arith.constant 112 : index
          %swap3A_1777 = tpu.vector_load %arg9[%swap3A_1775, %swap3A_1776] {strides = array<i32>} : memref<328x128xf32, #tpu.memory_space<vmem>>, vector<16xf32>,
          tpu.vector_store %arg9[%swap3A_1775, %swap3A_1776], %max3A_1747 {strides = array<i32>} : memref<328x128xf32, #tpu.memory_space<vmem>>, vector<16xf32>,
          %swap3A_1778 = arith.index_cast %mul3A_1691 : i32 to index
          %swap3A_1779 = tpu.vector_load %arg10[%swap3A_1778] {strides = array<i32>} : memref<5136xf32, #tpu.memory_space<vmem>>, vector<16xf32>,
          tpu.vector_store %arg10[%swap3A_1778], %max3A_1753 {strides = array<i32>} : memref<5136xf32, #tpu.memory_space<vmem>>, vector<16xf32>,
        }
      }
      %scan3A_107 = arith.constant 80 : i32
      %add3A_108 = arith.constant 1 : i32
      %add3A_109 = arith.addi %while3A_20, %add3A_108 : i32
      scf.yield %add3A_109, %reduce_max3A_48 : i32, i32
    }
    %scan3A_12 = arith.constant 0 : i32
    %scan3A_13 = arith.constant 0 : i32
    %scan3A_14 = arith.constant 320 : i32
    %scan3A_15 = arith.addi %scan3A_13, %scan3A_14 : i32
    %scan3A_16 = arith.constant 1 : i32
    scf.for %scan3A_20 = %scan3A_13 to %scan3A_15 step %scan3A_16  : i32 {
      %mul3A_21 = arith.constant 16 : i32
      %mul3A_22 = arith.muli %scan3A_20, %mul3A_21 : i32
      %multiple_of3A = tpu.assume_multiple %mul3A_22, 16 : i32
      %get3A = arith.index_cast %multiple_of3A : i32 to index
      %get3A_23 = tpu.vector_load %arg10[%get3A] {strides = array<i32>} : memref<5136xf32, #tpu.memory_space<vmem>>, vector<16xf32>,
      %get3A_24 = arith.index_cast %multiple_of3A : i32 to index
      %get3A_25 = tpu.vector_load %arg11[%get3A_24] {strides = array<i32>} : memref<5120xf32, #tpu.memory_space<vmem>>, vector<16xf32>,
      %sub3A = arith.subf %get3A_23, %get3A_25 : vector<16xf32>
      %swap3A = arith.index_cast %multiple_of3A : i32 to index
      %swap3A_26 = tpu.vector_load %arg10[%swap3A] {strides = array<i32>} : memref<5136xf32, #tpu.memory_space<vmem>>, vector<16xf32>,
      tpu.vector_store %arg10[%swap3A], %sub3A {strides = array<i32>} : memref<5136xf32, #tpu.memory_space<vmem>>, vector<16xf32>,
    }
    %scan3A_17 = arith.constant 320 : i32
    "tpu.region"() ({
      %run_scoped3A = tpu.sem_alloc : memref<!tpu.dma_semaphore, #tpu.memory_space<semaphore_mem>>
      %dma_start3A = arith.constant 0 : i32
      %dma_start3A_20 = arith.constant 0 : i32
      %dma_start3A_21 = tpu.memref_slice %arg9[%dma_start3A, %dma_start3A_20] : memref<328x128xf32, #tpu.memory_space<vmem>> -> memref<320x128xf32, #tpu.memory_space<vmem>>
      %dma_start3A_22 = arith.constant 0 : i32
      %dma_start3A_23 = tpu.memref_slice %arg7[%mul3A_2, %dma_start3A_22] : memref<10240x128xf32, #tpu.memory_space<hbm>> -> memref<320x128xf32, #tpu.memory_space<hbm>>
      %dma_start3A_24 = arith.constant 0 : i32
      %dma_start3A_25 = tpu.memref_slice %arg7[%mul3A_2, %dma_start3A_24] : memref<10240x128xf32, #tpu.memory_space<hbm>> -> memref<320x128xf32, #tpu.memory_space<hbm>>
      %dma_start3A_26 = arith.constant 0 : i32
      %dma_start3A_27 = arith.constant 0 : i32
      %dma_start3A_28 = tpu.memref_slice %arg9[%dma_start3A_26, %dma_start3A_27] : memref<328x128xf32, #tpu.memory_space<vmem>> -> memref<320x128xf32, #tpu.memory_space<vmem>>
      tpu.enqueue_dma source(%dma_start3A_28 : memref<320x128xf32, #tpu.memory_space<vmem>>) target(%dma_start3A_25 : memref<320x128xf32, #tpu.memory_space<hbm>>) target_semaphore(%run_scoped3A : memref<!tpu.dma_semaphore, #tpu.memory_space<semaphore_mem>>)
      %dma_wait3A = arith.constant 0 : i32
      %dma_wait3A_29 = arith.constant 0 : i32
      %dma_wait3A_30 = tpu.memref_slice %arg9[%dma_wait3A, %dma_wait3A_29] : memref<328x128xf32, #tpu.memory_space<vmem>> -> memref<320x128xf32, #tpu.memory_space<vmem>>
      %dma_wait3A_31 = arith.constant 0 : i32
      %dma_wait3A_32 = tpu.memref_slice %arg7[%mul3A_2, %dma_wait3A_31] : memref<10240x128xf32, #tpu.memory_space<hbm>> -> memref<320x128xf32, #tpu.memory_space<hbm>>
      %dma_wait3A_33 = arith.constant 0 : i32
      %dma_wait3A_34 = tpu.memref_slice %arg7[%mul3A_2, %dma_wait3A_33] : memref<10240x128xf32, #tpu.memory_space<hbm>> -> memref<320x128xf32, #tpu.memory_space<hbm>>
      %dma_wait3A_35 = arith.constant 0 : i32
      %dma_wait3A_36 = arith.constant 0 : i32
      %dma_wait3A_37 = tpu.memref_slice %arg9[%dma_wait3A_35, %dma_wait3A_36] : memref<328x128xf32, #tpu.memory_space<vmem>> -> memref<320x128xf32, #tpu.memory_space<vmem>>
      tpu.wait_dma2 semaphore(%run_scoped3A : memref<!tpu.dma_semaphore, #tpu.memory_space<semaphore_mem>>) src(%dma_wait3A_37 : memref<320x128xf32, #tpu.memory_space<vmem>>) dst(%dma_wait3A_34 : memref<320x128xf32, #tpu.memory_space<hbm>>)
      tpu.yield
    }) : () -> ()
    %mul3A_18 = arith.constant 16 : i32
    %mul3A_19 = arith.muli %mul3A_2, %mul3A_18 : i32
    "tpu.region"() ({
      %run_scoped3A = tpu.sem_alloc : memref<!tpu.dma_semaphore, #tpu.memory_space<semaphore_mem>>
      %dma_start3A = arith.constant 0 : i32
      %dma_start3A_20 = tpu.memref_slice %arg10[%dma_start3A] : memref<5136xf32, #tpu.memory_space<vmem>> -> memref<5120xf32, #tpu.memory_space<vmem>>
      %dma_start3A_21 = tpu.memref_slice %arg8[%mul3A_19] : memref<163840xf32, #tpu.memory_space<hbm>> -> memref<5120xf32, #tpu.memory_space<hbm>>
      %dma_start3A_22 = tpu.memref_slice %arg8[%mul3A_19] : memref<163840xf32, #tpu.memory_space<hbm>> -> memref<5120xf32, #tpu.memory_space<hbm>>
      %dma_start3A_23 = arith.constant 0 : i32
      %dma_start3A_24 = tpu.memref_slice %arg10[%dma_start3A_23] : memref<5136xf32, #tpu.memory_space<vmem>> -> memref<5120xf32, #tpu.memory_space<vmem>>
      tpu.enqueue_dma source(%dma_start3A_24 : memref<5120xf32, #tpu.memory_space<vmem>>) target(%dma_start3A_22 : memref<5120xf32, #tpu.memory_space<hbm>>) target_semaphore(%run_scoped3A : memref<!tpu.dma_semaphore, #tpu.memory_space<semaphore_mem>>)
      %dma_wait3A = arith.constant 0 : i32
      %dma_wait3A_25 = tpu.memref_slice %arg10[%dma_wait3A] : memref<5136xf32, #tpu.memory_space<vmem>> -> memref<5120xf32, #tpu.memory_space<vmem>>
      %dma_wait3A_26 = tpu.memref_slice %arg8[%mul3A_19] : memref<163840xf32, #tpu.memory_space<hbm>> -> memref<5120xf32, #tpu.memory_space<hbm>>
      %dma_wait3A_27 = tpu.memref_slice %arg8[%mul3A_19] : memref<163840xf32, #tpu.memory_space<hbm>> -> memref<5120xf32, #tpu.memory_space<hbm>>
      %dma_wait3A_28 = arith.constant 0 : i32
      %dma_wait3A_29 = tpu.memref_slice %arg10[%dma_wait3A_28] : memref<5136xf32, #tpu.memory_space<vmem>> -> memref<5120xf32, #tpu.memory_space<vmem>>
      tpu.wait_dma2 semaphore(%run_scoped3A : memref<!tpu.dma_semaphore, #tpu.memory_space<semaphore_mem>>) src(%dma_wait3A_29 : memref<5120xf32, #tpu.memory_space<vmem>>) dst(%dma_wait3A_27 : memref<5120xf32, #tpu.memory_space<hbm>>)
      tpu.yield
    }) : () -> ()
    return
  }
}

</mosaic_0001>

<sc_bundles>
// kernel: kernel.3.cloned.1.call-start
scs
__scs_entry_jumppad:
0x0: {  	(pc) =	sbr.rel $0x88, $3  }
0x1: {  	(tag) =	ssettag $0x0;
	lr =	simm.s32 $0x1  }
0x2: {  	[smem:$0x3F9E] =	sst lr;
	_ =	strace $0xD0000000  }
0x3: {  	_ = 	snop  }
0x4: {  	_ = 	snop  }
0x5: {  	_ = 	snop  }
0x6: {  	_ = 	snop  }
0x7: {  	_ = 	snop  }
__scs_overlays_trampoline_lowered:
0x8: {  	[smem:$0x3FAD] =	sst s0  }
0x9: {  	[smem:$0x3FAE] =	sst s1  }
0xa: {  	[smem:$0x3FAF] =	sst s2  }
0xb: {  	[smem:$0x3FB0] =	sst s3  }
0xc: {  	[smem:$0x3FB1] =	sst s4  }
0xd: {  	[smem:$0x3FB2] =	sst s5  }
0xe: {  	[smem:$0x3FB3] =	sst s6  }
0xf: {  	[smem:$0x3FB4] =	sst s7  }
0x10: {  	[smem:$0x3FB5] =	sst s8  }
0x11: {  	[smem:$0x3FB6] =	sst s9;
	s0 =	simm.s32 @!p0 $0x0  }
0x12: {  	s1 =	sld [smem:$0x3F9C];
	s0 =	simm.s32 @p0 $0x1  }
0x13: {  	[smem:$0x3FB7] =	sst s0;
	s0 =	simm.s32 @!p1 $0x0  }
0x14: {  	s2 =	sld [smem:$0x3F9B];
	s0 =	simm.s32 @p1 $0x1  }
0x15: {  	[smem:$0x3FB8] =	sst s0;
	s0 =	simm.s32 @!p2 $0x0  }
0x16: {  	s3 =	sld [smem:$0x3FDB];
	s0 =	simm.s32 @p2 $0x1  }
0x17: {  	s4 =	simm.s32 $0x1BF5;
	[smem:$0x3FBA] =	sst s0  }
0x18: {  	s0 =	sld [smem:$0x3F9D];
	_ =	swait.ge [sflag:s4], $0x0  }
0x19: {  	s7 =	sld [smem:$0x3F9E]  }
0x1a: {  	s8 =	sadd.s32 $0xFFFFE003, lr  }
0x1b: {  	s9 =	sadd.s32 $0xFFFFFEF7, lr;
	s5 =	simm.s32 $0xFFFFFFFF;
	p2 =	slt.u32 s8, $0xFFFFF086  }
0x1c: {  	p1 =	slt.u32 s9, $0xF7A;
	s5 =	simm.s32 @!p2 $0x0  }
0x1d: {  	s5 =	simm.s32 @p1 $0x1;
	p0 =	seq.s32 s7, s2  }
0x1e: {  	s7 =	smul.u32 @!p0 $0xF7A, s2;
	p2 =	seq.s32 @!p0 s5, $0x0  }
0x1f: {  	s9 =	smul.u32 $0xF7A, s1;
	s8 =	simm.s32 @!p0 $0x1BF5;
	p2 =	por !p2, p0  }
0x20: {  	[sflag:s8] =	ssyncset.s32 @!p0 $0xFFFFF086;
	s6 =	sadd.s32 @!p0 s3, s7;
	s7 =	simm.s32 @!p0 $0x108  }
0x21: {  	s3 =	sadd.s32 s3, s9;
	s6 =	sadd.s32 @!p0 $0x88, s6;
	s7 =	simm.s32 @p2 $0x1082  }
0x22: {  	[simem:s7], [sflag:s8] =	dma.local @!p0 [hbm:s6], $0xF7A  }
0x23: {  	s9 =	sor.u32 $0xD0000000, s2;
	s6 =	simm.s32 $0x108;
	_ =	swait.ge @!p0 [sflag:s8], $0x0  }
0x24: {  	s3 =	sadd.s32 $0x88, s3;
	s6 =	simm.s32 @!p1 $0x1082;
	[sflag:s4] =	ssyncset.s32 $0xFFFFF086  }
0x25: {  	[simem:s6], [sflag:s4] =	dma.local [hbm:s3], $0xF7A  }
0x26: {  	[smem:$0x3F9E] =	sst s1;
	(tag) =	ssettag s2;
	_ =	strace s9  }
0x27: {  	s1 =	sld [smem:$0x3FAE]  }
0x28: {  	s2 =	sld [smem:$0x3FAF]  }
0x29: {  	s4 =	sld [smem:$0x3FB1]  }
0x2a: {  	p0 =	seq.s32 s5, $0x0;
	s5 =	sld [smem:$0x3FB2]  }
0x2b: {  	s6 =	sld [smem:$0x3FB3]  }
0x2c: {  	s7 =	sld [smem:$0x3FB4]  }
0x2d: {  	s3 =	simm.s32 $0x108;
	s8 =	sld [smem:$0x3FB5]  }
0x2e: {  	s3 =	simm.s32 @!p0 $0x1082;
	s9 =	sld [smem:$0x3FB6]  }
0x2f: {  	lr =	sadd.s32 s0, s3;
	s0 =	sld [smem:$0x3FAD]  }
0x30: {  	s3 =	sld [smem:$0x3FB0]  }
0x31: {  	[smem:$0x3FB9] =	sst s10  }
0x32: {  	s10 =	sld [smem:$0x3FB7];
	_ =	sdelay $0x3  }
0x33: {  	p0 =	seq.s32 s10, $0x1;
	s10 =	sld [smem:$0x3FB9];
	_ =	sdelay $0x3  }
0x34: {  	[smem:$0x3FB9] =	sst s10  }
0x35: {  	s10 =	sld [smem:$0x3FB8];
	_ =	sdelay $0x3  }
0x36: {  	p1 =	seq.s32 s10, $0x1;
	s10 =	sld [smem:$0x3FB9];
	_ =	sdelay $0x3  }
0x37: {  	[smem:$0x3FB9] =	sst s10  }
0x38: {  	s10 =	sld [smem:$0x3FBA]  }
0x39: {  	_ = 	snop;
	(pc) =	sbr.ind lr, $3  }
0x3a: {  	_ = 	snop  }
0x3b: {  	_ = 	snop  }
0x3c: {  	p2 =	seq.s32 s10, $0x1;
	s10 =	sld [smem:$0x3FB9]  }
0x3d: {  	_ =	shalt  }
0x3e: {  	_ =	shalt  }
0x3f: {  	_ =	shalt  }
0x40: {  	_ =	shalt  }
0x41: {  	_ =	shalt  }
0x42: {  	_ =	shalt  }
0x43: {  	_ =	shalt  }
0x44: {  	_ =	shalt  }
0x45: {  	_ =	shalt  }
0x46: {  	_ =	shalt  }
0x47: {  	_ =	shalt  }
0x48: {  	_ =	shalt  }
0x49: {  	_ =	shalt  }
0x4a: {  	_ =	shalt  }
0x4b: {  	_ =	shalt  }
0x4c: {  	_ =	shalt  }
0x4d: {  	_ =	shalt  }
0x4e: {  	_ =	shalt  }
0x4f: {  	_ =	shalt  }
0x50: {  	_ =	shalt  }
0x51: {  	_ =	shalt  }
0x52: {  	_ =	shalt  }
0x53: {  	_ =	shalt  }
0x54: {  	_ =	shalt  }
0x55: {  	_ =	shalt  }
0x56: {  	_ =	shalt  }
0x57: {  	_ =	shalt  }
0x58: {  	_ =	shalt  }
0x59: {  	_ =	shalt  }
0x5a: {  	_ =	shalt  }
0x5b: {  	_ =	shalt  }
0x5c: {  	_ =	shalt  }
0x5d: {  	_ =	shalt  }
0x5e: {  	_ =	shalt  }
0x5f: {  	_ =	shalt  }
0x60: {  	_ =	shalt  }
0x61: {  	_ =	shalt  }
0x62: {  	_ =	shalt  }
0x63: {  	_ =	shalt  }
0x64: {  	_ =	shalt  }
0x65: {  	_ =	shalt  }
0x66: {  	_ =	shalt  }
0x67: {  	_ =	shalt  }
0x68: {  	_ =	shalt  }
0x69: {  	_ =	shalt  }
0x6a: {  	_ =	shalt  }
0x6b: {  	_ =	shalt  }
0x6c: {  	_ =	shalt  }
0x6d: {  	_ =	shalt  }
0x6e: {  	_ =	shalt  }
0x6f: {  	_ =	shalt  }
0x70: {  	_ =	shalt  }
0x71: {  	_ =	shalt  }
0x72: {  	_ =	shalt  }
0x73: {  	_ =	shalt  }
0x74: {  	_ =	shalt  }
0x75: {  	_ =	shalt  }
0x76: {  	_ =	shalt  }
0x77: {  	_ =	shalt  }
0x78: {  	_ =	shalt  }
0x79: {  	_ =	shalt  }
0x7a: {  	_ =	shalt  }
0x7b: {  	_ =	shalt  }
0x7c: {  	_ =	shalt  }
0x7d: {  	_ =	shalt  }
0x7e: {  	_ =	shalt  }
0x7f: {  	_ =	shalt  }
0x80: {  	_ =	shalt  }
0x81: {  	_ =	shalt  }
0x82: {  	_ =	shalt  }
0x83: {  	_ =	shalt  }
0x84: {  	_ =	shalt  }
0x85: {  	_ =	shalt  }
0x86: {  	_ =	shalt  }
0x87: {  	_ =	shalt  }
.Lfunc_end0:
.L_simem_size_0:
called_computation_lowered:
.L_overlay_start_0:
0x88: {  	s2 =	sld [smem:$0x3FD9]  }
0x89: {  	s3 =	sld [smem:$0x3FFE];
	_ =	sdelay $0x1  }
0x8a: {  	s1 =	srdreg.scid  }
0x8b: {  	s0 =	sand.u32 $0x1, s1  }
0x8c: {  	s17 =	sshll.u32 s0, $0xA;
	s2 =	sadd.s32 s3, s2  }
0x8d: {  	s2 =	sadd.s32 s2, s17  }
0x8e: {  	[smem:$0x3FC5] =	sst s2  }
0x8f: {  	_ = 	snop  }
0x90: {  	s2 =	sld [smem:$0x3FD0];
	(tm) =	ssettm $0x1  }
0x91: {  	s18 =	sld [smem:$0x3FFB];
	_ =	sdelay $0x3  }
0x92: {  	_ =	strace s18  }
0x93: {  	s3 =	sld [smem:$0x3FFC];
	_ =	sdelay $0x3  }
0x94: {  	_ =	strace s3  }
0x95: {  	s3 =	sld [smem:$0x3FFD];
	_ =	sdelay $0x3  }
0x96: {  	_ =	strace s3  }
0x97: {  	_ =	strace $0x8FFFFFFF  }
0x98: {  	s19 =	sld [smem:$0x3FDB];
	_ =	sdelay $0x1  }
0x99: {  	s4 =	simm.s32 $_scs_section_size  }
0x9a: {  	s5 =	simm.s32 $_size__tile_overlayer_lowered;
	s6 =	simm.s32 $_tile_overlayer_lowered  }
0x9b: {  	s22 =	simm.s32 $0x1BFF;
	s21 =	sshll.u32 s6, $0x1;
	s3 =	sadd.s32 s4, s19  }
0x9c: {  	s7 =	simm.s32 $0x0;
	s20 =	sshll.u32 s5, $0x1;
	s5 =	sadd.s32 s21, s3  }
0x9d: {  	[timem:s7], [sflag:s22] =	dma.local [hbm:s5], s20  }
0x9e: {  	_ =	swait.ge [sflag:s22], s20  }
0x9f: {  	s4 =	ssub.s32 $0x0, s20;
	[sflag:s22] =	ssyncset.done $0x0  }
0xa0: {  	[sflag:s22] =	ssyncadd.s32 s4;
	_ =	sdelay $0x1  }
0xa1: {  	s23 =	simm.s32 $0x1B8B  }
0xa2: {  	_ =	swait.ge [sflag:s23], $0x1  }
0xa3: {  	[sflag:s23] =	ssyncset.done $0x0  }
0xa4: {  	s25 =	simm.s32 $0x1B8E;
	s24 =	sld [smem:$0x3FFE];
	[sflag:s23] =	ssyncadd.s32 $0xFFFFFFFF  }
0xa5: {  	s26 =	simm.s32 $execute0_lowered;
	[smem:$0x3FD2] =	sst s25  }
0xa6: {  	s5 =	sshll.u32 s26, $0x1;
	_ =	strace $0x80000046;
	[dreg:$0x1] =	wrdreg $0xFFFFFFFF  }
0xa7: {  	s28 =	simm.s32 $_size_execute0_lowered;
	s3 =	sadd.s32 s3, s5;
	[dreg:$0x0] =	wrdreg $0x0  }
0xa8: {  	s5 =	sshll.u32 s28, $0x1;
	[dreg:$0x2] =	wrdreg s3  }
0xa9: {  	[dreg:$0x3] =	wrdreg s5  }
0xaa: {  	[dreg:$0x4] =	wrdreg $0xC0  }
0xab: {  	_ =	task [dreg:s7], $0x5FFFF  }
0xac: {  	[dreg:$0x1] =	wrdreg $0xFFFFFFFF  }
0xad: {  	[dreg:$0x0] =	wrdreg $0x60  }
0xae: {  	[dreg:$0x2] =	wrdreg s24  }
0xaf: {  	[dreg:$0x3] =	wrdreg s2  }
0xb0: {  	[dreg:$0x4] =	wrdreg $0x9  }
0xb1: {  	_ =	task.clear_ibuf [dreg:s7], $0x5FFFF;
	_ =	strace $0x90000046  }
0xb2: {  	s29 =	simm.s32 $0x9;
	_ =	strace $0x80000048  }
0xb3: {  	_ =	swait.ge [sflag:s29], $0x1  }
0xb4: {  	[sflag:s29] =	ssyncadd.s32 $0xFFFFFFFF  }
0xb5: {  	_ =	strace $0x90000048  }
0xb6: {  	_ =	sfence  }
0xb7: {  	s30 =	sld [smem:$0x0];
	_ =	sdelay $0x2  }
0xb8: {  	s31 =	sshll.u32 s1, $0xD;
	s1 =	sshrl.u32 s1, $0x2  }
0xb9: {  	s3 =	sand.u32 $0x4000, s31;
	s1 =	sadd.s32 s1, s30  }
0xba: {  	s0 =	sor.u32 s3, s0;
	s1 =	sshll.u32 s1, $0x11  }
0xbb: {  	s0 =	sor.u32 s1, s0  }
0xbc: {  	s0 =	sadd.s32 $0x8F2B, s0  }
0xbd: {  	[sflag:s0] =	ssyncadd.remote.s32 $0x1  }
0xbe: {  	_ =	sfence.sel $0xFFFF  }
0xbf: {  	[dreg:$0x0] =	wrdreg $0xFFFFFFFF;
	(pc) =	sbr.abs _section_cstart, $3  }
0xc0: {  	[dreg:$0x1] =	wrdreg $0xFFFFFFFF  }
0xc1: {  	_ =	task.clear_ibuf [dreg:s7], $0x2FFFF;
	_ =	strace $0x9FFFFFFF  }
0xc2: {  	(tm) =	ssettm $0x7FFFFFFF  }
0xc3: {  	_ =	shalt  }
tec
execute0_lowered:
.L_overlay_start_1:
0x0: {  	(tag) =	ssettag $0x1  }
0x1: {  	s0 =	rddreg [dreg:$0x0]  }
0x2: {  	s1 =	rddreg [dreg:$0x1]  }
0x3: {  	s3 =	srdreg.scid;
	s4 =	stileid.u32;
	s2 =	simm.s32 $0x0  }
0x4: {  	s13 =	simm.s32 $0xCC80;
	s14 =	simm.s32 $0xD680;
	s15 =	simm.s32 $0xD180  }
0x5: {  	s16 =	simm.s32 $0xDB80;
	s17 =	simm.s32 $0x2;
	s18 =	simm.s32 $0xE080  }
0x6: {  	s20 =	simm.s32 $0x1;
	s21 =	simm.s32 $0x16180;
	s22 =	simm.s32 $0x12100  }
0x7: {  	s24 =	simm.s32 $0x0;
	s6 =	sand.u32 $0x1, s3;
	s29 =	sshll.u32 s4, $0x1  }
0x8: {  	s25 =	simm.s32 $0x0;
	[smem:$0x7FF] =	sst s2;
	s7 =	sor.u32 s6, s29  }
0x9: {  	s3 =	sadd.s32 $0x1A600, s0;
	s4 =	sadd.s32 $0xB800, s0;
	s8 =	smul.u32 $0x1400, s7  }
0xa: {  	s5 =	sadd.s32 $0x1A00, s0;
	s6 =	ssub.s32 $0x2, s6;
	s9 =	smul.u32 $0x280, s7  }
0xb: {  	_ =	strace $0x80000047;
	s30 =	sshrl.u32 s6, $0x1;
	s19 =	smul.u32 $0x140, s7  }
0xc: {  	s11 =	ssub.s32 s6, s30;
	s10 =	sadd.s32 s8, s0;
	s0 =	sadd.s32 s9, s0  }
0xd: {  	s1 =	sadd.s32 s1, s8;
	s31 =	sadd.s32 $0x140, s19;
	v0 =	vmov s19;
	s19 =	simm.s32 $0x3  }
0xe: {  	v2 =	vimm.s32 $0x0;
	[dreg:$0x3] =	wrdreg s1;
	s7 =	sadd.s32 $0x15600, s0;
	s8 =	sadd.s32 $0x6F600, s10  }
0xf: {  	v3 =	vlaneseq.u32;
	v4 =	vimm.s32 $0x140;
	s9 =	sadd.s32 $0x6A600, s0;
	s10 =	smax.u32 s11, $0x1;
	s11 =	simm.s32 $0x4;
	v1 =	vmov s31  }
.LBB2_1:
0x10: {  	s0 =	rddreg [dreg:$0x3]  }
0x11: {  	[tilespmem:s2], [sflag:$0x4] =	stream.linear.gather [hbm4b:s0+s2], $0xA000, $0x38;
	[tilespmem:$0x1E180] =	vst v63  }
0x12: {  	_ =	swait.ge [sflag:s11], $0xA000  }
0x13: {  	[sflag:s11] =	ssyncset.done $0x0  }
0x14: {  	s31 =	simm.s32 $0xB880;
	[sflag:s11] =	ssyncadd.s32 $0xFFFF6000  }
0x15: {  	[tilespmem:s31], [sflag:$0x4] =	stream.linear.gather [hbm4b:s7+s2], $0x1400, $0x38;
	[tilespmem:$0x1E180] =	vst v63  }
0x16: {  	_ =	swait.ge [sflag:s11], $0x1400  }
0x17: {  	[sflag:s11] =	ssyncset.done $0x0  }
0x18: {  	s0 =	simm.s32 $0x0;
	[sflag:s11] =	ssyncadd.s32 $0xFFFFEC00  }
0x19: {  	v5 =	vld [tilespmem:s0+$0xB880];
	_ =	sdelay $0x3  }
0x1a: {  	s1 =	simm.s32 $0x40  }
.LBB2_2:
0x1b: {  	p0 =	sne.s32 s1, $0x4FC0;
	[tilespmem:s0+$0xA400] =	vst v5;
	s0 =	sshra.s32 s1, $0x2;
	s1 =	sadd.s32 $0x40, s1  }
.Ltmp0:
0x1c: {  	v5 =	vld [tilespmem:s0+$0xB880];
	(pc) =	sbr.rel @p0 .LBB2_2-.Ltmp0, $1  }
0x1d: {  	_ =	sdelay $0x3  }
.Ltmp1:
0x1e: {  	(pc) =	sbr.rel .LBB2_4-.Ltmp1, $2  }
0x1f: {  	_ =	sdelay $0x2  }
0x20: {  	[tilespmem:s0+$0xA400] =	vst v5;
	s0 =	simm.s32 $0x0;
	s26 =	simm.s32 $0x0  }
.LBB2_20:
0x21: {  	s26 =	sadd.s32 $0x1, s26  }
0x22: {  	p0 =	seq.s32 s26, $0x0;
	s0 =	sshll.u32 s26, $0xE  }
0x23: {  	p1 =	slt.s32 @!p0 s0, s28  }
0x24: {  	p1 =	por p0, p1  }
.Ltmp2:
0x25: {  	_ = 	snop;
	(pc) =	sbr.rel @!p1 .LBB2_21-.Ltmp2, $2  }
0x26: {  	_ =	sdelay $0x2  }
0x27: {  	s0 =	smov.u32 @p0 s0;
	s26 =	smov.u32 @p0 s26  }
.LBB2_4:
0x28: {  	[tilespmem:s13], [sflag:$0x2] =	stream.linear.gather [hbm4b:s4+s25], $0x500, $0x38;
	[tilespmem:$0x1E180] =	vst v63  }
0x29: {  	s1 =	sadd.s32 $0x4000, s0;
	s28 =	simm.s32 $0x0  }
0x2a: {  	v5 =	vmov s0;
	v7 =	vimm.s32 $0x0;
	v6 =	vmov s1;
	[tilespmem:s14], [sflag:$0x2] =	stream.linear.gather [hbm4b:s5+s25], $0x500, $0x38;
	[tilespmem:$0x1E180] =	vst v63  }
.LBB2_5:
0x2b: {  	s1 =	smul.u32 $0xA00, s28;
	_ =	sdelay $0x1  }
0x2c: {  	s1 =	sshrl.u32 s1, $0x3  }
0x2d: {  	s1 =	sadd.s32 $0xA0, s1  }
0x2e: {  	s30 =	simm.s32 $0x0;
	s29 =	sadd.s32 s4, s1  }
0x2f: {  	[tilespmem:s15], [sflag:$0x3] =	stream.linear.gather [hbm4b:s29+s30], $0x500, $0x38;
	[tilespmem:$0x1E180] =	vst v63  }
0x30: {  	s1 =	sadd.s32 s5, s1  }
0x31: {  	[tilespmem:s16], [sflag:$0x3] =	stream.linear.gather [hbm4b:s1+s30], $0x500, $0x38;
	[tilespmem:$0x1E180] =	vst v63  }
0x32: {  	_ =	swait.ge [sflag:s17], $0x500  }
0x33: {  	[sflag:s17] =	ssyncset.done $0x0  }
0x34: {  	[sflag:s17] =	ssyncadd.s32 $0xFFFFFB00  }
0x35: {  	_ =	swait.ge [sflag:s17], $0x500  }
0x36: {  	[sflag:s17] =	ssyncset.done $0x0  }
0x37: {  	v8 =	vmov v7;
	s29 =	simm.s32 $0x40;
	s30 =	simm.s32 $0x0;
	[sflag:s17] =	ssyncadd.s32 $0xFFFFFB00  }
.LBB2_6:
0x38: {  	p0 =	sne.s32 s29, $0x13C0;
	v9 =	vld [tilespmem:s30+$0xD680];
	_ =	sdelay $0x4  }
0x39: {  	vm0 =	vge.s32 v9, v0;
	vm1 =	vlt.s32 v9, v1  }
0x3a: {  	vm0 =	vmand vm0, vm1  }
0x3b: {  	v10 =	vsel vm0, $0x1, v2;
	v11 =	vmpcnt.ones.xlane vm0  }
0x3c: {  	(xrf0) =	vadd.scan.msk.s32 $0xffff, v10  }
0x3d: {  	v7 =	vadd.s32 v7, v11;
	_ =	sdelay $0x4  }
0x3e: {  	v10, _, _ =	vpop (xrf0)  }
0x3f: {  	v10 =	vadd.s32 v10, v8;
	v8 =	vmov v7  }
0x40: {  	v10 =	vadd.s32 $0xFFFFFFFF, v10  }
0x41: {  	vm1 =	vge.s32 v10, v5;
	vm2 =	vlt.s32 v10, v6  }
0x42: {  	v12 =	vsub.s32 v10, v5;
	v11 =	vld [tilespmem:s30+$0xCC80];
	vm1 =	vmand vm1, vm2  }
0x43: {  	v10 =	vand.u32 $0x7F, v10;
	v12 =	vand.u32 $0xFFFFFF80, v12;
	vm0 =	vmand vm0, vm1  }
0x44: {  	v10 =	vor.u32 v10, v12  }
.Ltmp3:
0x45: {  	(pc) =	sbr.rel @p0 .LBB2_6-.Ltmp3, $4  }
0x46: {  	_ = 	snop  }
0x47: {  	v9 =	vsub.s32 v9, v0;
	v11 =	vshll.u32 v11, $0x9  }
0x48: {  	v9 =	vor.u32 v9, v11  }
0x49: {  	s30 =	sshra.s32 s29, $0x2;
	s29 =	sadd.s32 $0x40, s29;
	[tilespmem:v10+s18+$0x0] =	vst.idx.msk vm0, v9  }
0x4a: {  	v9 =	vld [tilespmem:s30+$0xD680];
	_ =	sdelay $0x4  }
0x4b: {  	vm0 =	vge.s32 v9, v0;
	vm1 =	vlt.s32 v9, v1  }
0x4c: {  	vm0 =	vmand vm0, vm1  }
0x4d: {  	v10 =	vsel vm0, $0x1, v2  }
0x4e: {  	(xrf0) =	vadd.scan.msk.s32 $0xffff, v10;
	_ =	sdelay $0x5  }
0x4f: {  	v10, _, _ =	vpop (xrf0)  }
0x50: {  	v8 =	vadd.s32 v10, v8  }
0x51: {  	v8 =	vadd.s32 $0xFFFFFFFF, v8  }
0x52: {  	vm15 =	vge.s32 v8, v5;
	vm2 =	vlt.s32 v8, v6  }
0x53: {  	v10 =	vld [tilespmem:s30+$0xCC80];
	v11 =	vsub.s32 v8, v5;
	vm1 =	vmand vm15, vm2  }
0x54: {  	s1 =	sshll.u32 s28, $0x1;
	v8 =	vand.u32 $0x7F, v8;
	v11 =	vand.u32 $0xFFFFFF80, v11;
	vm1 =	vmand vm0, vm1  }
0x55: {  	s1 =	smin.u32 s1, $0xF7;
	v8 =	vor.u32 v8, v11  }
0x56: {  	s1 =	smul.u32 $0x500, s1;
	_ =	sdelay $0x1  }
0x57: {  	s1 =	sshrl.u32 s1, $0x3;
	v9 =	vsub.s32 v9, v0;
	v10 =	vshll.u32 v10, $0x9  }
0x58: {  	s1 =	sadd.s32 $0x140, s1;
	v9 =	vor.u32 v9, v10  }
0x59: {  	s29 =	sadd.s32 s4, s1;
	s30 =	simm.s32 $0x0;
	[tilespmem:v8+s18+$0x0] =	vst.idx.msk vm1, v9  }
0x5a: {  	[tilespmem:s13], [sflag:$0x2] =	stream.linear.gather [hbm4b:s29+s30], $0x500, $0x38;
	[tilespmem:$0x1E180] =	vst v63  }
0x5b: {  	s1 =	sadd.s32 s5, s1  }
0x5c: {  	[tilespmem:s14], [sflag:$0x2] =	stream.linear.gather [hbm4b:s1+s30], $0x500, $0x38;
	[tilespmem:$0x1E180] =	vst v63  }
0x5d: {  	_ =	swait.ge [sflag:s19], $0x500  }
0x5e: {  	v8 =	vmpcnt.ones.xlane vm0;
	[sflag:s19] =	ssyncset.done $0x0  }
0x5f: {  	[sflag:s19] =	ssyncadd.s32 $0xFFFFFB00  }
0x60: {  	_ =	swait.ge [sflag:s19], $0x500  }
0x61: {  	v7 =	vadd.s32 v7, v8;
	[sflag:s19] =	ssyncset.done $0x0  }
0x62: {  	s29 =	simm.s32 $0x40;
	s30 =	simm.s32 $0x0;
	v8 =	vmov v7;
	[sflag:s19] =	ssyncadd.s32 $0xFFFFFB00  }
.LBB2_8:
0x63: {  	p0 =	sne.s32 s29, $0x13C0;
	v9 =	vld [tilespmem:s30+$0xDB80];
	_ =	sdelay $0x4  }
0x64: {  	vm0 =	vge.s32 v9, v0;
	vm1 =	vlt.s32 v9, v1  }
0x65: {  	vm0 =	vmand vm0, vm1  }
0x66: {  	v10 =	vsel vm0, $0x1, v2;
	v11 =	vmpcnt.ones.xlane vm0  }
0x67: {  	(xrf0) =	vadd.scan.msk.s32 $0xffff, v10  }
0x68: {  	v7 =	vadd.s32 v7, v11;
	_ =	sdelay $0x4  }
0x69: {  	v10, _, _ =	vpop (xrf0)  }
0x6a: {  	v10 =	vadd.s32 v10, v8;
	v8 =	vmov v7  }
0x6b: {  	v10 =	vadd.s32 $0xFFFFFFFF, v10  }
0x6c: {  	vm1 =	vge.s32 v10, v5;
	vm2 =	vlt.s32 v10, v6  }
0x6d: {  	v12 =	vsub.s32 v10, v5;
	v11 =	vld [tilespmem:s30+$0xD180];
	vm1 =	vmand vm1, vm2  }
0x6e: {  	v10 =	vand.u32 $0x7F, v10;
	v12 =	vand.u32 $0xFFFFFF80, v12;
	vm0 =	vmand vm0, vm1  }
0x6f: {  	v10 =	vor.u32 v10, v12  }
.Ltmp4:
0x70: {  	(pc) =	sbr.rel @p0 .LBB2_8-.Ltmp4, $4  }
0x71: {  	_ = 	snop  }
0x72: {  	v9 =	vsub.s32 v9, v0;
	v11 =	vshll.u32 v11, $0x9  }
0x73: {  	v9 =	vor.u32 v9, v11  }
0x74: {  	s30 =	sshra.s32 s29, $0x2;
	s29 =	sadd.s32 $0x40, s29;
	[tilespmem:v10+s18+$0x0] =	vst.idx.msk vm0, v9  }
0x75: {  	v9 =	vld [tilespmem:s30+$0xDB80];
	_ =	sdelay $0x4  }
0x76: {  	vm0 =	vge.s32 v9, v0;
	vm1 =	vlt.s32 v9, v1  }
0x77: {  	vm0 =	vmand vm0, vm1  }
0x78: {  	v10 =	vsel vm0, $0x1, v2  }
0x79: {  	(xrf0) =	vadd.scan.msk.s32 $0xffff, v10;
	_ =	sdelay $0x5  }
0x7a: {  	v10, _, _ =	vpop (xrf0)  }
0x7b: {  	v8 =	vadd.s32 v10, v8  }
0x7c: {  	v8 =	vadd.s32 $0xFFFFFFFF, v8  }
0x7d: {  	vm15 =	vge.s32 v8, v5;
	vm2 =	vlt.s32 v8, v6  }
0x7e: {  	v62 =	vld [tilespmem:s30+$0xD180];
	v11 =	vsub.s32 v8, v5;
	vm1 =	vmand vm15, vm2  }
0x7f: {  	s28 =	sadd.s32 $0x1, s28;
	v8 =	vand.u32 $0x7F, v8;
	v11 =	vand.u32 $0xFFFFFF80, v11;
	vm1 =	vmand vm0, vm1  }
0x80: {  	p0 =	sne.s32 s28, $0x7D;
	v8 =	vor.u32 v8, v11  }
.Ltmp5:
0x81: {  	_ = 	snop;
	(pc) =	sbr.rel @p0 .LBB2_5-.Ltmp5, $4  }
0x82: {  	_ = 	snop  }
0x83: {  	v9 =	vsub.s32 v9, v0;
	v63 =	vmpcnt.ones.xlane vm0;
	v10 =	vshll.u32 v62, $0x9  }
0x84: {  	v9 =	vor.u32 v9, v10  }
0x85: {  	v7 =	vadd.s32 v7, v63;
	[tilespmem:v8+s18+$0x0] =	vst.idx.msk vm1, v9  }
0x86: {  	_ =	swait.ge [sflag:s17], $0x500  }
0x87: {  	[sflag:s17] =	ssyncset.done $0x0  }
0x88: {  	[sflag:s17] =	ssyncadd.s32 $0xFFFFFB00  }
0x89: {  	v5 =	vxor.u32 $0x80000000, v7;
	_ =	swait.ge [sflag:s17], $0x500  }
0x8a: {  	(xrf0) =	vmax.scan.msk.u32 $0xffff, v5;
	_ =	sdelay $0x5  }
0x8b: {  	v5, _, _ =	vpop (xrf0)  }
0x8c: {  	(v2sf) =	vpush v5, $0xF;
	_ =	sdelay $0xe  }
0x8d: {  	s1 =	spop (v2sf)  }
0x8e: {  	s28 =	sxor.u32 $0x80000000, s1  }
0x8f: {  	s1 =	ssub.s32 s28, s0;
	p1 =	sne.s32 s28, s0  }
0x90: {  	s0 =	simm.s32 $0x1;
	p0 =	slt.s32 s1, $0x4000;
	s29 =	smov.u32 s1  }
0x91: {  	s30 =	sshra.s32 s1, $0x1F;
	s0 =	simm.s32 @!p1 $0x0;
	s29 =	simm.s32 @!p0 $0x4000  }
0x92: {  	s0 =	sor.u32 s0, s30;
	s30 =	sand.u32 $0xF, s29  }
0x93: {  	s31 =	sshra.s32 s29, $0x1F;
	p3 =	sne.s32 s0, $0x1;
	p4 =	sne.s32 s30, $0x0  }
0x94: {  	s12 =	sshrl.u32 s31, $0x1C;
	p0 =	por !p3, !p4  }
0x95: {  	s30 =	simm.s32 $0x1;
	s0 =	sadd.s32 s12, s29;
	p0 =	por !p0, !p0  }
0x96: {  	s0 =	sshrl.u32 s0, $0x4;
	s30 =	simm.s32 @!p0 $0x0  }
0x97: {  	s0 =	ssub.s32 s0, s30  }
0x98: {  	s0 =	sshll.u32 s0, $0x4  }
0x99: {  	s23 =	sadd.s32 $0xF, s29;
	v5 =	vor.u32 s0, v3  }
0x9a: {  	vm0 =	vge.s32 v5, s29;
	s29 =	sand.u32 $0xF, s23  }
0x9b: {  	p5 =	slt.s32 s1, $0xFFFFFFF2;
	s30 =	sshra.s32 s23, $0x1F;
	p6 =	sne.s32 s29, $0x0  }
.Ltmp6:
0x9c: {  	s31 =	sshrl.u32 s30, $0x1C;
	p0 =	por !p5, !p6;
	(pc) =	sbr.rel .LBB2_11-.Ltmp6, $4  }
0x9d: {  	s1 =	simm.s32 $0x1;
	s0 =	sadd.s32 s31, s23;
	p0 =	por !p0, !p0  }
0x9e: {  	[sflag:s17] =	ssyncset.done $0x0;
	s0 =	sshra.s32 s0, $0x4;
	s1 =	simm.s32 @!p0 $0x0  }
0x9f: {  	[sflag:s17] =	ssyncadd.s32 $0xFFFFFB00;
	s29 =	ssub.s32 s0, s1  }
0xa0: {  	s30 =	simm.s32 $0x0;
	[tilespmem:v5+s18+$0x0] =	vst.idx.msk vm0, v4;
	p0 =	slt.s32 s29, $0x1  }
.LBB2_19:
0xa1: {  	s30 =	sadd.s32 $0x1, s30  }
0xa2: {  	p1 =	sne.s32 s30, $0x50  }
.Ltmp7:
0xa3: {  	_ = 	snop;
	(pc) =	sbr.rel @!p1 .LBB2_20-.Ltmp7, $1  }
0xa4: {  	_ =	sdelay $0x3  }
.LBB2_11:
.Ltmp8:
0xa5: {  	(pc) =	sbr.rel @p0 .LBB2_12-.Ltmp8, $4  }
0xa6: {  	s0 =	sshll.u32 s30, $0xC  }
0xa7: {  	s0 =	sadd.s32 s3, s0  }
0xa8: {  	[tilespmem:s21], [sflag:$0x1] =	stream.linear.gather [hbm4b:s0+s2], $0x8000, $0x38;
	[tilespmem:$0x1E180] =	vst v63  }
0xa9: {  	s0 =	sshll.u32 s30, $0x10  }
0xaa: {  	p1 =	sne.s32 s29, $0x1  }
.Ltmp9:
0xab: {  	_ = 	snop;
	(pc) =	sbr.rel @!p1 .LBB2_15-.Ltmp9, $3  }
0xac: {  	_ =	sdelay $0x1  }
0xad: {  	s1 =	sadd.s32 $0x10000, s0;
	v7 =	vmov s0;
	s31 =	simm.s32 $0xE080  }
0xae: {  	v5 =	vimm.s32 $0x0;
	v8 =	vimm.s32 $0x0;
	v9 =	vmov s1;
	v6 =	vld [tilespmem:s31+$0x0];
	s1 =	sadd.s32 $0xFFFFFFFF, s29  }
.LBB2_14:
0xaf: {  	p1 =	sne.s32 s1, $0x1;
	_ =	sdelay $0x3  }
0xb0: {  	vm0 =	vge.s32 v6, v7;
	vm1 =	vlt.s32 v6, v9  }
0xb1: {  	vm0 =	vmand vm0, vm1  }
0xb2: {  	v10 =	vsel vm0, $0x1, v2;
	v11 =	vmpcnt.ones.xlane vm0  }
0xb3: {  	(xrf0) =	vadd.scan.msk.s32 $0xffff, v10  }
0xb4: {  	v5 =	vadd.s32 v5, v11;
	_ =	sdelay $0x4  }
0xb5: {  	v10, _, _ =	vpop (xrf0)  }
0xb6: {  	v10 =	vadd.s32 v10, v8;
	v8 =	vmov v5  }
0xb7: {  	v10 =	vadd.s32 $0xFFFFFFFF, v10;
	_ =	sdelay $0x1  }
.Ltmp10:
0xb8: {  	(pc) =	sbr.rel @p1 .LBB2_14-.Ltmp10, $3  }
0xb9: {  	_ =	sdelay $0x1  }
0xba: {  	s31 =	sadd.s32 $0x10, s31;
	[tilespmem:v10+s22+$0x0] =	vst.idx.msk vm0, v6  }
0xbb: {  	s1 =	sadd.s32 $0xFFFFFFFF, s1;
	v6 =	vld [tilespmem:s31+$0x0]  }
.LBB2_15:
0xbc: {  	_ =	sdelay $0x3  }
0xbd: {  	vm0 =	vge.s32 v6, v7;
	vm1 =	vlt.s32 v6, v9  }
0xbe: {  	vm0 =	vmand vm0, vm1  }
0xbf: {  	v7 =	vsel vm0, $0x1, v2  }
0xc0: {  	(xrf0) =	vadd.scan.msk.s32 $0xffff, v7;
	_ =	sdelay $0x5  }
0xc1: {  	v7, _, _ =	vpop (xrf0)  }
0xc2: {  	v7 =	vadd.s32 v7, v8  }
0xc3: {  	v7 =	vadd.s32 $0xFFFFFFFF, v7  }
.Ltmp11:
0xc4: {  	_ = 	snop;
	(pc) =	sbr.rel .LBB2_16-.Ltmp11, $3  }
0xc5: {  	v63 =	vmpcnt.ones.xlane vm0;
	_ =	sdelay $0x1  }
0xc6: {  	v5 =	vadd.s32 v5, v63  }
0xc7: {  	v5 =	vxor.u32 $0x80000000, v5;
	[tilespmem:v7+s22+$0x0] =	vst.idx.msk vm0, v6  }
.LBB2_12:
0xc8: {  	v5 =	vimm.s32 $0x80000000  }
.LBB2_16:
0xc9: {  	(xrf0) =	vmax.scan.msk.u32 $0xffff, v5;
	_ =	sdelay $0x5  }
0xca: {  	v5, _, _ =	vpop (xrf0)  }
0xcb: {  	(v2sf) =	vpush v5, $0xF;
	_ =	sdelay $0xe  }
0xcc: {  	s1 =	spop (v2sf)  }
0xcd: {  	s31 =	sxor.u32 $0x80000000, s1  }
0xce: {  	p2 =	sgt.s32 s1, $0xFFFFFFFF;
	s12 =	sand.u32 $0xF, s1;
	p1 =	slt.s32 s31, $0x1  }
0xcf: {  	s23 =	sshra.s32 s31, $0x1F;
	p4 =	sne.s32 s12, $0x0;
	p1 =	por p2, p1  }
0xd0: {  	s6 =	sshrl.u32 s23, $0x1C;
	p1 =	por !p4, !p1  }
0xd1: {  	s23 =	simm.s32 $0x1;
	s12 =	sadd.s32 s6, s31;
	p1 =	por !p1, !p1  }
0xd2: {  	s1 =	sadd.s32 $0x8000000F, s1;
	s12 =	sshrl.u32 s12, $0x4;
	s23 =	simm.s32 @!p1 $0x0  }
0xd3: {  	s12 =	ssub.s32 s12, s23;
	s23 =	sand.u32 $0xF, s1  }
0xd4: {  	p5 =	slt.s32 s1, $0x1;
	s6 =	sshra.s32 s1, $0x1F;
	p6 =	sne.s32 s23, $0x0  }
0xd5: {  	s6 =	sshrl.u32 s6, $0x1C;
	s12 =	sshll.u32 s12, $0x4;
	p1 =	por !p5, !p6  }
0xd6: {  	s1 =	sadd.s32 s6, s1;
	v5 =	vor.u32 s12, v3;
	s12 =	simm.s32 $0x1;
	p1 =	por !p1, !p1  }
0xd7: {  	s1 =	sshrl.u32 s1, $0x4;
	vm0 =	vge.s32 v5, s31;
	s12 =	simm.s32 @!p1 $0x0  }
0xd8: {  	s0 =	sor.u32 $0x140, s0;
	s23 =	ssub.s32 s1, s12  }
0xd9: {  	v6 =	vmov s0;
	s0 =	sshll.u32 s23, $0x4  }
0xda: {  	s31 =	sshra.s32 s0, $0x4  }
0xdb: {  	p1 =	slt.s32 s31, $0x1  }
.Ltmp12:
0xdc: {  	_ = 	snop;
	(pc) =	sbr.rel @p1 .LBB2_19-.Ltmp12, $4  }
0xdd: {  	[tilespmem:v5+s22+$0x0] =	vst.idx.msk vm0, v6  }
0xde: {  	_ =	swait.ge [sflag:s20], $0x8000  }
0xdf: {  	[sflag:s20] =	ssyncset.done $0x0  }
0xe0: {  	[sflag:s20] =	ssyncadd.s32 $0xFFFF8000  }
0xe1: {  	s0 =	sshll.u32 s30, $0x7  }
0xe2: {  	v5 =	vmov s0;
	s0 =	simm.s32 $0x12100  }
.LBB2_18:
0xe3: {  	v7 =	vld [tilespmem:s0+$0x0];
	_ =	sdelay $0x4  }
0xe4: {  	v6 =	vand.u32 $0x1FF, v7  }
0xe5: {  	(v2sf) =	vpush v6, $0x0;
	_ =	sdelay $0x3  }
0xe6: {  	v7 =	vshra.s32 v7, $0x9  }
0xe7: {  	v7 =	vsub.s32 v7, v5  }
0xe8: {  	(v2sf) =	vpush v7, $0x0;
	_ =	sdelay $0x8  }
0xe9: {  	s1 =	spop (v2sf)  }
0xea: {  	s6 =	sshll.u32 s1, $0x7  }
0xeb: {  	v8 =	vld [tilespmem:s6+$0x0]  }
0xec: {  	v10 =	vld [tilespmem:s6+$0x10]  }
0xed: {  	v12 =	vld [tilespmem:s6+$0x20]  }
0xee: {  	v14 =	vld [tilespmem:s6+$0x30]  }
0xef: {  	s12 =	spop (v2sf);
	v16 =	vld [tilespmem:s6+$0x40]  }
0xf0: {  	s1 =	sshll.u32 s1, $0x4;
	s23 =	sshll.u32 s12, $0x8;
	s12 =	sshll.u32 s12, $0x7;
	v18 =	vld [tilespmem:s6+$0x50]  }
0xf1: {  	v22 =	vld [tilespmem:s1+$0xA400];
	s23 =	sand.u32 $0xFFFFF800, s23;
	s12 =	sand.u32 $0x380, s12  }
0xf2: {  	v38 =	vld [tilespmem:s6+$0x60];
	s12 =	sor.u32 s12, s23  }
0xf3: {  	(v2sf) =	vpush v6, $0x1;
	v9 =	vld [tilespmem:s12+$0x16180];
	s12 =	sadd.s32 $0x16180, s12  }
0xf4: {  	v11 =	vld [tilespmem:s12+$0x10]  }
0xf5: {  	v13 =	vld [tilespmem:s12+$0x20]  }
0xf6: {  	v15 =	vld [tilespmem:s12+$0x30]  }
0xf7: {  	v17 =	vld [tilespmem:s12+$0x40]  }
0xf8: {  	v19 =	vld [tilespmem:s12+$0x50]  }
0xf9: {  	(v2sf) =	vpush v7, $0x1;
	v20 =	vld [tilespmem:s12+$0x60]  }
0xfa: {  	v21 =	vld [tilespmem:s12+$0x70];
	v8 =	vmax.f32 v8, v9  }
0xfb: {  	v37 =	vld [tilespmem:s12+$0x400];
	v10 =	vmax.f32 v10, v11;
	[tilespmem:s6+$0x0] =	vst v8  }
0xfc: {  	v40 =	vld [tilespmem:s6+$0x70];
	v39 =	vmax.f32 v12, v13;
	[tilespmem:s6+$0x10] =	vst v10  }
0xfd: {  	v41 =	vmax.f32 v14, v15;
	[tilespmem:s6+$0x20] =	vst v39  }
0xfe: {  	v42 =	vmax.f32 v16, v17;
	[tilespmem:s6+$0x30] =	vst v41  }
0xff: {  	v43 =	vmax.f32 v18, v19;
	[tilespmem:s6+$0x40] =	vst v42  }
0x100: {  	v44 =	vmax.f32 v38, v20;
	[tilespmem:s6+$0x50] =	vst v43  }
0x101: {  	v45 =	vmax.f32 v40, v21;
	[tilespmem:s6+$0x60] =	vst v44  }
0x102: {  	v46 =	vmax.f32 v22, v37;
	[tilespmem:s6+$0x70] =	vst v45;
	s12 =	spop (v2sf)  }
0x103: {  	[tilespmem:s1+$0xA400] =	vst v46;
	s1 =	sshll.u32 s12, $0x7  }
0x104: {  	v8 =	vld [tilespmem:s1+$0x0]  }
0x105: {  	v10 =	vld [tilespmem:s1+$0x10]  }
0x106: {  	v49 =	vld [tilespmem:s1+$0x20]  }
0x107: {  	v51 =	vld [tilespmem:s1+$0x30]  }
0x108: {  	s23 =	spop (v2sf);
	v53 =	vld [tilespmem:s1+$0x40]  }
0x109: {  	s12 =	sshll.u32 s12, $0x4;
	s6 =	sshll.u32 s23, $0x8;
	s23 =	sshll.u32 s23, $0x7;
	v55 =	vld [tilespmem:s1+$0x50]  }
0x10a: {  	v59 =	vld [tilespmem:s12+$0xA400];
	s6 =	sand.u32 $0xFFFFF800, s6;
	s23 =	sand.u32 $0x380, s23  }
0x10b: {  	v61 =	vld [tilespmem:s1+$0x60];
	s6 =	sor.u32 s23, s6  }
0x10c: {  	(v2sf) =	vpush v6, $0x2;
	v47 =	vld [tilespmem:s6+$0x16180];
	s6 =	sadd.s32 $0x16180, s6  }
0x10d: {  	v48 =	vld [tilespmem:s6+$0x10]  }
0x10e: {  	v50 =	vld [tilespmem:s6+$0x20]  }
0x10f: {  	v52 =	vld [tilespmem:s6+$0x30]  }
0x110: {  	v54 =	vld [tilespmem:s6+$0x40]  }
0x111: {  	v56 =	vld [tilespmem:s6+$0x50]  }
0x112: {  	(v2sf) =	vpush v7, $0x2;
	v57 =	vld [tilespmem:s6+$0x60]  }
0x113: {  	v58 =	vld [tilespmem:s6+$0x70];
	v8 =	vmax.f32 v8, v47  }
0x114: {  	v60 =	vld [tilespmem:s6+$0x400];
	v10 =	vmax.f32 v10, v48;
	[tilespmem:s1+$0x0] =	vst v8  }
0x115: {  	v63 =	vld [tilespmem:s1+$0x70];
	v62 =	vmax.f32 v49, v50;
	[tilespmem:s1+$0x10] =	vst v10  }
0x116: {  	v15 =	vmax.f32 v51, v52;
	[tilespmem:s1+$0x20] =	vst v62  }
0x117: {  	v17 =	vmax.f32 v53, v54;
	[tilespmem:s1+$0x30] =	vst v15  }
0x118: {  	v19 =	vmax.f32 v55, v56;
	[tilespmem:s1+$0x40] =	vst v17  }
0x119: {  	v20 =	vmax.f32 v61, v57;
	[tilespmem:s1+$0x50] =	vst v19  }
0x11a: {  	v21 =	vmax.f32 v63, v58;
	[tilespmem:s1+$0x60] =	vst v20  }
0x11b: {  	v23 =	vmax.f32 v59, v60;
	[tilespmem:s1+$0x70] =	vst v21;
	s6 =	spop (v2sf)  }
0x11c: {  	[tilespmem:s12+$0xA400] =	vst v23;
	s12 =	sshll.u32 s6, $0x7  }
0x11d: {  	v8 =	vld [tilespmem:s12+$0x0]  }
0x11e: {  	v10 =	vld [tilespmem:s12+$0x10]  }
0x11f: {  	v26 =	vld [tilespmem:s12+$0x20]  }
0x120: {  	v28 =	vld [tilespmem:s12+$0x30]  }
0x121: {  	s23 =	spop (v2sf);
	v30 =	vld [tilespmem:s12+$0x40]  }
0x122: {  	s6 =	sshll.u32 s6, $0x4;
	s1 =	sshll.u32 s23, $0x8;
	s23 =	sshll.u32 s23, $0x7;
	v32 =	vld [tilespmem:s12+$0x50]  }
0x123: {  	v36 =	vld [tilespmem:s6+$0xA400];
	s1 =	sand.u32 $0xFFFFF800, s1;
	s23 =	sand.u32 $0x380, s23  }
0x124: {  	v38 =	vld [tilespmem:s12+$0x60];
	s1 =	sor.u32 s23, s1  }
0x125: {  	(v2sf) =	vpush v6, $0x3;
	v24 =	vld [tilespmem:s1+$0x16180];
	s1 =	sadd.s32 $0x16180, s1  }
0x126: {  	v25 =	vld [tilespmem:s1+$0x10]  }
0x127: {  	v27 =	vld [tilespmem:s1+$0x20]  }
0x128: {  	v29 =	vld [tilespmem:s1+$0x30]  }
0x129: {  	v31 =	vld [tilespmem:s1+$0x40]  }
0x12a: {  	v33 =	vld [tilespmem:s1+$0x50]  }
0x12b: {  	(v2sf) =	vpush v7, $0x3;
	v34 =	vld [tilespmem:s1+$0x60]  }
0x12c: {  	v35 =	vld [tilespmem:s1+$0x70];
	v8 =	vmax.f32 v8, v24  }
0x12d: {  	v37 =	vld [tilespmem:s1+$0x400];
	v10 =	vmax.f32 v10, v25;
	[tilespmem:s12+$0x0] =	vst v8  }
0x12e: {  	v40 =	vld [tilespmem:s12+$0x70];
	v39 =	vmax.f32 v26, v27;
	[tilespmem:s12+$0x10] =	vst v10  }
0x12f: {  	v41 =	vmax.f32 v28, v29;
	[tilespmem:s12+$0x20] =	vst v39  }
0x130: {  	v42 =	vmax.f32 v30, v31;
	[tilespmem:s12+$0x30] =	vst v41  }
0x131: {  	v43 =	vmax.f32 v32, v33;
	[tilespmem:s12+$0x40] =	vst v42  }
0x132: {  	v44 =	vmax.f32 v38, v34;
	[tilespmem:s12+$0x50] =	vst v43  }
0x133: {  	v45 =	vmax.f32 v40, v35;
	[tilespmem:s12+$0x60] =	vst v44  }
0x134: {  	v46 =	vmax.f32 v36, v37;
	[tilespmem:s12+$0x70] =	vst v45;
	s1 =	spop (v2sf)  }
0x135: {  	[tilespmem:s6+$0xA400] =	vst v46;
	s6 =	sshll.u32 s1, $0x7  }
0x136: {  	v8 =	vld [tilespmem:s6+$0x0]  }
0x137: {  	v10 =	vld [tilespmem:s6+$0x10]  }
0x138: {  	v49 =	vld [tilespmem:s6+$0x20]  }
0x139: {  	v51 =	vld [tilespmem:s6+$0x30]  }
0x13a: {  	s23 =	spop (v2sf);
	v53 =	vld [tilespmem:s6+$0x40]  }
0x13b: {  	s1 =	sshll.u32 s1, $0x4;
	s12 =	sshll.u32 s23, $0x8;
	s23 =	sshll.u32 s23, $0x7;
	v55 =	vld [tilespmem:s6+$0x50]  }
0x13c: {  	v59 =	vld [tilespmem:s1+$0xA400];
	s12 =	sand.u32 $0xFFFFF800, s12;
	s23 =	sand.u32 $0x380, s23  }
0x13d: {  	v61 =	vld [tilespmem:s6+$0x60];
	s12 =	sor.u32 s23, s12  }
0x13e: {  	(v2sf) =	vpush v6, $0x4;
	v47 =	vld [tilespmem:s12+$0x16180];
	s12 =	sadd.s32 $0x16180, s12  }
0x13f: {  	v48 =	vld [tilespmem:s12+$0x10]  }
0x140: {  	v50 =	vld [tilespmem:s12+$0x20]  }
0x141: {  	v52 =	vld [tilespmem:s12+$0x30]  }
0x142: {  	v54 =	vld [tilespmem:s12+$0x40]  }
0x143: {  	v56 =	vld [tilespmem:s12+$0x50]  }
0x144: {  	(v2sf) =	vpush v7, $0x4;
	v57 =	vld [tilespmem:s12+$0x60]  }
0x145: {  	v58 =	vld [tilespmem:s12+$0x70];
	v8 =	vmax.f32 v8, v47  }
0x146: {  	v60 =	vld [tilespmem:s12+$0x400];
	v10 =	vmax.f32 v10, v48;
	[tilespmem:s6+$0x0] =	vst v8  }
0x147: {  	v63 =	vld [tilespmem:s6+$0x70];
	v62 =	vmax.f32 v49, v50;
	[tilespmem:s6+$0x10] =	vst v10  }
0x148: {  	v15 =	vmax.f32 v51, v52;
	[tilespmem:s6+$0x20] =	vst v62  }
0x149: {  	v17 =	vmax.f32 v53, v54;
	[tilespmem:s6+$0x30] =	vst v15  }
0x14a: {  	v19 =	vmax.f32 v55, v56;
	[tilespmem:s6+$0x40] =	vst v17  }
0x14b: {  	v20 =	vmax.f32 v61, v57;
	[tilespmem:s6+$0x50] =	vst v19  }
0x14c: {  	v21 =	vmax.f32 v63, v58;
	[tilespmem:s6+$0x60] =	vst v20  }
0x14d: {  	v23 =	vmax.f32 v59, v60;
	[tilespmem:s6+$0x70] =	vst v21;
	s12 =	spop (v2sf)  }
0x14e: {  	[tilespmem:s1+$0xA400] =	vst v23;
	s1 =	sshll.u32 s12, $0x7  }
0x14f: {  	v8 =	vld [tilespmem:s1+$0x0]  }
0x150: {  	v10 =	vld [tilespmem:s1+$0x10]  }
0x151: {  	v26 =	vld [tilespmem:s1+$0x20]  }
0x152: {  	v28 =	vld [tilespmem:s1+$0x30]  }
0x153: {  	s23 =	spop (v2sf);
	v30 =	vld [tilespmem:s1+$0x40]  }
0x154: {  	s12 =	sshll.u32 s12, $0x4;
	s6 =	sshll.u32 s23, $0x8;
	s23 =	sshll.u32 s23, $0x7;
	v32 =	vld [tilespmem:s1+$0x50]  }
0x155: {  	v36 =	vld [tilespmem:s12+$0xA400];
	s6 =	sand.u32 $0xFFFFF800, s6;
	s23 =	sand.u32 $0x380, s23  }
0x156: {  	v38 =	vld [tilespmem:s1+$0x60];
	s6 =	sor.u32 s23, s6  }
0x157: {  	(v2sf) =	vpush v6, $0x5;
	v24 =	vld [tilespmem:s6+$0x16180];
	s6 =	sadd.s32 $0x16180, s6  }
0x158: {  	v25 =	vld [tilespmem:s6+$0x10]  }
0x159: {  	v27 =	vld [tilespmem:s6+$0x20]  }
0x15a: {  	v29 =	vld [tilespmem:s6+$0x30]  }
0x15b: {  	v31 =	vld [tilespmem:s6+$0x40]  }
0x15c: {  	v33 =	vld [tilespmem:s6+$0x50]  }
0x15d: {  	(v2sf) =	vpush v7, $0x5;
	v34 =	vld [tilespmem:s6+$0x60]  }
0x15e: {  	v35 =	vld [tilespmem:s6+$0x70];
	v8 =	vmax.f32 v8, v24  }
0x15f: {  	v37 =	vld [tilespmem:s6+$0x400];
	v10 =	vmax.f32 v10, v25;
	[tilespmem:s1+$0x0] =	vst v8  }
0x160: {  	v40 =	vld [tilespmem:s1+$0x70];
	v39 =	vmax.f32 v26, v27;
	[tilespmem:s1+$0x10] =	vst v10  }
0x161: {  	v41 =	vmax.f32 v28, v29;
	[tilespmem:s1+$0x20] =	vst v39  }
0x162: {  	v42 =	vmax.f32 v30, v31;
	[tilespmem:s1+$0x30] =	vst v41  }
0x163: {  	v43 =	vmax.f32 v32, v33;
	[tilespmem:s1+$0x40] =	vst v42  }
0x164: {  	v44 =	vmax.f32 v38, v34;
	[tilespmem:s1+$0x50] =	vst v43  }
0x165: {  	v45 =	vmax.f32 v40, v35;
	[tilespmem:s1+$0x60] =	vst v44  }
0x166: {  	v46 =	vmax.f32 v36, v37;
	[tilespmem:s1+$0x70] =	vst v45;
	s6 =	spop (v2sf)  }
0x167: {  	[tilespmem:s12+$0xA400] =	vst v46;
	s12 =	sshll.u32 s6, $0x7  }
0x168: {  	v8 =	vld [tilespmem:s12+$0x0]  }
0x169: {  	v10 =	vld [tilespmem:s12+$0x10]  }
0x16a: {  	v49 =	vld [tilespmem:s12+$0x20]  }
0x16b: {  	v51 =	vld [tilespmem:s12+$0x30]  }
0x16c: {  	s23 =	spop (v2sf);
	v53 =	vld [tilespmem:s12+$0x40]  }
0x16d: {  	s6 =	sshll.u32 s6, $0x4;
	s1 =	sshll.u32 s23, $0x8;
	s23 =	sshll.u32 s23, $0x7;
	v55 =	vld [tilespmem:s12+$0x50]  }
0x16e: {  	v59 =	vld [tilespmem:s6+$0xA400];
	s1 =	sand.u32 $0xFFFFF800, s1;
	s23 =	sand.u32 $0x380, s23  }
0x16f: {  	v61 =	vld [tilespmem:s12+$0x60];
	s1 =	sor.u32 s23, s1  }
0x170: {  	(v2sf) =	vpush v6, $0x6;
	v47 =	vld [tilespmem:s1+$0x16180];
	s1 =	sadd.s32 $0x16180, s1  }
0x171: {  	v48 =	vld [tilespmem:s1+$0x10]  }
0x172: {  	v50 =	vld [tilespmem:s1+$0x20]  }
0x173: {  	v52 =	vld [tilespmem:s1+$0x30]  }
0x174: {  	v54 =	vld [tilespmem:s1+$0x40]  }
0x175: {  	v56 =	vld [tilespmem:s1+$0x50]  }
0x176: {  	(v2sf) =	vpush v7, $0x6;
	v57 =	vld [tilespmem:s1+$0x60]  }
0x177: {  	v58 =	vld [tilespmem:s1+$0x70];
	v8 =	vmax.f32 v8, v47  }
0x178: {  	v60 =	vld [tilespmem:s1+$0x400];
	v10 =	vmax.f32 v10, v48;
	[tilespmem:s12+$0x0] =	vst v8  }
0x179: {  	v63 =	vld [tilespmem:s12+$0x70];
	v62 =	vmax.f32 v49, v50;
	[tilespmem:s12+$0x10] =	vst v10  }
0x17a: {  	v15 =	vmax.f32 v51, v52;
	[tilespmem:s12+$0x20] =	vst v62  }
0x17b: {  	v17 =	vmax.f32 v53, v54;
	[tilespmem:s12+$0x30] =	vst v15  }
0x17c: {  	v19 =	vmax.f32 v55, v56;
	[tilespmem:s12+$0x40] =	vst v17  }
0x17d: {  	v20 =	vmax.f32 v61, v57;
	[tilespmem:s12+$0x50] =	vst v19  }
0x17e: {  	v21 =	vmax.f32 v63, v58;
	[tilespmem:s12+$0x60] =	vst v20  }
0x17f: {  	v23 =	vmax.f32 v59, v60;
	[tilespmem:s12+$0x70] =	vst v21;
	s1 =	spop (v2sf)  }
0x180: {  	[tilespmem:s6+$0xA400] =	vst v23;
	s6 =	sshll.u32 s1, $0x7  }
0x181: {  	v8 =	vld [tilespmem:s6+$0x0]  }
0x182: {  	v10 =	vld [tilespmem:s6+$0x10]  }
0x183: {  	v26 =	vld [tilespmem:s6+$0x20]  }
0x184: {  	v28 =	vld [tilespmem:s6+$0x30]  }
0x185: {  	s23 =	spop (v2sf);
	v30 =	vld [tilespmem:s6+$0x40]  }
0x186: {  	s1 =	sshll.u32 s1, $0x4;
	s12 =	sshll.u32 s23, $0x8;
	s23 =	sshll.u32 s23, $0x7;
	v32 =	vld [tilespmem:s6+$0x50]  }
0x187: {  	v36 =	vld [tilespmem:s1+$0xA400];
	s12 =	sand.u32 $0xFFFFF800, s12;
	s23 =	sand.u32 $0x380, s23  }
0x188: {  	v38 =	vld [tilespmem:s6+$0x60];
	s12 =	sor.u32 s23, s12  }
0x189: {  	(v2sf) =	vpush v6, $0x7;
	v24 =	vld [tilespmem:s12+$0x16180];
	s12 =	sadd.s32 $0x16180, s12  }
0x18a: {  	v25 =	vld [tilespmem:s12+$0x10]  }
0x18b: {  	v27 =	vld [tilespmem:s12+$0x20]  }
0x18c: {  	v29 =	vld [tilespmem:s12+$0x30]  }
0x18d: {  	v31 =	vld [tilespmem:s12+$0x40]  }
0x18e: {  	v33 =	vld [tilespmem:s12+$0x50]  }
0x18f: {  	(v2sf) =	vpush v7, $0x7;
	v34 =	vld [tilespmem:s12+$0x60]  }
0x190: {  	v35 =	vld [tilespmem:s12+$0x70];
	v8 =	vmax.f32 v8, v24  }
0x191: {  	v37 =	vld [tilespmem:s12+$0x400];
	v10 =	vmax.f32 v10, v25;
	[tilespmem:s6+$0x0] =	vst v8  }
0x192: {  	v40 =	vld [tilespmem:s6+$0x70];
	v39 =	vmax.f32 v26, v27;
	[tilespmem:s6+$0x10] =	vst v10  }
0x193: {  	v41 =	vmax.f32 v28, v29;
	[tilespmem:s6+$0x20] =	vst v39  }
0x194: {  	v42 =	vmax.f32 v30, v31;
	[tilespmem:s6+$0x30] =	vst v41  }
0x195: {  	v43 =	vmax.f32 v32, v33;
	[tilespmem:s6+$0x40] =	vst v42  }
0x196: {  	v44 =	vmax.f32 v38, v34;
	[tilespmem:s6+$0x50] =	vst v43  }
0x197: {  	v45 =	vmax.f32 v40, v35;
	[tilespmem:s6+$0x60] =	vst v44  }
0x198: {  	v46 =	vmax.f32 v36, v37;
	[tilespmem:s6+$0x70] =	vst v45;
	s12 =	spop (v2sf)  }
0x199: {  	[tilespmem:s1+$0xA400] =	vst v46;
	s1 =	sshll.u32 s12, $0x7  }
0x19a: {  	v8 =	vld [tilespmem:s1+$0x0]  }
0x19b: {  	v10 =	vld [tilespmem:s1+$0x10]  }
0x19c: {  	v49 =	vld [tilespmem:s1+$0x20]  }
0x19d: {  	v51 =	vld [tilespmem:s1+$0x30]  }
0x19e: {  	s23 =	spop (v2sf);
	v53 =	vld [tilespmem:s1+$0x40]  }
0x19f: {  	s12 =	sshll.u32 s12, $0x4;
	s6 =	sshll.u32 s23, $0x8;
	s23 =	sshll.u32 s23, $0x7;
	v55 =	vld [tilespmem:s1+$0x50]  }
0x1a0: {  	v59 =	vld [tilespmem:s12+$0xA400];
	s6 =	sand.u32 $0xFFFFF800, s6;
	s23 =	sand.u32 $0x380, s23  }
0x1a1: {  	v61 =	vld [tilespmem:s1+$0x60];
	s6 =	sor.u32 s23, s6  }
0x1a2: {  	(v2sf) =	vpush v6, $0x8;
	v47 =	vld [tilespmem:s6+$0x16180];
	s6 =	sadd.s32 $0x16180, s6  }
0x1a3: {  	v48 =	vld [tilespmem:s6+$0x10]  }
0x1a4: {  	v50 =	vld [tilespmem:s6+$0x20]  }
0x1a5: {  	v52 =	vld [tilespmem:s6+$0x30]  }
0x1a6: {  	v54 =	vld [tilespmem:s6+$0x40]  }
0x1a7: {  	v56 =	vld [tilespmem:s6+$0x50]  }
0x1a8: {  	(v2sf) =	vpush v7, $0x8;
	v57 =	vld [tilespmem:s6+$0x60]  }
0x1a9: {  	v58 =	vld [tilespmem:s6+$0x70];
	v8 =	vmax.f32 v8, v47  }
0x1aa: {  	v60 =	vld [tilespmem:s6+$0x400];
	v10 =	vmax.f32 v10, v48;
	[tilespmem:s1+$0x0] =	vst v8  }
0x1ab: {  	v63 =	vld [tilespmem:s1+$0x70];
	v62 =	vmax.f32 v49, v50;
	[tilespmem:s1+$0x10] =	vst v10  }
0x1ac: {  	v15 =	vmax.f32 v51, v52;
	[tilespmem:s1+$0x20] =	vst v62  }
0x1ad: {  	v17 =	vmax.f32 v53, v54;
	[tilespmem:s1+$0x30] =	vst v15  }
0x1ae: {  	v19 =	vmax.f32 v55, v56;
	[tilespmem:s1+$0x40] =	vst v17  }
0x1af: {  	v20 =	vmax.f32 v61, v57;
	[tilespmem:s1+$0x50] =	vst v19  }
0x1b0: {  	v21 =	vmax.f32 v63, v58;
	[tilespmem:s1+$0x60] =	vst v20  }
0x1b1: {  	v23 =	vmax.f32 v59, v60;
	[tilespmem:s1+$0x70] =	vst v21;
	s6 =	spop (v2sf)  }
0x1b2: {  	[tilespmem:s12+$0xA400] =	vst v23;
	s12 =	sshll.u32 s6, $0x7  }
0x1b3: {  	v8 =	vld [tilespmem:s12+$0x0]  }
0x1b4: {  	v10 =	vld [tilespmem:s12+$0x10]  }
0x1b5: {  	v26 =	vld [tilespmem:s12+$0x20]  }
0x1b6: {  	v28 =	vld [tilespmem:s12+$0x30]  }
0x1b7: {  	s23 =	spop (v2sf);
	v30 =	vld [tilespmem:s12+$0x40]  }
0x1b8: {  	s6 =	sshll.u32 s6, $0x4;
	s1 =	sshll.u32 s23, $0x8;
	s23 =	sshll.u32 s23, $0x7;
	v32 =	vld [tilespmem:s12+$0x50]  }
0x1b9: {  	v36 =	vld [tilespmem:s6+$0xA400];
	s1 =	sand.u32 $0xFFFFF800, s1;
	s23 =	sand.u32 $0x380, s23  }
0x1ba: {  	v38 =	vld [tilespmem:s12+$0x60];
	s1 =	sor.u32 s23, s1  }
0x1bb: {  	(v2sf) =	vpush v6, $0x9;
	v24 =	vld [tilespmem:s1+$0x16180];
	s1 =	sadd.s32 $0x16180, s1  }
0x1bc: {  	v25 =	vld [tilespmem:s1+$0x10]  }
0x1bd: {  	v27 =	vld [tilespmem:s1+$0x20]  }
0x1be: {  	v29 =	vld [tilespmem:s1+$0x30]  }
0x1bf: {  	v31 =	vld [tilespmem:s1+$0x40]  }
0x1c0: {  	v33 =	vld [tilespmem:s1+$0x50]  }
0x1c1: {  	(v2sf) =	vpush v7, $0x9;
	v34 =	vld [tilespmem:s1+$0x60]  }
0x1c2: {  	v35 =	vld [tilespmem:s1+$0x70];
	v8 =	vmax.f32 v8, v24  }
0x1c3: {  	v37 =	vld [tilespmem:s1+$0x400];
	v10 =	vmax.f32 v10, v25;
	[tilespmem:s12+$0x0] =	vst v8  }
0x1c4: {  	v40 =	vld [tilespmem:s12+$0x70];
	v39 =	vmax.f32 v26, v27;
	[tilespmem:s12+$0x10] =	vst v10  }
0x1c5: {  	v41 =	vmax.f32 v28, v29;
	[tilespmem:s12+$0x20] =	vst v39  }
0x1c6: {  	v42 =	vmax.f32 v30, v31;
	[tilespmem:s12+$0x30] =	vst v41  }
0x1c7: {  	v43 =	vmax.f32 v32, v33;
	[tilespmem:s12+$0x40] =	vst v42  }
0x1c8: {  	v44 =	vmax.f32 v38, v34;
	[tilespmem:s12+$0x50] =	vst v43  }
0x1c9: {  	v45 =	vmax.f32 v40, v35;
	[tilespmem:s12+$0x60] =	vst v44  }
0x1ca: {  	v46 =	vmax.f32 v36, v37;
	[tilespmem:s12+$0x70] =	vst v45;
	s1 =	spop (v2sf)  }
0x1cb: {  	[tilespmem:s6+$0xA400] =	vst v46;
	s6 =	sshll.u32 s1, $0x7  }
0x1cc: {  	v8 =	vld [tilespmem:s6+$0x0]  }
0x1cd: {  	v10 =	vld [tilespmem:s6+$0x10]  }
0x1ce: {  	v49 =	vld [tilespmem:s6+$0x20]  }
0x1cf: {  	v51 =	vld [tilespmem:s6+$0x30]  }
0x1d0: {  	s23 =	spop (v2sf);
	v53 =	vld [tilespmem:s6+$0x40]  }
0x1d1: {  	s1 =	sshll.u32 s1, $0x4;
	s12 =	sshll.u32 s23, $0x8;
	s23 =	sshll.u32 s23, $0x7;
	v55 =	vld [tilespmem:s6+$0x50]  }
0x1d2: {  	v59 =	vld [tilespmem:s1+$0xA400];
	s12 =	sand.u32 $0xFFFFF800, s12;
	s23 =	sand.u32 $0x380, s23  }
0x1d3: {  	v61 =	vld [tilespmem:s6+$0x60];
	s12 =	sor.u32 s23, s12  }
0x1d4: {  	(v2sf) =	vpush v6, $0xA;
	v47 =	vld [tilespmem:s12+$0x16180];
	s12 =	sadd.s32 $0x16180, s12  }
0x1d5: {  	v48 =	vld [tilespmem:s12+$0x10]  }
0x1d6: {  	v50 =	vld [tilespmem:s12+$0x20]  }
0x1d7: {  	v52 =	vld [tilespmem:s12+$0x30]  }
0x1d8: {  	v54 =	vld [tilespmem:s12+$0x40]  }
0x1d9: {  	v56 =	vld [tilespmem:s12+$0x50]  }
0x1da: {  	(v2sf) =	vpush v7, $0xA;
	v57 =	vld [tilespmem:s12+$0x60]  }
0x1db: {  	v58 =	vld [tilespmem:s12+$0x70];
	v8 =	vmax.f32 v8, v47  }
0x1dc: {  	v60 =	vld [tilespmem:s12+$0x400];
	v10 =	vmax.f32 v10, v48;
	[tilespmem:s6+$0x0] =	vst v8  }
0x1dd: {  	v63 =	vld [tilespmem:s6+$0x70];
	v62 =	vmax.f32 v49, v50;
	[tilespmem:s6+$0x10] =	vst v10  }
0x1de: {  	v15 =	vmax.f32 v51, v52;
	[tilespmem:s6+$0x20] =	vst v62  }
0x1df: {  	v17 =	vmax.f32 v53, v54;
	[tilespmem:s6+$0x30] =	vst v15  }
0x1e0: {  	v19 =	vmax.f32 v55, v56;
	[tilespmem:s6+$0x40] =	vst v17  }
0x1e1: {  	v23 =	vmax.f32 v61, v57;
	[tilespmem:s6+$0x50] =	vst v19  }
0x1e2: {  	v24 =	vmax.f32 v63, v58;
	[tilespmem:s6+$0x60] =	vst v23  }
0x1e3: {  	v25 =	vmax.f32 v59, v60;
	[tilespmem:s6+$0x70] =	vst v24;
	s12 =	spop (v2sf)  }
0x1e4: {  	[tilespmem:s1+$0xA400] =	vst v25;
	s1 =	sshll.u32 s12, $0x7  }
0x1e5: {  	v8 =	vld [tilespmem:s1+$0x0]  }
0x1e6: {  	v10 =	vld [tilespmem:s1+$0x10]  }
0x1e7: {  	v28 =	vld [tilespmem:s1+$0x20]  }
0x1e8: {  	v30 =	vld [tilespmem:s1+$0x30]  }
0x1e9: {  	s23 =	spop (v2sf);
	v32 =	vld [tilespmem:s1+$0x40]  }
0x1ea: {  	s12 =	sshll.u32 s12, $0x4;
	s6 =	sshll.u32 s23, $0x8;
	s23 =	sshll.u32 s23, $0x7;
	v34 =	vld [tilespmem:s1+$0x50]  }
0x1eb: {  	v38 =	vld [tilespmem:s12+$0xA400];
	s6 =	sand.u32 $0xFFFFF800, s6;
	s23 =	sand.u32 $0x380, s23  }
0x1ec: {  	v40 =	vld [tilespmem:s1+$0x60];
	s6 =	sor.u32 s23, s6  }
0x1ed: {  	(v2sf) =	vpush v6, $0xB;
	v26 =	vld [tilespmem:s6+$0x16180];
	s6 =	sadd.s32 $0x16180, s6  }
0x1ee: {  	v27 =	vld [tilespmem:s6+$0x10]  }
0x1ef: {  	v29 =	vld [tilespmem:s6+$0x20]  }
0x1f0: {  	v31 =	vld [tilespmem:s6+$0x30]  }
0x1f1: {  	v33 =	vld [tilespmem:s6+$0x40]  }
0x1f2: {  	v35 =	vld [tilespmem:s6+$0x50]  }
0x1f3: {  	(v2sf) =	vpush v7, $0xB;
	v36 =	vld [tilespmem:s6+$0x60]  }
0x1f4: {  	v37 =	vld [tilespmem:s6+$0x70];
	v8 =	vmax.f32 v8, v26  }
0x1f5: {  	v39 =	vld [tilespmem:s6+$0x400];
	v10 =	vmax.f32 v10, v27;
	[tilespmem:s1+$0x0] =	vst v8  }
0x1f6: {  	v42 =	vld [tilespmem:s1+$0x70];
	v41 =	vmax.f32 v28, v29;
	[tilespmem:s1+$0x10] =	vst v10  }
0x1f7: {  	v43 =	vmax.f32 v30, v31;
	[tilespmem:s1+$0x20] =	vst v41  }
0x1f8: {  	v44 =	vmax.f32 v32, v33;
	[tilespmem:s1+$0x30] =	vst v43  }
0x1f9: {  	v45 =	vmax.f32 v34, v35;
	[tilespmem:s1+$0x40] =	vst v44  }
0x1fa: {  	v46 =	vmax.f32 v40, v36;
	[tilespmem:s1+$0x50] =	vst v45  }
0x1fb: {  	v47 =	vmax.f32 v42, v37;
	[tilespmem:s1+$0x60] =	vst v46  }
0x1fc: {  	v48 =	vmax.f32 v38, v39;
	[tilespmem:s1+$0x70] =	vst v47;
	s6 =	spop (v2sf)  }
0x1fd: {  	[tilespmem:s12+$0xA400] =	vst v48;
	s12 =	sshll.u32 s6, $0x7  }
0x1fe: {  	v8 =	vld [tilespmem:s12+$0x0]  }
0x1ff: {  	v10 =	vld [tilespmem:s12+$0x10]  }
0x200: {  	v51 =	vld [tilespmem:s12+$0x20]  }
0x201: {  	v53 =	vld [tilespmem:s12+$0x30]  }
0x202: {  	s23 =	spop (v2sf);
	v55 =	vld [tilespmem:s12+$0x40]  }
0x203: {  	s6 =	sshll.u32 s6, $0x4;
	s1 =	sshll.u32 s23, $0x8;
	s23 =	sshll.u32 s23, $0x7;
	v57 =	vld [tilespmem:s12+$0x50]  }
0x204: {  	v61 =	vld [tilespmem:s6+$0xA400];
	s1 =	sand.u32 $0xFFFFF800, s1;
	s23 =	sand.u32 $0x380, s23  }
0x205: {  	v63 =	vld [tilespmem:s12+$0x60];
	s1 =	sor.u32 s23, s1  }
0x206: {  	(v2sf) =	vpush v6, $0xC;
	v49 =	vld [tilespmem:s1+$0x16180];
	s1 =	sadd.s32 $0x16180, s1  }
0x207: {  	v50 =	vld [tilespmem:s1+$0x10]  }
0x208: {  	v52 =	vld [tilespmem:s1+$0x20]  }
0x209: {  	v54 =	vld [tilespmem:s1+$0x30]  }
0x20a: {  	v56 =	vld [tilespmem:s1+$0x40]  }
0x20b: {  	v58 =	vld [tilespmem:s1+$0x50]  }
0x20c: {  	(v2sf) =	vpush v7, $0xC;
	v59 =	vld [tilespmem:s1+$0x60]  }
0x20d: {  	v60 =	vld [tilespmem:s1+$0x70];
	v8 =	vmax.f32 v8, v49  }
0x20e: {  	v62 =	vld [tilespmem:s1+$0x400];
	v10 =	vmax.f32 v10, v50;
	[tilespmem:s12+$0x0] =	vst v8  }
0x20f: {  	v24 =	vld [tilespmem:s12+$0x70];
	v23 =	vmax.f32 v51, v52;
	[tilespmem:s12+$0x10] =	vst v10  }
0x210: {  	v25 =	vmax.f32 v53, v54;
	[tilespmem:s12+$0x20] =	vst v23  }
0x211: {  	v26 =	vmax.f32 v55, v56;
	[tilespmem:s12+$0x30] =	vst v25  }
0x212: {  	v27 =	vmax.f32 v57, v58;
	[tilespmem:s12+$0x40] =	vst v26  }
0x213: {  	v28 =	vmax.f32 v63, v59;
	[tilespmem:s12+$0x50] =	vst v27  }
0x214: {  	v29 =	vmax.f32 v24, v60;
	[tilespmem:s12+$0x60] =	vst v28  }
0x215: {  	v30 =	vmax.f32 v61, v62;
	[tilespmem:s12+$0x70] =	vst v29;
	s1 =	spop (v2sf)  }
0x216: {  	[tilespmem:s6+$0xA400] =	vst v30;
	s6 =	sshll.u32 s1, $0x7  }
0x217: {  	v8 =	vld [tilespmem:s6+$0x0]  }
0x218: {  	v10 =	vld [tilespmem:s6+$0x10]  }
0x219: {  	v33 =	vld [tilespmem:s6+$0x20]  }
0x21a: {  	v35 =	vld [tilespmem:s6+$0x30]  }
0x21b: {  	s23 =	spop (v2sf);
	v37 =	vld [tilespmem:s6+$0x40]  }
0x21c: {  	s1 =	sshll.u32 s1, $0x4;
	s12 =	sshll.u32 s23, $0x8;
	s23 =	sshll.u32 s23, $0x7;
	v39 =	vld [tilespmem:s6+$0x50]  }
0x21d: {  	v43 =	vld [tilespmem:s1+$0xA400];
	s12 =	sand.u32 $0xFFFFF800, s12;
	s23 =	sand.u32 $0x380, s23  }
0x21e: {  	v45 =	vld [tilespmem:s6+$0x60];
	s12 =	sor.u32 s23, s12  }
0x21f: {  	(v2sf) =	vpush v6, $0xD;
	v31 =	vld [tilespmem:s12+$0x16180];
	s12 =	sadd.s32 $0x16180, s12  }
0x220: {  	v32 =	vld [tilespmem:s12+$0x10]  }
0x221: {  	v34 =	vld [tilespmem:s12+$0x20]  }
0x222: {  	v36 =	vld [tilespmem:s12+$0x30]  }
0x223: {  	v38 =	vld [tilespmem:s12+$0x40]  }
0x224: {  	v40 =	vld [tilespmem:s12+$0x50]  }
0x225: {  	(v2sf) =	vpush v7, $0xD;
	v41 =	vld [tilespmem:s12+$0x60]  }
0x226: {  	v42 =	vld [tilespmem:s12+$0x70];
	v8 =	vmax.f32 v8, v31  }
0x227: {  	v44 =	vld [tilespmem:s12+$0x400];
	v10 =	vmax.f32 v10, v32;
	[tilespmem:s6+$0x0] =	vst v8  }
0x228: {  	v47 =	vld [tilespmem:s6+$0x70];
	v46 =	vmax.f32 v33, v34;
	[tilespmem:s6+$0x10] =	vst v10  }
0x229: {  	v48 =	vmax.f32 v35, v36;
	[tilespmem:s6+$0x20] =	vst v46  }
0x22a: {  	v49 =	vmax.f32 v37, v38;
	[tilespmem:s6+$0x30] =	vst v48  }
0x22b: {  	v50 =	vmax.f32 v39, v40;
	[tilespmem:s6+$0x40] =	vst v49  }
0x22c: {  	v51 =	vmax.f32 v45, v41;
	[tilespmem:s6+$0x50] =	vst v50  }
0x22d: {  	v52 =	vmax.f32 v47, v42;
	[tilespmem:s6+$0x60] =	vst v51  }
0x22e: {  	v53 =	vmax.f32 v43, v44;
	[tilespmem:s6+$0x70] =	vst v52;
	s12 =	spop (v2sf)  }
0x22f: {  	[tilespmem:s1+$0xA400] =	vst v53;
	s1 =	sshll.u32 s12, $0x7  }
0x230: {  	v8 =	vld [tilespmem:s1+$0x0]  }
0x231: {  	v10 =	vld [tilespmem:s1+$0x10]  }
0x232: {  	v56 =	vld [tilespmem:s1+$0x20]  }
0x233: {  	v58 =	vld [tilespmem:s1+$0x30]  }
0x234: {  	s23 =	spop (v2sf);
	v60 =	vld [tilespmem:s1+$0x40]  }
0x235: {  	s12 =	sshll.u32 s12, $0x4;
	s6 =	sshll.u32 s23, $0x8;
	s23 =	sshll.u32 s23, $0x7;
	v62 =	vld [tilespmem:s1+$0x50]  }
0x236: {  	v26 =	vld [tilespmem:s12+$0xA400];
	s6 =	sand.u32 $0xFFFFF800, s6;
	s23 =	sand.u32 $0x380, s23  }
0x237: {  	v28 =	vld [tilespmem:s1+$0x60];
	s6 =	sor.u32 s23, s6  }
0x238: {  	(v2sf) =	vpush v6, $0xE;
	v54 =	vld [tilespmem:s6+$0x16180];
	s6 =	sadd.s32 $0x16180, s6  }
0x239: {  	v55 =	vld [tilespmem:s6+$0x10]  }
0x23a: {  	v57 =	vld [tilespmem:s6+$0x20]  }
0x23b: {  	v59 =	vld [tilespmem:s6+$0x30]  }
0x23c: {  	v61 =	vld [tilespmem:s6+$0x40]  }
0x23d: {  	v63 =	vld [tilespmem:s6+$0x50]  }
0x23e: {  	(v2sf) =	vpush v7, $0xE;
	v24 =	vld [tilespmem:s6+$0x60]  }
0x23f: {  	v25 =	vld [tilespmem:s6+$0x70];
	v8 =	vmax.f32 v8, v54  }
0x240: {  	v27 =	vld [tilespmem:s6+$0x400];
	v10 =	vmax.f32 v10, v55;
	[tilespmem:s1+$0x0] =	vst v8  }
0x241: {  	v30 =	vld [tilespmem:s1+$0x70];
	v29 =	vmax.f32 v56, v57;
	[tilespmem:s1+$0x10] =	vst v10  }
0x242: {  	v31 =	vmax.f32 v58, v59;
	[tilespmem:s1+$0x20] =	vst v29  }
0x243: {  	v32 =	vmax.f32 v60, v61;
	[tilespmem:s1+$0x30] =	vst v31  }
0x244: {  	v33 =	vmax.f32 v62, v63;
	[tilespmem:s1+$0x40] =	vst v32  }
0x245: {  	v8 =	vmax.f32 v28, v24;
	[tilespmem:s1+$0x50] =	vst v33  }
0x246: {  	v10 =	vmax.f32 v30, v25;
	[tilespmem:s1+$0x60] =	vst v8  }
0x247: {  	v34 =	vmax.f32 v26, v27;
	[tilespmem:s1+$0x70] =	vst v10;
	s6 =	spop (v2sf)  }
0x248: {  	[tilespmem:s12+$0xA400] =	vst v34;
	s12 =	sshll.u32 s6, $0x7  }
0x249: {  	v8 =	vld [tilespmem:s12+$0x0]  }
0x24a: {  	v10 =	vld [tilespmem:s12+$0x10]  }
0x24b: {  	v12 =	vld [tilespmem:s12+$0x20]  }
0x24c: {  	(v2sf) =	vpush v6, $0xF;
	v37 =	vld [tilespmem:s12+$0x30]  }
0x24d: {  	s23 =	spop (v2sf);
	(v2sf) =	vpush v7, $0xF;
	v7 =	vld [tilespmem:s12+$0x40]  }
0x24e: {  	s6 =	sshll.u32 s6, $0x4;
	s1 =	sshll.u32 s23, $0x8;
	s23 =	sshll.u32 s23, $0x7;
	v39 =	vld [tilespmem:s12+$0x50]  }
0x24f: {  	v43 =	vld [tilespmem:s6+$0xA400];
	s1 =	sand.u32 $0xFFFFF800, s1;
	s23 =	sand.u32 $0x380, s23  }
0x250: {  	v45 =	vld [tilespmem:s12+$0x60];
	s1 =	sor.u32 s23, s1  }
0x251: {  	v35 =	vld [tilespmem:s1+$0x16180];
	s1 =	sadd.s32 $0x16180, s1  }
0x252: {  	v11 =	vld [tilespmem:s1+$0x10]  }
0x253: {  	v36 =	vld [tilespmem:s1+$0x20]  }
0x254: {  	v6 =	vld [tilespmem:s1+$0x30]  }
0x255: {  	v38 =	vld [tilespmem:s1+$0x40]  }
0x256: {  	v40 =	vld [tilespmem:s1+$0x50]  }
0x257: {  	v41 =	vld [tilespmem:s1+$0x60]  }
0x258: {  	v42 =	vld [tilespmem:s1+$0x70];
	v8 =	vmax.f32 v8, v35  }
0x259: {  	v44 =	vld [tilespmem:s1+$0x400];
	v10 =	vmax.f32 v10, v11;
	[tilespmem:s12+$0x0] =	vst v8  }
0x25a: {  	v47 =	vld [tilespmem:s12+$0x70];
	v46 =	vmax.f32 v12, v36;
	[tilespmem:s12+$0x10] =	vst v10  }
0x25b: {  	v6 =	vmax.f32 v37, v6;
	[tilespmem:s12+$0x20] =	vst v46  }
0x25c: {  	v7 =	vmax.f32 v7, v38;
	[tilespmem:s12+$0x30] =	vst v6  }
0x25d: {  	v6 =	vmax.f32 v39, v40;
	[tilespmem:s12+$0x40] =	vst v7  }
0x25e: {  	v7 =	vmax.f32 v45, v41;
	[tilespmem:s12+$0x50] =	vst v6  }
0x25f: {  	v6 =	vmax.f32 v47, v42;
	[tilespmem:s12+$0x60] =	vst v7  }
0x260: {  	v7 =	vmax.f32 v43, v44;
	[tilespmem:s12+$0x70] =	vst v6;
	s1 =	spop (v2sf)  }
0x261: {  	[tilespmem:s6+$0xA400] =	vst v7;
	s6 =	sshll.u32 s1, $0x7  }
0x262: {  	v6 =	vld [tilespmem:s6+$0x0]  }
0x263: {  	v8 =	vld [tilespmem:s6+$0x10]  }
0x264: {  	v10 =	vld [tilespmem:s6+$0x20]  }
0x265: {  	v50 =	vld [tilespmem:s6+$0x30]  }
0x266: {  	s23 =	spop (v2sf);
	v52 =	vld [tilespmem:s6+$0x40]  }
0x267: {  	s1 =	sshll.u32 s1, $0x4;
	s12 =	sshll.u32 s23, $0x8;
	s23 =	sshll.u32 s23, $0x7;
	v54 =	vld [tilespmem:s6+$0x50]  }
0x268: {  	v58 =	vld [tilespmem:s1+$0xA400];
	s12 =	sand.u32 $0xFFFFF800, s12;
	s23 =	sand.u32 $0x380, s23  }
0x269: {  	v60 =	vld [tilespmem:s6+$0x70];
	s12 =	sor.u32 s23, s12  }
0x26a: {  	v7 =	vld [tilespmem:s12+$0x16180];
	s12 =	sadd.s32 $0x16180, s12  }
0x26b: {  	v48 =	vld [tilespmem:s12+$0x10]  }
0x26c: {  	v49 =	vld [tilespmem:s12+$0x20]  }
0x26d: {  	v51 =	vld [tilespmem:s12+$0x30]  }
0x26e: {  	v53 =	vld [tilespmem:s12+$0x40]  }
0x26f: {  	v55 =	vld [tilespmem:s12+$0x50]  }
0x270: {  	v56 =	vld [tilespmem:s12+$0x60]  }
0x271: {  	v57 =	vld [tilespmem:s12+$0x70];
	v6 =	vmax.f32 v6, v7  }
0x272: {  	v7 =	vld [tilespmem:s12+$0x400];
	v8 =	vmax.f32 v8, v48;
	[tilespmem:s6+$0x0] =	vst v6  }
0x273: {  	v6 =	vld [tilespmem:s6+$0x60];
	v59 =	vmax.f32 v10, v49;
	[tilespmem:s6+$0x10] =	vst v8  }
0x274: {  	v61 =	vmax.f32 v50, v51;
	[tilespmem:s6+$0x20] =	vst v59  }
0x275: {  	p1 =	sne.s32 s31, $0x1;
	v62 =	vmax.f32 v52, v53;
	[tilespmem:s6+$0x30] =	vst v61  }
.Ltmp13:
0x276: {  	v63 =	vmax.f32 v54, v55;
	[tilespmem:s6+$0x40] =	vst v62;
	(pc) =	sbr.rel @p1 .LBB2_18-.Ltmp13, $4  }
0x277: {  	[tilespmem:s6+$0x50] =	vst v63;
	v8 =	vmax.f32 v60, v57  }
0x278: {  	[tilespmem:s6+$0x70] =	vst v8;
	v6 =	vmax.f32 v6, v56  }
0x279: {  	[tilespmem:s6+$0x60] =	vst v6;
	v6 =	vmax.f32 v58, v7  }
0x27a: {  	s0 =	sadd.s32 $0x10, s0;
	s31 =	sadd.s32 $0xFFFFFFFF, s31;
	[tilespmem:s1+$0xA400] =	vst v6  }
.Ltmp14:
0x27b: {  	_ = 	snop;
	(pc) =	sbr.rel .LBB2_19-.Ltmp14, $1  }
0x27c: {  	_ =	sdelay $0x3  }
.LBB2_21:
0x27d: {  	s0 =	simm.s32 $0x0  }
0x27e: {  	s1 =	simm.s32 $0x40;
	v5 =	vld [tilespmem:s0+$0xB880]  }
.LBB2_22:
0x27f: {  	p0 =	sne.s32 s1, $0x4FC0;
	v6 =	vld [tilespmem:s0+$0xA400];
	_ =	sdelay $0x2  }
.Ltmp15:
0x280: {  	(pc) =	sbr.rel @p0 .LBB2_22-.Ltmp15, $4  }
0x281: {  	_ = 	snop  }
0x282: {  	v6 =	vsub.f32 v6, v5  }
0x283: {  	s6 =	sshra.s32 s1, $0x2  }
0x284: {  	s1 =	sadd.s32 $0x40, s1;
	v5 =	vld [tilespmem:s6+$0xB880];
	[tilespmem:s0+$0xA400] =	vst v6;
	s0 =	smov.u32 s6  }
0x285: {  	v6 =	vld [tilespmem:s0+$0xA400];
	_ =	sdelay $0x4  }
0x286: {  	v5 =	vsub.f32 v6, v5;
	_ =	sdelay $0x1  }
0x287: {  	[tilespmem:s0+$0xA400] =	vst v5  }
0x288: {  	[hbm4b:s8+s2] =	stream.linear.scatter [tilespmem:s2], [sflag:$0x4], $0xA000, $0x38;
	[tilespmem:$0x1E180] =	vst v63  }
0x289: {  	s24 =	sadd.s32 $0x1, s24;
	_ =	swait.ge [sflag:s11], $0xA000  }
0x28a: {  	p0 =	sne.s32 s24, s10;
	[sflag:s11] =	ssyncset.done $0x0  }
.Ltmp16:
0x28b: {  	s31 =	simm.s32 $0xA400;
	[sflag:s11] =	ssyncadd.s32 $0xFFFF6000;
	(pc) =	sbr.rel @p0 .LBB2_1-.Ltmp16, $4  }
0x28c: {  	[hbm4b:s9+s2] =	stream.linear.scatter [tilespmem:s31], [sflag:$0x4], $0x1400, $0x38;
	[tilespmem:$0x1E180] =	vst v63  }
0x28d: {  	_ =	swait.ge [sflag:s11], $0x1400  }
0x28e: {  	[sflag:s11] =	ssyncset.done $0x0  }
0x28f: {  	[sflag:s11] =	ssyncadd.s32 $0xFFFFEC00  }
0x290: {  	_ =	sfence.sel $0x180000  }
0x291: {  	[bflag:$0x0] =	sbarrier.arrive $0xFFFF  }
0x292: {  	_ =	strace $0x90000047  }
0x293: {  	s0 =	stileid.u32;
	[bflag:$0x2] =	sbarrier.arrive $0xFFFF  }
0x294: {  	p0 =	sne.s32 s0, $0x0;
	s0 =	rddreg [dreg:$0x2]  }
0x295: {  	s0 =	sadd.s32 @!p0 $0x100000, s0  }
0x296: {  	[sflag:s0] =	ssyncadd.tile.s32 @!p0 $0x1;
	_ =	shalt  }
.Lfunc_end2:
_tile_overlayer_lowered:
.L_overlay_start_2:
0x297: {  	(tag) =	ssettag $0x2  }
0x298: {  	s0 =	rddreg [dreg:$0x0];
	s2 =	stileid.u32  }
0x299: {  	s1 =	rddreg [dreg:$0x1];
	p0 =	sne.s32 s2, $0x0  }
0x29a: {  	s3 =	rddreg [dreg:$0x2];
	[bflag:$0x3] =	sbarrier.arrive $0xFFFF;
	s2 =	simm.s32 @!p0 $0x1C04  }
0x29b: {  	[timem:s3], [sflag:s2] =	dma.local @!p0 [hbm:s0], s1  }
0x29c: {  	s0 =	simm.s32 @!p0 $0x4  }
0x29d: {  	_ =	swait.ge @!p0 [sflag:s0], s1  }
0x29e: {  	s1 =	ssub.s32 @!p0 $0x0, s1;
	[sflag:s0] =	ssyncset.done @!p0 $0x0  }
0x29f: {  	[sflag:s0] =	ssyncadd.s32 @!p0 s1  }
0x2a0: {  	[bflag:$0x3] =	sbarrier.arrive $0xFFFF  }
0x2a1: {  	_ =	shalt  }

</sc_bundles>
